<compile_context>
chip_gen: v7x
topology: tpu7x:2x2x1
jax: 0.10.2.dev20260603
libtpu: 0.0.44.dev20260713+nightly
codegen_flags: <defaults>
</compile_context>

<pallas_src>
import functools

import jax
import jax.numpy as jnp
from jax import lax
from jax.experimental import pallas as pl
from jax.experimental.pallas import tpu as pltpu
from jax.experimental.pallas import tpu_sc as plsc

_LANES = 16


def _make_sc_kernel(B, T, D, NW, NC):
    bw = B // NW
    Tp = (T + 7) // 8 * 8
    Th = Tp // 2
    Tr = T - Th
    nchunks = 2 * bw
    mesh = plsc.VectorSubcoreMesh(core_axis_name="c", subcore_axis_name="s")

    @functools.partial(
        pl.kernel,
        mesh=mesh,
        compiler_params=pltpu.CompilerParams(disable_bounds_checks=True),
        out_type=jax.ShapeDtypeStruct((B, T, D), jnp.float32),
        scratch_types=[
            pltpu.VMEM((bw, Tp), jnp.int32),
            pltpu.VMEM((T, D), jnp.float32),
            pltpu.VMEM((Th, D), jnp.float32),
            pltpu.VMEM((Th, D), jnp.float32),
            pltpu.SemaphoreType.DMA,
            pltpu.SemaphoreType.DMA,
            pltpu.SemaphoreType.DMA,
            pltpu.SemaphoreType.DMA,
        ],
    )
    def sc_kernel(tok_hbm, table_hbm, pos_hbm, out_hbm,
                  tokw_v, pos_v, buf0, buf1, gsem0, gsem1, ssem0, ssem1):
        c = lax.axis_index("c")
        s = lax.axis_index("s")
        w = s * NC + c
        base = w * bw
        pltpu.sync_copy(tok_hbm.at[pl.ds(base, bw), :], tokw_v)
        pltpu.sync_copy(pos_hbm, pos_v)

        def start_gather(j, h, buf, sem):
            idx = tokw_v.at[j, pl.ds(h * Th, Th)]
            pltpu.async_copy(table_hbm.at[idx], buf, sem)

        def wait_gather(buf, sem):
            pltpu.make_async_copy(table_hbm.at[pl.ds(0, Th), :], buf,
                                  sem).wait()

        def start_scatter(j, h, buf, sem):
            off = pl.multiple_of(h * Th + w * 0, Th)
            pltpu.async_copy(buf, out_hbm.at[base + j, pl.ds(off, Th), :],
                             sem)

        def wait_scatter(buf, sem):
            pltpu.make_async_copy(buf, out_hbm.at[base, pl.ds(0, Th), :],
                                  sem).wait()

        def add_pos(h, buf):
            nrows = Th if h == 0 else Tr

            def row(r, _):
                for g in range(D // _LANES):
                    sl = pl.ds(g * _LANES, _LANES)
                    plsc.addupdate(buf.at[r, sl], pos_v[h * Th + r, sl])
                return ()

            lax.fori_loop(0, nrows, row, (), unroll=False)

        start_gather(0, 0, buf0, gsem0)

        @pl.loop(0, nchunks - 2, step=2)
        def pair(k0):
            j = k0 // 2
            @pl.when(k0 > 0)
            def _():
                wait_scatter(buf1, ssem1)
            start_gather(j, 1, buf1, gsem1)
            wait_gather(buf0, gsem0)
            add_pos(0, buf0)
            start_scatter(j, 0, buf0, ssem0)
            wait_scatter(buf0, ssem0)
            start_gather(j + 1, 0, buf0, gsem0)
            wait_gather(buf1, gsem1)
            add_pos(1, buf1)
            start_scatter(j, 1, buf1, ssem1)

        j = bw - 1
        wait_scatter(buf1, ssem1)
        start_gather(j, 1, buf1, gsem1)
        wait_gather(buf0, gsem0)
        add_pos(0, buf0)
        start_scatter(j, 0, buf0, ssem0)
        wait_gather(buf1, gsem1)
        add_pos(1, buf1)
        start_scatter(j, 1, buf1, ssem1)
        wait_scatter(buf0, ssem0)
        wait_scatter(buf1, ssem1)

    return sc_kernel


def kernel(tokens, token_table, position_embedding):
    B, T = tokens.shape
    V, D = token_table.shape
    NW = 32
    NC = 2
    assert B % NW == 0 and D % _LANES == 0
    Tp = (T + 7) // 8 * 8
    tok = jnp.pad(tokens.astype(jnp.int32), ((0, 0), (0, Tp - T)))
    sc = _make_sc_kernel(B, T, D, NW, NC)
    return sc(tok, token_table, position_embedding)

# --- scband reference (transcript-rebuilt; emitter-appended) ---
"""Pipeline reference for scband-clipembedding-41506563948607 (READ-ONLY COPY).

The authoritative reference and input builder live on the scoring server;
editing this copy changes nothing except your own understanding.
"""

import jax, jax.numpy as jnp
import numpy as np

N_VOCAB = 49408
N_EMBD = 768
N_TOKENS = 77
BATCH = 1024


def setup_inputs(seed: int = 0) -> dict:
    key = jax.random.key(seed)
    k_tok, k_tab, k_pos = jax.random.split(key, 3)
    tokens = jax.random.randint(k_tok, (BATCH, N_TOKENS), 0, N_VOCAB, dtype=jnp.int64 if jax.config.jax_enable_x64 else jnp.int32)
    token_table = jax.random.normal(k_tab, (N_VOCAB, N_EMBD), dtype=jnp.float32) * 0.02
    position_embedding = jnp.zeros((N_TOKENS, N_EMBD), dtype=jnp.float32)
    return {"tokens": tokens, "token_table": token_table, "position_embedding": position_embedding}


def reference(tokens, token_table, position_embedding):
    # token embedding lookup: gather rows of the table
    x = jnp.take(token_table, tokens, axis=0)  # [B, n_tokens, n_embd]
    # add learned positional embedding (broadcast over batch)
    x = x + position_embedding[None, :, :]
    return x

if __name__ == "__main__":
    import jax
    _d = setup_inputs()
    print(jax.jit(kernel)(*tuple(_d.values())))

</pallas_src>

<mosaic_0001>
#map = affine_map<(d0, d1) -> (0, 0)>
#map1 = affine_map<(d0, d1) -> (0, 0, 0)>
module attributes {stable_mosaic.version = 14 : i64} {
  func.func @sc_kernel(%arg0: i32, %arg1: i32, %arg2: memref<1024x80xi32, #tpu.memory_space<hbm>>, %arg3: memref<49408x768xf32, #tpu.memory_space<hbm>>, %arg4: memref<77x768xf32, #tpu.memory_space<hbm>>, %arg5: memref<1024x77x768xf32, #tpu.memory_space<hbm>>, %arg6: memref<32x80xi32, #tpu.memory_space<vmem>>, %arg7: memref<77x768xf32, #tpu.memory_space<vmem>>, %arg8: memref<40x768xf32, #tpu.memory_space<vmem>>, %arg9: memref<40x768xf32, #tpu.memory_space<vmem>>, %arg10: memref<!tpu.dma_semaphore, #tpu.memory_space<semaphore_mem>>, %arg11: memref<!tpu.dma_semaphore, #tpu.memory_space<semaphore_mem>>, %arg12: memref<!tpu.dma_semaphore, #tpu.memory_space<semaphore_mem>>, %arg13: memref<!tpu.dma_semaphore, #tpu.memory_space<semaphore_mem>>) attributes {dimension_semantics = [#tpu.dimension_semantics<core_parallel>, #tpu.dimension_semantics<subcore_parallel>], iteration_bounds = array<i64: 2, 16>, scalar_prefetch = 0 : i64, scratch_operands = 8 : i64, tpu.core_type = #tpu.core_type<sc_vector_subcore>, window_params = [{transform_indices = #map}, {transform_indices = #map}, {transform_indices = #map}, {transform_indices = #map1}]} {
    %mul3A = arith.constant 2 : i32
    %mul3A_0 = arith.muli %arg1, %mul3A : i32
    %add3A = arith.addi %mul3A_0, %arg0 : i32
    %mul3A_1 = arith.constant 32 : i32
    %mul3A_2 = arith.muli %add3A, %mul3A_1 : i32
    "tpu.region"() ({
      %run_scoped3A = tpu.sem_alloc : memref<!tpu.dma_semaphore, #tpu.memory_space<semaphore_mem>>
      %dma_start3A_90 = arith.constant 0 : i32
      %dma_start3A_91 = tpu.memref_slice %arg2[%mul3A_2, %dma_start3A_90] : memref<1024x80xi32, #tpu.memory_space<hbm>> -> memref<32x80xi32, #tpu.memory_space<hbm>>
      %dma_start3A_92 = arith.constant 0 : i32
      %dma_start3A_93 = tpu.memref_slice %arg2[%mul3A_2, %dma_start3A_92] : memref<1024x80xi32, #tpu.memory_space<hbm>> -> memref<32x80xi32, #tpu.memory_space<hbm>>
      tpu.enqueue_dma source(%dma_start3A_93 : memref<32x80xi32, #tpu.memory_space<hbm>>) target(%arg6 : memref<32x80xi32, #tpu.memory_space<vmem>>) target_semaphore(%run_scoped3A : memref<!tpu.dma_semaphore, #tpu.memory_space<semaphore_mem>>)
      %dma_wait3A_94 = arith.constant 0 : i32
      %dma_wait3A_95 = tpu.memref_slice %arg2[%mul3A_2, %dma_wait3A_94] : memref<1024x80xi32, #tpu.memory_space<hbm>> -> memref<32x80xi32, #tpu.memory_space<hbm>>
      %dma_wait3A_96 = arith.constant 0 : i32
      %dma_wait3A_97 = tpu.memref_slice %arg2[%mul3A_2, %dma_wait3A_96] : memref<1024x80xi32, #tpu.memory_space<hbm>> -> memref<32x80xi32, #tpu.memory_space<hbm>>
      tpu.wait_dma2 semaphore(%run_scoped3A : memref<!tpu.dma_semaphore, #tpu.memory_space<semaphore_mem>>) src(%dma_wait3A_97 : memref<32x80xi32, #tpu.memory_space<hbm>>) dst(%arg6 : memref<32x80xi32, #tpu.memory_space<vmem>>)
      tpu.yield
    }) : () -> ()
    "tpu.region"() ({
      %run_scoped3A = tpu.sem_alloc : memref<!tpu.dma_semaphore, #tpu.memory_space<semaphore_mem>>
      tpu.enqueue_dma source(%arg4 : memref<77x768xf32, #tpu.memory_space<hbm>>) target(%arg7 : memref<77x768xf32, #tpu.memory_space<vmem>>) target_semaphore(%run_scoped3A : memref<!tpu.dma_semaphore, #tpu.memory_space<semaphore_mem>>)
      tpu.wait_dma2 semaphore(%run_scoped3A : memref<!tpu.dma_semaphore, #tpu.memory_space<semaphore_mem>>) src(%arg4 : memref<77x768xf32, #tpu.memory_space<hbm>>) dst(%arg7 : memref<77x768xf32, #tpu.memory_space<vmem>>)
      tpu.yield
    }) : () -> ()
    %dma_start3A = arith.constant 0 : i32
    %dma_start3A_3 = arith.constant 0 : i32
    %dma_start3A_4 = tpu.memref_slice %arg6[%dma_start3A, %dma_start3A_3] : memref<32x80xi32, #tpu.memory_space<vmem>> -> memref<1x40xi32, #tpu.memory_space<vmem>>
    %dma_start3A_5 = tpu.memref_squeeze %dma_start3A_4 : memref<1x40xi32, #tpu.memory_space<vmem>> -> memref<40xi32, #tpu.memory_space<vmem>>
    %dma_start3A_6 = arith.constant 0 : i32
    %dma_start3A_7 = arith.constant 0 : i32
    %dma_start3A_8 = tpu.memref_slice %arg3[%dma_start3A_6, %dma_start3A_7] : memref<49408x768xf32, #tpu.memory_space<hbm>> -> memref<49408x768xf32, #tpu.memory_space<hbm>>
    tpu.enqueue_indirect_dma source(%dma_start3A_8 : memref<49408x768xf32, #tpu.memory_space<hbm>>) target(%arg8 : memref<40x768xf32, #tpu.memory_space<vmem>>) offsets(%dma_start3A_5 : memref<40xi32, #tpu.memory_space<vmem>>) semaphore(%arg10 : memref<!tpu.dma_semaphore, #tpu.memory_space<semaphore_mem>>)
    %scan3A = arith.constant 0 : i32
    %scan3A_9 = arith.constant 31 : i32
    %scan3A_10 = arith.addi %scan3A, %scan3A_9 : i32
    %scan3A_11 = arith.constant 1 : i32
    scf.for %scan3A_90 = %scan3A to %scan3A_10 step %scan3A_11  : i32 {
      %mul3A_91 = arith.constant 2 : i32
      %mul3A_92 = arith.muli %scan3A_90, %mul3A_91 : i32
      %add3A_93 = arith.constant 0 : i32
      %add3A_94 = arith.addi %add3A_93, %mul3A_92 : i32
      %jit3A = arith.constant 2 : i32
      %div3A = arith.divsi %add3A_94, %jit3A : i32
      %sign3A = arith.constant 0 : i32
      %sign3A_95 = arith.cmpi sgt, %add3A_94, %sign3A : i32
      %sign3A_96 = arith.extui %sign3A_95 : i1 to i32
      %sign3A_97 = arith.constant 0 : i32
      %sign3A_98 = arith.cmpi slt, %add3A_94, %sign3A_97 : i32
      %sign3A_99 = arith.extui %sign3A_98 : i1 to i32
      %sign3A_100 = arith.subi %sign3A_96, %sign3A_99 : i32
      %sign3A_101 = arith.constant 0 : i32
      %sign3A_102 = arith.cmpi sgt, %jit3A, %sign3A_101 : i32
      %sign3A_103 = arith.extui %sign3A_102 : i1 to i32
      %sign3A_104 = arith.constant 0 : i32
      %sign3A_105 = arith.cmpi slt, %jit3A, %sign3A_104 : i32
      %sign3A_106 = arith.extui %sign3A_105 : i1 to i32
      %sign3A_107 = arith.subi %sign3A_103, %sign3A_106 : i32
      %ne3A = arith.cmpi ne, %sign3A_100, %sign3A_107 : i32
      %rem3A = arith.remsi %add3A_94, %jit3A : i32
      %ne3A_108 = arith.constant 0 : i32
      %ne3A_109 = arith.cmpi ne, %rem3A, %ne3A_108 : i32
      %and3A = arith.andi %ne3A, %ne3A_109 : i1
      %sub3A = arith.constant 1 : i32
      %sub3A_110 = arith.subi %div3A, %sub3A : i32
      %select_n3A = arith.select %and3A, %sub3A_110, %div3A : i32
      %gt3A = arith.constant 0 : i32
      %gt3A_111 = arith.cmpi sgt, %add3A_94, %gt3A : i32
      %convert_element_type3A = arith.extui %gt3A_111 : i1 to i32
      %cond3A = arith.constant 0 : i32
      %cond3A_112 = arith.cmpi ne, %convert_element_type3A, %cond3A : i32
      scf.if %cond3A_112 {
        %dma_wait3A_181 = arith.constant 0 : i32
        %dma_wait3A_182 = arith.constant 0 : i32
        %dma_wait3A_183 = tpu.memref_slice %arg5[%mul3A_2, %dma_wait3A_181, %dma_wait3A_182] : memref<1024x77x768xf32, #tpu.memory_space<hbm>> -> memref<1x40x768xf32, #tpu.memory_space<hbm>>
        %dma_wait3A_184 = tpu.memref_squeeze %dma_wait3A_183 : memref<1x40x768xf32, #tpu.memory_space<hbm>> -> memref<40x768xf32, #tpu.memory_space<hbm>>
        %dma_wait3A_185 = arith.constant 0 : i32
        %dma_wait3A_186 = arith.constant 0 : i32
        %dma_wait3A_187 = tpu.memref_slice %arg5[%mul3A_2, %dma_wait3A_185, %dma_wait3A_186] : memref<1024x77x768xf32, #tpu.memory_space<hbm>> -> memref<1x40x768xf32, #tpu.memory_space<hbm>>
        %dma_wait3A_188 = tpu.memref_squeeze %dma_wait3A_187 : memref<1x40x768xf32, #tpu.memory_space<hbm>> -> memref<40x768xf32, #tpu.memory_space<hbm>>
        tpu.wait_dma2 semaphore(%arg13 : memref<!tpu.dma_semaphore, #tpu.memory_space<semaphore_mem>>) src(%arg9 : memref<40x768xf32, #tpu.memory_space<vmem>>) dst(%dma_wait3A_188 : memref<40x768xf32, #tpu.memory_space<hbm>>)
      } else {
      }
      %dma_start3A_113 = arith.constant 40 : i32
      %dma_start3A_114 = tpu.memref_slice %arg6[%select_n3A, %dma_start3A_113] : memref<32x80xi32, #tpu.memory_space<vmem>> -> memref<1x40xi32, #tpu.memory_space<vmem>>
      %dma_start3A_115 = tpu.memref_squeeze %dma_start3A_114 : memref<1x40xi32, #tpu.memory_space<vmem>> -> memref<40xi32, #tpu.memory_space<vmem>>
      %dma_start3A_116 = arith.constant 0 : i32
      %dma_start3A_117 = arith.constant 0 : i32
      %dma_start3A_118 = tpu.memref_slice %arg3[%dma_start3A_116, %dma_start3A_117] : memref<49408x768xf32, #tpu.memory_space<hbm>> -> memref<49408x768xf32, #tpu.memory_space<hbm>>
      tpu.enqueue_indirect_dma source(%dma_start3A_118 : memref<49408x768xf32, #tpu.memory_space<hbm>>) target(%arg9 : memref<40x768xf32, #tpu.memory_space<vmem>>) offsets(%dma_start3A_115 : memref<40xi32, #tpu.memory_space<vmem>>) semaphore(%arg11 : memref<!tpu.dma_semaphore, #tpu.memory_space<semaphore_mem>>)
      %dma_wait3A_119 = arith.constant 0 : i32
      %dma_wait3A_120 = arith.constant 0 : i32
      %dma_wait3A_121 = tpu.memref_slice %arg3[%dma_wait3A_119, %dma_wait3A_120] : memref<49408x768xf32, #tpu.memory_space<hbm>> -> memref<40x768xf32, #tpu.memory_space<hbm>>
      %dma_wait3A_122 = arith.constant 0 : i32
      %dma_wait3A_123 = arith.constant 0 : i32
      %dma_wait3A_124 = tpu.memref_slice %arg3[%dma_wait3A_122, %dma_wait3A_123] : memref<49408x768xf32, #tpu.memory_space<hbm>> -> memref<40x768xf32, #tpu.memory_space<hbm>>
      tpu.wait_dma2 semaphore(%arg10 : memref<!tpu.dma_semaphore, #tpu.memory_space<semaphore_mem>>) src(%dma_wait3A_124 : memref<40x768xf32, #tpu.memory_space<hbm>>) dst(%arg8 : memref<40x768xf32, #tpu.memory_space<vmem>>)
      %scan3A_125 = arith.constant 0 : i32
      %scan3A_126 = arith.constant 40 : i32
      %scan3A_127 = arith.addi %scan3A_125, %scan3A_126 : i32
      %scan3A_128 = arith.constant 1 : i32
      scf.for %scan3A_181 = %scan3A_125 to %scan3A_127 step %scan3A_128  : i32 {
        %add3A_182 = arith.constant 0 : i32
        %add3A_183 = arith.addi %add3A_182, %scan3A_181 : i32
        %get3A = arith.index_cast %add3A_183 : i32 to index
        %get3A_184 = arith.constant 0 : index
        %get3A_185 = tpu.vector_load %arg7[%get3A, %get3A_184] {strides = array<i32>} : memref<77x768xf32, #tpu.memory_space<vmem>>, vector<1x16xf32>,
        %get3A_186 = vector.shape_cast %get3A_185 : vector<1x16xf32> to vector<16xf32>
        %swap3A = arith.index_cast %scan3A_181 : i32 to index
        %swap3A_187 = arith.constant 0 : index
        %swap3A_188 = tpu.vector_load %arg8[%swap3A, %swap3A_187] {strides = array<i32>} : memref<40x768xf32, #tpu.memory_space<vmem>>, vector<1x16xf32>,
        %swap3A_189 = vector.shape_cast %swap3A_188 : vector<1x16xf32> to vector<16xf32>
        %swap3A_190 = vector.shape_cast %get3A_186 : vector<16xf32> to vector<1x16xf32>
        tpu.vector_store %arg8[%swap3A, %swap3A_187], %swap3A_190 {add = true, strides = array<i32>} : memref<40x768xf32, #tpu.memory_space<vmem>>, vector<1x16xf32>,
        %add3A_191 = arith.constant 0 : i32
        %add3A_192 = arith.addi %add3A_191, %scan3A_181 : i32
        %get3A_193 = arith.index_cast %add3A_192 : i32 to index
        %get3A_194 = arith.constant 16 : index
        %get3A_195 = tpu.vector_load %arg7[%get3A_193, %get3A_194] {strides = array<i32>} : memref<77x768xf32, #tpu.memory_space<vmem>>, vector<1x16xf32>,
        %get3A_196 = vector.shape_cast %get3A_195 : vector<1x16xf32> to vector<16xf32>
        %swap3A_197 = arith.index_cast %scan3A_181 : i32 to index
        %swap3A_198 = arith.constant 16 : index
        %swap3A_199 = tpu.vector_load %arg8[%swap3A_197, %swap3A_198] {strides = array<i32>} : memref<40x768xf32, #tpu.memory_space<vmem>>, vector<1x16xf32>,
        %swap3A_200 = vector.shape_cast %swap3A_199 : vector<1x16xf32> to vector<16xf32>
        %swap3A_201 = vector.shape_cast %get3A_196 : vector<16xf32> to vector<1x16xf32>
        tpu.vector_store %arg8[%swap3A_197, %swap3A_198], %swap3A_201 {add = true, strides = array<i32>} : memref<40x768xf32, #tpu.memory_space<vmem>>, vector<1x16xf32>,
        %add3A_202 = arith.constant 0 : i32
        %add3A_203 = arith.addi %add3A_202, %scan3A_181 : i32
        %get3A_204 = arith.index_cast %add3A_203 : i32 to index
        %get3A_205 = arith.constant 32 : index
        %get3A_206 = tpu.vector_load %arg7[%get3A_204, %get3A_205] {strides = array<i32>} : memref<77x768xf32, #tpu.memory_space<vmem>>, vector<1x16xf32>,
        %get3A_207 = vector.shape_cast %get3A_206 : vector<1x16xf32> to vector<16xf32>
        %swap3A_208 = arith.index_cast %scan3A_181 : i32 to index
        %swap3A_209 = arith.constant 32 : index
        %swap3A_210 = tpu.vector_load %arg8[%swap3A_208, %swap3A_209] {strides = array<i32>} : memref<40x768xf32, #tpu.memory_space<vmem>>, vector<1x16xf32>,
        %swap3A_211 = vector.shape_cast %swap3A_210 : vector<1x16xf32> to vector<16xf32>
        %swap3A_212 = vector.shape_cast %get3A_207 : vector<16xf32> to vector<1x16xf32>
        tpu.vector_store %arg8[%swap3A_208, %swap3A_209], %swap3A_212 {add = true, strides = array<i32>} : memref<40x768xf32, #tpu.memory_space<vmem>>, vector<1x16xf32>,
        %add3A_213 = arith.constant 0 : i32
        %add3A_214 = arith.addi %add3A_213, %scan3A_181 : i32
        %get3A_215 = arith.index_cast %add3A_214 : i32 to index
        %get3A_216 = arith.constant 48 : index
        %get3A_217 = tpu.vector_load %arg7[%get3A_215, %get3A_216] {strides = array<i32>} : memref<77x768xf32, #tpu.memory_space<vmem>>, vector<1x16xf32>,
        %get3A_218 = vector.shape_cast %get3A_217 : vector<1x16xf32> to vector<16xf32>
        %swap3A_219 = arith.index_cast %scan3A_181 : i32 to index
        %swap3A_220 = arith.constant 48 : index
        %swap3A_221 = tpu.vector_load %arg8[%swap3A_219, %swap3A_220] {strides = array<i32>} : memref<40x768xf32, #tpu.memory_space<vmem>>, vector<1x16xf32>,
        %swap3A_222 = vector.shape_cast %swap3A_221 : vector<1x16xf32> to vector<16xf32>
        %swap3A_223 = vector.shape_cast %get3A_218 : vector<16xf32> to vector<1x16xf32>
        tpu.vector_store %arg8[%swap3A_219, %swap3A_220], %swap3A_223 {add = true, strides = array<i32>} : memref<40x768xf32, #tpu.memory_space<vmem>>, vector<1x16xf32>,
        %add3A_224 = arith.constant 0 : i32
        %add3A_225 = arith.addi %add3A_224, %scan3A_181 : i32
        %get3A_226 = arith.index_cast %add3A_225 : i32 to index
        %get3A_227 = arith.constant 64 : index
        %get3A_228 = tpu.vector_load %arg7[%get3A_226, %get3A_227] {strides = array<i32>} : memref<77x768xf32, #tpu.memory_space<vmem>>, vector<1x16xf32>,
        %get3A_229 = vector.shape_cast %get3A_228 : vector<1x16xf32> to vector<16xf32>
        %swap3A_230 = arith.index_cast %scan3A_181 : i32 to index
        %swap3A_231 = arith.constant 64 : index
        %swap3A_232 = tpu.vector_load %arg8[%swap3A_230, %swap3A_231] {strides = array<i32>} : memref<40x768xf32, #tpu.memory_space<vmem>>, vector<1x16xf32>,
        %swap3A_233 = vector.shape_cast %swap3A_232 : vector<1x16xf32> to vector<16xf32>
        %swap3A_234 = vector.shape_cast %get3A_229 : vector<16xf32> to vector<1x16xf32>
        tpu.vector_store %arg8[%swap3A_230, %swap3A_231], %swap3A_234 {add = true, strides = array<i32>} : memref<40x768xf32, #tpu.memory_space<vmem>>, vector<1x16xf32>,
        %add3A_235 = arith.constant 0 : i32
        %add3A_236 = arith.addi %add3A_235, %scan3A_181 : i32
        %get3A_237 = arith.index_cast %add3A_236 : i32 to index
        %get3A_238 = arith.constant 80 : index
        %get3A_239 = tpu.vector_load %arg7[%get3A_237, %get3A_238] {strides = array<i32>} : memref<77x768xf32, #tpu.memory_space<vmem>>, vector<1x16xf32>,
        %get3A_240 = vector.shape_cast %get3A_239 : vector<1x16xf32> to vector<16xf32>
        %swap3A_241 = arith.index_cast %scan3A_181 : i32 to index
        %swap3A_242 = arith.constant 80 : index
        %swap3A_243 = tpu.vector_load %arg8[%swap3A_241, %swap3A_242] {strides = array<i32>} : memref<40x768xf32, #tpu.memory_space<vmem>>, vector<1x16xf32>,
        %swap3A_244 = vector.shape_cast %swap3A_243 : vector<1x16xf32> to vector<16xf32>
        %swap3A_245 = vector.shape_cast %get3A_240 : vector<16xf32> to vector<1x16xf32>
        tpu.vector_store %arg8[%swap3A_241, %swap3A_242], %swap3A_245 {add = true, strides = array<i32>} : memref<40x768xf32, #tpu.memory_space<vmem>>, vector<1x16xf32>,
        %add3A_246 = arith.constant 0 : i32
        %add3A_247 = arith.addi %add3A_246, %scan3A_181 : i32
        %get3A_248 = arith.index_cast %add3A_247 : i32 to index
        %get3A_249 = arith.constant 96 : index
        %get3A_250 = tpu.vector_load %arg7[%get3A_248, %get3A_249] {strides = array<i32>} : memref<77x768xf32, #tpu.memory_space<vmem>>, vector<1x16xf32>,
        %get3A_251 = vector.shape_cast %get3A_250 : vector<1x16xf32> to vector<16xf32>
        %swap3A_252 = arith.index_cast %scan3A_181 : i32 to index
        %swap3A_253 = arith.constant 96 : index
        %swap3A_254 = tpu.vector_load %arg8[%swap3A_252, %swap3A_253] {strides = array<i32>} : memref<40x768xf32, #tpu.memory_space<vmem>>, vector<1x16xf32>,
        %swap3A_255 = vector.shape_cast %swap3A_254 : vector<1x16xf32> to vector<16xf32>
        %swap3A_256 = vector.shape_cast %get3A_251 : vector<16xf32> to vector<1x16xf32>
        tpu.vector_store %arg8[%swap3A_252, %swap3A_253], %swap3A_256 {add = true, strides = array<i32>} : memref<40x768xf32, #tpu.memory_space<vmem>>, vector<1x16xf32>,
        %add3A_257 = arith.constant 0 : i32
        %add3A_258 = arith.addi %add3A_257, %scan3A_181 : i32
        %get3A_259 = arith.index_cast %add3A_258 : i32 to index
        %get3A_260 = arith.constant 112 : index
        %get3A_261 = tpu.vector_load %arg7[%get3A_259, %get3A_260] {strides = array<i32>} : memref<77x768xf32, #tpu.memory_space<vmem>>, vector<1x16xf32>,
        %get3A_262 = vector.shape_cast %get3A_261 : vector<1x16xf32> to vector<16xf32>
        %swap3A_263 = arith.index_cast %scan3A_181 : i32 to index
        %swap3A_264 = arith.constant 112 : index
        %swap3A_265 = tpu.vector_load %arg8[%swap3A_263, %swap3A_264] {strides = array<i32>} : memref<40x768xf32, #tpu.memory_space<vmem>>, vector<1x16xf32>,
        %swap3A_266 = vector.shape_cast %swap3A_265 : vector<1x16xf32> to vector<16xf32>
        %swap3A_267 = vector.shape_cast %get3A_262 : vector<16xf32> to vector<1x16xf32>
        tpu.vector_store %arg8[%swap3A_263, %swap3A_264], %swap3A_267 {add = true, strides = array<i32>} : memref<40x768xf32, #tpu.memory_space<vmem>>, vector<1x16xf32>,
        %add3A_268 = arith.constant 0 : i32
        %add3A_269 = arith.addi %add3A_268, %scan3A_181 : i32
        %get3A_270 = arith.index_cast %add3A_269 : i32 to index
        %get3A_271 = arith.constant 128 : index
        %get3A_272 = tpu.vector_load %arg7[%get3A_270, %get3A_271] {strides = array<i32>} : memref<77x768xf32, #tpu.memory_space<vmem>>, vector<1x16xf32>,
        %get3A_273 = vector.shape_cast %get3A_272 : vector<1x16xf32> to vector<16xf32>
        %swap3A_274 = arith.index_cast %scan3A_181 : i32 to index
        %swap3A_275 = arith.constant 128 : index
        %swap3A_276 = tpu.vector_load %arg8[%swap3A_274, %swap3A_275] {strides = array<i32>} : memref<40x768xf32, #tpu.memory_space<vmem>>, vector<1x16xf32>,
        %swap3A_277 = vector.shape_cast %swap3A_276 : vector<1x16xf32> to vector<16xf32>
        %swap3A_278 = vector.shape_cast %get3A_273 : vector<16xf32> to vector<1x16xf32>
        tpu.vector_store %arg8[%swap3A_274, %swap3A_275], %swap3A_278 {add = true, strides = array<i32>} : memref<40x768xf32, #tpu.memory_space<vmem>>, vector<1x16xf32>,
        %add3A_279 = arith.constant 0 : i32
        %add3A_280 = arith.addi %add3A_279, %scan3A_181 : i32
        %get3A_281 = arith.index_cast %add3A_280 : i32 to index
        %get3A_282 = arith.constant 144 : index
        %get3A_283 = tpu.vector_load %arg7[%get3A_281, %get3A_282] {strides = array<i32>} : memref<77x768xf32, #tpu.memory_space<vmem>>, vector<1x16xf32>,
        %get3A_284 = vector.shape_cast %get3A_283 : vector<1x16xf32> to vector<16xf32>
        %swap3A_285 = arith.index_cast %scan3A_181 : i32 to index
        %swap3A_286 = arith.constant 144 : index
        %swap3A_287 = tpu.vector_load %arg8[%swap3A_285, %swap3A_286] {strides = array<i32>} : memref<40x768xf32, #tpu.memory_space<vmem>>, vector<1x16xf32>,
        %swap3A_288 = vector.shape_cast %swap3A_287 : vector<1x16xf32> to vector<16xf32>
        %swap3A_289 = vector.shape_cast %get3A_284 : vector<16xf32> to vector<1x16xf32>
        tpu.vector_store %arg8[%swap3A_285, %swap3A_286], %swap3A_289 {add = true, strides = array<i32>} : memref<40x768xf32, #tpu.memory_space<vmem>>, vector<1x16xf32>,
        %add3A_290 = arith.constant 0 : i32
        %add3A_291 = arith.addi %add3A_290, %scan3A_181 : i32
        %get3A_292 = arith.index_cast %add3A_291 : i32 to index
        %get3A_293 = arith.constant 160 : index
        %get3A_294 = tpu.vector_load %arg7[%get3A_292, %get3A_293] {strides = array<i32>} : memref<77x768xf32, #tpu.memory_space<vmem>>, vector<1x16xf32>,
        %get3A_295 = vector.shape_cast %get3A_294 : vector<1x16xf32> to vector<16xf32>
        %swap3A_296 = arith.index_cast %scan3A_181 : i32 to index
        %swap3A_297 = arith.constant 160 : index
        %swap3A_298 = tpu.vector_load %arg8[%swap3A_296, %swap3A_297] {strides = array<i32>} : memref<40x768xf32, #tpu.memory_space<vmem>>, vector<1x16xf32>,
        %swap3A_299 = vector.shape_cast %swap3A_298 : vector<1x16xf32> to vector<16xf32>
        %swap3A_300 = vector.shape_cast %get3A_295 : vector<16xf32> to vector<1x16xf32>
        tpu.vector_store %arg8[%swap3A_296, %swap3A_297], %swap3A_300 {add = true, strides = array<i32>} : memref<40x768xf32, #tpu.memory_space<vmem>>, vector<1x16xf32>,
        %add3A_301 = arith.constant 0 : i32
        %add3A_302 = arith.addi %add3A_301, %scan3A_181 : i32
        %get3A_303 = arith.index_cast %add3A_302 : i32 to index
        %get3A_304 = arith.constant 176 : index
        %get3A_305 = tpu.vector_load %arg7[%get3A_303, %get3A_304] {strides = array<i32>} : memref<77x768xf32, #tpu.memory_space<vmem>>, vector<1x16xf32>,
        %get3A_306 = vector.shape_cast %get3A_305 : vector<1x16xf32> to vector<16xf32>
        %swap3A_307 = arith.index_cast %scan3A_181 : i32 to index
        %swap3A_308 = arith.constant 176 : index
        %swap3A_309 = tpu.vector_load %arg8[%swap3A_307, %swap3A_308] {strides = array<i32>} : memref<40x768xf32, #tpu.memory_space<vmem>>, vector<1x16xf32>,
        %swap3A_310 = vector.shape_cast %swap3A_309 : vector<1x16xf32> to vector<16xf32>
        %swap3A_311 = vector.shape_cast %get3A_306 : vector<16xf32> to vector<1x16xf32>
        tpu.vector_store %arg8[%swap3A_307, %swap3A_308], %swap3A_311 {add = true, strides = array<i32>} : memref<40x768xf32, #tpu.memory_space<vmem>>, vector<1x16xf32>,
        %add3A_312 = arith.constant 0 : i32
        %add3A_313 = arith.addi %add3A_312, %scan3A_181 : i32
        %get3A_314 = arith.index_cast %add3A_313 : i32 to index
        %get3A_315 = arith.constant 192 : index
        %get3A_316 = tpu.vector_load %arg7[%get3A_314, %get3A_315] {strides = array<i32>} : memref<77x768xf32, #tpu.memory_space<vmem>>, vector<1x16xf32>,
        %get3A_317 = vector.shape_cast %get3A_316 : vector<1x16xf32> to vector<16xf32>
        %swap3A_318 = arith.index_cast %scan3A_181 : i32 to index
        %swap3A_319 = arith.constant 192 : index
        %swap3A_320 = tpu.vector_load %arg8[%swap3A_318, %swap3A_319] {strides = array<i32>} : memref<40x768xf32, #tpu.memory_space<vmem>>, vector<1x16xf32>,
        %swap3A_321 = vector.shape_cast %swap3A_320 : vector<1x16xf32> to vector<16xf32>
        %swap3A_322 = vector.shape_cast %get3A_317 : vector<16xf32> to vector<1x16xf32>
        tpu.vector_store %arg8[%swap3A_318, %swap3A_319], %swap3A_322 {add = true, strides = array<i32>} : memref<40x768xf32, #tpu.memory_space<vmem>>, vector<1x16xf32>,
        %add3A_323 = arith.constant 0 : i32
        %add3A_324 = arith.addi %add3A_323, %scan3A_181 : i32
        %get3A_325 = arith.index_cast %add3A_324 : i32 to index
        %get3A_326 = arith.constant 208 : index
        %get3A_327 = tpu.vector_load %arg7[%get3A_325, %get3A_326] {strides = array<i32>} : memref<77x768xf32, #tpu.memory_space<vmem>>, vector<1x16xf32>,
        %get3A_328 = vector.shape_cast %get3A_327 : vector<1x16xf32> to vector<16xf32>
        %swap3A_329 = arith.index_cast %scan3A_181 : i32 to index
        %swap3A_330 = arith.constant 208 : index
        %swap3A_331 = tpu.vector_load %arg8[%swap3A_329, %swap3A_330] {strides = array<i32>} : memref<40x768xf32, #tpu.memory_space<vmem>>, vector<1x16xf32>,
        %swap3A_332 = vector.shape_cast %swap3A_331 : vector<1x16xf32> to vector<16xf32>
        %swap3A_333 = vector.shape_cast %get3A_328 : vector<16xf32> to vector<1x16xf32>
        tpu.vector_store %arg8[%swap3A_329, %swap3A_330], %swap3A_333 {add = true, strides = array<i32>} : memref<40x768xf32, #tpu.memory_space<vmem>>, vector<1x16xf32>,
        %add3A_334 = arith.constant 0 : i32
        %add3A_335 = arith.addi %add3A_334, %scan3A_181 : i32
        %get3A_336 = arith.index_cast %add3A_335 : i32 to index
        %get3A_337 = arith.constant 224 : index
        %get3A_338 = tpu.vector_load %arg7[%get3A_336, %get3A_337] {strides = array<i32>} : memref<77x768xf32, #tpu.memory_space<vmem>>, vector<1x16xf32>,
        %get3A_339 = vector.shape_cast %get3A_338 : vector<1x16xf32> to vector<16xf32>
        %swap3A_340 = arith.index_cast %scan3A_181 : i32 to index
        %swap3A_341 = arith.constant 224 : index
        %swap3A_342 = tpu.vector_load %arg8[%swap3A_340, %swap3A_341] {strides = array<i32>} : memref<40x768xf32, #tpu.memory_space<vmem>>, vector<1x16xf32>,
        %swap3A_343 = vector.shape_cast %swap3A_342 : vector<1x16xf32> to vector<16xf32>
        %swap3A_344 = vector.shape_cast %get3A_339 : vector<16xf32> to vector<1x16xf32>
        tpu.vector_store %arg8[%swap3A_340, %swap3A_341], %swap3A_344 {add = true, strides = array<i32>} : memref<40x768xf32, #tpu.memory_space<vmem>>, vector<1x16xf32>,
        %add3A_345 = arith.constant 0 : i32
        %add3A_346 = arith.addi %add3A_345, %scan3A_181 : i32
        %get3A_347 = arith.index_cast %add3A_346 : i32 to index
        %get3A_348 = arith.constant 240 : index
        %get3A_349 = tpu.vector_load %arg7[%get3A_347, %get3A_348] {strides = array<i32>} : memref<77x768xf32, #tpu.memory_space<vmem>>, vector<1x16xf32>,
        %get3A_350 = vector.shape_cast %get3A_349 : vector<1x16xf32> to vector<16xf32>
        %swap3A_351 = arith.index_cast %scan3A_181 : i32 to index
        %swap3A_352 = arith.constant 240 : index
        %swap3A_353 = tpu.vector_load %arg8[%swap3A_351, %swap3A_352] {strides = array<i32>} : memref<40x768xf32, #tpu.memory_space<vmem>>, vector<1x16xf32>,
        %swap3A_354 = vector.shape_cast %swap3A_353 : vector<1x16xf32> to vector<16xf32>
        %swap3A_355 = vector.shape_cast %get3A_350 : vector<16xf32> to vector<1x16xf32>
        tpu.vector_store %arg8[%swap3A_351, %swap3A_352], %swap3A_355 {add = true, strides = array<i32>} : memref<40x768xf32, #tpu.memory_space<vmem>>, vector<1x16xf32>,
        %add3A_356 = arith.constant 0 : i32
        %add3A_357 = arith.addi %add3A_356, %scan3A_181 : i32
        %get3A_358 = arith.index_cast %add3A_357 : i32 to index
        %get3A_359 = arith.constant 256 : index
        %get3A_360 = tpu.vector_load %arg7[%get3A_358, %get3A_359] {strides = array<i32>} : memref<77x768xf32, #tpu.memory_space<vmem>>, vector<1x16xf32>,
        %get3A_361 = vector.shape_cast %get3A_360 : vector<1x16xf32> to vector<16xf32>
        %swap3A_362 = arith.index_cast %scan3A_181 : i32 to index
        %swap3A_363 = arith.constant 256 : index
        %swap3A_364 = tpu.vector_load %arg8[%swap3A_362, %swap3A_363] {strides = array<i32>} : memref<40x768xf32, #tpu.memory_space<vmem>>, vector<1x16xf32>,
        %swap3A_365 = vector.shape_cast %swap3A_364 : vector<1x16xf32> to vector<16xf32>
        %swap3A_366 = vector.shape_cast %get3A_361 : vector<16xf32> to vector<1x16xf32>
        tpu.vector_store %arg8[%swap3A_362, %swap3A_363], %swap3A_366 {add = true, strides = array<i32>} : memref<40x768xf32, #tpu.memory_space<vmem>>, vector<1x16xf32>,
        %add3A_367 = arith.constant 0 : i32
        %add3A_368 = arith.addi %add3A_367, %scan3A_181 : i32
        %get3A_369 = arith.index_cast %add3A_368 : i32 to index
        %get3A_370 = arith.constant 272 : index
        %get3A_371 = tpu.vector_load %arg7[%get3A_369, %get3A_370] {strides = array<i32>} : memref<77x768xf32, #tpu.memory_space<vmem>>, vector<1x16xf32>,
        %get3A_372 = vector.shape_cast %get3A_371 : vector<1x16xf32> to vector<16xf32>
        %swap3A_373 = arith.index_cast %scan3A_181 : i32 to index
        %swap3A_374 = arith.constant 272 : index
        %swap3A_375 = tpu.vector_load %arg8[%swap3A_373, %swap3A_374] {strides = array<i32>} : memref<40x768xf32, #tpu.memory_space<vmem>>, vector<1x16xf32>,
        %swap3A_376 = vector.shape_cast %swap3A_375 : vector<1x16xf32> to vector<16xf32>
        %swap3A_377 = vector.shape_cast %get3A_372 : vector<16xf32> to vector<1x16xf32>
        tpu.vector_store %arg8[%swap3A_373, %swap3A_374], %swap3A_377 {add = true, strides = array<i32>} : memref<40x768xf32, #tpu.memory_space<vmem>>, vector<1x16xf32>,
        %add3A_378 = arith.constant 0 : i32
        %add3A_379 = arith.addi %add3A_378, %scan3A_181 : i32
        %get3A_380 = arith.index_cast %add3A_379 : i32 to index
        %get3A_381 = arith.constant 288 : index
        %get3A_382 = tpu.vector_load %arg7[%get3A_380, %get3A_381] {strides = array<i32>} : memref<77x768xf32, #tpu.memory_space<vmem>>, vector<1x16xf32>,
        %get3A_383 = vector.shape_cast %get3A_382 : vector<1x16xf32> to vector<16xf32>
        %swap3A_384 = arith.index_cast %scan3A_181 : i32 to index
        %swap3A_385 = arith.constant 288 : index
        %swap3A_386 = tpu.vector_load %arg8[%swap3A_384, %swap3A_385] {strides = array<i32>} : memref<40x768xf32, #tpu.memory_space<vmem>>, vector<1x16xf32>,
        %swap3A_387 = vector.shape_cast %swap3A_386 : vector<1x16xf32> to vector<16xf32>
        %swap3A_388 = vector.shape_cast %get3A_383 : vector<16xf32> to vector<1x16xf32>
        tpu.vector_store %arg8[%swap3A_384, %swap3A_385], %swap3A_388 {add = true, strides = array<i32>} : memref<40x768xf32, #tpu.memory_space<vmem>>, vector<1x16xf32>,
        %add3A_389 = arith.constant 0 : i32
        %add3A_390 = arith.addi %add3A_389, %scan3A_181 : i32
        %get3A_391 = arith.index_cast %add3A_390 : i32 to index
        %get3A_392 = arith.constant 304 : index
        %get3A_393 = tpu.vector_load %arg7[%get3A_391, %get3A_392] {strides = array<i32>} : memref<77x768xf32, #tpu.memory_space<vmem>>, vector<1x16xf32>,
        %get3A_394 = vector.shape_cast %get3A_393 : vector<1x16xf32> to vector<16xf32>
        %swap3A_395 = arith.index_cast %scan3A_181 : i32 to index
        %swap3A_396 = arith.constant 304 : index
        %swap3A_397 = tpu.vector_load %arg8[%swap3A_395, %swap3A_396] {strides = array<i32>} : memref<40x768xf32, #tpu.memory_space<vmem>>, vector<1x16xf32>,
        %swap3A_398 = vector.shape_cast %swap3A_397 : vector<1x16xf32> to vector<16xf32>
        %swap3A_399 = vector.shape_cast %get3A_394 : vector<16xf32> to vector<1x16xf32>
        tpu.vector_store %arg8[%swap3A_395, %swap3A_396], %swap3A_399 {add = true, strides = array<i32>} : memref<40x768xf32, #tpu.memory_space<vmem>>, vector<1x16xf32>,
        %add3A_400 = arith.constant 0 : i32
        %add3A_401 = arith.addi %add3A_400, %scan3A_181 : i32
        %get3A_402 = arith.index_cast %add3A_401 : i32 to index
        %get3A_403 = arith.constant 320 : index
        %get3A_404 = tpu.vector_load %arg7[%get3A_402, %get3A_403] {strides = array<i32>} : memref<77x768xf32, #tpu.memory_space<vmem>>, vector<1x16xf32>,
        %get3A_405 = vector.shape_cast %get3A_404 : vector<1x16xf32> to vector<16xf32>
        %swap3A_406 = arith.index_cast %scan3A_181 : i32 to index
        %swap3A_407 = arith.constant 320 : index
        %swap3A_408 = tpu.vector_load %arg8[%swap3A_406, %swap3A_407] {strides = array<i32>} : memref<40x768xf32, #tpu.memory_space<vmem>>, vector<1x16xf32>,
        %swap3A_409 = vector.shape_cast %swap3A_408 : vector<1x16xf32> to vector<16xf32>
        %swap3A_410 = vector.shape_cast %get3A_405 : vector<16xf32> to vector<1x16xf32>
        tpu.vector_store %arg8[%swap3A_406, %swap3A_407], %swap3A_410 {add = true, strides = array<i32>} : memref<40x768xf32, #tpu.memory_space<vmem>>, vector<1x16xf32>,
        %add3A_411 = arith.constant 0 : i32
        %add3A_412 = arith.addi %add3A_411, %scan3A_181 : i32
        %get3A_413 = arith.index_cast %add3A_412 : i32 to index
        %get3A_414 = arith.constant 336 : index
        %get3A_415 = tpu.vector_load %arg7[%get3A_413, %get3A_414] {strides = array<i32>} : memref<77x768xf32, #tpu.memory_space<vmem>>, vector<1x16xf32>,
        %get3A_416 = vector.shape_cast %get3A_415 : vector<1x16xf32> to vector<16xf32>
        %swap3A_417 = arith.index_cast %scan3A_181 : i32 to index
        %swap3A_418 = arith.constant 336 : index
        %swap3A_419 = tpu.vector_load %arg8[%swap3A_417, %swap3A_418] {strides = array<i32>} : memref<40x768xf32, #tpu.memory_space<vmem>>, vector<1x16xf32>,
        %swap3A_420 = vector.shape_cast %swap3A_419 : vector<1x16xf32> to vector<16xf32>
        %swap3A_421 = vector.shape_cast %get3A_416 : vector<16xf32> to vector<1x16xf32>
        tpu.vector_store %arg8[%swap3A_417, %swap3A_418], %swap3A_421 {add = true, strides = array<i32>} : memref<40x768xf32, #tpu.memory_space<vmem>>, vector<1x16xf32>,
        %add3A_422 = arith.constant 0 : i32
        %add3A_423 = arith.addi %add3A_422, %scan3A_181 : i32
        %get3A_424 = arith.index_cast %add3A_423 : i32 to index
        %get3A_425 = arith.constant 352 : index
        %get3A_426 = tpu.vector_load %arg7[%get3A_424, %get3A_425] {strides = array<i32>} : memref<77x768xf32, #tpu.memory_space<vmem>>, vector<1x16xf32>,
        %get3A_427 = vector.shape_cast %get3A_426 : vector<1x16xf32> to vector<16xf32>
        %swap3A_428 = arith.index_cast %scan3A_181 : i32 to index
        %swap3A_429 = arith.constant 352 : index
        %swap3A_430 = tpu.vector_load %arg8[%swap3A_428, %swap3A_429] {strides = array<i32>} : memref<40x768xf32, #tpu.memory_space<vmem>>, vector<1x16xf32>,
        %swap3A_431 = vector.shape_cast %swap3A_430 : vector<1x16xf32> to vector<16xf32>
        %swap3A_432 = vector.shape_cast %get3A_427 : vector<16xf32> to vector<1x16xf32>
        tpu.vector_store %arg8[%swap3A_428, %swap3A_429], %swap3A_432 {add = true, strides = array<i32>} : memref<40x768xf32, #tpu.memory_space<vmem>>, vector<1x16xf32>,
        %add3A_433 = arith.constant 0 : i32
        %add3A_434 = arith.addi %add3A_433, %scan3A_181 : i32
        %get3A_435 = arith.index_cast %add3A_434 : i32 to index
        %get3A_436 = arith.constant 368 : index
        %get3A_437 = tpu.vector_load %arg7[%get3A_435, %get3A_436] {strides = array<i32>} : memref<77x768xf32, #tpu.memory_space<vmem>>, vector<1x16xf32>,
        %get3A_438 = vector.shape_cast %get3A_437 : vector<1x16xf32> to vector<16xf32>
        %swap3A_439 = arith.index_cast %scan3A_181 : i32 to index
        %swap3A_440 = arith.constant 368 : index
        %swap3A_441 = tpu.vector_load %arg8[%swap3A_439, %swap3A_440] {strides = array<i32>} : memref<40x768xf32, #tpu.memory_space<vmem>>, vector<1x16xf32>,
        %swap3A_442 = vector.shape_cast %swap3A_441 : vector<1x16xf32> to vector<16xf32>
        %swap3A_443 = vector.shape_cast %get3A_438 : vector<16xf32> to vector<1x16xf32>
        tpu.vector_store %arg8[%swap3A_439, %swap3A_440], %swap3A_443 {add = true, strides = array<i32>} : memref<40x768xf32, #tpu.memory_space<vmem>>, vector<1x16xf32>,
        %add3A_444 = arith.constant 0 : i32
        %add3A_445 = arith.addi %add3A_444, %scan3A_181 : i32
        %get3A_446 = arith.index_cast %add3A_445 : i32 to index
        %get3A_447 = arith.constant 384 : index
        %get3A_448 = tpu.vector_load %arg7[%get3A_446, %get3A_447] {strides = array<i32>} : memref<77x768xf32, #tpu.memory_space<vmem>>, vector<1x16xf32>,
        %get3A_449 = vector.shape_cast %get3A_448 : vector<1x16xf32> to vector<16xf32>
        %swap3A_450 = arith.index_cast %scan3A_181 : i32 to index
        %swap3A_451 = arith.constant 384 : index
        %swap3A_452 = tpu.vector_load %arg8[%swap3A_450, %swap3A_451] {strides = array<i32>} : memref<40x768xf32, #tpu.memory_space<vmem>>, vector<1x16xf32>,
        %swap3A_453 = vector.shape_cast %swap3A_452 : vector<1x16xf32> to vector<16xf32>
        %swap3A_454 = vector.shape_cast %get3A_449 : vector<16xf32> to vector<1x16xf32>
        tpu.vector_store %arg8[%swap3A_450, %swap3A_451], %swap3A_454 {add = true, strides = array<i32>} : memref<40x768xf32, #tpu.memory_space<vmem>>, vector<1x16xf32>,
        %add3A_455 = arith.constant 0 : i32
        %add3A_456 = arith.addi %add3A_455, %scan3A_181 : i32
        %get3A_457 = arith.index_cast %add3A_456 : i32 to index
        %get3A_458 = arith.constant 400 : index
        %get3A_459 = tpu.vector_load %arg7[%get3A_457, %get3A_458] {strides = array<i32>} : memref<77x768xf32, #tpu.memory_space<vmem>>, vector<1x16xf32>,
        %get3A_460 = vector.shape_cast %get3A_459 : vector<1x16xf32> to vector<16xf32>
        %swap3A_461 = arith.index_cast %scan3A_181 : i32 to index
        %swap3A_462 = arith.constant 400 : index
        %swap3A_463 = tpu.vector_load %arg8[%swap3A_461, %swap3A_462] {strides = array<i32>} : memref<40x768xf32, #tpu.memory_space<vmem>>, vector<1x16xf32>,
        %swap3A_464 = vector.shape_cast %swap3A_463 : vector<1x16xf32> to vector<16xf32>
        %swap3A_465 = vector.shape_cast %get3A_460 : vector<16xf32> to vector<1x16xf32>
        tpu.vector_store %arg8[%swap3A_461, %swap3A_462], %swap3A_465 {add = true, strides = array<i32>} : memref<40x768xf32, #tpu.memory_space<vmem>>, vector<1x16xf32>,
        %add3A_466 = arith.constant 0 : i32
        %add3A_467 = arith.addi %add3A_466, %scan3A_181 : i32
        %get3A_468 = arith.index_cast %add3A_467 : i32 to index
        %get3A_469 = arith.constant 416 : index
        %get3A_470 = tpu.vector_load %arg7[%get3A_468, %get3A_469] {strides = array<i32>} : memref<77x768xf32, #tpu.memory_space<vmem>>, vector<1x16xf32>,
        %get3A_471 = vector.shape_cast %get3A_470 : vector<1x16xf32> to vector<16xf32>
        %swap3A_472 = arith.index_cast %scan3A_181 : i32 to index
        %swap3A_473 = arith.constant 416 : index
        %swap3A_474 = tpu.vector_load %arg8[%swap3A_472, %swap3A_473] {strides = array<i32>} : memref<40x768xf32, #tpu.memory_space<vmem>>, vector<1x16xf32>,
        %swap3A_475 = vector.shape_cast %swap3A_474 : vector<1x16xf32> to vector<16xf32>
        %swap3A_476 = vector.shape_cast %get3A_471 : vector<16xf32> to vector<1x16xf32>
        tpu.vector_store %arg8[%swap3A_472, %swap3A_473], %swap3A_476 {add = true, strides = array<i32>} : memref<40x768xf32, #tpu.memory_space<vmem>>, vector<1x16xf32>,
        %add3A_477 = arith.constant 0 : i32
        %add3A_478 = arith.addi %add3A_477, %scan3A_181 : i32
        %get3A_479 = arith.index_cast %add3A_478 : i32 to index
        %get3A_480 = arith.constant 432 : index
        %get3A_481 = tpu.vector_load %arg7[%get3A_479, %get3A_480] {strides = array<i32>} : memref<77x768xf32, #tpu.memory_space<vmem>>, vector<1x16xf32>,
        %get3A_482 = vector.shape_cast %get3A_481 : vector<1x16xf32> to vector<16xf32>
        %swap3A_483 = arith.index_cast %scan3A_181 : i32 to index
        %swap3A_484 = arith.constant 432 : index
        %swap3A_485 = tpu.vector_load %arg8[%swap3A_483, %swap3A_484] {strides = array<i32>} : memref<40x768xf32, #tpu.memory_space<vmem>>, vector<1x16xf32>,
        %swap3A_486 = vector.shape_cast %swap3A_485 : vector<1x16xf32> to vector<16xf32>
        %swap3A_487 = vector.shape_cast %get3A_482 : vector<16xf32> to vector<1x16xf32>
        tpu.vector_store %arg8[%swap3A_483, %swap3A_484], %swap3A_487 {add = true, strides = array<i32>} : memref<40x768xf32, #tpu.memory_space<vmem>>, vector<1x16xf32>,
        %add3A_488 = arith.constant 0 : i32
        %add3A_489 = arith.addi %add3A_488, %scan3A_181 : i32
        %get3A_490 = arith.index_cast %add3A_489 : i32 to index
        %get3A_491 = arith.constant 448 : index
        %get3A_492 = tpu.vector_load %arg7[%get3A_490, %get3A_491] {strides = array<i32>} : memref<77x768xf32, #tpu.memory_space<vmem>>, vector<1x16xf32>,
        %get3A_493 = vector.shape_cast %get3A_492 : vector<1x16xf32> to vector<16xf32>
        %swap3A_494 = arith.index_cast %scan3A_181 : i32 to index
        %swap3A_495 = arith.constant 448 : index
        %swap3A_496 = tpu.vector_load %arg8[%swap3A_494, %swap3A_495] {strides = array<i32>} : memref<40x768xf32, #tpu.memory_space<vmem>>, vector<1x16xf32>,
        %swap3A_497 = vector.shape_cast %swap3A_496 : vector<1x16xf32> to vector<16xf32>
        %swap3A_498 = vector.shape_cast %get3A_493 : vector<16xf32> to vector<1x16xf32>
        tpu.vector_store %arg8[%swap3A_494, %swap3A_495], %swap3A_498 {add = true, strides = array<i32>} : memref<40x768xf32, #tpu.memory_space<vmem>>, vector<1x16xf32>,
        %add3A_499 = arith.constant 0 : i32
        %add3A_500 = arith.addi %add3A_499, %scan3A_181 : i32
        %get3A_501 = arith.index_cast %add3A_500 : i32 to index
        %get3A_502 = arith.constant 464 : index
        %get3A_503 = tpu.vector_load %arg7[%get3A_501, %get3A_502] {strides = array<i32>} : memref<77x768xf32, #tpu.memory_space<vmem>>, vector<1x16xf32>,
        %get3A_504 = vector.shape_cast %get3A_503 : vector<1x16xf32> to vector<16xf32>
        %swap3A_505 = arith.index_cast %scan3A_181 : i32 to index
        %swap3A_506 = arith.constant 464 : index
        %swap3A_507 = tpu.vector_load %arg8[%swap3A_505, %swap3A_506] {strides = array<i32>} : memref<40x768xf32, #tpu.memory_space<vmem>>, vector<1x16xf32>,
        %swap3A_508 = vector.shape_cast %swap3A_507 : vector<1x16xf32> to vector<16xf32>
        %swap3A_509 = vector.shape_cast %get3A_504 : vector<16xf32> to vector<1x16xf32>
        tpu.vector_store %arg8[%swap3A_505, %swap3A_506], %swap3A_509 {add = true, strides = array<i32>} : memref<40x768xf32, #tpu.memory_space<vmem>>, vector<1x16xf32>,
        %add3A_510 = arith.constant 0 : i32
        %add3A_511 = arith.addi %add3A_510, %scan3A_181 : i32
        %get3A_512 = arith.index_cast %add3A_511 : i32 to index
        %get3A_513 = arith.constant 480 : index
        %get3A_514 = tpu.vector_load %arg7[%get3A_512, %get3A_513] {strides = array<i32>} : memref<77x768xf32, #tpu.memory_space<vmem>>, vector<1x16xf32>,
        %get3A_515 = vector.shape_cast %get3A_514 : vector<1x16xf32> to vector<16xf32>
        %swap3A_516 = arith.index_cast %scan3A_181 : i32 to index
        %swap3A_517 = arith.constant 480 : index
        %swap3A_518 = tpu.vector_load %arg8[%swap3A_516, %swap3A_517] {strides = array<i32>} : memref<40x768xf32, #tpu.memory_space<vmem>>, vector<1x16xf32>,
        %swap3A_519 = vector.shape_cast %swap3A_518 : vector<1x16xf32> to vector<16xf32>
        %swap3A_520 = vector.shape_cast %get3A_515 : vector<16xf32> to vector<1x16xf32>
        tpu.vector_store %arg8[%swap3A_516, %swap3A_517], %swap3A_520 {add = true, strides = array<i32>} : memref<40x768xf32, #tpu.memory_space<vmem>>, vector<1x16xf32>,
        %add3A_521 = arith.constant 0 : i32
        %add3A_522 = arith.addi %add3A_521, %scan3A_181 : i32
        %get3A_523 = arith.index_cast %add3A_522 : i32 to index
        %get3A_524 = arith.constant 496 : index
        %get3A_525 = tpu.vector_load %arg7[%get3A_523, %get3A_524] {strides = array<i32>} : memref<77x768xf32, #tpu.memory_space<vmem>>, vector<1x16xf32>,
        %get3A_526 = vector.shape_cast %get3A_525 : vector<1x16xf32> to vector<16xf32>
        %swap3A_527 = arith.index_cast %scan3A_181 : i32 to index
        %swap3A_528 = arith.constant 496 : index
        %swap3A_529 = tpu.vector_load %arg8[%swap3A_527, %swap3A_528] {strides = array<i32>} : memref<40x768xf32, #tpu.memory_space<vmem>>, vector<1x16xf32>,
        %swap3A_530 = vector.shape_cast %swap3A_529 : vector<1x16xf32> to vector<16xf32>
        %swap3A_531 = vector.shape_cast %get3A_526 : vector<16xf32> to vector<1x16xf32>
        tpu.vector_store %arg8[%swap3A_527, %swap3A_528], %swap3A_531 {add = true, strides = array<i32>} : memref<40x768xf32, #tpu.memory_space<vmem>>, vector<1x16xf32>,
        %add3A_532 = arith.constant 0 : i32
        %add3A_533 = arith.addi %add3A_532, %scan3A_181 : i32
        %get3A_534 = arith.index_cast %add3A_533 : i32 to index
        %get3A_535 = arith.constant 512 : index
        %get3A_536 = tpu.vector_load %arg7[%get3A_534, %get3A_535] {strides = array<i32>} : memref<77x768xf32, #tpu.memory_space<vmem>>, vector<1x16xf32>,
        %get3A_537 = vector.shape_cast %get3A_536 : vector<1x16xf32> to vector<16xf32>
        %swap3A_538 = arith.index_cast %scan3A_181 : i32 to index
        %swap3A_539 = arith.constant 512 : index
        %swap3A_540 = tpu.vector_load %arg8[%swap3A_538, %swap3A_539] {strides = array<i32>} : memref<40x768xf32, #tpu.memory_space<vmem>>, vector<1x16xf32>,
        %swap3A_541 = vector.shape_cast %swap3A_540 : vector<1x16xf32> to vector<16xf32>
        %swap3A_542 = vector.shape_cast %get3A_537 : vector<16xf32> to vector<1x16xf32>
        tpu.vector_store %arg8[%swap3A_538, %swap3A_539], %swap3A_542 {add = true, strides = array<i32>} : memref<40x768xf32, #tpu.memory_space<vmem>>, vector<1x16xf32>,
        %add3A_543 = arith.constant 0 : i32
        %add3A_544 = arith.addi %add3A_543, %scan3A_181 : i32
        %get3A_545 = arith.index_cast %add3A_544 : i32 to index
        %get3A_546 = arith.constant 528 : index
        %get3A_547 = tpu.vector_load %arg7[%get3A_545, %get3A_546] {strides = array<i32>} : memref<77x768xf32, #tpu.memory_space<vmem>>, vector<1x16xf32>,
        %get3A_548 = vector.shape_cast %get3A_547 : vector<1x16xf32> to vector<16xf32>
        %swap3A_549 = arith.index_cast %scan3A_181 : i32 to index
        %swap3A_550 = arith.constant 528 : index
        %swap3A_551 = tpu.vector_load %arg8[%swap3A_549, %swap3A_550] {strides = array<i32>} : memref<40x768xf32, #tpu.memory_space<vmem>>, vector<1x16xf32>,
        %swap3A_552 = vector.shape_cast %swap3A_551 : vector<1x16xf32> to vector<16xf32>
        %swap3A_553 = vector.shape_cast %get3A_548 : vector<16xf32> to vector<1x16xf32>
        tpu.vector_store %arg8[%swap3A_549, %swap3A_550], %swap3A_553 {add = true, strides = array<i32>} : memref<40x768xf32, #tpu.memory_space<vmem>>, vector<1x16xf32>,
        %add3A_554 = arith.constant 0 : i32
        %add3A_555 = arith.addi %add3A_554, %scan3A_181 : i32
        %get3A_556 = arith.index_cast %add3A_555 : i32 to index
        %get3A_557 = arith.constant 544 : index
        %get3A_558 = tpu.vector_load %arg7[%get3A_556, %get3A_557] {strides = array<i32>} : memref<77x768xf32, #tpu.memory_space<vmem>>, vector<1x16xf32>,
        %get3A_559 = vector.shape_cast %get3A_558 : vector<1x16xf32> to vector<16xf32>
        %swap3A_560 = arith.index_cast %scan3A_181 : i32 to index
        %swap3A_561 = arith.constant 544 : index
        %swap3A_562 = tpu.vector_load %arg8[%swap3A_560, %swap3A_561] {strides = array<i32>} : memref<40x768xf32, #tpu.memory_space<vmem>>, vector<1x16xf32>,
        %swap3A_563 = vector.shape_cast %swap3A_562 : vector<1x16xf32> to vector<16xf32>
        %swap3A_564 = vector.shape_cast %get3A_559 : vector<16xf32> to vector<1x16xf32>
        tpu.vector_store %arg8[%swap3A_560, %swap3A_561], %swap3A_564 {add = true, strides = array<i32>} : memref<40x768xf32, #tpu.memory_space<vmem>>, vector<1x16xf32>,
        %add3A_565 = arith.constant 0 : i32
        %add3A_566 = arith.addi %add3A_565, %scan3A_181 : i32
        %get3A_567 = arith.index_cast %add3A_566 : i32 to index
        %get3A_568 = arith.constant 560 : index
        %get3A_569 = tpu.vector_load %arg7[%get3A_567, %get3A_568] {strides = array<i32>} : memref<77x768xf32, #tpu.memory_space<vmem>>, vector<1x16xf32>,
        %get3A_570 = vector.shape_cast %get3A_569 : vector<1x16xf32> to vector<16xf32>
        %swap3A_571 = arith.index_cast %scan3A_181 : i32 to index
        %swap3A_572 = arith.constant 560 : index
        %swap3A_573 = tpu.vector_load %arg8[%swap3A_571, %swap3A_572] {strides = array<i32>} : memref<40x768xf32, #tpu.memory_space<vmem>>, vector<1x16xf32>,
        %swap3A_574 = vector.shape_cast %swap3A_573 : vector<1x16xf32> to vector<16xf32>
        %swap3A_575 = vector.shape_cast %get3A_570 : vector<16xf32> to vector<1x16xf32>
        tpu.vector_store %arg8[%swap3A_571, %swap3A_572], %swap3A_575 {add = true, strides = array<i32>} : memref<40x768xf32, #tpu.memory_space<vmem>>, vector<1x16xf32>,
        %add3A_576 = arith.constant 0 : i32
        %add3A_577 = arith.addi %add3A_576, %scan3A_181 : i32
        %get3A_578 = arith.index_cast %add3A_577 : i32 to index
        %get3A_579 = arith.constant 576 : index
        %get3A_580 = tpu.vector_load %arg7[%get3A_578, %get3A_579] {strides = array<i32>} : memref<77x768xf32, #tpu.memory_space<vmem>>, vector<1x16xf32>,
        %get3A_581 = vector.shape_cast %get3A_580 : vector<1x16xf32> to vector<16xf32>
        %swap3A_582 = arith.index_cast %scan3A_181 : i32 to index
        %swap3A_583 = arith.constant 576 : index
        %swap3A_584 = tpu.vector_load %arg8[%swap3A_582, %swap3A_583] {strides = array<i32>} : memref<40x768xf32, #tpu.memory_space<vmem>>, vector<1x16xf32>,
        %swap3A_585 = vector.shape_cast %swap3A_584 : vector<1x16xf32> to vector<16xf32>
        %swap3A_586 = vector.shape_cast %get3A_581 : vector<16xf32> to vector<1x16xf32>
        tpu.vector_store %arg8[%swap3A_582, %swap3A_583], %swap3A_586 {add = true, strides = array<i32>} : memref<40x768xf32, #tpu.memory_space<vmem>>, vector<1x16xf32>,
        %add3A_587 = arith.constant 0 : i32
        %add3A_588 = arith.addi %add3A_587, %scan3A_181 : i32
        %get3A_589 = arith.index_cast %add3A_588 : i32 to index
        %get3A_590 = arith.constant 592 : index
        %get3A_591 = tpu.vector_load %arg7[%get3A_589, %get3A_590] {strides = array<i32>} : memref<77x768xf32, #tpu.memory_space<vmem>>, vector<1x16xf32>,
        %get3A_592 = vector.shape_cast %get3A_591 : vector<1x16xf32> to vector<16xf32>
        %swap3A_593 = arith.index_cast %scan3A_181 : i32 to index
        %swap3A_594 = arith.constant 592 : index
        %swap3A_595 = tpu.vector_load %arg8[%swap3A_593, %swap3A_594] {strides = array<i32>} : memref<40x768xf32, #tpu.memory_space<vmem>>, vector<1x16xf32>,
        %swap3A_596 = vector.shape_cast %swap3A_595 : vector<1x16xf32> to vector<16xf32>
        %swap3A_597 = vector.shape_cast %get3A_592 : vector<16xf32> to vector<1x16xf32>
        tpu.vector_store %arg8[%swap3A_593, %swap3A_594], %swap3A_597 {add = true, strides = array<i32>} : memref<40x768xf32, #tpu.memory_space<vmem>>, vector<1x16xf32>,
        %add3A_598 = arith.constant 0 : i32
        %add3A_599 = arith.addi %add3A_598, %scan3A_181 : i32
        %get3A_600 = arith.index_cast %add3A_599 : i32 to index
        %get3A_601 = arith.constant 608 : index
        %get3A_602 = tpu.vector_load %arg7[%get3A_600, %get3A_601] {strides = array<i32>} : memref<77x768xf32, #tpu.memory_space<vmem>>, vector<1x16xf32>,
        %get3A_603 = vector.shape_cast %get3A_602 : vector<1x16xf32> to vector<16xf32>
        %swap3A_604 = arith.index_cast %scan3A_181 : i32 to index
        %swap3A_605 = arith.constant 608 : index
        %swap3A_606 = tpu.vector_load %arg8[%swap3A_604, %swap3A_605] {strides = array<i32>} : memref<40x768xf32, #tpu.memory_space<vmem>>, vector<1x16xf32>,
        %swap3A_607 = vector.shape_cast %swap3A_606 : vector<1x16xf32> to vector<16xf32>
        %swap3A_608 = vector.shape_cast %get3A_603 : vector<16xf32> to vector<1x16xf32>
        tpu.vector_store %arg8[%swap3A_604, %swap3A_605], %swap3A_608 {add = true, strides = array<i32>} : memref<40x768xf32, #tpu.memory_space<vmem>>, vector<1x16xf32>,
        %add3A_609 = arith.constant 0 : i32
        %add3A_610 = arith.addi %add3A_609, %scan3A_181 : i32
        %get3A_611 = arith.index_cast %add3A_610 : i32 to index
        %get3A_612 = arith.constant 624 : index
        %get3A_613 = tpu.vector_load %arg7[%get3A_611, %get3A_612] {strides = array<i32>} : memref<77x768xf32, #tpu.memory_space<vmem>>, vector<1x16xf32>,
        %get3A_614 = vector.shape_cast %get3A_613 : vector<1x16xf32> to vector<16xf32>
        %swap3A_615 = arith.index_cast %scan3A_181 : i32 to index
        %swap3A_616 = arith.constant 624 : index
        %swap3A_617 = tpu.vector_load %arg8[%swap3A_615, %swap3A_616] {strides = array<i32>} : memref<40x768xf32, #tpu.memory_space<vmem>>, vector<1x16xf32>,
        %swap3A_618 = vector.shape_cast %swap3A_617 : vector<1x16xf32> to vector<16xf32>
        %swap3A_619 = vector.shape_cast %get3A_614 : vector<16xf32> to vector<1x16xf32>
        tpu.vector_store %arg8[%swap3A_615, %swap3A_616], %swap3A_619 {add = true, strides = array<i32>} : memref<40x768xf32, #tpu.memory_space<vmem>>, vector<1x16xf32>,
        %add3A_620 = arith.constant 0 : i32
        %add3A_621 = arith.addi %add3A_620, %scan3A_181 : i32
        %get3A_622 = arith.index_cast %add3A_621 : i32 to index
        %get3A_623 = arith.constant 640 : index
        %get3A_624 = tpu.vector_load %arg7[%get3A_622, %get3A_623] {strides = array<i32>} : memref<77x768xf32, #tpu.memory_space<vmem>>, vector<1x16xf32>,
        %get3A_625 = vector.shape_cast %get3A_624 : vector<1x16xf32> to vector<16xf32>
        %swap3A_626 = arith.index_cast %scan3A_181 : i32 to index
        %swap3A_627 = arith.constant 640 : index
        %swap3A_628 = tpu.vector_load %arg8[%swap3A_626, %swap3A_627] {strides = array<i32>} : memref<40x768xf32, #tpu.memory_space<vmem>>, vector<1x16xf32>,
        %swap3A_629 = vector.shape_cast %swap3A_628 : vector<1x16xf32> to vector<16xf32>
        %swap3A_630 = vector.shape_cast %get3A_625 : vector<16xf32> to vector<1x16xf32>
        tpu.vector_store %arg8[%swap3A_626, %swap3A_627], %swap3A_630 {add = true, strides = array<i32>} : memref<40x768xf32, #tpu.memory_space<vmem>>, vector<1x16xf32>,
        %add3A_631 = arith.constant 0 : i32
        %add3A_632 = arith.addi %add3A_631, %scan3A_181 : i32
        %get3A_633 = arith.index_cast %add3A_632 : i32 to index
        %get3A_634 = arith.constant 656 : index
        %get3A_635 = tpu.vector_load %arg7[%get3A_633, %get3A_634] {strides = array<i32>} : memref<77x768xf32, #tpu.memory_space<vmem>>, vector<1x16xf32>,
        %get3A_636 = vector.shape_cast %get3A_635 : vector<1x16xf32> to vector<16xf32>
        %swap3A_637 = arith.index_cast %scan3A_181 : i32 to index
        %swap3A_638 = arith.constant 656 : index
        %swap3A_639 = tpu.vector_load %arg8[%swap3A_637, %swap3A_638] {strides = array<i32>} : memref<40x768xf32, #tpu.memory_space<vmem>>, vector<1x16xf32>,
        %swap3A_640 = vector.shape_cast %swap3A_639 : vector<1x16xf32> to vector<16xf32>
        %swap3A_641 = vector.shape_cast %get3A_636 : vector<16xf32> to vector<1x16xf32>
        tpu.vector_store %arg8[%swap3A_637, %swap3A_638], %swap3A_641 {add = true, strides = array<i32>} : memref<40x768xf32, #tpu.memory_space<vmem>>, vector<1x16xf32>,
        %add3A_642 = arith.constant 0 : i32
        %add3A_643 = arith.addi %add3A_642, %scan3A_181 : i32
        %get3A_644 = arith.index_cast %add3A_643 : i32 to index
        %get3A_645 = arith.constant 672 : index
        %get3A_646 = tpu.vector_load %arg7[%get3A_644, %get3A_645] {strides = array<i32>} : memref<77x768xf32, #tpu.memory_space<vmem>>, vector<1x16xf32>,
        %get3A_647 = vector.shape_cast %get3A_646 : vector<1x16xf32> to vector<16xf32>
        %swap3A_648 = arith.index_cast %scan3A_181 : i32 to index
        %swap3A_649 = arith.constant 672 : index
        %swap3A_650 = tpu.vector_load %arg8[%swap3A_648, %swap3A_649] {strides = array<i32>} : memref<40x768xf32, #tpu.memory_space<vmem>>, vector<1x16xf32>,
        %swap3A_651 = vector.shape_cast %swap3A_650 : vector<1x16xf32> to vector<16xf32>
        %swap3A_652 = vector.shape_cast %get3A_647 : vector<16xf32> to vector<1x16xf32>
        tpu.vector_store %arg8[%swap3A_648, %swap3A_649], %swap3A_652 {add = true, strides = array<i32>} : memref<40x768xf32, #tpu.memory_space<vmem>>, vector<1x16xf32>,
        %add3A_653 = arith.constant 0 : i32
        %add3A_654 = arith.addi %add3A_653, %scan3A_181 : i32
        %get3A_655 = arith.index_cast %add3A_654 : i32 to index
        %get3A_656 = arith.constant 688 : index
        %get3A_657 = tpu.vector_load %arg7[%get3A_655, %get3A_656] {strides = array<i32>} : memref<77x768xf32, #tpu.memory_space<vmem>>, vector<1x16xf32>,
        %get3A_658 = vector.shape_cast %get3A_657 : vector<1x16xf32> to vector<16xf32>
        %swap3A_659 = arith.index_cast %scan3A_181 : i32 to index
        %swap3A_660 = arith.constant 688 : index
        %swap3A_661 = tpu.vector_load %arg8[%swap3A_659, %swap3A_660] {strides = array<i32>} : memref<40x768xf32, #tpu.memory_space<vmem>>, vector<1x16xf32>,
        %swap3A_662 = vector.shape_cast %swap3A_661 : vector<1x16xf32> to vector<16xf32>
        %swap3A_663 = vector.shape_cast %get3A_658 : vector<16xf32> to vector<1x16xf32>
        tpu.vector_store %arg8[%swap3A_659, %swap3A_660], %swap3A_663 {add = true, strides = array<i32>} : memref<40x768xf32, #tpu.memory_space<vmem>>, vector<1x16xf32>,
        %add3A_664 = arith.constant 0 : i32
        %add3A_665 = arith.addi %add3A_664, %scan3A_181 : i32
        %get3A_666 = arith.index_cast %add3A_665 : i32 to index
        %get3A_667 = arith.constant 704 : index
        %get3A_668 = tpu.vector_load %arg7[%get3A_666, %get3A_667] {strides = array<i32>} : memref<77x768xf32, #tpu.memory_space<vmem>>, vector<1x16xf32>,
        %get3A_669 = vector.shape_cast %get3A_668 : vector<1x16xf32> to vector<16xf32>
        %swap3A_670 = arith.index_cast %scan3A_181 : i32 to index
        %swap3A_671 = arith.constant 704 : index
        %swap3A_672 = tpu.vector_load %arg8[%swap3A_670, %swap3A_671] {strides = array<i32>} : memref<40x768xf32, #tpu.memory_space<vmem>>, vector<1x16xf32>,
        %swap3A_673 = vector.shape_cast %swap3A_672 : vector<1x16xf32> to vector<16xf32>
        %swap3A_674 = vector.shape_cast %get3A_669 : vector<16xf32> to vector<1x16xf32>
        tpu.vector_store %arg8[%swap3A_670, %swap3A_671], %swap3A_674 {add = true, strides = array<i32>} : memref<40x768xf32, #tpu.memory_space<vmem>>, vector<1x16xf32>,
        %add3A_675 = arith.constant 0 : i32
        %add3A_676 = arith.addi %add3A_675, %scan3A_181 : i32
        %get3A_677 = arith.index_cast %add3A_676 : i32 to index
        %get3A_678 = arith.constant 720 : index
        %get3A_679 = tpu.vector_load %arg7[%get3A_677, %get3A_678] {strides = array<i32>} : memref<77x768xf32, #tpu.memory_space<vmem>>, vector<1x16xf32>,
        %get3A_680 = vector.shape_cast %get3A_679 : vector<1x16xf32> to vector<16xf32>
        %swap3A_681 = arith.index_cast %scan3A_181 : i32 to index
        %swap3A_682 = arith.constant 720 : index
        %swap3A_683 = tpu.vector_load %arg8[%swap3A_681, %swap3A_682] {strides = array<i32>} : memref<40x768xf32, #tpu.memory_space<vmem>>, vector<1x16xf32>,
        %swap3A_684 = vector.shape_cast %swap3A_683 : vector<1x16xf32> to vector<16xf32>
        %swap3A_685 = vector.shape_cast %get3A_680 : vector<16xf32> to vector<1x16xf32>
        tpu.vector_store %arg8[%swap3A_681, %swap3A_682], %swap3A_685 {add = true, strides = array<i32>} : memref<40x768xf32, #tpu.memory_space<vmem>>, vector<1x16xf32>,
        %add3A_686 = arith.constant 0 : i32
        %add3A_687 = arith.addi %add3A_686, %scan3A_181 : i32
        %get3A_688 = arith.index_cast %add3A_687 : i32 to index
        %get3A_689 = arith.constant 736 : index
        %get3A_690 = tpu.vector_load %arg7[%get3A_688, %get3A_689] {strides = array<i32>} : memref<77x768xf32, #tpu.memory_space<vmem>>, vector<1x16xf32>,
        %get3A_691 = vector.shape_cast %get3A_690 : vector<1x16xf32> to vector<16xf32>
        %swap3A_692 = arith.index_cast %scan3A_181 : i32 to index
        %swap3A_693 = arith.constant 736 : index
        %swap3A_694 = tpu.vector_load %arg8[%swap3A_692, %swap3A_693] {strides = array<i32>} : memref<40x768xf32, #tpu.memory_space<vmem>>, vector<1x16xf32>,
        %swap3A_695 = vector.shape_cast %swap3A_694 : vector<1x16xf32> to vector<16xf32>
        %swap3A_696 = vector.shape_cast %get3A_691 : vector<16xf32> to vector<1x16xf32>
        tpu.vector_store %arg8[%swap3A_692, %swap3A_693], %swap3A_696 {add = true, strides = array<i32>} : memref<40x768xf32, #tpu.memory_space<vmem>>, vector<1x16xf32>,
        %add3A_697 = arith.constant 0 : i32
        %add3A_698 = arith.addi %add3A_697, %scan3A_181 : i32
        %get3A_699 = arith.index_cast %add3A_698 : i32 to index
        %get3A_700 = arith.constant 752 : index
        %get3A_701 = tpu.vector_load %arg7[%get3A_699, %get3A_700] {strides = array<i32>} : memref<77x768xf32, #tpu.memory_space<vmem>>, vector<1x16xf32>,
        %get3A_702 = vector.shape_cast %get3A_701 : vector<1x16xf32> to vector<16xf32>
        %swap3A_703 = arith.index_cast %scan3A_181 : i32 to index
        %swap3A_704 = arith.constant 752 : index
        %swap3A_705 = tpu.vector_load %arg8[%swap3A_703, %swap3A_704] {strides = array<i32>} : memref<40x768xf32, #tpu.memory_space<vmem>>, vector<1x16xf32>,
        %swap3A_706 = vector.shape_cast %swap3A_705 : vector<1x16xf32> to vector<16xf32>
        %swap3A_707 = vector.shape_cast %get3A_702 : vector<16xf32> to vector<1x16xf32>
        tpu.vector_store %arg8[%swap3A_703, %swap3A_704], %swap3A_707 {add = true, strides = array<i32>} : memref<40x768xf32, #tpu.memory_space<vmem>>, vector<1x16xf32>,
      }
      %scan3A_129 = arith.constant 40 : i32
      %mul3A_130 = arith.constant 0 : i32
      %mul3A_131 = arith.muli %add3A, %mul3A_130 : i32
      %add3A_132 = arith.constant 0 : i32
      %add3A_133 = arith.addi %add3A_132, %mul3A_131 : i32
      %multiple_of3A_134 = tpu.assume_multiple %add3A_133, 40 : i32
      %add3A_135 = arith.addi %mul3A_2, %select_n3A : i32
      %dma_start3A_136 = arith.constant 0 : i32
      %dma_start3A_137 = tpu.memref_slice %arg5[%add3A_135, %multiple_of3A_134, %dma_start3A_136] : memref<1024x77x768xf32, #tpu.memory_space<hbm>> -> memref<1x40x768xf32, #tpu.memory_space<hbm>>
      %dma_start3A_138 = tpu.memref_squeeze %dma_start3A_137 : memref<1x40x768xf32, #tpu.memory_space<hbm>> -> memref<40x768xf32, #tpu.memory_space<hbm>>
      %dma_start3A_139 = arith.constant 0 : i32
      %dma_start3A_140 = tpu.memref_slice %arg5[%add3A_135, %multiple_of3A_134, %dma_start3A_139] : memref<1024x77x768xf32, #tpu.memory_space<hbm>> -> memref<1x40x768xf32, #tpu.memory_space<hbm>>
      %dma_start3A_141 = tpu.memref_squeeze %dma_start3A_140 : memref<1x40x768xf32, #tpu.memory_space<hbm>> -> memref<40x768xf32, #tpu.memory_space<hbm>>
      tpu.enqueue_dma source(%arg8 : memref<40x768xf32, #tpu.memory_space<vmem>>) target(%dma_start3A_141 : memref<40x768xf32, #tpu.memory_space<hbm>>) target_semaphore(%arg12 : memref<!tpu.dma_semaphore, #tpu.memory_space<semaphore_mem>>)
      %dma_wait3A_142 = arith.constant 0 : i32
      %dma_wait3A_143 = arith.constant 0 : i32
      %dma_wait3A_144 = tpu.memref_slice %arg5[%mul3A_2, %dma_wait3A_142, %dma_wait3A_143] : memref<1024x77x768xf32, #tpu.memory_space<hbm>> -> memref<1x40x768xf32, #tpu.memory_space<hbm>>
      %dma_wait3A_145 = tpu.memref_squeeze %dma_wait3A_144 : memref<1x40x768xf32, #tpu.memory_space<hbm>> -> memref<40x768xf32, #tpu.memory_space<hbm>>
      %dma_wait3A_146 = arith.constant 0 : i32
      %dma_wait3A_147 = arith.constant 0 : i32
      %dma_wait3A_148 = tpu.memref_slice %arg5[%mul3A_2, %dma_wait3A_146, %dma_wait3A_147] : memref<1024x77x768xf32, #tpu.memory_space<hbm>> -> memref<1x40x768xf32, #tpu.memory_space<hbm>>
      %dma_wait3A_149 = tpu.memref_squeeze %dma_wait3A_148 : memref<1x40x768xf32, #tpu.memory_space<hbm>> -> memref<40x768xf32, #tpu.memory_space<hbm>>
      tpu.wait_dma2 semaphore(%arg12 : memref<!tpu.dma_semaphore, #tpu.memory_space<semaphore_mem>>) src(%arg8 : memref<40x768xf32, #tpu.memory_space<vmem>>) dst(%dma_wait3A_149 : memref<40x768xf32, #tpu.memory_space<hbm>>)
      %add3A_150 = arith.constant 1 : i32
      %add3A_151 = arith.addi %select_n3A, %add3A_150 : i32
      %dma_start3A_152 = arith.constant 0 : i32
      %dma_start3A_153 = tpu.memref_slice %arg6[%add3A_151, %dma_start3A_152] : memref<32x80xi32, #tpu.memory_space<vmem>> -> memref<1x40xi32, #tpu.memory_space<vmem>>
      %dma_start3A_154 = tpu.memref_squeeze %dma_start3A_153 : memref<1x40xi32, #tpu.memory_space<vmem>> -> memref<40xi32, #tpu.memory_space<vmem>>
      %dma_start3A_155 = arith.constant 0 : i32
      %dma_start3A_156 = arith.constant 0 : i32
      %dma_start3A_157 = tpu.memref_slice %arg3[%dma_start3A_155, %dma_start3A_156] : memref<49408x768xf32, #tpu.memory_space<hbm>> -> memref<49408x768xf32, #tpu.memory_space<hbm>>
      tpu.enqueue_indirect_dma source(%dma_start3A_157 : memref<49408x768xf32, #tpu.memory_space<hbm>>) target(%arg8 : memref<40x768xf32, #tpu.memory_space<vmem>>) offsets(%dma_start3A_154 : memref<40xi32, #tpu.memory_space<vmem>>) semaphore(%arg10 : memref<!tpu.dma_semaphore, #tpu.memory_space<semaphore_mem>>)
      %dma_wait3A_158 = arith.constant 0 : i32
      %dma_wait3A_159 = arith.constant 0 : i32
      %dma_wait3A_160 = tpu.memref_slice %arg3[%dma_wait3A_158, %dma_wait3A_159] : memref<49408x768xf32, #tpu.memory_space<hbm>> -> memref<40x768xf32, #tpu.memory_space<hbm>>
      %dma_wait3A_161 = arith.constant 0 : i32
      %dma_wait3A_162 = arith.constant 0 : i32
      %dma_wait3A_163 = tpu.memref_slice %arg3[%dma_wait3A_161, %dma_wait3A_162] : memref<49408x768xf32, #tpu.memory_space<hbm>> -> memref<40x768xf32, #tpu.memory_space<hbm>>
      tpu.wait_dma2 semaphore(%arg11 : memref<!tpu.dma_semaphore, #tpu.memory_space<semaphore_mem>>) src(%dma_wait3A_163 : memref<40x768xf32, #tpu.memory_space<hbm>>) dst(%arg9 : memref<40x768xf32, #tpu.memory_space<vmem>>)
      %scan3A_164 = arith.constant 0 : i32
      %scan3A_165 = arith.constant 37 : i32
      %scan3A_166 = arith.addi %scan3A_164, %scan3A_165 : i32
      %scan3A_167 = arith.constant 1 : i32
      scf.for %scan3A_181 = %scan3A_164 to %scan3A_166 step %scan3A_167  : i32 {
        %add3A_182 = arith.constant 40 : i32
        %add3A_183 = arith.addi %add3A_182, %scan3A_181 : i32
        %get3A = arith.index_cast %add3A_183 : i32 to index
        %get3A_184 = arith.constant 0 : index
        %get3A_185 = tpu.vector_load %arg7[%get3A, %get3A_184] {strides = array<i32>} : memref<77x768xf32, #tpu.memory_space<vmem>>, vector<1x16xf32>,
        %get3A_186 = vector.shape_cast %get3A_185 : vector<1x16xf32> to vector<16xf32>
        %swap3A = arith.index_cast %scan3A_181 : i32 to index
        %swap3A_187 = arith.constant 0 : index
        %swap3A_188 = tpu.vector_load %arg9[%swap3A, %swap3A_187] {strides = array<i32>} : memref<40x768xf32, #tpu.memory_space<vmem>>, vector<1x16xf32>,
        %swap3A_189 = vector.shape_cast %swap3A_188 : vector<1x16xf32> to vector<16xf32>
        %swap3A_190 = vector.shape_cast %get3A_186 : vector<16xf32> to vector<1x16xf32>
        tpu.vector_store %arg9[%swap3A, %swap3A_187], %swap3A_190 {add = true, strides = array<i32>} : memref<40x768xf32, #tpu.memory_space<vmem>>, vector<1x16xf32>,
        %add3A_191 = arith.constant 40 : i32
        %add3A_192 = arith.addi %add3A_191, %scan3A_181 : i32
        %get3A_193 = arith.index_cast %add3A_192 : i32 to index
        %get3A_194 = arith.constant 16 : index
        %get3A_195 = tpu.vector_load %arg7[%get3A_193, %get3A_194] {strides = array<i32>} : memref<77x768xf32, #tpu.memory_space<vmem>>, vector<1x16xf32>,
        %get3A_196 = vector.shape_cast %get3A_195 : vector<1x16xf32> to vector<16xf32>
        %swap3A_197 = arith.index_cast %scan3A_181 : i32 to index
        %swap3A_198 = arith.constant 16 : index
        %swap3A_199 = tpu.vector_load %arg9[%swap3A_197, %swap3A_198] {strides = array<i32>} : memref<40x768xf32, #tpu.memory_space<vmem>>, vector<1x16xf32>,
        %swap3A_200 = vector.shape_cast %swap3A_199 : vector<1x16xf32> to vector<16xf32>
        %swap3A_201 = vector.shape_cast %get3A_196 : vector<16xf32> to vector<1x16xf32>
        tpu.vector_store %arg9[%swap3A_197, %swap3A_198], %swap3A_201 {add = true, strides = array<i32>} : memref<40x768xf32, #tpu.memory_space<vmem>>, vector<1x16xf32>,
        %add3A_202 = arith.constant 40 : i32
        %add3A_203 = arith.addi %add3A_202, %scan3A_181 : i32
        %get3A_204 = arith.index_cast %add3A_203 : i32 to index
        %get3A_205 = arith.constant 32 : index
        %get3A_206 = tpu.vector_load %arg7[%get3A_204, %get3A_205] {strides = array<i32>} : memref<77x768xf32, #tpu.memory_space<vmem>>, vector<1x16xf32>,
        %get3A_207 = vector.shape_cast %get3A_206 : vector<1x16xf32> to vector<16xf32>
        %swap3A_208 = arith.index_cast %scan3A_181 : i32 to index
        %swap3A_209 = arith.constant 32 : index
        %swap3A_210 = tpu.vector_load %arg9[%swap3A_208, %swap3A_209] {strides = array<i32>} : memref<40x768xf32, #tpu.memory_space<vmem>>, vector<1x16xf32>,
        %swap3A_211 = vector.shape_cast %swap3A_210 : vector<1x16xf32> to vector<16xf32>
        %swap3A_212 = vector.shape_cast %get3A_207 : vector<16xf32> to vector<1x16xf32>
        tpu.vector_store %arg9[%swap3A_208, %swap3A_209], %swap3A_212 {add = true, strides = array<i32>} : memref<40x768xf32, #tpu.memory_space<vmem>>, vector<1x16xf32>,
        %add3A_213 = arith.constant 40 : i32
        %add3A_214 = arith.addi %add3A_213, %scan3A_181 : i32
        %get3A_215 = arith.index_cast %add3A_214 : i32 to index
        %get3A_216 = arith.constant 48 : index
        %get3A_217 = tpu.vector_load %arg7[%get3A_215, %get3A_216] {strides = array<i32>} : memref<77x768xf32, #tpu.memory_space<vmem>>, vector<1x16xf32>,
        %get3A_218 = vector.shape_cast %get3A_217 : vector<1x16xf32> to vector<16xf32>
        %swap3A_219 = arith.index_cast %scan3A_181 : i32 to index
        %swap3A_220 = arith.constant 48 : index
        %swap3A_221 = tpu.vector_load %arg9[%swap3A_219, %swap3A_220] {strides = array<i32>} : memref<40x768xf32, #tpu.memory_space<vmem>>, vector<1x16xf32>,
        %swap3A_222 = vector.shape_cast %swap3A_221 : vector<1x16xf32> to vector<16xf32>
        %swap3A_223 = vector.shape_cast %get3A_218 : vector<16xf32> to vector<1x16xf32>
        tpu.vector_store %arg9[%swap3A_219, %swap3A_220], %swap3A_223 {add = true, strides = array<i32>} : memref<40x768xf32, #tpu.memory_space<vmem>>, vector<1x16xf32>,
        %add3A_224 = arith.constant 40 : i32
        %add3A_225 = arith.addi %add3A_224, %scan3A_181 : i32
        %get3A_226 = arith.index_cast %add3A_225 : i32 to index
        %get3A_227 = arith.constant 64 : index
        %get3A_228 = tpu.vector_load %arg7[%get3A_226, %get3A_227] {strides = array<i32>} : memref<77x768xf32, #tpu.memory_space<vmem>>, vector<1x16xf32>,
        %get3A_229 = vector.shape_cast %get3A_228 : vector<1x16xf32> to vector<16xf32>
        %swap3A_230 = arith.index_cast %scan3A_181 : i32 to index
        %swap3A_231 = arith.constant 64 : index
        %swap3A_232 = tpu.vector_load %arg9[%swap3A_230, %swap3A_231] {strides = array<i32>} : memref<40x768xf32, #tpu.memory_space<vmem>>, vector<1x16xf32>,
        %swap3A_233 = vector.shape_cast %swap3A_232 : vector<1x16xf32> to vector<16xf32>
        %swap3A_234 = vector.shape_cast %get3A_229 : vector<16xf32> to vector<1x16xf32>
        tpu.vector_store %arg9[%swap3A_230, %swap3A_231], %swap3A_234 {add = true, strides = array<i32>} : memref<40x768xf32, #tpu.memory_space<vmem>>, vector<1x16xf32>,
        %add3A_235 = arith.constant 40 : i32
        %add3A_236 = arith.addi %add3A_235, %scan3A_181 : i32
        %get3A_237 = arith.index_cast %add3A_236 : i32 to index
        %get3A_238 = arith.constant 80 : index
        %get3A_239 = tpu.vector_load %arg7[%get3A_237, %get3A_238] {strides = array<i32>} : memref<77x768xf32, #tpu.memory_space<vmem>>, vector<1x16xf32>,
        %get3A_240 = vector.shape_cast %get3A_239 : vector<1x16xf32> to vector<16xf32>
        %swap3A_241 = arith.index_cast %scan3A_181 : i32 to index
        %swap3A_242 = arith.constant 80 : index
        %swap3A_243 = tpu.vector_load %arg9[%swap3A_241, %swap3A_242] {strides = array<i32>} : memref<40x768xf32, #tpu.memory_space<vmem>>, vector<1x16xf32>,
        %swap3A_244 = vector.shape_cast %swap3A_243 : vector<1x16xf32> to vector<16xf32>
        %swap3A_245 = vector.shape_cast %get3A_240 : vector<16xf32> to vector<1x16xf32>
        tpu.vector_store %arg9[%swap3A_241, %swap3A_242], %swap3A_245 {add = true, strides = array<i32>} : memref<40x768xf32, #tpu.memory_space<vmem>>, vector<1x16xf32>,
        %add3A_246 = arith.constant 40 : i32
        %add3A_247 = arith.addi %add3A_246, %scan3A_181 : i32
        %get3A_248 = arith.index_cast %add3A_247 : i32 to index
        %get3A_249 = arith.constant 96 : index
        %get3A_250 = tpu.vector_load %arg7[%get3A_248, %get3A_249] {strides = array<i32>} : memref<77x768xf32, #tpu.memory_space<vmem>>, vector<1x16xf32>,
        %get3A_251 = vector.shape_cast %get3A_250 : vector<1x16xf32> to vector<16xf32>
        %swap3A_252 = arith.index_cast %scan3A_181 : i32 to index
        %swap3A_253 = arith.constant 96 : index
        %swap3A_254 = tpu.vector_load %arg9[%swap3A_252, %swap3A_253] {strides = array<i32>} : memref<40x768xf32, #tpu.memory_space<vmem>>, vector<1x16xf32>,
        %swap3A_255 = vector.shape_cast %swap3A_254 : vector<1x16xf32> to vector<16xf32>
        %swap3A_256 = vector.shape_cast %get3A_251 : vector<16xf32> to vector<1x16xf32>
        tpu.vector_store %arg9[%swap3A_252, %swap3A_253], %swap3A_256 {add = true, strides = array<i32>} : memref<40x768xf32, #tpu.memory_space<vmem>>, vector<1x16xf32>,
        %add3A_257 = arith.constant 40 : i32
        %add3A_258 = arith.addi %add3A_257, %scan3A_181 : i32
        %get3A_259 = arith.index_cast %add3A_258 : i32 to index
        %get3A_260 = arith.constant 112 : index
        %get3A_261 = tpu.vector_load %arg7[%get3A_259, %get3A_260] {strides = array<i32>} : memref<77x768xf32, #tpu.memory_space<vmem>>, vector<1x16xf32>,
        %get3A_262 = vector.shape_cast %get3A_261 : vector<1x16xf32> to vector<16xf32>
        %swap3A_263 = arith.index_cast %scan3A_181 : i32 to index
        %swap3A_264 = arith.constant 112 : index
        %swap3A_265 = tpu.vector_load %arg9[%swap3A_263, %swap3A_264] {strides = array<i32>} : memref<40x768xf32, #tpu.memory_space<vmem>>, vector<1x16xf32>,
        %swap3A_266 = vector.shape_cast %swap3A_265 : vector<1x16xf32> to vector<16xf32>
        %swap3A_267 = vector.shape_cast %get3A_262 : vector<16xf32> to vector<1x16xf32>
        tpu.vector_store %arg9[%swap3A_263, %swap3A_264], %swap3A_267 {add = true, strides = array<i32>} : memref<40x768xf32, #tpu.memory_space<vmem>>, vector<1x16xf32>,
        %add3A_268 = arith.constant 40 : i32
        %add3A_269 = arith.addi %add3A_268, %scan3A_181 : i32
        %get3A_270 = arith.index_cast %add3A_269 : i32 to index
        %get3A_271 = arith.constant 128 : index
        %get3A_272 = tpu.vector_load %arg7[%get3A_270, %get3A_271] {strides = array<i32>} : memref<77x768xf32, #tpu.memory_space<vmem>>, vector<1x16xf32>,
        %get3A_273 = vector.shape_cast %get3A_272 : vector<1x16xf32> to vector<16xf32>
        %swap3A_274 = arith.index_cast %scan3A_181 : i32 to index
        %swap3A_275 = arith.constant 128 : index
        %swap3A_276 = tpu.vector_load %arg9[%swap3A_274, %swap3A_275] {strides = array<i32>} : memref<40x768xf32, #tpu.memory_space<vmem>>, vector<1x16xf32>,
        %swap3A_277 = vector.shape_cast %swap3A_276 : vector<1x16xf32> to vector<16xf32>
        %swap3A_278 = vector.shape_cast %get3A_273 : vector<16xf32> to vector<1x16xf32>
        tpu.vector_store %arg9[%swap3A_274, %swap3A_275], %swap3A_278 {add = true, strides = array<i32>} : memref<40x768xf32, #tpu.memory_space<vmem>>, vector<1x16xf32>,
        %add3A_279 = arith.constant 40 : i32
        %add3A_280 = arith.addi %add3A_279, %scan3A_181 : i32
        %get3A_281 = arith.index_cast %add3A_280 : i32 to index
        %get3A_282 = arith.constant 144 : index
        %get3A_283 = tpu.vector_load %arg7[%get3A_281, %get3A_282] {strides = array<i32>} : memref<77x768xf32, #tpu.memory_space<vmem>>, vector<1x16xf32>,
        %get3A_284 = vector.shape_cast %get3A_283 : vector<1x16xf32> to vector<16xf32>
        %swap3A_285 = arith.index_cast %scan3A_181 : i32 to index
        %swap3A_286 = arith.constant 144 : index
        %swap3A_287 = tpu.vector_load %arg9[%swap3A_285, %swap3A_286] {strides = array<i32>} : memref<40x768xf32, #tpu.memory_space<vmem>>, vector<1x16xf32>,
        %swap3A_288 = vector.shape_cast %swap3A_287 : vector<1x16xf32> to vector<16xf32>
        %swap3A_289 = vector.shape_cast %get3A_284 : vector<16xf32> to vector<1x16xf32>
        tpu.vector_store %arg9[%swap3A_285, %swap3A_286], %swap3A_289 {add = true, strides = array<i32>} : memref<40x768xf32, #tpu.memory_space<vmem>>, vector<1x16xf32>,
        %add3A_290 = arith.constant 40 : i32
        %add3A_291 = arith.addi %add3A_290, %scan3A_181 : i32
        %get3A_292 = arith.index_cast %add3A_291 : i32 to index
        %get3A_293 = arith.constant 160 : index
        %get3A_294 = tpu.vector_load %arg7[%get3A_292, %get3A_293] {strides = array<i32>} : memref<77x768xf32, #tpu.memory_space<vmem>>, vector<1x16xf32>,
        %get3A_295 = vector.shape_cast %get3A_294 : vector<1x16xf32> to vector<16xf32>
        %swap3A_296 = arith.index_cast %scan3A_181 : i32 to index
        %swap3A_297 = arith.constant 160 : index
        %swap3A_298 = tpu.vector_load %arg9[%swap3A_296, %swap3A_297] {strides = array<i32>} : memref<40x768xf32, #tpu.memory_space<vmem>>, vector<1x16xf32>,
        %swap3A_299 = vector.shape_cast %swap3A_298 : vector<1x16xf32> to vector<16xf32>
        %swap3A_300 = vector.shape_cast %get3A_295 : vector<16xf32> to vector<1x16xf32>
        tpu.vector_store %arg9[%swap3A_296, %swap3A_297], %swap3A_300 {add = true, strides = array<i32>} : memref<40x768xf32, #tpu.memory_space<vmem>>, vector<1x16xf32>,
        %add3A_301 = arith.constant 40 : i32
        %add3A_302 = arith.addi %add3A_301, %scan3A_181 : i32
        %get3A_303 = arith.index_cast %add3A_302 : i32 to index
        %get3A_304 = arith.constant 176 : index
        %get3A_305 = tpu.vector_load %arg7[%get3A_303, %get3A_304] {strides = array<i32>} : memref<77x768xf32, #tpu.memory_space<vmem>>, vector<1x16xf32>,
        %get3A_306 = vector.shape_cast %get3A_305 : vector<1x16xf32> to vector<16xf32>
        %swap3A_307 = arith.index_cast %scan3A_181 : i32 to index
        %swap3A_308 = arith.constant 176 : index
        %swap3A_309 = tpu.vector_load %arg9[%swap3A_307, %swap3A_308] {strides = array<i32>} : memref<40x768xf32, #tpu.memory_space<vmem>>, vector<1x16xf32>,
        %swap3A_310 = vector.shape_cast %swap3A_309 : vector<1x16xf32> to vector<16xf32>
        %swap3A_311 = vector.shape_cast %get3A_306 : vector<16xf32> to vector<1x16xf32>
        tpu.vector_store %arg9[%swap3A_307, %swap3A_308], %swap3A_311 {add = true, strides = array<i32>} : memref<40x768xf32, #tpu.memory_space<vmem>>, vector<1x16xf32>,
        %add3A_312 = arith.constant 40 : i32
        %add3A_313 = arith.addi %add3A_312, %scan3A_181 : i32
        %get3A_314 = arith.index_cast %add3A_313 : i32 to index
        %get3A_315 = arith.constant 192 : index
        %get3A_316 = tpu.vector_load %arg7[%get3A_314, %get3A_315] {strides = array<i32>} : memref<77x768xf32, #tpu.memory_space<vmem>>, vector<1x16xf32>,
        %get3A_317 = vector.shape_cast %get3A_316 : vector<1x16xf32> to vector<16xf32>
        %swap3A_318 = arith.index_cast %scan3A_181 : i32 to index
        %swap3A_319 = arith.constant 192 : index
        %swap3A_320 = tpu.vector_load %arg9[%swap3A_318, %swap3A_319] {strides = array<i32>} : memref<40x768xf32, #tpu.memory_space<vmem>>, vector<1x16xf32>,
        %swap3A_321 = vector.shape_cast %swap3A_320 : vector<1x16xf32> to vector<16xf32>
        %swap3A_322 = vector.shape_cast %get3A_317 : vector<16xf32> to vector<1x16xf32>
        tpu.vector_store %arg9[%swap3A_318, %swap3A_319], %swap3A_322 {add = true, strides = array<i32>} : memref<40x768xf32, #tpu.memory_space<vmem>>, vector<1x16xf32>,
        %add3A_323 = arith.constant 40 : i32
        %add3A_324 = arith.addi %add3A_323, %scan3A_181 : i32
        %get3A_325 = arith.index_cast %add3A_324 : i32 to index
        %get3A_326 = arith.constant 208 : index
        %get3A_327 = tpu.vector_load %arg7[%get3A_325, %get3A_326] {strides = array<i32>} : memref<77x768xf32, #tpu.memory_space<vmem>>, vector<1x16xf32>,
        %get3A_328 = vector.shape_cast %get3A_327 : vector<1x16xf32> to vector<16xf32>
        %swap3A_329 = arith.index_cast %scan3A_181 : i32 to index
        %swap3A_330 = arith.constant 208 : index
        %swap3A_331 = tpu.vector_load %arg9[%swap3A_329, %swap3A_330] {strides = array<i32>} : memref<40x768xf32, #tpu.memory_space<vmem>>, vector<1x16xf32>,
        %swap3A_332 = vector.shape_cast %swap3A_331 : vector<1x16xf32> to vector<16xf32>
        %swap3A_333 = vector.shape_cast %get3A_328 : vector<16xf32> to vector<1x16xf32>
        tpu.vector_store %arg9[%swap3A_329, %swap3A_330], %swap3A_333 {add = true, strides = array<i32>} : memref<40x768xf32, #tpu.memory_space<vmem>>, vector<1x16xf32>,
        %add3A_334 = arith.constant 40 : i32
        %add3A_335 = arith.addi %add3A_334, %scan3A_181 : i32
        %get3A_336 = arith.index_cast %add3A_335 : i32 to index
        %get3A_337 = arith.constant 224 : index
        %get3A_338 = tpu.vector_load %arg7[%get3A_336, %get3A_337] {strides = array<i32>} : memref<77x768xf32, #tpu.memory_space<vmem>>, vector<1x16xf32>,
        %get3A_339 = vector.shape_cast %get3A_338 : vector<1x16xf32> to vector<16xf32>
        %swap3A_340 = arith.index_cast %scan3A_181 : i32 to index
        %swap3A_341 = arith.constant 224 : index
        %swap3A_342 = tpu.vector_load %arg9[%swap3A_340, %swap3A_341] {strides = array<i32>} : memref<40x768xf32, #tpu.memory_space<vmem>>, vector<1x16xf32>,
        %swap3A_343 = vector.shape_cast %swap3A_342 : vector<1x16xf32> to vector<16xf32>
        %swap3A_344 = vector.shape_cast %get3A_339 : vector<16xf32> to vector<1x16xf32>
        tpu.vector_store %arg9[%swap3A_340, %swap3A_341], %swap3A_344 {add = true, strides = array<i32>} : memref<40x768xf32, #tpu.memory_space<vmem>>, vector<1x16xf32>,
        %add3A_345 = arith.constant 40 : i32
        %add3A_346 = arith.addi %add3A_345, %scan3A_181 : i32
        %get3A_347 = arith.index_cast %add3A_346 : i32 to index
        %get3A_348 = arith.constant 240 : index
        %get3A_349 = tpu.vector_load %arg7[%get3A_347, %get3A_348] {strides = array<i32>} : memref<77x768xf32, #tpu.memory_space<vmem>>, vector<1x16xf32>,
        %get3A_350 = vector.shape_cast %get3A_349 : vector<1x16xf32> to vector<16xf32>
        %swap3A_351 = arith.index_cast %scan3A_181 : i32 to index
        %swap3A_352 = arith.constant 240 : index
        %swap3A_353 = tpu.vector_load %arg9[%swap3A_351, %swap3A_352] {strides = array<i32>} : memref<40x768xf32, #tpu.memory_space<vmem>>, vector<1x16xf32>,
        %swap3A_354 = vector.shape_cast %swap3A_353 : vector<1x16xf32> to vector<16xf32>
        %swap3A_355 = vector.shape_cast %get3A_350 : vector<16xf32> to vector<1x16xf32>
        tpu.vector_store %arg9[%swap3A_351, %swap3A_352], %swap3A_355 {add = true, strides = array<i32>} : memref<40x768xf32, #tpu.memory_space<vmem>>, vector<1x16xf32>,
        %add3A_356 = arith.constant 40 : i32
        %add3A_357 = arith.addi %add3A_356, %scan3A_181 : i32
        %get3A_358 = arith.index_cast %add3A_357 : i32 to index
        %get3A_359 = arith.constant 256 : index
        %get3A_360 = tpu.vector_load %arg7[%get3A_358, %get3A_359] {strides = array<i32>} : memref<77x768xf32, #tpu.memory_space<vmem>>, vector<1x16xf32>,
        %get3A_361 = vector.shape_cast %get3A_360 : vector<1x16xf32> to vector<16xf32>
        %swap3A_362 = arith.index_cast %scan3A_181 : i32 to index
        %swap3A_363 = arith.constant 256 : index
        %swap3A_364 = tpu.vector_load %arg9[%swap3A_362, %swap3A_363] {strides = array<i32>} : memref<40x768xf32, #tpu.memory_space<vmem>>, vector<1x16xf32>,
        %swap3A_365 = vector.shape_cast %swap3A_364 : vector<1x16xf32> to vector<16xf32>
        %swap3A_366 = vector.shape_cast %get3A_361 : vector<16xf32> to vector<1x16xf32>
        tpu.vector_store %arg9[%swap3A_362, %swap3A_363], %swap3A_366 {add = true, strides = array<i32>} : memref<40x768xf32, #tpu.memory_space<vmem>>, vector<1x16xf32>,
        %add3A_367 = arith.constant 40 : i32
        %add3A_368 = arith.addi %add3A_367, %scan3A_181 : i32
        %get3A_369 = arith.index_cast %add3A_368 : i32 to index
        %get3A_370 = arith.constant 272 : index
        %get3A_371 = tpu.vector_load %arg7[%get3A_369, %get3A_370] {strides = array<i32>} : memref<77x768xf32, #tpu.memory_space<vmem>>, vector<1x16xf32>,
        %get3A_372 = vector.shape_cast %get3A_371 : vector<1x16xf32> to vector<16xf32>
        %swap3A_373 = arith.index_cast %scan3A_181 : i32 to index
        %swap3A_374 = arith.constant 272 : index
        %swap3A_375 = tpu.vector_load %arg9[%swap3A_373, %swap3A_374] {strides = array<i32>} : memref<40x768xf32, #tpu.memory_space<vmem>>, vector<1x16xf32>,
        %swap3A_376 = vector.shape_cast %swap3A_375 : vector<1x16xf32> to vector<16xf32>
        %swap3A_377 = vector.shape_cast %get3A_372 : vector<16xf32> to vector<1x16xf32>
        tpu.vector_store %arg9[%swap3A_373, %swap3A_374], %swap3A_377 {add = true, strides = array<i32>} : memref<40x768xf32, #tpu.memory_space<vmem>>, vector<1x16xf32>,
        %add3A_378 = arith.constant 40 : i32
        %add3A_379 = arith.addi %add3A_378, %scan3A_181 : i32
        %get3A_380 = arith.index_cast %add3A_379 : i32 to index
        %get3A_381 = arith.constant 288 : index
        %get3A_382 = tpu.vector_load %arg7[%get3A_380, %get3A_381] {strides = array<i32>} : memref<77x768xf32, #tpu.memory_space<vmem>>, vector<1x16xf32>,
        %get3A_383 = vector.shape_cast %get3A_382 : vector<1x16xf32> to vector<16xf32>
        %swap3A_384 = arith.index_cast %scan3A_181 : i32 to index
        %swap3A_385 = arith.constant 288 : index
        %swap3A_386 = tpu.vector_load %arg9[%swap3A_384, %swap3A_385] {strides = array<i32>} : memref<40x768xf32, #tpu.memory_space<vmem>>, vector<1x16xf32>,
        %swap3A_387 = vector.shape_cast %swap3A_386 : vector<1x16xf32> to vector<16xf32>
        %swap3A_388 = vector.shape_cast %get3A_383 : vector<16xf32> to vector<1x16xf32>
        tpu.vector_store %arg9[%swap3A_384, %swap3A_385], %swap3A_388 {add = true, strides = array<i32>} : memref<40x768xf32, #tpu.memory_space<vmem>>, vector<1x16xf32>,
        %add3A_389 = arith.constant 40 : i32
        %add3A_390 = arith.addi %add3A_389, %scan3A_181 : i32
        %get3A_391 = arith.index_cast %add3A_390 : i32 to index
        %get3A_392 = arith.constant 304 : index
        %get3A_393 = tpu.vector_load %arg7[%get3A_391, %get3A_392] {strides = array<i32>} : memref<77x768xf32, #tpu.memory_space<vmem>>, vector<1x16xf32>,
        %get3A_394 = vector.shape_cast %get3A_393 : vector<1x16xf32> to vector<16xf32>
        %swap3A_395 = arith.index_cast %scan3A_181 : i32 to index
        %swap3A_396 = arith.constant 304 : index
        %swap3A_397 = tpu.vector_load %arg9[%swap3A_395, %swap3A_396] {strides = array<i32>} : memref<40x768xf32, #tpu.memory_space<vmem>>, vector<1x16xf32>,
        %swap3A_398 = vector.shape_cast %swap3A_397 : vector<1x16xf32> to vector<16xf32>
        %swap3A_399 = vector.shape_cast %get3A_394 : vector<16xf32> to vector<1x16xf32>
        tpu.vector_store %arg9[%swap3A_395, %swap3A_396], %swap3A_399 {add = true, strides = array<i32>} : memref<40x768xf32, #tpu.memory_space<vmem>>, vector<1x16xf32>,
        %add3A_400 = arith.constant 40 : i32
        %add3A_401 = arith.addi %add3A_400, %scan3A_181 : i32
        %get3A_402 = arith.index_cast %add3A_401 : i32 to index
        %get3A_403 = arith.constant 320 : index
        %get3A_404 = tpu.vector_load %arg7[%get3A_402, %get3A_403] {strides = array<i32>} : memref<77x768xf32, #tpu.memory_space<vmem>>, vector<1x16xf32>,
        %get3A_405 = vector.shape_cast %get3A_404 : vector<1x16xf32> to vector<16xf32>
        %swap3A_406 = arith.index_cast %scan3A_181 : i32 to index
        %swap3A_407 = arith.constant 320 : index
        %swap3A_408 = tpu.vector_load %arg9[%swap3A_406, %swap3A_407] {strides = array<i32>} : memref<40x768xf32, #tpu.memory_space<vmem>>, vector<1x16xf32>,
        %swap3A_409 = vector.shape_cast %swap3A_408 : vector<1x16xf32> to vector<16xf32>
        %swap3A_410 = vector.shape_cast %get3A_405 : vector<16xf32> to vector<1x16xf32>
        tpu.vector_store %arg9[%swap3A_406, %swap3A_407], %swap3A_410 {add = true, strides = array<i32>} : memref<40x768xf32, #tpu.memory_space<vmem>>, vector<1x16xf32>,
        %add3A_411 = arith.constant 40 : i32
        %add3A_412 = arith.addi %add3A_411, %scan3A_181 : i32
        %get3A_413 = arith.index_cast %add3A_412 : i32 to index
        %get3A_414 = arith.constant 336 : index
        %get3A_415 = tpu.vector_load %arg7[%get3A_413, %get3A_414] {strides = array<i32>} : memref<77x768xf32, #tpu.memory_space<vmem>>, vector<1x16xf32>,
        %get3A_416 = vector.shape_cast %get3A_415 : vector<1x16xf32> to vector<16xf32>
        %swap3A_417 = arith.index_cast %scan3A_181 : i32 to index
        %swap3A_418 = arith.constant 336 : index
        %swap3A_419 = tpu.vector_load %arg9[%swap3A_417, %swap3A_418] {strides = array<i32>} : memref<40x768xf32, #tpu.memory_space<vmem>>, vector<1x16xf32>,
        %swap3A_420 = vector.shape_cast %swap3A_419 : vector<1x16xf32> to vector<16xf32>
        %swap3A_421 = vector.shape_cast %get3A_416 : vector<16xf32> to vector<1x16xf32>
        tpu.vector_store %arg9[%swap3A_417, %swap3A_418], %swap3A_421 {add = true, strides = array<i32>} : memref<40x768xf32, #tpu.memory_space<vmem>>, vector<1x16xf32>,
        %add3A_422 = arith.constant 40 : i32
        %add3A_423 = arith.addi %add3A_422, %scan3A_181 : i32
        %get3A_424 = arith.index_cast %add3A_423 : i32 to index
        %get3A_425 = arith.constant 352 : index
        %get3A_426 = tpu.vector_load %arg7[%get3A_424, %get3A_425] {strides = array<i32>} : memref<77x768xf32, #tpu.memory_space<vmem>>, vector<1x16xf32>,
        %get3A_427 = vector.shape_cast %get3A_426 : vector<1x16xf32> to vector<16xf32>
        %swap3A_428 = arith.index_cast %scan3A_181 : i32 to index
        %swap3A_429 = arith.constant 352 : index
        %swap3A_430 = tpu.vector_load %arg9[%swap3A_428, %swap3A_429] {strides = array<i32>} : memref<40x768xf32, #tpu.memory_space<vmem>>, vector<1x16xf32>,
        %swap3A_431 = vector.shape_cast %swap3A_430 : vector<1x16xf32> to vector<16xf32>
        %swap3A_432 = vector.shape_cast %get3A_427 : vector<16xf32> to vector<1x16xf32>
        tpu.vector_store %arg9[%swap3A_428, %swap3A_429], %swap3A_432 {add = true, strides = array<i32>} : memref<40x768xf32, #tpu.memory_space<vmem>>, vector<1x16xf32>,
        %add3A_433 = arith.constant 40 : i32
        %add3A_434 = arith.addi %add3A_433, %scan3A_181 : i32
        %get3A_435 = arith.index_cast %add3A_434 : i32 to index
        %get3A_436 = arith.constant 368 : index
        %get3A_437 = tpu.vector_load %arg7[%get3A_435, %get3A_436] {strides = array<i32>} : memref<77x768xf32, #tpu.memory_space<vmem>>, vector<1x16xf32>,
        %get3A_438 = vector.shape_cast %get3A_437 : vector<1x16xf32> to vector<16xf32>
        %swap3A_439 = arith.index_cast %scan3A_181 : i32 to index
        %swap3A_440 = arith.constant 368 : index
        %swap3A_441 = tpu.vector_load %arg9[%swap3A_439, %swap3A_440] {strides = array<i32>} : memref<40x768xf32, #tpu.memory_space<vmem>>, vector<1x16xf32>,
        %swap3A_442 = vector.shape_cast %swap3A_441 : vector<1x16xf32> to vector<16xf32>
        %swap3A_443 = vector.shape_cast %get3A_438 : vector<16xf32> to vector<1x16xf32>
        tpu.vector_store %arg9[%swap3A_439, %swap3A_440], %swap3A_443 {add = true, strides = array<i32>} : memref<40x768xf32, #tpu.memory_space<vmem>>, vector<1x16xf32>,
        %add3A_444 = arith.constant 40 : i32
        %add3A_445 = arith.addi %add3A_444, %scan3A_181 : i32
        %get3A_446 = arith.index_cast %add3A_445 : i32 to index
        %get3A_447 = arith.constant 384 : index
        %get3A_448 = tpu.vector_load %arg7[%get3A_446, %get3A_447] {strides = array<i32>} : memref<77x768xf32, #tpu.memory_space<vmem>>, vector<1x16xf32>,
        %get3A_449 = vector.shape_cast %get3A_448 : vector<1x16xf32> to vector<16xf32>
        %swap3A_450 = arith.index_cast %scan3A_181 : i32 to index
        %swap3A_451 = arith.constant 384 : index
        %swap3A_452 = tpu.vector_load %arg9[%swap3A_450, %swap3A_451] {strides = array<i32>} : memref<40x768xf32, #tpu.memory_space<vmem>>, vector<1x16xf32>,
        %swap3A_453 = vector.shape_cast %swap3A_452 : vector<1x16xf32> to vector<16xf32>
        %swap3A_454 = vector.shape_cast %get3A_449 : vector<16xf32> to vector<1x16xf32>
        tpu.vector_store %arg9[%swap3A_450, %swap3A_451], %swap3A_454 {add = true, strides = array<i32>} : memref<40x768xf32, #tpu.memory_space<vmem>>, vector<1x16xf32>,
        %add3A_455 = arith.constant 40 : i32
        %add3A_456 = arith.addi %add3A_455, %scan3A_181 : i32
        %get3A_457 = arith.index_cast %add3A_456 : i32 to index
        %get3A_458 = arith.constant 400 : index
        %get3A_459 = tpu.vector_load %arg7[%get3A_457, %get3A_458] {strides = array<i32>} : memref<77x768xf32, #tpu.memory_space<vmem>>, vector<1x16xf32>,
        %get3A_460 = vector.shape_cast %get3A_459 : vector<1x16xf32> to vector<16xf32>
        %swap3A_461 = arith.index_cast %scan3A_181 : i32 to index
        %swap3A_462 = arith.constant 400 : index
        %swap3A_463 = tpu.vector_load %arg9[%swap3A_461, %swap3A_462] {strides = array<i32>} : memref<40x768xf32, #tpu.memory_space<vmem>>, vector<1x16xf32>,
        %swap3A_464 = vector.shape_cast %swap3A_463 : vector<1x16xf32> to vector<16xf32>
        %swap3A_465 = vector.shape_cast %get3A_460 : vector<16xf32> to vector<1x16xf32>
        tpu.vector_store %arg9[%swap3A_461, %swap3A_462], %swap3A_465 {add = true, strides = array<i32>} : memref<40x768xf32, #tpu.memory_space<vmem>>, vector<1x16xf32>,
        %add3A_466 = arith.constant 40 : i32
        %add3A_467 = arith.addi %add3A_466, %scan3A_181 : i32
        %get3A_468 = arith.index_cast %add3A_467 : i32 to index
        %get3A_469 = arith.constant 416 : index
        %get3A_470 = tpu.vector_load %arg7[%get3A_468, %get3A_469] {strides = array<i32>} : memref<77x768xf32, #tpu.memory_space<vmem>>, vector<1x16xf32>,
        %get3A_471 = vector.shape_cast %get3A_470 : vector<1x16xf32> to vector<16xf32>
        %swap3A_472 = arith.index_cast %scan3A_181 : i32 to index
        %swap3A_473 = arith.constant 416 : index
        %swap3A_474 = tpu.vector_load %arg9[%swap3A_472, %swap3A_473] {strides = array<i32>} : memref<40x768xf32, #tpu.memory_space<vmem>>, vector<1x16xf32>,
        %swap3A_475 = vector.shape_cast %swap3A_474 : vector<1x16xf32> to vector<16xf32>
        %swap3A_476 = vector.shape_cast %get3A_471 : vector<16xf32> to vector<1x16xf32>
        tpu.vector_store %arg9[%swap3A_472, %swap3A_473], %swap3A_476 {add = true, strides = array<i32>} : memref<40x768xf32, #tpu.memory_space<vmem>>, vector<1x16xf32>,
        %add3A_477 = arith.constant 40 : i32
        %add3A_478 = arith.addi %add3A_477, %scan3A_181 : i32
        %get3A_479 = arith.index_cast %add3A_478 : i32 to index
        %get3A_480 = arith.constant 432 : index
        %get3A_481 = tpu.vector_load %arg7[%get3A_479, %get3A_480] {strides = array<i32>} : memref<77x768xf32, #tpu.memory_space<vmem>>, vector<1x16xf32>,
        %get3A_482 = vector.shape_cast %get3A_481 : vector<1x16xf32> to vector<16xf32>
        %swap3A_483 = arith.index_cast %scan3A_181 : i32 to index
        %swap3A_484 = arith.constant 432 : index
        %swap3A_485 = tpu.vector_load %arg9[%swap3A_483, %swap3A_484] {strides = array<i32>} : memref<40x768xf32, #tpu.memory_space<vmem>>, vector<1x16xf32>,
        %swap3A_486 = vector.shape_cast %swap3A_485 : vector<1x16xf32> to vector<16xf32>
        %swap3A_487 = vector.shape_cast %get3A_482 : vector<16xf32> to vector<1x16xf32>
        tpu.vector_store %arg9[%swap3A_483, %swap3A_484], %swap3A_487 {add = true, strides = array<i32>} : memref<40x768xf32, #tpu.memory_space<vmem>>, vector<1x16xf32>,
        %add3A_488 = arith.constant 40 : i32
        %add3A_489 = arith.addi %add3A_488, %scan3A_181 : i32
        %get3A_490 = arith.index_cast %add3A_489 : i32 to index
        %get3A_491 = arith.constant 448 : index
        %get3A_492 = tpu.vector_load %arg7[%get3A_490, %get3A_491] {strides = array<i32>} : memref<77x768xf32, #tpu.memory_space<vmem>>, vector<1x16xf32>,
        %get3A_493 = vector.shape_cast %get3A_492 : vector<1x16xf32> to vector<16xf32>
        %swap3A_494 = arith.index_cast %scan3A_181 : i32 to index
        %swap3A_495 = arith.constant 448 : index
        %swap3A_496 = tpu.vector_load %arg9[%swap3A_494, %swap3A_495] {strides = array<i32>} : memref<40x768xf32, #tpu.memory_space<vmem>>, vector<1x16xf32>,
        %swap3A_497 = vector.shape_cast %swap3A_496 : vector<1x16xf32> to vector<16xf32>
        %swap3A_498 = vector.shape_cast %get3A_493 : vector<16xf32> to vector<1x16xf32>
        tpu.vector_store %arg9[%swap3A_494, %swap3A_495], %swap3A_498 {add = true, strides = array<i32>} : memref<40x768xf32, #tpu.memory_space<vmem>>, vector<1x16xf32>,
        %add3A_499 = arith.constant 40 : i32
        %add3A_500 = arith.addi %add3A_499, %scan3A_181 : i32
        %get3A_501 = arith.index_cast %add3A_500 : i32 to index
        %get3A_502 = arith.constant 464 : index
        %get3A_503 = tpu.vector_load %arg7[%get3A_501, %get3A_502] {strides = array<i32>} : memref<77x768xf32, #tpu.memory_space<vmem>>, vector<1x16xf32>,
        %get3A_504 = vector.shape_cast %get3A_503 : vector<1x16xf32> to vector<16xf32>
        %swap3A_505 = arith.index_cast %scan3A_181 : i32 to index
        %swap3A_506 = arith.constant 464 : index
        %swap3A_507 = tpu.vector_load %arg9[%swap3A_505, %swap3A_506] {strides = array<i32>} : memref<40x768xf32, #tpu.memory_space<vmem>>, vector<1x16xf32>,
        %swap3A_508 = vector.shape_cast %swap3A_507 : vector<1x16xf32> to vector<16xf32>
        %swap3A_509 = vector.shape_cast %get3A_504 : vector<16xf32> to vector<1x16xf32>
        tpu.vector_store %arg9[%swap3A_505, %swap3A_506], %swap3A_509 {add = true, strides = array<i32>} : memref<40x768xf32, #tpu.memory_space<vmem>>, vector<1x16xf32>,
        %add3A_510 = arith.constant 40 : i32
        %add3A_511 = arith.addi %add3A_510, %scan3A_181 : i32
        %get3A_512 = arith.index_cast %add3A_511 : i32 to index
        %get3A_513 = arith.constant 480 : index
        %get3A_514 = tpu.vector_load %arg7[%get3A_512, %get3A_513] {strides = array<i32>} : memref<77x768xf32, #tpu.memory_space<vmem>>, vector<1x16xf32>,
        %get3A_515 = vector.shape_cast %get3A_514 : vector<1x16xf32> to vector<16xf32>
        %swap3A_516 = arith.index_cast %scan3A_181 : i32 to index
        %swap3A_517 = arith.constant 480 : index
        %swap3A_518 = tpu.vector_load %arg9[%swap3A_516, %swap3A_517] {strides = array<i32>} : memref<40x768xf32, #tpu.memory_space<vmem>>, vector<1x16xf32>,
        %swap3A_519 = vector.shape_cast %swap3A_518 : vector<1x16xf32> to vector<16xf32>
        %swap3A_520 = vector.shape_cast %get3A_515 : vector<16xf32> to vector<1x16xf32>
        tpu.vector_store %arg9[%swap3A_516, %swap3A_517], %swap3A_520 {add = true, strides = array<i32>} : memref<40x768xf32, #tpu.memory_space<vmem>>, vector<1x16xf32>,
        %add3A_521 = arith.constant 40 : i32
        %add3A_522 = arith.addi %add3A_521, %scan3A_181 : i32
        %get3A_523 = arith.index_cast %add3A_522 : i32 to index
        %get3A_524 = arith.constant 496 : index
        %get3A_525 = tpu.vector_load %arg7[%get3A_523, %get3A_524] {strides = array<i32>} : memref<77x768xf32, #tpu.memory_space<vmem>>, vector<1x16xf32>,
        %get3A_526 = vector.shape_cast %get3A_525 : vector<1x16xf32> to vector<16xf32>
        %swap3A_527 = arith.index_cast %scan3A_181 : i32 to index
        %swap3A_528 = arith.constant 496 : index
        %swap3A_529 = tpu.vector_load %arg9[%swap3A_527, %swap3A_528] {strides = array<i32>} : memref<40x768xf32, #tpu.memory_space<vmem>>, vector<1x16xf32>,
        %swap3A_530 = vector.shape_cast %swap3A_529 : vector<1x16xf32> to vector<16xf32>
        %swap3A_531 = vector.shape_cast %get3A_526 : vector<16xf32> to vector<1x16xf32>
        tpu.vector_store %arg9[%swap3A_527, %swap3A_528], %swap3A_531 {add = true, strides = array<i32>} : memref<40x768xf32, #tpu.memory_space<vmem>>, vector<1x16xf32>,
        %add3A_532 = arith.constant 40 : i32
        %add3A_533 = arith.addi %add3A_532, %scan3A_181 : i32
        %get3A_534 = arith.index_cast %add3A_533 : i32 to index
        %get3A_535 = arith.constant 512 : index
        %get3A_536 = tpu.vector_load %arg7[%get3A_534, %get3A_535] {strides = array<i32>} : memref<77x768xf32, #tpu.memory_space<vmem>>, vector<1x16xf32>,
        %get3A_537 = vector.shape_cast %get3A_536 : vector<1x16xf32> to vector<16xf32>
        %swap3A_538 = arith.index_cast %scan3A_181 : i32 to index
        %swap3A_539 = arith.constant 512 : index
        %swap3A_540 = tpu.vector_load %arg9[%swap3A_538, %swap3A_539] {strides = array<i32>} : memref<40x768xf32, #tpu.memory_space<vmem>>, vector<1x16xf32>,
        %swap3A_541 = vector.shape_cast %swap3A_540 : vector<1x16xf32> to vector<16xf32>
        %swap3A_542 = vector.shape_cast %get3A_537 : vector<16xf32> to vector<1x16xf32>
        tpu.vector_store %arg9[%swap3A_538, %swap3A_539], %swap3A_542 {add = true, strides = array<i32>} : memref<40x768xf32, #tpu.memory_space<vmem>>, vector<1x16xf32>,
        %add3A_543 = arith.constant 40 : i32
        %add3A_544 = arith.addi %add3A_543, %scan3A_181 : i32
        %get3A_545 = arith.index_cast %add3A_544 : i32 to index
        %get3A_546 = arith.constant 528 : index
        %get3A_547 = tpu.vector_load %arg7[%get3A_545, %get3A_546] {strides = array<i32>} : memref<77x768xf32, #tpu.memory_space<vmem>>, vector<1x16xf32>,
        %get3A_548 = vector.shape_cast %get3A_547 : vector<1x16xf32> to vector<16xf32>
        %swap3A_549 = arith.index_cast %scan3A_181 : i32 to index
        %swap3A_550 = arith.constant 528 : index
        %swap3A_551 = tpu.vector_load %arg9[%swap3A_549, %swap3A_550] {strides = array<i32>} : memref<40x768xf32, #tpu.memory_space<vmem>>, vector<1x16xf32>,
        %swap3A_552 = vector.shape_cast %swap3A_551 : vector<1x16xf32> to vector<16xf32>
        %swap3A_553 = vector.shape_cast %get3A_548 : vector<16xf32> to vector<1x16xf32>
        tpu.vector_store %arg9[%swap3A_549, %swap3A_550], %swap3A_553 {add = true, strides = array<i32>} : memref<40x768xf32, #tpu.memory_space<vmem>>, vector<1x16xf32>,
        %add3A_554 = arith.constant 40 : i32
        %add3A_555 = arith.addi %add3A_554, %scan3A_181 : i32
        %get3A_556 = arith.index_cast %add3A_555 : i32 to index
        %get3A_557 = arith.constant 544 : index
        %get3A_558 = tpu.vector_load %arg7[%get3A_556, %get3A_557] {strides = array<i32>} : memref<77x768xf32, #tpu.memory_space<vmem>>, vector<1x16xf32>,
        %get3A_559 = vector.shape_cast %get3A_558 : vector<1x16xf32> to vector<16xf32>
        %swap3A_560 = arith.index_cast %scan3A_181 : i32 to index
        %swap3A_561 = arith.constant 544 : index
        %swap3A_562 = tpu.vector_load %arg9[%swap3A_560, %swap3A_561] {strides = array<i32>} : memref<40x768xf32, #tpu.memory_space<vmem>>, vector<1x16xf32>,
        %swap3A_563 = vector.shape_cast %swap3A_562 : vector<1x16xf32> to vector<16xf32>
        %swap3A_564 = vector.shape_cast %get3A_559 : vector<16xf32> to vector<1x16xf32>
        tpu.vector_store %arg9[%swap3A_560, %swap3A_561], %swap3A_564 {add = true, strides = array<i32>} : memref<40x768xf32, #tpu.memory_space<vmem>>, vector<1x16xf32>,
        %add3A_565 = arith.constant 40 : i32
        %add3A_566 = arith.addi %add3A_565, %scan3A_181 : i32
        %get3A_567 = arith.index_cast %add3A_566 : i32 to index
        %get3A_568 = arith.constant 560 : index
        %get3A_569 = tpu.vector_load %arg7[%get3A_567, %get3A_568] {strides = array<i32>} : memref<77x768xf32, #tpu.memory_space<vmem>>, vector<1x16xf32>,
        %get3A_570 = vector.shape_cast %get3A_569 : vector<1x16xf32> to vector<16xf32>
        %swap3A_571 = arith.index_cast %scan3A_181 : i32 to index
        %swap3A_572 = arith.constant 560 : index
        %swap3A_573 = tpu.vector_load %arg9[%swap3A_571, %swap3A_572] {strides = array<i32>} : memref<40x768xf32, #tpu.memory_space<vmem>>, vector<1x16xf32>,
        %swap3A_574 = vector.shape_cast %swap3A_573 : vector<1x16xf32> to vector<16xf32>
        %swap3A_575 = vector.shape_cast %get3A_570 : vector<16xf32> to vector<1x16xf32>
        tpu.vector_store %arg9[%swap3A_571, %swap3A_572], %swap3A_575 {add = true, strides = array<i32>} : memref<40x768xf32, #tpu.memory_space<vmem>>, vector<1x16xf32>,
        %add3A_576 = arith.constant 40 : i32
        %add3A_577 = arith.addi %add3A_576, %scan3A_181 : i32
        %get3A_578 = arith.index_cast %add3A_577 : i32 to index
        %get3A_579 = arith.constant 576 : index
        %get3A_580 = tpu.vector_load %arg7[%get3A_578, %get3A_579] {strides = array<i32>} : memref<77x768xf32, #tpu.memory_space<vmem>>, vector<1x16xf32>,
        %get3A_581 = vector.shape_cast %get3A_580 : vector<1x16xf32> to vector<16xf32>
        %swap3A_582 = arith.index_cast %scan3A_181 : i32 to index
        %swap3A_583 = arith.constant 576 : index
        %swap3A_584 = tpu.vector_load %arg9[%swap3A_582, %swap3A_583] {strides = array<i32>} : memref<40x768xf32, #tpu.memory_space<vmem>>, vector<1x16xf32>,
        %swap3A_585 = vector.shape_cast %swap3A_584 : vector<1x16xf32> to vector<16xf32>
        %swap3A_586 = vector.shape_cast %get3A_581 : vector<16xf32> to vector<1x16xf32>
        tpu.vector_store %arg9[%swap3A_582, %swap3A_583], %swap3A_586 {add = true, strides = array<i32>} : memref<40x768xf32, #tpu.memory_space<vmem>>, vector<1x16xf32>,
        %add3A_587 = arith.constant 40 : i32
        %add3A_588 = arith.addi %add3A_587, %scan3A_181 : i32
        %get3A_589 = arith.index_cast %add3A_588 : i32 to index
        %get3A_590 = arith.constant 592 : index
        %get3A_591 = tpu.vector_load %arg7[%get3A_589, %get3A_590] {strides = array<i32>} : memref<77x768xf32, #tpu.memory_space<vmem>>, vector<1x16xf32>,
        %get3A_592 = vector.shape_cast %get3A_591 : vector<1x16xf32> to vector<16xf32>
        %swap3A_593 = arith.index_cast %scan3A_181 : i32 to index
        %swap3A_594 = arith.constant 592 : index
        %swap3A_595 = tpu.vector_load %arg9[%swap3A_593, %swap3A_594] {strides = array<i32>} : memref<40x768xf32, #tpu.memory_space<vmem>>, vector<1x16xf32>,
        %swap3A_596 = vector.shape_cast %swap3A_595 : vector<1x16xf32> to vector<16xf32>
        %swap3A_597 = vector.shape_cast %get3A_592 : vector<16xf32> to vector<1x16xf32>
        tpu.vector_store %arg9[%swap3A_593, %swap3A_594], %swap3A_597 {add = true, strides = array<i32>} : memref<40x768xf32, #tpu.memory_space<vmem>>, vector<1x16xf32>,
        %add3A_598 = arith.constant 40 : i32
        %add3A_599 = arith.addi %add3A_598, %scan3A_181 : i32
        %get3A_600 = arith.index_cast %add3A_599 : i32 to index
        %get3A_601 = arith.constant 608 : index
        %get3A_602 = tpu.vector_load %arg7[%get3A_600, %get3A_601] {strides = array<i32>} : memref<77x768xf32, #tpu.memory_space<vmem>>, vector<1x16xf32>,
        %get3A_603 = vector.shape_cast %get3A_602 : vector<1x16xf32> to vector<16xf32>
        %swap3A_604 = arith.index_cast %scan3A_181 : i32 to index
        %swap3A_605 = arith.constant 608 : index
        %swap3A_606 = tpu.vector_load %arg9[%swap3A_604, %swap3A_605] {strides = array<i32>} : memref<40x768xf32, #tpu.memory_space<vmem>>, vector<1x16xf32>,
        %swap3A_607 = vector.shape_cast %swap3A_606 : vector<1x16xf32> to vector<16xf32>
        %swap3A_608 = vector.shape_cast %get3A_603 : vector<16xf32> to vector<1x16xf32>
        tpu.vector_store %arg9[%swap3A_604, %swap3A_605], %swap3A_608 {add = true, strides = array<i32>} : memref<40x768xf32, #tpu.memory_space<vmem>>, vector<1x16xf32>,
        %add3A_609 = arith.constant 40 : i32
        %add3A_610 = arith.addi %add3A_609, %scan3A_181 : i32
        %get3A_611 = arith.index_cast %add3A_610 : i32 to index
        %get3A_612 = arith.constant 624 : index
        %get3A_613 = tpu.vector_load %arg7[%get3A_611, %get3A_612] {strides = array<i32>} : memref<77x768xf32, #tpu.memory_space<vmem>>, vector<1x16xf32>,
        %get3A_614 = vector.shape_cast %get3A_613 : vector<1x16xf32> to vector<16xf32>
        %swap3A_615 = arith.index_cast %scan3A_181 : i32 to index
        %swap3A_616 = arith.constant 624 : index
        %swap3A_617 = tpu.vector_load %arg9[%swap3A_615, %swap3A_616] {strides = array<i32>} : memref<40x768xf32, #tpu.memory_space<vmem>>, vector<1x16xf32>,
        %swap3A_618 = vector.shape_cast %swap3A_617 : vector<1x16xf32> to vector<16xf32>
        %swap3A_619 = vector.shape_cast %get3A_614 : vector<16xf32> to vector<1x16xf32>
        tpu.vector_store %arg9[%swap3A_615, %swap3A_616], %swap3A_619 {add = true, strides = array<i32>} : memref<40x768xf32, #tpu.memory_space<vmem>>, vector<1x16xf32>,
        %add3A_620 = arith.constant 40 : i32
        %add3A_621 = arith.addi %add3A_620, %scan3A_181 : i32
        %get3A_622 = arith.index_cast %add3A_621 : i32 to index
        %get3A_623 = arith.constant 640 : index
        %get3A_624 = tpu.vector_load %arg7[%get3A_622, %get3A_623] {strides = array<i32>} : memref<77x768xf32, #tpu.memory_space<vmem>>, vector<1x16xf32>,
        %get3A_625 = vector.shape_cast %get3A_624 : vector<1x16xf32> to vector<16xf32>
        %swap3A_626 = arith.index_cast %scan3A_181 : i32 to index
        %swap3A_627 = arith.constant 640 : index
        %swap3A_628 = tpu.vector_load %arg9[%swap3A_626, %swap3A_627] {strides = array<i32>} : memref<40x768xf32, #tpu.memory_space<vmem>>, vector<1x16xf32>,
        %swap3A_629 = vector.shape_cast %swap3A_628 : vector<1x16xf32> to vector<16xf32>
        %swap3A_630 = vector.shape_cast %get3A_625 : vector<16xf32> to vector<1x16xf32>
        tpu.vector_store %arg9[%swap3A_626, %swap3A_627], %swap3A_630 {add = true, strides = array<i32>} : memref<40x768xf32, #tpu.memory_space<vmem>>, vector<1x16xf32>,
        %add3A_631 = arith.constant 40 : i32
        %add3A_632 = arith.addi %add3A_631, %scan3A_181 : i32
        %get3A_633 = arith.index_cast %add3A_632 : i32 to index
        %get3A_634 = arith.constant 656 : index
        %get3A_635 = tpu.vector_load %arg7[%get3A_633, %get3A_634] {strides = array<i32>} : memref<77x768xf32, #tpu.memory_space<vmem>>, vector<1x16xf32>,
        %get3A_636 = vector.shape_cast %get3A_635 : vector<1x16xf32> to vector<16xf32>
        %swap3A_637 = arith.index_cast %scan3A_181 : i32 to index
        %swap3A_638 = arith.constant 656 : index
        %swap3A_639 = tpu.vector_load %arg9[%swap3A_637, %swap3A_638] {strides = array<i32>} : memref<40x768xf32, #tpu.memory_space<vmem>>, vector<1x16xf32>,
        %swap3A_640 = vector.shape_cast %swap3A_639 : vector<1x16xf32> to vector<16xf32>
        %swap3A_641 = vector.shape_cast %get3A_636 : vector<16xf32> to vector<1x16xf32>
        tpu.vector_store %arg9[%swap3A_637, %swap3A_638], %swap3A_641 {add = true, strides = array<i32>} : memref<40x768xf32, #tpu.memory_space<vmem>>, vector<1x16xf32>,
        %add3A_642 = arith.constant 40 : i32
        %add3A_643 = arith.addi %add3A_642, %scan3A_181 : i32
        %get3A_644 = arith.index_cast %add3A_643 : i32 to index
        %get3A_645 = arith.constant 672 : index
        %get3A_646 = tpu.vector_load %arg7[%get3A_644, %get3A_645] {strides = array<i32>} : memref<77x768xf32, #tpu.memory_space<vmem>>, vector<1x16xf32>,
        %get3A_647 = vector.shape_cast %get3A_646 : vector<1x16xf32> to vector<16xf32>
        %swap3A_648 = arith.index_cast %scan3A_181 : i32 to index
        %swap3A_649 = arith.constant 672 : index
        %swap3A_650 = tpu.vector_load %arg9[%swap3A_648, %swap3A_649] {strides = array<i32>} : memref<40x768xf32, #tpu.memory_space<vmem>>, vector<1x16xf32>,
        %swap3A_651 = vector.shape_cast %swap3A_650 : vector<1x16xf32> to vector<16xf32>
        %swap3A_652 = vector.shape_cast %get3A_647 : vector<16xf32> to vector<1x16xf32>
        tpu.vector_store %arg9[%swap3A_648, %swap3A_649], %swap3A_652 {add = true, strides = array<i32>} : memref<40x768xf32, #tpu.memory_space<vmem>>, vector<1x16xf32>,
        %add3A_653 = arith.constant 40 : i32
        %add3A_654 = arith.addi %add3A_653, %scan3A_181 : i32
        %get3A_655 = arith.index_cast %add3A_654 : i32 to index
        %get3A_656 = arith.constant 688 : index
        %get3A_657 = tpu.vector_load %arg7[%get3A_655, %get3A_656] {strides = array<i32>} : memref<77x768xf32, #tpu.memory_space<vmem>>, vector<1x16xf32>,
        %get3A_658 = vector.shape_cast %get3A_657 : vector<1x16xf32> to vector<16xf32>
        %swap3A_659 = arith.index_cast %scan3A_181 : i32 to index
        %swap3A_660 = arith.constant 688 : index
        %swap3A_661 = tpu.vector_load %arg9[%swap3A_659, %swap3A_660] {strides = array<i32>} : memref<40x768xf32, #tpu.memory_space<vmem>>, vector<1x16xf32>,
        %swap3A_662 = vector.shape_cast %swap3A_661 : vector<1x16xf32> to vector<16xf32>
        %swap3A_663 = vector.shape_cast %get3A_658 : vector<16xf32> to vector<1x16xf32>
        tpu.vector_store %arg9[%swap3A_659, %swap3A_660], %swap3A_663 {add = true, strides = array<i32>} : memref<40x768xf32, #tpu.memory_space<vmem>>, vector<1x16xf32>,
        %add3A_664 = arith.constant 40 : i32
        %add3A_665 = arith.addi %add3A_664, %scan3A_181 : i32
        %get3A_666 = arith.index_cast %add3A_665 : i32 to index
        %get3A_667 = arith.constant 704 : index
        %get3A_668 = tpu.vector_load %arg7[%get3A_666, %get3A_667] {strides = array<i32>} : memref<77x768xf32, #tpu.memory_space<vmem>>, vector<1x16xf32>,
        %get3A_669 = vector.shape_cast %get3A_668 : vector<1x16xf32> to vector<16xf32>
        %swap3A_670 = arith.index_cast %scan3A_181 : i32 to index
        %swap3A_671 = arith.constant 704 : index
        %swap3A_672 = tpu.vector_load %arg9[%swap3A_670, %swap3A_671] {strides = array<i32>} : memref<40x768xf32, #tpu.memory_space<vmem>>, vector<1x16xf32>,
        %swap3A_673 = vector.shape_cast %swap3A_672 : vector<1x16xf32> to vector<16xf32>
        %swap3A_674 = vector.shape_cast %get3A_669 : vector<16xf32> to vector<1x16xf32>
        tpu.vector_store %arg9[%swap3A_670, %swap3A_671], %swap3A_674 {add = true, strides = array<i32>} : memref<40x768xf32, #tpu.memory_space<vmem>>, vector<1x16xf32>,
        %add3A_675 = arith.constant 40 : i32
        %add3A_676 = arith.addi %add3A_675, %scan3A_181 : i32
        %get3A_677 = arith.index_cast %add3A_676 : i32 to index
        %get3A_678 = arith.constant 720 : index
        %get3A_679 = tpu.vector_load %arg7[%get3A_677, %get3A_678] {strides = array<i32>} : memref<77x768xf32, #tpu.memory_space<vmem>>, vector<1x16xf32>,
        %get3A_680 = vector.shape_cast %get3A_679 : vector<1x16xf32> to vector<16xf32>
        %swap3A_681 = arith.index_cast %scan3A_181 : i32 to index
        %swap3A_682 = arith.constant 720 : index
        %swap3A_683 = tpu.vector_load %arg9[%swap3A_681, %swap3A_682] {strides = array<i32>} : memref<40x768xf32, #tpu.memory_space<vmem>>, vector<1x16xf32>,
        %swap3A_684 = vector.shape_cast %swap3A_683 : vector<1x16xf32> to vector<16xf32>
        %swap3A_685 = vector.shape_cast %get3A_680 : vector<16xf32> to vector<1x16xf32>
        tpu.vector_store %arg9[%swap3A_681, %swap3A_682], %swap3A_685 {add = true, strides = array<i32>} : memref<40x768xf32, #tpu.memory_space<vmem>>, vector<1x16xf32>,
        %add3A_686 = arith.constant 40 : i32
        %add3A_687 = arith.addi %add3A_686, %scan3A_181 : i32
        %get3A_688 = arith.index_cast %add3A_687 : i32 to index
        %get3A_689 = arith.constant 736 : index
        %get3A_690 = tpu.vector_load %arg7[%get3A_688, %get3A_689] {strides = array<i32>} : memref<77x768xf32, #tpu.memory_space<vmem>>, vector<1x16xf32>,
        %get3A_691 = vector.shape_cast %get3A_690 : vector<1x16xf32> to vector<16xf32>
        %swap3A_692 = arith.index_cast %scan3A_181 : i32 to index
        %swap3A_693 = arith.constant 736 : index
        %swap3A_694 = tpu.vector_load %arg9[%swap3A_692, %swap3A_693] {strides = array<i32>} : memref<40x768xf32, #tpu.memory_space<vmem>>, vector<1x16xf32>,
        %swap3A_695 = vector.shape_cast %swap3A_694 : vector<1x16xf32> to vector<16xf32>
        %swap3A_696 = vector.shape_cast %get3A_691 : vector<16xf32> to vector<1x16xf32>
        tpu.vector_store %arg9[%swap3A_692, %swap3A_693], %swap3A_696 {add = true, strides = array<i32>} : memref<40x768xf32, #tpu.memory_space<vmem>>, vector<1x16xf32>,
        %add3A_697 = arith.constant 40 : i32
        %add3A_698 = arith.addi %add3A_697, %scan3A_181 : i32
        %get3A_699 = arith.index_cast %add3A_698 : i32 to index
        %get3A_700 = arith.constant 752 : index
        %get3A_701 = tpu.vector_load %arg7[%get3A_699, %get3A_700] {strides = array<i32>} : memref<77x768xf32, #tpu.memory_space<vmem>>, vector<1x16xf32>,
        %get3A_702 = vector.shape_cast %get3A_701 : vector<1x16xf32> to vector<16xf32>
        %swap3A_703 = arith.index_cast %scan3A_181 : i32 to index
        %swap3A_704 = arith.constant 752 : index
        %swap3A_705 = tpu.vector_load %arg9[%swap3A_703, %swap3A_704] {strides = array<i32>} : memref<40x768xf32, #tpu.memory_space<vmem>>, vector<1x16xf32>,
        %swap3A_706 = vector.shape_cast %swap3A_705 : vector<1x16xf32> to vector<16xf32>
        %swap3A_707 = vector.shape_cast %get3A_702 : vector<16xf32> to vector<1x16xf32>
        tpu.vector_store %arg9[%swap3A_703, %swap3A_704], %swap3A_707 {add = true, strides = array<i32>} : memref<40x768xf32, #tpu.memory_space<vmem>>, vector<1x16xf32>,
      }
      %scan3A_168 = arith.constant 37 : i32
      %mul3A_169 = arith.constant 0 : i32
      %mul3A_170 = arith.muli %add3A, %mul3A_169 : i32
      %add3A_171 = arith.constant 40 : i32
      %add3A_172 = arith.addi %add3A_171, %mul3A_170 : i32
      %multiple_of3A_173 = tpu.assume_multiple %add3A_172, 40 : i32
      %add3A_174 = arith.addi %mul3A_2, %select_n3A : i32
      %dma_start3A_175 = arith.constant 0 : i32
      %dma_start3A_176 = tpu.memref_slice %arg5[%add3A_174, %multiple_of3A_173, %dma_start3A_175] : memref<1024x77x768xf32, #tpu.memory_space<hbm>> -> memref<1x40x768xf32, #tpu.memory_space<hbm>>
      %dma_start3A_177 = tpu.memref_squeeze %dma_start3A_176 : memref<1x40x768xf32, #tpu.memory_space<hbm>> -> memref<40x768xf32, #tpu.memory_space<hbm>>
      %dma_start3A_178 = arith.constant 0 : i32
      %dma_start3A_179 = tpu.memref_slice %arg5[%add3A_174, %multiple_of3A_173, %dma_start3A_178] : memref<1024x77x768xf32, #tpu.memory_space<hbm>> -> memref<1x40x768xf32, #tpu.memory_space<hbm>>
      %dma_start3A_180 = tpu.memref_squeeze %dma_start3A_179 : memref<1x40x768xf32, #tpu.memory_space<hbm>> -> memref<40x768xf32, #tpu.memory_space<hbm>>
      tpu.enqueue_dma source(%arg9 : memref<40x768xf32, #tpu.memory_space<vmem>>) target(%dma_start3A_180 : memref<40x768xf32, #tpu.memory_space<hbm>>) target_semaphore(%arg13 : memref<!tpu.dma_semaphore, #tpu.memory_space<semaphore_mem>>)
    }
    %scan3A_12 = arith.constant 31 : i32
    %dma_wait3A = arith.constant 0 : i32
    %dma_wait3A_13 = arith.constant 0 : i32
    %dma_wait3A_14 = tpu.memref_slice %arg5[%mul3A_2, %dma_wait3A, %dma_wait3A_13] : memref<1024x77x768xf32, #tpu.memory_space<hbm>> -> memref<1x40x768xf32, #tpu.memory_space<hbm>>
    %dma_wait3A_15 = tpu.memref_squeeze %dma_wait3A_14 : memref<1x40x768xf32, #tpu.memory_space<hbm>> -> memref<40x768xf32, #tpu.memory_space<hbm>>
    %dma_wait3A_16 = arith.constant 0 : i32
    %dma_wait3A_17 = arith.constant 0 : i32
    %dma_wait3A_18 = tpu.memref_slice %arg5[%mul3A_2, %dma_wait3A_16, %dma_wait3A_17] : memref<1024x77x768xf32, #tpu.memory_space<hbm>> -> memref<1x40x768xf32, #tpu.memory_space<hbm>>
    %dma_wait3A_19 = tpu.memref_squeeze %dma_wait3A_18 : memref<1x40x768xf32, #tpu.memory_space<hbm>> -> memref<40x768xf32, #tpu.memory_space<hbm>>
    tpu.wait_dma2 semaphore(%arg13 : memref<!tpu.dma_semaphore, #tpu.memory_space<semaphore_mem>>) src(%arg9 : memref<40x768xf32, #tpu.memory_space<vmem>>) dst(%dma_wait3A_19 : memref<40x768xf32, #tpu.memory_space<hbm>>)
    %dma_start3A_20 = arith.constant 31 : i32
    %dma_start3A_21 = arith.constant 40 : i32
    %dma_start3A_22 = tpu.memref_slice %arg6[%dma_start3A_20, %dma_start3A_21] : memref<32x80xi32, #tpu.memory_space<vmem>> -> memref<1x40xi32, #tpu.memory_space<vmem>>
    %dma_start3A_23 = tpu.memref_squeeze %dma_start3A_22 : memref<1x40xi32, #tpu.memory_space<vmem>> -> memref<40xi32, #tpu.memory_space<vmem>>
    %dma_start3A_24 = arith.constant 0 : i32
    %dma_start3A_25 = arith.constant 0 : i32
    %dma_start3A_26 = tpu.memref_slice %arg3[%dma_start3A_24, %dma_start3A_25] : memref<49408x768xf32, #tpu.memory_space<hbm>> -> memref<49408x768xf32, #tpu.memory_space<hbm>>
    tpu.enqueue_indirect_dma source(%dma_start3A_26 : memref<49408x768xf32, #tpu.memory_space<hbm>>) target(%arg9 : memref<40x768xf32, #tpu.memory_space<vmem>>) offsets(%dma_start3A_23 : memref<40xi32, #tpu.memory_space<vmem>>) semaphore(%arg11 : memref<!tpu.dma_semaphore, #tpu.memory_space<semaphore_mem>>)
    %dma_wait3A_27 = arith.constant 0 : i32
    %dma_wait3A_28 = arith.constant 0 : i32
    %dma_wait3A_29 = tpu.memref_slice %arg3[%dma_wait3A_27, %dma_wait3A_28] : memref<49408x768xf32, #tpu.memory_space<hbm>> -> memref<40x768xf32, #tpu.memory_space<hbm>>
    %dma_wait3A_30 = arith.constant 0 : i32
    %dma_wait3A_31 = arith.constant 0 : i32
    %dma_wait3A_32 = tpu.memref_slice %arg3[%dma_wait3A_30, %dma_wait3A_31] : memref<49408x768xf32, #tpu.memory_space<hbm>> -> memref<40x768xf32, #tpu.memory_space<hbm>>
    tpu.wait_dma2 semaphore(%arg10 : memref<!tpu.dma_semaphore, #tpu.memory_space<semaphore_mem>>) src(%dma_wait3A_32 : memref<40x768xf32, #tpu.memory_space<hbm>>) dst(%arg8 : memref<40x768xf32, #tpu.memory_space<vmem>>)
    %scan3A_33 = arith.constant 0 : i32
    %scan3A_34 = arith.constant 40 : i32
    %scan3A_35 = arith.addi %scan3A_33, %scan3A_34 : i32
    %scan3A_36 = arith.constant 1 : i32
    scf.for %scan3A_90 = %scan3A_33 to %scan3A_35 step %scan3A_36  : i32 {
      %add3A_91 = arith.constant 0 : i32
      %add3A_92 = arith.addi %add3A_91, %scan3A_90 : i32
      %get3A = arith.index_cast %add3A_92 : i32 to index
      %get3A_93 = arith.constant 0 : index
      %get3A_94 = tpu.vector_load %arg7[%get3A, %get3A_93] {strides = array<i32>} : memref<77x768xf32, #tpu.memory_space<vmem>>, vector<1x16xf32>,
      %get3A_95 = vector.shape_cast %get3A_94 : vector<1x16xf32> to vector<16xf32>
      %swap3A = arith.index_cast %scan3A_90 : i32 to index
      %swap3A_96 = arith.constant 0 : index
      %swap3A_97 = tpu.vector_load %arg8[%swap3A, %swap3A_96] {strides = array<i32>} : memref<40x768xf32, #tpu.memory_space<vmem>>, vector<1x16xf32>,
      %swap3A_98 = vector.shape_cast %swap3A_97 : vector<1x16xf32> to vector<16xf32>
      %swap3A_99 = vector.shape_cast %get3A_95 : vector<16xf32> to vector<1x16xf32>
      tpu.vector_store %arg8[%swap3A, %swap3A_96], %swap3A_99 {add = true, strides = array<i32>} : memref<40x768xf32, #tpu.memory_space<vmem>>, vector<1x16xf32>,
      %add3A_100 = arith.constant 0 : i32
      %add3A_101 = arith.addi %add3A_100, %scan3A_90 : i32
      %get3A_102 = arith.index_cast %add3A_101 : i32 to index
      %get3A_103 = arith.constant 16 : index
      %get3A_104 = tpu.vector_load %arg7[%get3A_102, %get3A_103] {strides = array<i32>} : memref<77x768xf32, #tpu.memory_space<vmem>>, vector<1x16xf32>,
      %get3A_105 = vector.shape_cast %get3A_104 : vector<1x16xf32> to vector<16xf32>
      %swap3A_106 = arith.index_cast %scan3A_90 : i32 to index
      %swap3A_107 = arith.constant 16 : index
      %swap3A_108 = tpu.vector_load %arg8[%swap3A_106, %swap3A_107] {strides = array<i32>} : memref<40x768xf32, #tpu.memory_space<vmem>>, vector<1x16xf32>,
      %swap3A_109 = vector.shape_cast %swap3A_108 : vector<1x16xf32> to vector<16xf32>
      %swap3A_110 = vector.shape_cast %get3A_105 : vector<16xf32> to vector<1x16xf32>
      tpu.vector_store %arg8[%swap3A_106, %swap3A_107], %swap3A_110 {add = true, strides = array<i32>} : memref<40x768xf32, #tpu.memory_space<vmem>>, vector<1x16xf32>,
      %add3A_111 = arith.constant 0 : i32
      %add3A_112 = arith.addi %add3A_111, %scan3A_90 : i32
      %get3A_113 = arith.index_cast %add3A_112 : i32 to index
      %get3A_114 = arith.constant 32 : index
      %get3A_115 = tpu.vector_load %arg7[%get3A_113, %get3A_114] {strides = array<i32>} : memref<77x768xf32, #tpu.memory_space<vmem>>, vector<1x16xf32>,
      %get3A_116 = vector.shape_cast %get3A_115 : vector<1x16xf32> to vector<16xf32>
      %swap3A_117 = arith.index_cast %scan3A_90 : i32 to index
      %swap3A_118 = arith.constant 32 : index
      %swap3A_119 = tpu.vector_load %arg8[%swap3A_117, %swap3A_118] {strides = array<i32>} : memref<40x768xf32, #tpu.memory_space<vmem>>, vector<1x16xf32>,
      %swap3A_120 = vector.shape_cast %swap3A_119 : vector<1x16xf32> to vector<16xf32>
      %swap3A_121 = vector.shape_cast %get3A_116 : vector<16xf32> to vector<1x16xf32>
      tpu.vector_store %arg8[%swap3A_117, %swap3A_118], %swap3A_121 {add = true, strides = array<i32>} : memref<40x768xf32, #tpu.memory_space<vmem>>, vector<1x16xf32>,
      %add3A_122 = arith.constant 0 : i32
      %add3A_123 = arith.addi %add3A_122, %scan3A_90 : i32
      %get3A_124 = arith.index_cast %add3A_123 : i32 to index
      %get3A_125 = arith.constant 48 : index
      %get3A_126 = tpu.vector_load %arg7[%get3A_124, %get3A_125] {strides = array<i32>} : memref<77x768xf32, #tpu.memory_space<vmem>>, vector<1x16xf32>,
      %get3A_127 = vector.shape_cast %get3A_126 : vector<1x16xf32> to vector<16xf32>
      %swap3A_128 = arith.index_cast %scan3A_90 : i32 to index
      %swap3A_129 = arith.constant 48 : index
      %swap3A_130 = tpu.vector_load %arg8[%swap3A_128, %swap3A_129] {strides = array<i32>} : memref<40x768xf32, #tpu.memory_space<vmem>>, vector<1x16xf32>,
      %swap3A_131 = vector.shape_cast %swap3A_130 : vector<1x16xf32> to vector<16xf32>
      %swap3A_132 = vector.shape_cast %get3A_127 : vector<16xf32> to vector<1x16xf32>
      tpu.vector_store %arg8[%swap3A_128, %swap3A_129], %swap3A_132 {add = true, strides = array<i32>} : memref<40x768xf32, #tpu.memory_space<vmem>>, vector<1x16xf32>,
      %add3A_133 = arith.constant 0 : i32
      %add3A_134 = arith.addi %add3A_133, %scan3A_90 : i32
      %get3A_135 = arith.index_cast %add3A_134 : i32 to index
      %get3A_136 = arith.constant 64 : index
      %get3A_137 = tpu.vector_load %arg7[%get3A_135, %get3A_136] {strides = array<i32>} : memref<77x768xf32, #tpu.memory_space<vmem>>, vector<1x16xf32>,
      %get3A_138 = vector.shape_cast %get3A_137 : vector<1x16xf32> to vector<16xf32>
      %swap3A_139 = arith.index_cast %scan3A_90 : i32 to index
      %swap3A_140 = arith.constant 64 : index
      %swap3A_141 = tpu.vector_load %arg8[%swap3A_139, %swap3A_140] {strides = array<i32>} : memref<40x768xf32, #tpu.memory_space<vmem>>, vector<1x16xf32>,
      %swap3A_142 = vector.shape_cast %swap3A_141 : vector<1x16xf32> to vector<16xf32>
      %swap3A_143 = vector.shape_cast %get3A_138 : vector<16xf32> to vector<1x16xf32>
      tpu.vector_store %arg8[%swap3A_139, %swap3A_140], %swap3A_143 {add = true, strides = array<i32>} : memref<40x768xf32, #tpu.memory_space<vmem>>, vector<1x16xf32>,
      %add3A_144 = arith.constant 0 : i32
      %add3A_145 = arith.addi %add3A_144, %scan3A_90 : i32
      %get3A_146 = arith.index_cast %add3A_145 : i32 to index
      %get3A_147 = arith.constant 80 : index
      %get3A_148 = tpu.vector_load %arg7[%get3A_146, %get3A_147] {strides = array<i32>} : memref<77x768xf32, #tpu.memory_space<vmem>>, vector<1x16xf32>,
      %get3A_149 = vector.shape_cast %get3A_148 : vector<1x16xf32> to vector<16xf32>
      %swap3A_150 = arith.index_cast %scan3A_90 : i32 to index
      %swap3A_151 = arith.constant 80 : index
      %swap3A_152 = tpu.vector_load %arg8[%swap3A_150, %swap3A_151] {strides = array<i32>} : memref<40x768xf32, #tpu.memory_space<vmem>>, vector<1x16xf32>,
      %swap3A_153 = vector.shape_cast %swap3A_152 : vector<1x16xf32> to vector<16xf32>
      %swap3A_154 = vector.shape_cast %get3A_149 : vector<16xf32> to vector<1x16xf32>
      tpu.vector_store %arg8[%swap3A_150, %swap3A_151], %swap3A_154 {add = true, strides = array<i32>} : memref<40x768xf32, #tpu.memory_space<vmem>>, vector<1x16xf32>,
      %add3A_155 = arith.constant 0 : i32
      %add3A_156 = arith.addi %add3A_155, %scan3A_90 : i32
      %get3A_157 = arith.index_cast %add3A_156 : i32 to index
      %get3A_158 = arith.constant 96 : index
      %get3A_159 = tpu.vector_load %arg7[%get3A_157, %get3A_158] {strides = array<i32>} : memref<77x768xf32, #tpu.memory_space<vmem>>, vector<1x16xf32>,
      %get3A_160 = vector.shape_cast %get3A_159 : vector<1x16xf32> to vector<16xf32>
      %swap3A_161 = arith.index_cast %scan3A_90 : i32 to index
      %swap3A_162 = arith.constant 96 : index
      %swap3A_163 = tpu.vector_load %arg8[%swap3A_161, %swap3A_162] {strides = array<i32>} : memref<40x768xf32, #tpu.memory_space<vmem>>, vector<1x16xf32>,
      %swap3A_164 = vector.shape_cast %swap3A_163 : vector<1x16xf32> to vector<16xf32>
      %swap3A_165 = vector.shape_cast %get3A_160 : vector<16xf32> to vector<1x16xf32>
      tpu.vector_store %arg8[%swap3A_161, %swap3A_162], %swap3A_165 {add = true, strides = array<i32>} : memref<40x768xf32, #tpu.memory_space<vmem>>, vector<1x16xf32>,
      %add3A_166 = arith.constant 0 : i32
      %add3A_167 = arith.addi %add3A_166, %scan3A_90 : i32
      %get3A_168 = arith.index_cast %add3A_167 : i32 to index
      %get3A_169 = arith.constant 112 : index
      %get3A_170 = tpu.vector_load %arg7[%get3A_168, %get3A_169] {strides = array<i32>} : memref<77x768xf32, #tpu.memory_space<vmem>>, vector<1x16xf32>,
      %get3A_171 = vector.shape_cast %get3A_170 : vector<1x16xf32> to vector<16xf32>
      %swap3A_172 = arith.index_cast %scan3A_90 : i32 to index
      %swap3A_173 = arith.constant 112 : index
      %swap3A_174 = tpu.vector_load %arg8[%swap3A_172, %swap3A_173] {strides = array<i32>} : memref<40x768xf32, #tpu.memory_space<vmem>>, vector<1x16xf32>,
      %swap3A_175 = vector.shape_cast %swap3A_174 : vector<1x16xf32> to vector<16xf32>
      %swap3A_176 = vector.shape_cast %get3A_171 : vector<16xf32> to vector<1x16xf32>
      tpu.vector_store %arg8[%swap3A_172, %swap3A_173], %swap3A_176 {add = true, strides = array<i32>} : memref<40x768xf32, #tpu.memory_space<vmem>>, vector<1x16xf32>,
      %add3A_177 = arith.constant 0 : i32
      %add3A_178 = arith.addi %add3A_177, %scan3A_90 : i32
      %get3A_179 = arith.index_cast %add3A_178 : i32 to index
      %get3A_180 = arith.constant 128 : index
      %get3A_181 = tpu.vector_load %arg7[%get3A_179, %get3A_180] {strides = array<i32>} : memref<77x768xf32, #tpu.memory_space<vmem>>, vector<1x16xf32>,
      %get3A_182 = vector.shape_cast %get3A_181 : vector<1x16xf32> to vector<16xf32>
      %swap3A_183 = arith.index_cast %scan3A_90 : i32 to index
      %swap3A_184 = arith.constant 128 : index
      %swap3A_185 = tpu.vector_load %arg8[%swap3A_183, %swap3A_184] {strides = array<i32>} : memref<40x768xf32, #tpu.memory_space<vmem>>, vector<1x16xf32>,
      %swap3A_186 = vector.shape_cast %swap3A_185 : vector<1x16xf32> to vector<16xf32>
      %swap3A_187 = vector.shape_cast %get3A_182 : vector<16xf32> to vector<1x16xf32>
      tpu.vector_store %arg8[%swap3A_183, %swap3A_184], %swap3A_187 {add = true, strides = array<i32>} : memref<40x768xf32, #tpu.memory_space<vmem>>, vector<1x16xf32>,
      %add3A_188 = arith.constant 0 : i32
      %add3A_189 = arith.addi %add3A_188, %scan3A_90 : i32
      %get3A_190 = arith.index_cast %add3A_189 : i32 to index
      %get3A_191 = arith.constant 144 : index
      %get3A_192 = tpu.vector_load %arg7[%get3A_190, %get3A_191] {strides = array<i32>} : memref<77x768xf32, #tpu.memory_space<vmem>>, vector<1x16xf32>,
      %get3A_193 = vector.shape_cast %get3A_192 : vector<1x16xf32> to vector<16xf32>
      %swap3A_194 = arith.index_cast %scan3A_90 : i32 to index
      %swap3A_195 = arith.constant 144 : index
      %swap3A_196 = tpu.vector_load %arg8[%swap3A_194, %swap3A_195] {strides = array<i32>} : memref<40x768xf32, #tpu.memory_space<vmem>>, vector<1x16xf32>,
      %swap3A_197 = vector.shape_cast %swap3A_196 : vector<1x16xf32> to vector<16xf32>
      %swap3A_198 = vector.shape_cast %get3A_193 : vector<16xf32> to vector<1x16xf32>
      tpu.vector_store %arg8[%swap3A_194, %swap3A_195], %swap3A_198 {add = true, strides = array<i32>} : memref<40x768xf32, #tpu.memory_space<vmem>>, vector<1x16xf32>,
      %add3A_199 = arith.constant 0 : i32
      %add3A_200 = arith.addi %add3A_199, %scan3A_90 : i32
      %get3A_201 = arith.index_cast %add3A_200 : i32 to index
      %get3A_202 = arith.constant 160 : index
      %get3A_203 = tpu.vector_load %arg7[%get3A_201, %get3A_202] {strides = array<i32>} : memref<77x768xf32, #tpu.memory_space<vmem>>, vector<1x16xf32>,
      %get3A_204 = vector.shape_cast %get3A_203 : vector<1x16xf32> to vector<16xf32>
      %swap3A_205 = arith.index_cast %scan3A_90 : i32 to index
      %swap3A_206 = arith.constant 160 : index
      %swap3A_207 = tpu.vector_load %arg8[%swap3A_205, %swap3A_206] {strides = array<i32>} : memref<40x768xf32, #tpu.memory_space<vmem>>, vector<1x16xf32>,
      %swap3A_208 = vector.shape_cast %swap3A_207 : vector<1x16xf32> to vector<16xf32>
      %swap3A_209 = vector.shape_cast %get3A_204 : vector<16xf32> to vector<1x16xf32>
      tpu.vector_store %arg8[%swap3A_205, %swap3A_206], %swap3A_209 {add = true, strides = array<i32>} : memref<40x768xf32, #tpu.memory_space<vmem>>, vector<1x16xf32>,
      %add3A_210 = arith.constant 0 : i32
      %add3A_211 = arith.addi %add3A_210, %scan3A_90 : i32
      %get3A_212 = arith.index_cast %add3A_211 : i32 to index
      %get3A_213 = arith.constant 176 : index
      %get3A_214 = tpu.vector_load %arg7[%get3A_212, %get3A_213] {strides = array<i32>} : memref<77x768xf32, #tpu.memory_space<vmem>>, vector<1x16xf32>,
      %get3A_215 = vector.shape_cast %get3A_214 : vector<1x16xf32> to vector<16xf32>
      %swap3A_216 = arith.index_cast %scan3A_90 : i32 to index
      %swap3A_217 = arith.constant 176 : index
      %swap3A_218 = tpu.vector_load %arg8[%swap3A_216, %swap3A_217] {strides = array<i32>} : memref<40x768xf32, #tpu.memory_space<vmem>>, vector<1x16xf32>,
      %swap3A_219 = vector.shape_cast %swap3A_218 : vector<1x16xf32> to vector<16xf32>
      %swap3A_220 = vector.shape_cast %get3A_215 : vector<16xf32> to vector<1x16xf32>
      tpu.vector_store %arg8[%swap3A_216, %swap3A_217], %swap3A_220 {add = true, strides = array<i32>} : memref<40x768xf32, #tpu.memory_space<vmem>>, vector<1x16xf32>,
      %add3A_221 = arith.constant 0 : i32
      %add3A_222 = arith.addi %add3A_221, %scan3A_90 : i32
      %get3A_223 = arith.index_cast %add3A_222 : i32 to index
      %get3A_224 = arith.constant 192 : index
      %get3A_225 = tpu.vector_load %arg7[%get3A_223, %get3A_224] {strides = array<i32>} : memref<77x768xf32, #tpu.memory_space<vmem>>, vector<1x16xf32>,
      %get3A_226 = vector.shape_cast %get3A_225 : vector<1x16xf32> to vector<16xf32>
      %swap3A_227 = arith.index_cast %scan3A_90 : i32 to index
      %swap3A_228 = arith.constant 192 : index
      %swap3A_229 = tpu.vector_load %arg8[%swap3A_227, %swap3A_228] {strides = array<i32>} : memref<40x768xf32, #tpu.memory_space<vmem>>, vector<1x16xf32>,
      %swap3A_230 = vector.shape_cast %swap3A_229 : vector<1x16xf32> to vector<16xf32>
      %swap3A_231 = vector.shape_cast %get3A_226 : vector<16xf32> to vector<1x16xf32>
      tpu.vector_store %arg8[%swap3A_227, %swap3A_228], %swap3A_231 {add = true, strides = array<i32>} : memref<40x768xf32, #tpu.memory_space<vmem>>, vector<1x16xf32>,
      %add3A_232 = arith.constant 0 : i32
      %add3A_233 = arith.addi %add3A_232, %scan3A_90 : i32
      %get3A_234 = arith.index_cast %add3A_233 : i32 to index
      %get3A_235 = arith.constant 208 : index
      %get3A_236 = tpu.vector_load %arg7[%get3A_234, %get3A_235] {strides = array<i32>} : memref<77x768xf32, #tpu.memory_space<vmem>>, vector<1x16xf32>,
      %get3A_237 = vector.shape_cast %get3A_236 : vector<1x16xf32> to vector<16xf32>
      %swap3A_238 = arith.index_cast %scan3A_90 : i32 to index
      %swap3A_239 = arith.constant 208 : index
      %swap3A_240 = tpu.vector_load %arg8[%swap3A_238, %swap3A_239] {strides = array<i32>} : memref<40x768xf32, #tpu.memory_space<vmem>>, vector<1x16xf32>,
      %swap3A_241 = vector.shape_cast %swap3A_240 : vector<1x16xf32> to vector<16xf32>
      %swap3A_242 = vector.shape_cast %get3A_237 : vector<16xf32> to vector<1x16xf32>
      tpu.vector_store %arg8[%swap3A_238, %swap3A_239], %swap3A_242 {add = true, strides = array<i32>} : memref<40x768xf32, #tpu.memory_space<vmem>>, vector<1x16xf32>,
      %add3A_243 = arith.constant 0 : i32
      %add3A_244 = arith.addi %add3A_243, %scan3A_90 : i32
      %get3A_245 = arith.index_cast %add3A_244 : i32 to index
      %get3A_246 = arith.constant 224 : index
      %get3A_247 = tpu.vector_load %arg7[%get3A_245, %get3A_246] {strides = array<i32>} : memref<77x768xf32, #tpu.memory_space<vmem>>, vector<1x16xf32>,
      %get3A_248 = vector.shape_cast %get3A_247 : vector<1x16xf32> to vector<16xf32>
      %swap3A_249 = arith.index_cast %scan3A_90 : i32 to index
      %swap3A_250 = arith.constant 224 : index
      %swap3A_251 = tpu.vector_load %arg8[%swap3A_249, %swap3A_250] {strides = array<i32>} : memref<40x768xf32, #tpu.memory_space<vmem>>, vector<1x16xf32>,
      %swap3A_252 = vector.shape_cast %swap3A_251 : vector<1x16xf32> to vector<16xf32>
      %swap3A_253 = vector.shape_cast %get3A_248 : vector<16xf32> to vector<1x16xf32>
      tpu.vector_store %arg8[%swap3A_249, %swap3A_250], %swap3A_253 {add = true, strides = array<i32>} : memref<40x768xf32, #tpu.memory_space<vmem>>, vector<1x16xf32>,
      %add3A_254 = arith.constant 0 : i32
      %add3A_255 = arith.addi %add3A_254, %scan3A_90 : i32
      %get3A_256 = arith.index_cast %add3A_255 : i32 to index
      %get3A_257 = arith.constant 240 : index
      %get3A_258 = tpu.vector_load %arg7[%get3A_256, %get3A_257] {strides = array<i32>} : memref<77x768xf32, #tpu.memory_space<vmem>>, vector<1x16xf32>,
      %get3A_259 = vector.shape_cast %get3A_258 : vector<1x16xf32> to vector<16xf32>
      %swap3A_260 = arith.index_cast %scan3A_90 : i32 to index
      %swap3A_261 = arith.constant 240 : index
      %swap3A_262 = tpu.vector_load %arg8[%swap3A_260, %swap3A_261] {strides = array<i32>} : memref<40x768xf32, #tpu.memory_space<vmem>>, vector<1x16xf32>,
      %swap3A_263 = vector.shape_cast %swap3A_262 : vector<1x16xf32> to vector<16xf32>
      %swap3A_264 = vector.shape_cast %get3A_259 : vector<16xf32> to vector<1x16xf32>
      tpu.vector_store %arg8[%swap3A_260, %swap3A_261], %swap3A_264 {add = true, strides = array<i32>} : memref<40x768xf32, #tpu.memory_space<vmem>>, vector<1x16xf32>,
      %add3A_265 = arith.constant 0 : i32
      %add3A_266 = arith.addi %add3A_265, %scan3A_90 : i32
      %get3A_267 = arith.index_cast %add3A_266 : i32 to index
      %get3A_268 = arith.constant 256 : index
      %get3A_269 = tpu.vector_load %arg7[%get3A_267, %get3A_268] {strides = array<i32>} : memref<77x768xf32, #tpu.memory_space<vmem>>, vector<1x16xf32>,
      %get3A_270 = vector.shape_cast %get3A_269 : vector<1x16xf32> to vector<16xf32>
      %swap3A_271 = arith.index_cast %scan3A_90 : i32 to index
      %swap3A_272 = arith.constant 256 : index
      %swap3A_273 = tpu.vector_load %arg8[%swap3A_271, %swap3A_272] {strides = array<i32>} : memref<40x768xf32, #tpu.memory_space<vmem>>, vector<1x16xf32>,
      %swap3A_274 = vector.shape_cast %swap3A_273 : vector<1x16xf32> to vector<16xf32>
      %swap3A_275 = vector.shape_cast %get3A_270 : vector<16xf32> to vector<1x16xf32>
      tpu.vector_store %arg8[%swap3A_271, %swap3A_272], %swap3A_275 {add = true, strides = array<i32>} : memref<40x768xf32, #tpu.memory_space<vmem>>, vector<1x16xf32>,
      %add3A_276 = arith.constant 0 : i32
      %add3A_277 = arith.addi %add3A_276, %scan3A_90 : i32
      %get3A_278 = arith.index_cast %add3A_277 : i32 to index
      %get3A_279 = arith.constant 272 : index
      %get3A_280 = tpu.vector_load %arg7[%get3A_278, %get3A_279] {strides = array<i32>} : memref<77x768xf32, #tpu.memory_space<vmem>>, vector<1x16xf32>,
      %get3A_281 = vector.shape_cast %get3A_280 : vector<1x16xf32> to vector<16xf32>
      %swap3A_282 = arith.index_cast %scan3A_90 : i32 to index
      %swap3A_283 = arith.constant 272 : index
      %swap3A_284 = tpu.vector_load %arg8[%swap3A_282, %swap3A_283] {strides = array<i32>} : memref<40x768xf32, #tpu.memory_space<vmem>>, vector<1x16xf32>,
      %swap3A_285 = vector.shape_cast %swap3A_284 : vector<1x16xf32> to vector<16xf32>
      %swap3A_286 = vector.shape_cast %get3A_281 : vector<16xf32> to vector<1x16xf32>
      tpu.vector_store %arg8[%swap3A_282, %swap3A_283], %swap3A_286 {add = true, strides = array<i32>} : memref<40x768xf32, #tpu.memory_space<vmem>>, vector<1x16xf32>,
      %add3A_287 = arith.constant 0 : i32
      %add3A_288 = arith.addi %add3A_287, %scan3A_90 : i32
      %get3A_289 = arith.index_cast %add3A_288 : i32 to index
      %get3A_290 = arith.constant 288 : index
      %get3A_291 = tpu.vector_load %arg7[%get3A_289, %get3A_290] {strides = array<i32>} : memref<77x768xf32, #tpu.memory_space<vmem>>, vector<1x16xf32>,
      %get3A_292 = vector.shape_cast %get3A_291 : vector<1x16xf32> to vector<16xf32>
      %swap3A_293 = arith.index_cast %scan3A_90 : i32 to index
      %swap3A_294 = arith.constant 288 : index
      %swap3A_295 = tpu.vector_load %arg8[%swap3A_293, %swap3A_294] {strides = array<i32>} : memref<40x768xf32, #tpu.memory_space<vmem>>, vector<1x16xf32>,
      %swap3A_296 = vector.shape_cast %swap3A_295 : vector<1x16xf32> to vector<16xf32>
      %swap3A_297 = vector.shape_cast %get3A_292 : vector<16xf32> to vector<1x16xf32>
      tpu.vector_store %arg8[%swap3A_293, %swap3A_294], %swap3A_297 {add = true, strides = array<i32>} : memref<40x768xf32, #tpu.memory_space<vmem>>, vector<1x16xf32>,
      %add3A_298 = arith.constant 0 : i32
      %add3A_299 = arith.addi %add3A_298, %scan3A_90 : i32
      %get3A_300 = arith.index_cast %add3A_299 : i32 to index
      %get3A_301 = arith.constant 304 : index
      %get3A_302 = tpu.vector_load %arg7[%get3A_300, %get3A_301] {strides = array<i32>} : memref<77x768xf32, #tpu.memory_space<vmem>>, vector<1x16xf32>,
      %get3A_303 = vector.shape_cast %get3A_302 : vector<1x16xf32> to vector<16xf32>
      %swap3A_304 = arith.index_cast %scan3A_90 : i32 to index
      %swap3A_305 = arith.constant 304 : index
      %swap3A_306 = tpu.vector_load %arg8[%swap3A_304, %swap3A_305] {strides = array<i32>} : memref<40x768xf32, #tpu.memory_space<vmem>>, vector<1x16xf32>,
      %swap3A_307 = vector.shape_cast %swap3A_306 : vector<1x16xf32> to vector<16xf32>
      %swap3A_308 = vector.shape_cast %get3A_303 : vector<16xf32> to vector<1x16xf32>
      tpu.vector_store %arg8[%swap3A_304, %swap3A_305], %swap3A_308 {add = true, strides = array<i32>} : memref<40x768xf32, #tpu.memory_space<vmem>>, vector<1x16xf32>,
      %add3A_309 = arith.constant 0 : i32
      %add3A_310 = arith.addi %add3A_309, %scan3A_90 : i32
      %get3A_311 = arith.index_cast %add3A_310 : i32 to index
      %get3A_312 = arith.constant 320 : index
      %get3A_313 = tpu.vector_load %arg7[%get3A_311, %get3A_312] {strides = array<i32>} : memref<77x768xf32, #tpu.memory_space<vmem>>, vector<1x16xf32>,
      %get3A_314 = vector.shape_cast %get3A_313 : vector<1x16xf32> to vector<16xf32>
      %swap3A_315 = arith.index_cast %scan3A_90 : i32 to index
      %swap3A_316 = arith.constant 320 : index
      %swap3A_317 = tpu.vector_load %arg8[%swap3A_315, %swap3A_316] {strides = array<i32>} : memref<40x768xf32, #tpu.memory_space<vmem>>, vector<1x16xf32>,
      %swap3A_318 = vector.shape_cast %swap3A_317 : vector<1x16xf32> to vector<16xf32>
      %swap3A_319 = vector.shape_cast %get3A_314 : vector<16xf32> to vector<1x16xf32>
      tpu.vector_store %arg8[%swap3A_315, %swap3A_316], %swap3A_319 {add = true, strides = array<i32>} : memref<40x768xf32, #tpu.memory_space<vmem>>, vector<1x16xf32>,
      %add3A_320 = arith.constant 0 : i32
      %add3A_321 = arith.addi %add3A_320, %scan3A_90 : i32
      %get3A_322 = arith.index_cast %add3A_321 : i32 to index
      %get3A_323 = arith.constant 336 : index
      %get3A_324 = tpu.vector_load %arg7[%get3A_322, %get3A_323] {strides = array<i32>} : memref<77x768xf32, #tpu.memory_space<vmem>>, vector<1x16xf32>,
      %get3A_325 = vector.shape_cast %get3A_324 : vector<1x16xf32> to vector<16xf32>
      %swap3A_326 = arith.index_cast %scan3A_90 : i32 to index
      %swap3A_327 = arith.constant 336 : index
      %swap3A_328 = tpu.vector_load %arg8[%swap3A_326, %swap3A_327] {strides = array<i32>} : memref<40x768xf32, #tpu.memory_space<vmem>>, vector<1x16xf32>,
      %swap3A_329 = vector.shape_cast %swap3A_328 : vector<1x16xf32> to vector<16xf32>
      %swap3A_330 = vector.shape_cast %get3A_325 : vector<16xf32> to vector<1x16xf32>
      tpu.vector_store %arg8[%swap3A_326, %swap3A_327], %swap3A_330 {add = true, strides = array<i32>} : memref<40x768xf32, #tpu.memory_space<vmem>>, vector<1x16xf32>,
      %add3A_331 = arith.constant 0 : i32
      %add3A_332 = arith.addi %add3A_331, %scan3A_90 : i32
      %get3A_333 = arith.index_cast %add3A_332 : i32 to index
      %get3A_334 = arith.constant 352 : index
      %get3A_335 = tpu.vector_load %arg7[%get3A_333, %get3A_334] {strides = array<i32>} : memref<77x768xf32, #tpu.memory_space<vmem>>, vector<1x16xf32>,
      %get3A_336 = vector.shape_cast %get3A_335 : vector<1x16xf32> to vector<16xf32>
      %swap3A_337 = arith.index_cast %scan3A_90 : i32 to index
      %swap3A_338 = arith.constant 352 : index
      %swap3A_339 = tpu.vector_load %arg8[%swap3A_337, %swap3A_338] {strides = array<i32>} : memref<40x768xf32, #tpu.memory_space<vmem>>, vector<1x16xf32>,
      %swap3A_340 = vector.shape_cast %swap3A_339 : vector<1x16xf32> to vector<16xf32>
      %swap3A_341 = vector.shape_cast %get3A_336 : vector<16xf32> to vector<1x16xf32>
      tpu.vector_store %arg8[%swap3A_337, %swap3A_338], %swap3A_341 {add = true, strides = array<i32>} : memref<40x768xf32, #tpu.memory_space<vmem>>, vector<1x16xf32>,
      %add3A_342 = arith.constant 0 : i32
      %add3A_343 = arith.addi %add3A_342, %scan3A_90 : i32
      %get3A_344 = arith.index_cast %add3A_343 : i32 to index
      %get3A_345 = arith.constant 368 : index
      %get3A_346 = tpu.vector_load %arg7[%get3A_344, %get3A_345] {strides = array<i32>} : memref<77x768xf32, #tpu.memory_space<vmem>>, vector<1x16xf32>,
      %get3A_347 = vector.shape_cast %get3A_346 : vector<1x16xf32> to vector<16xf32>
      %swap3A_348 = arith.index_cast %scan3A_90 : i32 to index
      %swap3A_349 = arith.constant 368 : index
      %swap3A_350 = tpu.vector_load %arg8[%swap3A_348, %swap3A_349] {strides = array<i32>} : memref<40x768xf32, #tpu.memory_space<vmem>>, vector<1x16xf32>,
      %swap3A_351 = vector.shape_cast %swap3A_350 : vector<1x16xf32> to vector<16xf32>
      %swap3A_352 = vector.shape_cast %get3A_347 : vector<16xf32> to vector<1x16xf32>
      tpu.vector_store %arg8[%swap3A_348, %swap3A_349], %swap3A_352 {add = true, strides = array<i32>} : memref<40x768xf32, #tpu.memory_space<vmem>>, vector<1x16xf32>,
      %add3A_353 = arith.constant 0 : i32
      %add3A_354 = arith.addi %add3A_353, %scan3A_90 : i32
      %get3A_355 = arith.index_cast %add3A_354 : i32 to index
      %get3A_356 = arith.constant 384 : index
      %get3A_357 = tpu.vector_load %arg7[%get3A_355, %get3A_356] {strides = array<i32>} : memref<77x768xf32, #tpu.memory_space<vmem>>, vector<1x16xf32>,
      %get3A_358 = vector.shape_cast %get3A_357 : vector<1x16xf32> to vector<16xf32>
      %swap3A_359 = arith.index_cast %scan3A_90 : i32 to index
      %swap3A_360 = arith.constant 384 : index
      %swap3A_361 = tpu.vector_load %arg8[%swap3A_359, %swap3A_360] {strides = array<i32>} : memref<40x768xf32, #tpu.memory_space<vmem>>, vector<1x16xf32>,
      %swap3A_362 = vector.shape_cast %swap3A_361 : vector<1x16xf32> to vector<16xf32>
      %swap3A_363 = vector.shape_cast %get3A_358 : vector<16xf32> to vector<1x16xf32>
      tpu.vector_store %arg8[%swap3A_359, %swap3A_360], %swap3A_363 {add = true, strides = array<i32>} : memref<40x768xf32, #tpu.memory_space<vmem>>, vector<1x16xf32>,
      %add3A_364 = arith.constant 0 : i32
      %add3A_365 = arith.addi %add3A_364, %scan3A_90 : i32
      %get3A_366 = arith.index_cast %add3A_365 : i32 to index
      %get3A_367 = arith.constant 400 : index
      %get3A_368 = tpu.vector_load %arg7[%get3A_366, %get3A_367] {strides = array<i32>} : memref<77x768xf32, #tpu.memory_space<vmem>>, vector<1x16xf32>,
      %get3A_369 = vector.shape_cast %get3A_368 : vector<1x16xf32> to vector<16xf32>
      %swap3A_370 = arith.index_cast %scan3A_90 : i32 to index
      %swap3A_371 = arith.constant 400 : index
      %swap3A_372 = tpu.vector_load %arg8[%swap3A_370, %swap3A_371] {strides = array<i32>} : memref<40x768xf32, #tpu.memory_space<vmem>>, vector<1x16xf32>,
      %swap3A_373 = vector.shape_cast %swap3A_372 : vector<1x16xf32> to vector<16xf32>
      %swap3A_374 = vector.shape_cast %get3A_369 : vector<16xf32> to vector<1x16xf32>
      tpu.vector_store %arg8[%swap3A_370, %swap3A_371], %swap3A_374 {add = true, strides = array<i32>} : memref<40x768xf32, #tpu.memory_space<vmem>>, vector<1x16xf32>,
      %add3A_375 = arith.constant 0 : i32
      %add3A_376 = arith.addi %add3A_375, %scan3A_90 : i32
      %get3A_377 = arith.index_cast %add3A_376 : i32 to index
      %get3A_378 = arith.constant 416 : index
      %get3A_379 = tpu.vector_load %arg7[%get3A_377, %get3A_378] {strides = array<i32>} : memref<77x768xf32, #tpu.memory_space<vmem>>, vector<1x16xf32>,
      %get3A_380 = vector.shape_cast %get3A_379 : vector<1x16xf32> to vector<16xf32>
      %swap3A_381 = arith.index_cast %scan3A_90 : i32 to index
      %swap3A_382 = arith.constant 416 : index
      %swap3A_383 = tpu.vector_load %arg8[%swap3A_381, %swap3A_382] {strides = array<i32>} : memref<40x768xf32, #tpu.memory_space<vmem>>, vector<1x16xf32>,
      %swap3A_384 = vector.shape_cast %swap3A_383 : vector<1x16xf32> to vector<16xf32>
      %swap3A_385 = vector.shape_cast %get3A_380 : vector<16xf32> to vector<1x16xf32>
      tpu.vector_store %arg8[%swap3A_381, %swap3A_382], %swap3A_385 {add = true, strides = array<i32>} : memref<40x768xf32, #tpu.memory_space<vmem>>, vector<1x16xf32>,
      %add3A_386 = arith.constant 0 : i32
      %add3A_387 = arith.addi %add3A_386, %scan3A_90 : i32
      %get3A_388 = arith.index_cast %add3A_387 : i32 to index
      %get3A_389 = arith.constant 432 : index
      %get3A_390 = tpu.vector_load %arg7[%get3A_388, %get3A_389] {strides = array<i32>} : memref<77x768xf32, #tpu.memory_space<vmem>>, vector<1x16xf32>,
      %get3A_391 = vector.shape_cast %get3A_390 : vector<1x16xf32> to vector<16xf32>
      %swap3A_392 = arith.index_cast %scan3A_90 : i32 to index
      %swap3A_393 = arith.constant 432 : index
      %swap3A_394 = tpu.vector_load %arg8[%swap3A_392, %swap3A_393] {strides = array<i32>} : memref<40x768xf32, #tpu.memory_space<vmem>>, vector<1x16xf32>,
      %swap3A_395 = vector.shape_cast %swap3A_394 : vector<1x16xf32> to vector<16xf32>
      %swap3A_396 = vector.shape_cast %get3A_391 : vector<16xf32> to vector<1x16xf32>
      tpu.vector_store %arg8[%swap3A_392, %swap3A_393], %swap3A_396 {add = true, strides = array<i32>} : memref<40x768xf32, #tpu.memory_space<vmem>>, vector<1x16xf32>,
      %add3A_397 = arith.constant 0 : i32
      %add3A_398 = arith.addi %add3A_397, %scan3A_90 : i32
      %get3A_399 = arith.index_cast %add3A_398 : i32 to index
      %get3A_400 = arith.constant 448 : index
      %get3A_401 = tpu.vector_load %arg7[%get3A_399, %get3A_400] {strides = array<i32>} : memref<77x768xf32, #tpu.memory_space<vmem>>, vector<1x16xf32>,
      %get3A_402 = vector.shape_cast %get3A_401 : vector<1x16xf32> to vector<16xf32>
      %swap3A_403 = arith.index_cast %scan3A_90 : i32 to index
      %swap3A_404 = arith.constant 448 : index
      %swap3A_405 = tpu.vector_load %arg8[%swap3A_403, %swap3A_404] {strides = array<i32>} : memref<40x768xf32, #tpu.memory_space<vmem>>, vector<1x16xf32>,
      %swap3A_406 = vector.shape_cast %swap3A_405 : vector<1x16xf32> to vector<16xf32>
      %swap3A_407 = vector.shape_cast %get3A_402 : vector<16xf32> to vector<1x16xf32>
      tpu.vector_store %arg8[%swap3A_403, %swap3A_404], %swap3A_407 {add = true, strides = array<i32>} : memref<40x768xf32, #tpu.memory_space<vmem>>, vector<1x16xf32>,
      %add3A_408 = arith.constant 0 : i32
      %add3A_409 = arith.addi %add3A_408, %scan3A_90 : i32
      %get3A_410 = arith.index_cast %add3A_409 : i32 to index
      %get3A_411 = arith.constant 464 : index
      %get3A_412 = tpu.vector_load %arg7[%get3A_410, %get3A_411] {strides = array<i32>} : memref<77x768xf32, #tpu.memory_space<vmem>>, vector<1x16xf32>,
      %get3A_413 = vector.shape_cast %get3A_412 : vector<1x16xf32> to vector<16xf32>
      %swap3A_414 = arith.index_cast %scan3A_90 : i32 to index
      %swap3A_415 = arith.constant 464 : index
      %swap3A_416 = tpu.vector_load %arg8[%swap3A_414, %swap3A_415] {strides = array<i32>} : memref<40x768xf32, #tpu.memory_space<vmem>>, vector<1x16xf32>,
      %swap3A_417 = vector.shape_cast %swap3A_416 : vector<1x16xf32> to vector<16xf32>
      %swap3A_418 = vector.shape_cast %get3A_413 : vector<16xf32> to vector<1x16xf32>
      tpu.vector_store %arg8[%swap3A_414, %swap3A_415], %swap3A_418 {add = true, strides = array<i32>} : memref<40x768xf32, #tpu.memory_space<vmem>>, vector<1x16xf32>,
      %add3A_419 = arith.constant 0 : i32
      %add3A_420 = arith.addi %add3A_419, %scan3A_90 : i32
      %get3A_421 = arith.index_cast %add3A_420 : i32 to index
      %get3A_422 = arith.constant 480 : index
      %get3A_423 = tpu.vector_load %arg7[%get3A_421, %get3A_422] {strides = array<i32>} : memref<77x768xf32, #tpu.memory_space<vmem>>, vector<1x16xf32>,
      %get3A_424 = vector.shape_cast %get3A_423 : vector<1x16xf32> to vector<16xf32>
      %swap3A_425 = arith.index_cast %scan3A_90 : i32 to index
      %swap3A_426 = arith.constant 480 : index
      %swap3A_427 = tpu.vector_load %arg8[%swap3A_425, %swap3A_426] {strides = array<i32>} : memref<40x768xf32, #tpu.memory_space<vmem>>, vector<1x16xf32>,
      %swap3A_428 = vector.shape_cast %swap3A_427 : vector<1x16xf32> to vector<16xf32>
      %swap3A_429 = vector.shape_cast %get3A_424 : vector<16xf32> to vector<1x16xf32>
      tpu.vector_store %arg8[%swap3A_425, %swap3A_426], %swap3A_429 {add = true, strides = array<i32>} : memref<40x768xf32, #tpu.memory_space<vmem>>, vector<1x16xf32>,
      %add3A_430 = arith.constant 0 : i32
      %add3A_431 = arith.addi %add3A_430, %scan3A_90 : i32
      %get3A_432 = arith.index_cast %add3A_431 : i32 to index
      %get3A_433 = arith.constant 496 : index
      %get3A_434 = tpu.vector_load %arg7[%get3A_432, %get3A_433] {strides = array<i32>} : memref<77x768xf32, #tpu.memory_space<vmem>>, vector<1x16xf32>,
      %get3A_435 = vector.shape_cast %get3A_434 : vector<1x16xf32> to vector<16xf32>
      %swap3A_436 = arith.index_cast %scan3A_90 : i32 to index
      %swap3A_437 = arith.constant 496 : index
      %swap3A_438 = tpu.vector_load %arg8[%swap3A_436, %swap3A_437] {strides = array<i32>} : memref<40x768xf32, #tpu.memory_space<vmem>>, vector<1x16xf32>,
      %swap3A_439 = vector.shape_cast %swap3A_438 : vector<1x16xf32> to vector<16xf32>
      %swap3A_440 = vector.shape_cast %get3A_435 : vector<16xf32> to vector<1x16xf32>
      tpu.vector_store %arg8[%swap3A_436, %swap3A_437], %swap3A_440 {add = true, strides = array<i32>} : memref<40x768xf32, #tpu.memory_space<vmem>>, vector<1x16xf32>,
      %add3A_441 = arith.constant 0 : i32
      %add3A_442 = arith.addi %add3A_441, %scan3A_90 : i32
      %get3A_443 = arith.index_cast %add3A_442 : i32 to index
      %get3A_444 = arith.constant 512 : index
      %get3A_445 = tpu.vector_load %arg7[%get3A_443, %get3A_444] {strides = array<i32>} : memref<77x768xf32, #tpu.memory_space<vmem>>, vector<1x16xf32>,
      %get3A_446 = vector.shape_cast %get3A_445 : vector<1x16xf32> to vector<16xf32>
      %swap3A_447 = arith.index_cast %scan3A_90 : i32 to index
      %swap3A_448 = arith.constant 512 : index
      %swap3A_449 = tpu.vector_load %arg8[%swap3A_447, %swap3A_448] {strides = array<i32>} : memref<40x768xf32, #tpu.memory_space<vmem>>, vector<1x16xf32>,
      %swap3A_450 = vector.shape_cast %swap3A_449 : vector<1x16xf32> to vector<16xf32>
      %swap3A_451 = vector.shape_cast %get3A_446 : vector<16xf32> to vector<1x16xf32>
      tpu.vector_store %arg8[%swap3A_447, %swap3A_448], %swap3A_451 {add = true, strides = array<i32>} : memref<40x768xf32, #tpu.memory_space<vmem>>, vector<1x16xf32>,
      %add3A_452 = arith.constant 0 : i32
      %add3A_453 = arith.addi %add3A_452, %scan3A_90 : i32
      %get3A_454 = arith.index_cast %add3A_453 : i32 to index
      %get3A_455 = arith.constant 528 : index
      %get3A_456 = tpu.vector_load %arg7[%get3A_454, %get3A_455] {strides = array<i32>} : memref<77x768xf32, #tpu.memory_space<vmem>>, vector<1x16xf32>,
      %get3A_457 = vector.shape_cast %get3A_456 : vector<1x16xf32> to vector<16xf32>
      %swap3A_458 = arith.index_cast %scan3A_90 : i32 to index
      %swap3A_459 = arith.constant 528 : index
      %swap3A_460 = tpu.vector_load %arg8[%swap3A_458, %swap3A_459] {strides = array<i32>} : memref<40x768xf32, #tpu.memory_space<vmem>>, vector<1x16xf32>,
      %swap3A_461 = vector.shape_cast %swap3A_460 : vector<1x16xf32> to vector<16xf32>
      %swap3A_462 = vector.shape_cast %get3A_457 : vector<16xf32> to vector<1x16xf32>
      tpu.vector_store %arg8[%swap3A_458, %swap3A_459], %swap3A_462 {add = true, strides = array<i32>} : memref<40x768xf32, #tpu.memory_space<vmem>>, vector<1x16xf32>,
      %add3A_463 = arith.constant 0 : i32
      %add3A_464 = arith.addi %add3A_463, %scan3A_90 : i32
      %get3A_465 = arith.index_cast %add3A_464 : i32 to index
      %get3A_466 = arith.constant 544 : index
      %get3A_467 = tpu.vector_load %arg7[%get3A_465, %get3A_466] {strides = array<i32>} : memref<77x768xf32, #tpu.memory_space<vmem>>, vector<1x16xf32>,
      %get3A_468 = vector.shape_cast %get3A_467 : vector<1x16xf32> to vector<16xf32>
      %swap3A_469 = arith.index_cast %scan3A_90 : i32 to index
      %swap3A_470 = arith.constant 544 : index
      %swap3A_471 = tpu.vector_load %arg8[%swap3A_469, %swap3A_470] {strides = array<i32>} : memref<40x768xf32, #tpu.memory_space<vmem>>, vector<1x16xf32>,
      %swap3A_472 = vector.shape_cast %swap3A_471 : vector<1x16xf32> to vector<16xf32>
      %swap3A_473 = vector.shape_cast %get3A_468 : vector<16xf32> to vector<1x16xf32>
      tpu.vector_store %arg8[%swap3A_469, %swap3A_470], %swap3A_473 {add = true, strides = array<i32>} : memref<40x768xf32, #tpu.memory_space<vmem>>, vector<1x16xf32>,
      %add3A_474 = arith.constant 0 : i32
      %add3A_475 = arith.addi %add3A_474, %scan3A_90 : i32
      %get3A_476 = arith.index_cast %add3A_475 : i32 to index
      %get3A_477 = arith.constant 560 : index
      %get3A_478 = tpu.vector_load %arg7[%get3A_476, %get3A_477] {strides = array<i32>} : memref<77x768xf32, #tpu.memory_space<vmem>>, vector<1x16xf32>,
      %get3A_479 = vector.shape_cast %get3A_478 : vector<1x16xf32> to vector<16xf32>
      %swap3A_480 = arith.index_cast %scan3A_90 : i32 to index
      %swap3A_481 = arith.constant 560 : index
      %swap3A_482 = tpu.vector_load %arg8[%swap3A_480, %swap3A_481] {strides = array<i32>} : memref<40x768xf32, #tpu.memory_space<vmem>>, vector<1x16xf32>,
      %swap3A_483 = vector.shape_cast %swap3A_482 : vector<1x16xf32> to vector<16xf32>
      %swap3A_484 = vector.shape_cast %get3A_479 : vector<16xf32> to vector<1x16xf32>
      tpu.vector_store %arg8[%swap3A_480, %swap3A_481], %swap3A_484 {add = true, strides = array<i32>} : memref<40x768xf32, #tpu.memory_space<vmem>>, vector<1x16xf32>,
      %add3A_485 = arith.constant 0 : i32
      %add3A_486 = arith.addi %add3A_485, %scan3A_90 : i32
      %get3A_487 = arith.index_cast %add3A_486 : i32 to index
      %get3A_488 = arith.constant 576 : index
      %get3A_489 = tpu.vector_load %arg7[%get3A_487, %get3A_488] {strides = array<i32>} : memref<77x768xf32, #tpu.memory_space<vmem>>, vector<1x16xf32>,
      %get3A_490 = vector.shape_cast %get3A_489 : vector<1x16xf32> to vector<16xf32>
      %swap3A_491 = arith.index_cast %scan3A_90 : i32 to index
      %swap3A_492 = arith.constant 576 : index
      %swap3A_493 = tpu.vector_load %arg8[%swap3A_491, %swap3A_492] {strides = array<i32>} : memref<40x768xf32, #tpu.memory_space<vmem>>, vector<1x16xf32>,
      %swap3A_494 = vector.shape_cast %swap3A_493 : vector<1x16xf32> to vector<16xf32>
      %swap3A_495 = vector.shape_cast %get3A_490 : vector<16xf32> to vector<1x16xf32>
      tpu.vector_store %arg8[%swap3A_491, %swap3A_492], %swap3A_495 {add = true, strides = array<i32>} : memref<40x768xf32, #tpu.memory_space<vmem>>, vector<1x16xf32>,
      %add3A_496 = arith.constant 0 : i32
      %add3A_497 = arith.addi %add3A_496, %scan3A_90 : i32
      %get3A_498 = arith.index_cast %add3A_497 : i32 to index
      %get3A_499 = arith.constant 592 : index
      %get3A_500 = tpu.vector_load %arg7[%get3A_498, %get3A_499] {strides = array<i32>} : memref<77x768xf32, #tpu.memory_space<vmem>>, vector<1x16xf32>,
      %get3A_501 = vector.shape_cast %get3A_500 : vector<1x16xf32> to vector<16xf32>
      %swap3A_502 = arith.index_cast %scan3A_90 : i32 to index
      %swap3A_503 = arith.constant 592 : index
      %swap3A_504 = tpu.vector_load %arg8[%swap3A_502, %swap3A_503] {strides = array<i32>} : memref<40x768xf32, #tpu.memory_space<vmem>>, vector<1x16xf32>,
      %swap3A_505 = vector.shape_cast %swap3A_504 : vector<1x16xf32> to vector<16xf32>
      %swap3A_506 = vector.shape_cast %get3A_501 : vector<16xf32> to vector<1x16xf32>
      tpu.vector_store %arg8[%swap3A_502, %swap3A_503], %swap3A_506 {add = true, strides = array<i32>} : memref<40x768xf32, #tpu.memory_space<vmem>>, vector<1x16xf32>,
      %add3A_507 = arith.constant 0 : i32
      %add3A_508 = arith.addi %add3A_507, %scan3A_90 : i32
      %get3A_509 = arith.index_cast %add3A_508 : i32 to index
      %get3A_510 = arith.constant 608 : index
      %get3A_511 = tpu.vector_load %arg7[%get3A_509, %get3A_510] {strides = array<i32>} : memref<77x768xf32, #tpu.memory_space<vmem>>, vector<1x16xf32>,
      %get3A_512 = vector.shape_cast %get3A_511 : vector<1x16xf32> to vector<16xf32>
      %swap3A_513 = arith.index_cast %scan3A_90 : i32 to index
      %swap3A_514 = arith.constant 608 : index
      %swap3A_515 = tpu.vector_load %arg8[%swap3A_513, %swap3A_514] {strides = array<i32>} : memref<40x768xf32, #tpu.memory_space<vmem>>, vector<1x16xf32>,
      %swap3A_516 = vector.shape_cast %swap3A_515 : vector<1x16xf32> to vector<16xf32>
      %swap3A_517 = vector.shape_cast %get3A_512 : vector<16xf32> to vector<1x16xf32>
      tpu.vector_store %arg8[%swap3A_513, %swap3A_514], %swap3A_517 {add = true, strides = array<i32>} : memref<40x768xf32, #tpu.memory_space<vmem>>, vector<1x16xf32>,
      %add3A_518 = arith.constant 0 : i32
      %add3A_519 = arith.addi %add3A_518, %scan3A_90 : i32
      %get3A_520 = arith.index_cast %add3A_519 : i32 to index
      %get3A_521 = arith.constant 624 : index
      %get3A_522 = tpu.vector_load %arg7[%get3A_520, %get3A_521] {strides = array<i32>} : memref<77x768xf32, #tpu.memory_space<vmem>>, vector<1x16xf32>,
      %get3A_523 = vector.shape_cast %get3A_522 : vector<1x16xf32> to vector<16xf32>
      %swap3A_524 = arith.index_cast %scan3A_90 : i32 to index
      %swap3A_525 = arith.constant 624 : index
      %swap3A_526 = tpu.vector_load %arg8[%swap3A_524, %swap3A_525] {strides = array<i32>} : memref<40x768xf32, #tpu.memory_space<vmem>>, vector<1x16xf32>,
      %swap3A_527 = vector.shape_cast %swap3A_526 : vector<1x16xf32> to vector<16xf32>
      %swap3A_528 = vector.shape_cast %get3A_523 : vector<16xf32> to vector<1x16xf32>
      tpu.vector_store %arg8[%swap3A_524, %swap3A_525], %swap3A_528 {add = true, strides = array<i32>} : memref<40x768xf32, #tpu.memory_space<vmem>>, vector<1x16xf32>,
      %add3A_529 = arith.constant 0 : i32
      %add3A_530 = arith.addi %add3A_529, %scan3A_90 : i32
      %get3A_531 = arith.index_cast %add3A_530 : i32 to index
      %get3A_532 = arith.constant 640 : index
      %get3A_533 = tpu.vector_load %arg7[%get3A_531, %get3A_532] {strides = array<i32>} : memref<77x768xf32, #tpu.memory_space<vmem>>, vector<1x16xf32>,
      %get3A_534 = vector.shape_cast %get3A_533 : vector<1x16xf32> to vector<16xf32>
      %swap3A_535 = arith.index_cast %scan3A_90 : i32 to index
      %swap3A_536 = arith.constant 640 : index
      %swap3A_537 = tpu.vector_load %arg8[%swap3A_535, %swap3A_536] {strides = array<i32>} : memref<40x768xf32, #tpu.memory_space<vmem>>, vector<1x16xf32>,
      %swap3A_538 = vector.shape_cast %swap3A_537 : vector<1x16xf32> to vector<16xf32>
      %swap3A_539 = vector.shape_cast %get3A_534 : vector<16xf32> to vector<1x16xf32>
      tpu.vector_store %arg8[%swap3A_535, %swap3A_536], %swap3A_539 {add = true, strides = array<i32>} : memref<40x768xf32, #tpu.memory_space<vmem>>, vector<1x16xf32>,
      %add3A_540 = arith.constant 0 : i32
      %add3A_541 = arith.addi %add3A_540, %scan3A_90 : i32
      %get3A_542 = arith.index_cast %add3A_541 : i32 to index
      %get3A_543 = arith.constant 656 : index
      %get3A_544 = tpu.vector_load %arg7[%get3A_542, %get3A_543] {strides = array<i32>} : memref<77x768xf32, #tpu.memory_space<vmem>>, vector<1x16xf32>,
      %get3A_545 = vector.shape_cast %get3A_544 : vector<1x16xf32> to vector<16xf32>
      %swap3A_546 = arith.index_cast %scan3A_90 : i32 to index
      %swap3A_547 = arith.constant 656 : index
      %swap3A_548 = tpu.vector_load %arg8[%swap3A_546, %swap3A_547] {strides = array<i32>} : memref<40x768xf32, #tpu.memory_space<vmem>>, vector<1x16xf32>,
      %swap3A_549 = vector.shape_cast %swap3A_548 : vector<1x16xf32> to vector<16xf32>
      %swap3A_550 = vector.shape_cast %get3A_545 : vector<16xf32> to vector<1x16xf32>
      tpu.vector_store %arg8[%swap3A_546, %swap3A_547], %swap3A_550 {add = true, strides = array<i32>} : memref<40x768xf32, #tpu.memory_space<vmem>>, vector<1x16xf32>,
      %add3A_551 = arith.constant 0 : i32
      %add3A_552 = arith.addi %add3A_551, %scan3A_90 : i32
      %get3A_553 = arith.index_cast %add3A_552 : i32 to index
      %get3A_554 = arith.constant 672 : index
      %get3A_555 = tpu.vector_load %arg7[%get3A_553, %get3A_554] {strides = array<i32>} : memref<77x768xf32, #tpu.memory_space<vmem>>, vector<1x16xf32>,
      %get3A_556 = vector.shape_cast %get3A_555 : vector<1x16xf32> to vector<16xf32>
      %swap3A_557 = arith.index_cast %scan3A_90 : i32 to index
      %swap3A_558 = arith.constant 672 : index
      %swap3A_559 = tpu.vector_load %arg8[%swap3A_557, %swap3A_558] {strides = array<i32>} : memref<40x768xf32, #tpu.memory_space<vmem>>, vector<1x16xf32>,
      %swap3A_560 = vector.shape_cast %swap3A_559 : vector<1x16xf32> to vector<16xf32>
      %swap3A_561 = vector.shape_cast %get3A_556 : vector<16xf32> to vector<1x16xf32>
      tpu.vector_store %arg8[%swap3A_557, %swap3A_558], %swap3A_561 {add = true, strides = array<i32>} : memref<40x768xf32, #tpu.memory_space<vmem>>, vector<1x16xf32>,
      %add3A_562 = arith.constant 0 : i32
      %add3A_563 = arith.addi %add3A_562, %scan3A_90 : i32
      %get3A_564 = arith.index_cast %add3A_563 : i32 to index
      %get3A_565 = arith.constant 688 : index
      %get3A_566 = tpu.vector_load %arg7[%get3A_564, %get3A_565] {strides = array<i32>} : memref<77x768xf32, #tpu.memory_space<vmem>>, vector<1x16xf32>,
      %get3A_567 = vector.shape_cast %get3A_566 : vector<1x16xf32> to vector<16xf32>
      %swap3A_568 = arith.index_cast %scan3A_90 : i32 to index
      %swap3A_569 = arith.constant 688 : index
      %swap3A_570 = tpu.vector_load %arg8[%swap3A_568, %swap3A_569] {strides = array<i32>} : memref<40x768xf32, #tpu.memory_space<vmem>>, vector<1x16xf32>,
      %swap3A_571 = vector.shape_cast %swap3A_570 : vector<1x16xf32> to vector<16xf32>
      %swap3A_572 = vector.shape_cast %get3A_567 : vector<16xf32> to vector<1x16xf32>
      tpu.vector_store %arg8[%swap3A_568, %swap3A_569], %swap3A_572 {add = true, strides = array<i32>} : memref<40x768xf32, #tpu.memory_space<vmem>>, vector<1x16xf32>,
      %add3A_573 = arith.constant 0 : i32
      %add3A_574 = arith.addi %add3A_573, %scan3A_90 : i32
      %get3A_575 = arith.index_cast %add3A_574 : i32 to index
      %get3A_576 = arith.constant 704 : index
      %get3A_577 = tpu.vector_load %arg7[%get3A_575, %get3A_576] {strides = array<i32>} : memref<77x768xf32, #tpu.memory_space<vmem>>, vector<1x16xf32>,
      %get3A_578 = vector.shape_cast %get3A_577 : vector<1x16xf32> to vector<16xf32>
      %swap3A_579 = arith.index_cast %scan3A_90 : i32 to index
      %swap3A_580 = arith.constant 704 : index
      %swap3A_581 = tpu.vector_load %arg8[%swap3A_579, %swap3A_580] {strides = array<i32>} : memref<40x768xf32, #tpu.memory_space<vmem>>, vector<1x16xf32>,
      %swap3A_582 = vector.shape_cast %swap3A_581 : vector<1x16xf32> to vector<16xf32>
      %swap3A_583 = vector.shape_cast %get3A_578 : vector<16xf32> to vector<1x16xf32>
      tpu.vector_store %arg8[%swap3A_579, %swap3A_580], %swap3A_583 {add = true, strides = array<i32>} : memref<40x768xf32, #tpu.memory_space<vmem>>, vector<1x16xf32>,
      %add3A_584 = arith.constant 0 : i32
      %add3A_585 = arith.addi %add3A_584, %scan3A_90 : i32
      %get3A_586 = arith.index_cast %add3A_585 : i32 to index
      %get3A_587 = arith.constant 720 : index
      %get3A_588 = tpu.vector_load %arg7[%get3A_586, %get3A_587] {strides = array<i32>} : memref<77x768xf32, #tpu.memory_space<vmem>>, vector<1x16xf32>,
      %get3A_589 = vector.shape_cast %get3A_588 : vector<1x16xf32> to vector<16xf32>
      %swap3A_590 = arith.index_cast %scan3A_90 : i32 to index
      %swap3A_591 = arith.constant 720 : index
      %swap3A_592 = tpu.vector_load %arg8[%swap3A_590, %swap3A_591] {strides = array<i32>} : memref<40x768xf32, #tpu.memory_space<vmem>>, vector<1x16xf32>,
      %swap3A_593 = vector.shape_cast %swap3A_592 : vector<1x16xf32> to vector<16xf32>
      %swap3A_594 = vector.shape_cast %get3A_589 : vector<16xf32> to vector<1x16xf32>
      tpu.vector_store %arg8[%swap3A_590, %swap3A_591], %swap3A_594 {add = true, strides = array<i32>} : memref<40x768xf32, #tpu.memory_space<vmem>>, vector<1x16xf32>,
      %add3A_595 = arith.constant 0 : i32
      %add3A_596 = arith.addi %add3A_595, %scan3A_90 : i32
      %get3A_597 = arith.index_cast %add3A_596 : i32 to index
      %get3A_598 = arith.constant 736 : index
      %get3A_599 = tpu.vector_load %arg7[%get3A_597, %get3A_598] {strides = array<i32>} : memref<77x768xf32, #tpu.memory_space<vmem>>, vector<1x16xf32>,
      %get3A_600 = vector.shape_cast %get3A_599 : vector<1x16xf32> to vector<16xf32>
      %swap3A_601 = arith.index_cast %scan3A_90 : i32 to index
      %swap3A_602 = arith.constant 736 : index
      %swap3A_603 = tpu.vector_load %arg8[%swap3A_601, %swap3A_602] {strides = array<i32>} : memref<40x768xf32, #tpu.memory_space<vmem>>, vector<1x16xf32>,
      %swap3A_604 = vector.shape_cast %swap3A_603 : vector<1x16xf32> to vector<16xf32>
      %swap3A_605 = vector.shape_cast %get3A_600 : vector<16xf32> to vector<1x16xf32>
      tpu.vector_store %arg8[%swap3A_601, %swap3A_602], %swap3A_605 {add = true, strides = array<i32>} : memref<40x768xf32, #tpu.memory_space<vmem>>, vector<1x16xf32>,
      %add3A_606 = arith.constant 0 : i32
      %add3A_607 = arith.addi %add3A_606, %scan3A_90 : i32
      %get3A_608 = arith.index_cast %add3A_607 : i32 to index
      %get3A_609 = arith.constant 752 : index
      %get3A_610 = tpu.vector_load %arg7[%get3A_608, %get3A_609] {strides = array<i32>} : memref<77x768xf32, #tpu.memory_space<vmem>>, vector<1x16xf32>,
      %get3A_611 = vector.shape_cast %get3A_610 : vector<1x16xf32> to vector<16xf32>
      %swap3A_612 = arith.index_cast %scan3A_90 : i32 to index
      %swap3A_613 = arith.constant 752 : index
      %swap3A_614 = tpu.vector_load %arg8[%swap3A_612, %swap3A_613] {strides = array<i32>} : memref<40x768xf32, #tpu.memory_space<vmem>>, vector<1x16xf32>,
      %swap3A_615 = vector.shape_cast %swap3A_614 : vector<1x16xf32> to vector<16xf32>
      %swap3A_616 = vector.shape_cast %get3A_611 : vector<16xf32> to vector<1x16xf32>
      tpu.vector_store %arg8[%swap3A_612, %swap3A_613], %swap3A_616 {add = true, strides = array<i32>} : memref<40x768xf32, #tpu.memory_space<vmem>>, vector<1x16xf32>,
    }
    %scan3A_37 = arith.constant 40 : i32
    %mul3A_38 = arith.constant 0 : i32
    %mul3A_39 = arith.muli %add3A, %mul3A_38 : i32
    %add3A_40 = arith.constant 0 : i32
    %add3A_41 = arith.addi %add3A_40, %mul3A_39 : i32
    %multiple_of3A = tpu.assume_multiple %add3A_41, 40 : i32
    %add3A_42 = arith.constant 31 : i32
    %add3A_43 = arith.addi %mul3A_2, %add3A_42 : i32
    %dma_start3A_44 = arith.constant 0 : i32
    %dma_start3A_45 = tpu.memref_slice %arg5[%add3A_43, %multiple_of3A, %dma_start3A_44] : memref<1024x77x768xf32, #tpu.memory_space<hbm>> -> memref<1x40x768xf32, #tpu.memory_space<hbm>>
    %dma_start3A_46 = tpu.memref_squeeze %dma_start3A_45 : memref<1x40x768xf32, #tpu.memory_space<hbm>> -> memref<40x768xf32, #tpu.memory_space<hbm>>
    %dma_start3A_47 = arith.constant 0 : i32
    %dma_start3A_48 = tpu.memref_slice %arg5[%add3A_43, %multiple_of3A, %dma_start3A_47] : memref<1024x77x768xf32, #tpu.memory_space<hbm>> -> memref<1x40x768xf32, #tpu.memory_space<hbm>>
    %dma_start3A_49 = tpu.memref_squeeze %dma_start3A_48 : memref<1x40x768xf32, #tpu.memory_space<hbm>> -> memref<40x768xf32, #tpu.memory_space<hbm>>
    tpu.enqueue_dma source(%arg8 : memref<40x768xf32, #tpu.memory_space<vmem>>) target(%dma_start3A_49 : memref<40x768xf32, #tpu.memory_space<hbm>>) target_semaphore(%arg12 : memref<!tpu.dma_semaphore, #tpu.memory_space<semaphore_mem>>)
    %dma_wait3A_50 = arith.constant 0 : i32
    %dma_wait3A_51 = arith.constant 0 : i32
    %dma_wait3A_52 = tpu.memref_slice %arg3[%dma_wait3A_50, %dma_wait3A_51] : memref<49408x768xf32, #tpu.memory_space<hbm>> -> memref<40x768xf32, #tpu.memory_space<hbm>>
    %dma_wait3A_53 = arith.constant 0 : i32
    %dma_wait3A_54 = arith.constant 0 : i32
    %dma_wait3A_55 = tpu.memref_slice %arg3[%dma_wait3A_53, %dma_wait3A_54] : memref<49408x768xf32, #tpu.memory_space<hbm>> -> memref<40x768xf32, #tpu.memory_space<hbm>>
    tpu.wait_dma2 semaphore(%arg11 : memref<!tpu.dma_semaphore, #tpu.memory_space<semaphore_mem>>) src(%dma_wait3A_55 : memref<40x768xf32, #tpu.memory_space<hbm>>) dst(%arg9 : memref<40x768xf32, #tpu.memory_space<vmem>>)
    %scan3A_56 = arith.constant 0 : i32
    %scan3A_57 = arith.constant 37 : i32
    %scan3A_58 = arith.addi %scan3A_56, %scan3A_57 : i32
    %scan3A_59 = arith.constant 1 : i32
    scf.for %scan3A_90 = %scan3A_56 to %scan3A_58 step %scan3A_59  : i32 {
      %add3A_91 = arith.constant 40 : i32
      %add3A_92 = arith.addi %add3A_91, %scan3A_90 : i32
      %get3A = arith.index_cast %add3A_92 : i32 to index
      %get3A_93 = arith.constant 0 : index
      %get3A_94 = tpu.vector_load %arg7[%get3A, %get3A_93] {strides = array<i32>} : memref<77x768xf32, #tpu.memory_space<vmem>>, vector<1x16xf32>,
      %get3A_95 = vector.shape_cast %get3A_94 : vector<1x16xf32> to vector<16xf32>
      %swap3A = arith.index_cast %scan3A_90 : i32 to index
      %swap3A_96 = arith.constant 0 : index
      %swap3A_97 = tpu.vector_load %arg9[%swap3A, %swap3A_96] {strides = array<i32>} : memref<40x768xf32, #tpu.memory_space<vmem>>, vector<1x16xf32>,
      %swap3A_98 = vector.shape_cast %swap3A_97 : vector<1x16xf32> to vector<16xf32>
      %swap3A_99 = vector.shape_cast %get3A_95 : vector<16xf32> to vector<1x16xf32>
      tpu.vector_store %arg9[%swap3A, %swap3A_96], %swap3A_99 {add = true, strides = array<i32>} : memref<40x768xf32, #tpu.memory_space<vmem>>, vector<1x16xf32>,
      %add3A_100 = arith.constant 40 : i32
      %add3A_101 = arith.addi %add3A_100, %scan3A_90 : i32
      %get3A_102 = arith.index_cast %add3A_101 : i32 to index
      %get3A_103 = arith.constant 16 : index
      %get3A_104 = tpu.vector_load %arg7[%get3A_102, %get3A_103] {strides = array<i32>} : memref<77x768xf32, #tpu.memory_space<vmem>>, vector<1x16xf32>,
      %get3A_105 = vector.shape_cast %get3A_104 : vector<1x16xf32> to vector<16xf32>
      %swap3A_106 = arith.index_cast %scan3A_90 : i32 to index
      %swap3A_107 = arith.constant 16 : index
      %swap3A_108 = tpu.vector_load %arg9[%swap3A_106, %swap3A_107] {strides = array<i32>} : memref<40x768xf32, #tpu.memory_space<vmem>>, vector<1x16xf32>,
      %swap3A_109 = vector.shape_cast %swap3A_108 : vector<1x16xf32> to vector<16xf32>
      %swap3A_110 = vector.shape_cast %get3A_105 : vector<16xf32> to vector<1x16xf32>
      tpu.vector_store %arg9[%swap3A_106, %swap3A_107], %swap3A_110 {add = true, strides = array<i32>} : memref<40x768xf32, #tpu.memory_space<vmem>>, vector<1x16xf32>,
      %add3A_111 = arith.constant 40 : i32
      %add3A_112 = arith.addi %add3A_111, %scan3A_90 : i32
      %get3A_113 = arith.index_cast %add3A_112 : i32 to index
      %get3A_114 = arith.constant 32 : index
      %get3A_115 = tpu.vector_load %arg7[%get3A_113, %get3A_114] {strides = array<i32>} : memref<77x768xf32, #tpu.memory_space<vmem>>, vector<1x16xf32>,
      %get3A_116 = vector.shape_cast %get3A_115 : vector<1x16xf32> to vector<16xf32>
      %swap3A_117 = arith.index_cast %scan3A_90 : i32 to index
      %swap3A_118 = arith.constant 32 : index
      %swap3A_119 = tpu.vector_load %arg9[%swap3A_117, %swap3A_118] {strides = array<i32>} : memref<40x768xf32, #tpu.memory_space<vmem>>, vector<1x16xf32>,
      %swap3A_120 = vector.shape_cast %swap3A_119 : vector<1x16xf32> to vector<16xf32>
      %swap3A_121 = vector.shape_cast %get3A_116 : vector<16xf32> to vector<1x16xf32>
      tpu.vector_store %arg9[%swap3A_117, %swap3A_118], %swap3A_121 {add = true, strides = array<i32>} : memref<40x768xf32, #tpu.memory_space<vmem>>, vector<1x16xf32>,
      %add3A_122 = arith.constant 40 : i32
      %add3A_123 = arith.addi %add3A_122, %scan3A_90 : i32
      %get3A_124 = arith.index_cast %add3A_123 : i32 to index
      %get3A_125 = arith.constant 48 : index
      %get3A_126 = tpu.vector_load %arg7[%get3A_124, %get3A_125] {strides = array<i32>} : memref<77x768xf32, #tpu.memory_space<vmem>>, vector<1x16xf32>,
      %get3A_127 = vector.shape_cast %get3A_126 : vector<1x16xf32> to vector<16xf32>
      %swap3A_128 = arith.index_cast %scan3A_90 : i32 to index
      %swap3A_129 = arith.constant 48 : index
      %swap3A_130 = tpu.vector_load %arg9[%swap3A_128, %swap3A_129] {strides = array<i32>} : memref<40x768xf32, #tpu.memory_space<vmem>>, vector<1x16xf32>,
      %swap3A_131 = vector.shape_cast %swap3A_130 : vector<1x16xf32> to vector<16xf32>
      %swap3A_132 = vector.shape_cast %get3A_127 : vector<16xf32> to vector<1x16xf32>
      tpu.vector_store %arg9[%swap3A_128, %swap3A_129], %swap3A_132 {add = true, strides = array<i32>} : memref<40x768xf32, #tpu.memory_space<vmem>>, vector<1x16xf32>,
      %add3A_133 = arith.constant 40 : i32
      %add3A_134 = arith.addi %add3A_133, %scan3A_90 : i32
      %get3A_135 = arith.index_cast %add3A_134 : i32 to index
      %get3A_136 = arith.constant 64 : index
      %get3A_137 = tpu.vector_load %arg7[%get3A_135, %get3A_136] {strides = array<i32>} : memref<77x768xf32, #tpu.memory_space<vmem>>, vector<1x16xf32>,
      %get3A_138 = vector.shape_cast %get3A_137 : vector<1x16xf32> to vector<16xf32>
      %swap3A_139 = arith.index_cast %scan3A_90 : i32 to index
      %swap3A_140 = arith.constant 64 : index
      %swap3A_141 = tpu.vector_load %arg9[%swap3A_139, %swap3A_140] {strides = array<i32>} : memref<40x768xf32, #tpu.memory_space<vmem>>, vector<1x16xf32>,
      %swap3A_142 = vector.shape_cast %swap3A_141 : vector<1x16xf32> to vector<16xf32>
      %swap3A_143 = vector.shape_cast %get3A_138 : vector<16xf32> to vector<1x16xf32>
      tpu.vector_store %arg9[%swap3A_139, %swap3A_140], %swap3A_143 {add = true, strides = array<i32>} : memref<40x768xf32, #tpu.memory_space<vmem>>, vector<1x16xf32>,
      %add3A_144 = arith.constant 40 : i32
      %add3A_145 = arith.addi %add3A_144, %scan3A_90 : i32
      %get3A_146 = arith.index_cast %add3A_145 : i32 to index
      %get3A_147 = arith.constant 80 : index
      %get3A_148 = tpu.vector_load %arg7[%get3A_146, %get3A_147] {strides = array<i32>} : memref<77x768xf32, #tpu.memory_space<vmem>>, vector<1x16xf32>,
      %get3A_149 = vector.shape_cast %get3A_148 : vector<1x16xf32> to vector<16xf32>
      %swap3A_150 = arith.index_cast %scan3A_90 : i32 to index
      %swap3A_151 = arith.constant 80 : index
      %swap3A_152 = tpu.vector_load %arg9[%swap3A_150, %swap3A_151] {strides = array<i32>} : memref<40x768xf32, #tpu.memory_space<vmem>>, vector<1x16xf32>,
      %swap3A_153 = vector.shape_cast %swap3A_152 : vector<1x16xf32> to vector<16xf32>
      %swap3A_154 = vector.shape_cast %get3A_149 : vector<16xf32> to vector<1x16xf32>
      tpu.vector_store %arg9[%swap3A_150, %swap3A_151], %swap3A_154 {add = true, strides = array<i32>} : memref<40x768xf32, #tpu.memory_space<vmem>>, vector<1x16xf32>,
      %add3A_155 = arith.constant 40 : i32
      %add3A_156 = arith.addi %add3A_155, %scan3A_90 : i32
      %get3A_157 = arith.index_cast %add3A_156 : i32 to index
      %get3A_158 = arith.constant 96 : index
      %get3A_159 = tpu.vector_load %arg7[%get3A_157, %get3A_158] {strides = array<i32>} : memref<77x768xf32, #tpu.memory_space<vmem>>, vector<1x16xf32>,
      %get3A_160 = vector.shape_cast %get3A_159 : vector<1x16xf32> to vector<16xf32>
      %swap3A_161 = arith.index_cast %scan3A_90 : i32 to index
      %swap3A_162 = arith.constant 96 : index
      %swap3A_163 = tpu.vector_load %arg9[%swap3A_161, %swap3A_162] {strides = array<i32>} : memref<40x768xf32, #tpu.memory_space<vmem>>, vector<1x16xf32>,
      %swap3A_164 = vector.shape_cast %swap3A_163 : vector<1x16xf32> to vector<16xf32>
      %swap3A_165 = vector.shape_cast %get3A_160 : vector<16xf32> to vector<1x16xf32>
      tpu.vector_store %arg9[%swap3A_161, %swap3A_162], %swap3A_165 {add = true, strides = array<i32>} : memref<40x768xf32, #tpu.memory_space<vmem>>, vector<1x16xf32>,
      %add3A_166 = arith.constant 40 : i32
      %add3A_167 = arith.addi %add3A_166, %scan3A_90 : i32
      %get3A_168 = arith.index_cast %add3A_167 : i32 to index
      %get3A_169 = arith.constant 112 : index
      %get3A_170 = tpu.vector_load %arg7[%get3A_168, %get3A_169] {strides = array<i32>} : memref<77x768xf32, #tpu.memory_space<vmem>>, vector<1x16xf32>,
      %get3A_171 = vector.shape_cast %get3A_170 : vector<1x16xf32> to vector<16xf32>
      %swap3A_172 = arith.index_cast %scan3A_90 : i32 to index
      %swap3A_173 = arith.constant 112 : index
      %swap3A_174 = tpu.vector_load %arg9[%swap3A_172, %swap3A_173] {strides = array<i32>} : memref<40x768xf32, #tpu.memory_space<vmem>>, vector<1x16xf32>,
      %swap3A_175 = vector.shape_cast %swap3A_174 : vector<1x16xf32> to vector<16xf32>
      %swap3A_176 = vector.shape_cast %get3A_171 : vector<16xf32> to vector<1x16xf32>
      tpu.vector_store %arg9[%swap3A_172, %swap3A_173], %swap3A_176 {add = true, strides = array<i32>} : memref<40x768xf32, #tpu.memory_space<vmem>>, vector<1x16xf32>,
      %add3A_177 = arith.constant 40 : i32
      %add3A_178 = arith.addi %add3A_177, %scan3A_90 : i32
      %get3A_179 = arith.index_cast %add3A_178 : i32 to index
      %get3A_180 = arith.constant 128 : index
      %get3A_181 = tpu.vector_load %arg7[%get3A_179, %get3A_180] {strides = array<i32>} : memref<77x768xf32, #tpu.memory_space<vmem>>, vector<1x16xf32>,
      %get3A_182 = vector.shape_cast %get3A_181 : vector<1x16xf32> to vector<16xf32>
      %swap3A_183 = arith.index_cast %scan3A_90 : i32 to index
      %swap3A_184 = arith.constant 128 : index
      %swap3A_185 = tpu.vector_load %arg9[%swap3A_183, %swap3A_184] {strides = array<i32>} : memref<40x768xf32, #tpu.memory_space<vmem>>, vector<1x16xf32>,
      %swap3A_186 = vector.shape_cast %swap3A_185 : vector<1x16xf32> to vector<16xf32>
      %swap3A_187 = vector.shape_cast %get3A_182 : vector<16xf32> to vector<1x16xf32>
      tpu.vector_store %arg9[%swap3A_183, %swap3A_184], %swap3A_187 {add = true, strides = array<i32>} : memref<40x768xf32, #tpu.memory_space<vmem>>, vector<1x16xf32>,
      %add3A_188 = arith.constant 40 : i32
      %add3A_189 = arith.addi %add3A_188, %scan3A_90 : i32
      %get3A_190 = arith.index_cast %add3A_189 : i32 to index
      %get3A_191 = arith.constant 144 : index
      %get3A_192 = tpu.vector_load %arg7[%get3A_190, %get3A_191] {strides = array<i32>} : memref<77x768xf32, #tpu.memory_space<vmem>>, vector<1x16xf32>,
      %get3A_193 = vector.shape_cast %get3A_192 : vector<1x16xf32> to vector<16xf32>
      %swap3A_194 = arith.index_cast %scan3A_90 : i32 to index
      %swap3A_195 = arith.constant 144 : index
      %swap3A_196 = tpu.vector_load %arg9[%swap3A_194, %swap3A_195] {strides = array<i32>} : memref<40x768xf32, #tpu.memory_space<vmem>>, vector<1x16xf32>,
      %swap3A_197 = vector.shape_cast %swap3A_196 : vector<1x16xf32> to vector<16xf32>
      %swap3A_198 = vector.shape_cast %get3A_193 : vector<16xf32> to vector<1x16xf32>
      tpu.vector_store %arg9[%swap3A_194, %swap3A_195], %swap3A_198 {add = true, strides = array<i32>} : memref<40x768xf32, #tpu.memory_space<vmem>>, vector<1x16xf32>,
      %add3A_199 = arith.constant 40 : i32
      %add3A_200 = arith.addi %add3A_199, %scan3A_90 : i32
      %get3A_201 = arith.index_cast %add3A_200 : i32 to index
      %get3A_202 = arith.constant 160 : index
      %get3A_203 = tpu.vector_load %arg7[%get3A_201, %get3A_202] {strides = array<i32>} : memref<77x768xf32, #tpu.memory_space<vmem>>, vector<1x16xf32>,
      %get3A_204 = vector.shape_cast %get3A_203 : vector<1x16xf32> to vector<16xf32>
      %swap3A_205 = arith.index_cast %scan3A_90 : i32 to index
      %swap3A_206 = arith.constant 160 : index
      %swap3A_207 = tpu.vector_load %arg9[%swap3A_205, %swap3A_206] {strides = array<i32>} : memref<40x768xf32, #tpu.memory_space<vmem>>, vector<1x16xf32>,
      %swap3A_208 = vector.shape_cast %swap3A_207 : vector<1x16xf32> to vector<16xf32>
      %swap3A_209 = vector.shape_cast %get3A_204 : vector<16xf32> to vector<1x16xf32>
      tpu.vector_store %arg9[%swap3A_205, %swap3A_206], %swap3A_209 {add = true, strides = array<i32>} : memref<40x768xf32, #tpu.memory_space<vmem>>, vector<1x16xf32>,
      %add3A_210 = arith.constant 40 : i32
      %add3A_211 = arith.addi %add3A_210, %scan3A_90 : i32
      %get3A_212 = arith.index_cast %add3A_211 : i32 to index
      %get3A_213 = arith.constant 176 : index
      %get3A_214 = tpu.vector_load %arg7[%get3A_212, %get3A_213] {strides = array<i32>} : memref<77x768xf32, #tpu.memory_space<vmem>>, vector<1x16xf32>,
      %get3A_215 = vector.shape_cast %get3A_214 : vector<1x16xf32> to vector<16xf32>
      %swap3A_216 = arith.index_cast %scan3A_90 : i32 to index
      %swap3A_217 = arith.constant 176 : index
      %swap3A_218 = tpu.vector_load %arg9[%swap3A_216, %swap3A_217] {strides = array<i32>} : memref<40x768xf32, #tpu.memory_space<vmem>>, vector<1x16xf32>,
      %swap3A_219 = vector.shape_cast %swap3A_218 : vector<1x16xf32> to vector<16xf32>
      %swap3A_220 = vector.shape_cast %get3A_215 : vector<16xf32> to vector<1x16xf32>
      tpu.vector_store %arg9[%swap3A_216, %swap3A_217], %swap3A_220 {add = true, strides = array<i32>} : memref<40x768xf32, #tpu.memory_space<vmem>>, vector<1x16xf32>,
      %add3A_221 = arith.constant 40 : i32
      %add3A_222 = arith.addi %add3A_221, %scan3A_90 : i32
      %get3A_223 = arith.index_cast %add3A_222 : i32 to index
      %get3A_224 = arith.constant 192 : index
      %get3A_225 = tpu.vector_load %arg7[%get3A_223, %get3A_224] {strides = array<i32>} : memref<77x768xf32, #tpu.memory_space<vmem>>, vector<1x16xf32>,
      %get3A_226 = vector.shape_cast %get3A_225 : vector<1x16xf32> to vector<16xf32>
      %swap3A_227 = arith.index_cast %scan3A_90 : i32 to index
      %swap3A_228 = arith.constant 192 : index
      %swap3A_229 = tpu.vector_load %arg9[%swap3A_227, %swap3A_228] {strides = array<i32>} : memref<40x768xf32, #tpu.memory_space<vmem>>, vector<1x16xf32>,
      %swap3A_230 = vector.shape_cast %swap3A_229 : vector<1x16xf32> to vector<16xf32>
      %swap3A_231 = vector.shape_cast %get3A_226 : vector<16xf32> to vector<1x16xf32>
      tpu.vector_store %arg9[%swap3A_227, %swap3A_228], %swap3A_231 {add = true, strides = array<i32>} : memref<40x768xf32, #tpu.memory_space<vmem>>, vector<1x16xf32>,
      %add3A_232 = arith.constant 40 : i32
      %add3A_233 = arith.addi %add3A_232, %scan3A_90 : i32
      %get3A_234 = arith.index_cast %add3A_233 : i32 to index
      %get3A_235 = arith.constant 208 : index
      %get3A_236 = tpu.vector_load %arg7[%get3A_234, %get3A_235] {strides = array<i32>} : memref<77x768xf32, #tpu.memory_space<vmem>>, vector<1x16xf32>,
      %get3A_237 = vector.shape_cast %get3A_236 : vector<1x16xf32> to vector<16xf32>
      %swap3A_238 = arith.index_cast %scan3A_90 : i32 to index
      %swap3A_239 = arith.constant 208 : index
      %swap3A_240 = tpu.vector_load %arg9[%swap3A_238, %swap3A_239] {strides = array<i32>} : memref<40x768xf32, #tpu.memory_space<vmem>>, vector<1x16xf32>,
      %swap3A_241 = vector.shape_cast %swap3A_240 : vector<1x16xf32> to vector<16xf32>
      %swap3A_242 = vector.shape_cast %get3A_237 : vector<16xf32> to vector<1x16xf32>
      tpu.vector_store %arg9[%swap3A_238, %swap3A_239], %swap3A_242 {add = true, strides = array<i32>} : memref<40x768xf32, #tpu.memory_space<vmem>>, vector<1x16xf32>,
      %add3A_243 = arith.constant 40 : i32
      %add3A_244 = arith.addi %add3A_243, %scan3A_90 : i32
      %get3A_245 = arith.index_cast %add3A_244 : i32 to index
      %get3A_246 = arith.constant 224 : index
      %get3A_247 = tpu.vector_load %arg7[%get3A_245, %get3A_246] {strides = array<i32>} : memref<77x768xf32, #tpu.memory_space<vmem>>, vector<1x16xf32>,
      %get3A_248 = vector.shape_cast %get3A_247 : vector<1x16xf32> to vector<16xf32>
      %swap3A_249 = arith.index_cast %scan3A_90 : i32 to index
      %swap3A_250 = arith.constant 224 : index
      %swap3A_251 = tpu.vector_load %arg9[%swap3A_249, %swap3A_250] {strides = array<i32>} : memref<40x768xf32, #tpu.memory_space<vmem>>, vector<1x16xf32>,
      %swap3A_252 = vector.shape_cast %swap3A_251 : vector<1x16xf32> to vector<16xf32>
      %swap3A_253 = vector.shape_cast %get3A_248 : vector<16xf32> to vector<1x16xf32>
      tpu.vector_store %arg9[%swap3A_249, %swap3A_250], %swap3A_253 {add = true, strides = array<i32>} : memref<40x768xf32, #tpu.memory_space<vmem>>, vector<1x16xf32>,
      %add3A_254 = arith.constant 40 : i32
      %add3A_255 = arith.addi %add3A_254, %scan3A_90 : i32
      %get3A_256 = arith.index_cast %add3A_255 : i32 to index
      %get3A_257 = arith.constant 240 : index
      %get3A_258 = tpu.vector_load %arg7[%get3A_256, %get3A_257] {strides = array<i32>} : memref<77x768xf32, #tpu.memory_space<vmem>>, vector<1x16xf32>,
      %get3A_259 = vector.shape_cast %get3A_258 : vector<1x16xf32> to vector<16xf32>
      %swap3A_260 = arith.index_cast %scan3A_90 : i32 to index
      %swap3A_261 = arith.constant 240 : index
      %swap3A_262 = tpu.vector_load %arg9[%swap3A_260, %swap3A_261] {strides = array<i32>} : memref<40x768xf32, #tpu.memory_space<vmem>>, vector<1x16xf32>,
      %swap3A_263 = vector.shape_cast %swap3A_262 : vector<1x16xf32> to vector<16xf32>
      %swap3A_264 = vector.shape_cast %get3A_259 : vector<16xf32> to vector<1x16xf32>
      tpu.vector_store %arg9[%swap3A_260, %swap3A_261], %swap3A_264 {add = true, strides = array<i32>} : memref<40x768xf32, #tpu.memory_space<vmem>>, vector<1x16xf32>,
      %add3A_265 = arith.constant 40 : i32
      %add3A_266 = arith.addi %add3A_265, %scan3A_90 : i32
      %get3A_267 = arith.index_cast %add3A_266 : i32 to index
      %get3A_268 = arith.constant 256 : index
      %get3A_269 = tpu.vector_load %arg7[%get3A_267, %get3A_268] {strides = array<i32>} : memref<77x768xf32, #tpu.memory_space<vmem>>, vector<1x16xf32>,
      %get3A_270 = vector.shape_cast %get3A_269 : vector<1x16xf32> to vector<16xf32>
      %swap3A_271 = arith.index_cast %scan3A_90 : i32 to index
      %swap3A_272 = arith.constant 256 : index
      %swap3A_273 = tpu.vector_load %arg9[%swap3A_271, %swap3A_272] {strides = array<i32>} : memref<40x768xf32, #tpu.memory_space<vmem>>, vector<1x16xf32>,
      %swap3A_274 = vector.shape_cast %swap3A_273 : vector<1x16xf32> to vector<16xf32>
      %swap3A_275 = vector.shape_cast %get3A_270 : vector<16xf32> to vector<1x16xf32>
      tpu.vector_store %arg9[%swap3A_271, %swap3A_272], %swap3A_275 {add = true, strides = array<i32>} : memref<40x768xf32, #tpu.memory_space<vmem>>, vector<1x16xf32>,
      %add3A_276 = arith.constant 40 : i32
      %add3A_277 = arith.addi %add3A_276, %scan3A_90 : i32
      %get3A_278 = arith.index_cast %add3A_277 : i32 to index
      %get3A_279 = arith.constant 272 : index
      %get3A_280 = tpu.vector_load %arg7[%get3A_278, %get3A_279] {strides = array<i32>} : memref<77x768xf32, #tpu.memory_space<vmem>>, vector<1x16xf32>,
      %get3A_281 = vector.shape_cast %get3A_280 : vector<1x16xf32> to vector<16xf32>
      %swap3A_282 = arith.index_cast %scan3A_90 : i32 to index
      %swap3A_283 = arith.constant 272 : index
      %swap3A_284 = tpu.vector_load %arg9[%swap3A_282, %swap3A_283] {strides = array<i32>} : memref<40x768xf32, #tpu.memory_space<vmem>>, vector<1x16xf32>,
      %swap3A_285 = vector.shape_cast %swap3A_284 : vector<1x16xf32> to vector<16xf32>
      %swap3A_286 = vector.shape_cast %get3A_281 : vector<16xf32> to vector<1x16xf32>
      tpu.vector_store %arg9[%swap3A_282, %swap3A_283], %swap3A_286 {add = true, strides = array<i32>} : memref<40x768xf32, #tpu.memory_space<vmem>>, vector<1x16xf32>,
      %add3A_287 = arith.constant 40 : i32
      %add3A_288 = arith.addi %add3A_287, %scan3A_90 : i32
      %get3A_289 = arith.index_cast %add3A_288 : i32 to index
      %get3A_290 = arith.constant 288 : index
      %get3A_291 = tpu.vector_load %arg7[%get3A_289, %get3A_290] {strides = array<i32>} : memref<77x768xf32, #tpu.memory_space<vmem>>, vector<1x16xf32>,
      %get3A_292 = vector.shape_cast %get3A_291 : vector<1x16xf32> to vector<16xf32>
      %swap3A_293 = arith.index_cast %scan3A_90 : i32 to index
      %swap3A_294 = arith.constant 288 : index
      %swap3A_295 = tpu.vector_load %arg9[%swap3A_293, %swap3A_294] {strides = array<i32>} : memref<40x768xf32, #tpu.memory_space<vmem>>, vector<1x16xf32>,
      %swap3A_296 = vector.shape_cast %swap3A_295 : vector<1x16xf32> to vector<16xf32>
      %swap3A_297 = vector.shape_cast %get3A_292 : vector<16xf32> to vector<1x16xf32>
      tpu.vector_store %arg9[%swap3A_293, %swap3A_294], %swap3A_297 {add = true, strides = array<i32>} : memref<40x768xf32, #tpu.memory_space<vmem>>, vector<1x16xf32>,
      %add3A_298 = arith.constant 40 : i32
      %add3A_299 = arith.addi %add3A_298, %scan3A_90 : i32
      %get3A_300 = arith.index_cast %add3A_299 : i32 to index
      %get3A_301 = arith.constant 304 : index
      %get3A_302 = tpu.vector_load %arg7[%get3A_300, %get3A_301] {strides = array<i32>} : memref<77x768xf32, #tpu.memory_space<vmem>>, vector<1x16xf32>,
      %get3A_303 = vector.shape_cast %get3A_302 : vector<1x16xf32> to vector<16xf32>
      %swap3A_304 = arith.index_cast %scan3A_90 : i32 to index
      %swap3A_305 = arith.constant 304 : index
      %swap3A_306 = tpu.vector_load %arg9[%swap3A_304, %swap3A_305] {strides = array<i32>} : memref<40x768xf32, #tpu.memory_space<vmem>>, vector<1x16xf32>,
      %swap3A_307 = vector.shape_cast %swap3A_306 : vector<1x16xf32> to vector<16xf32>
      %swap3A_308 = vector.shape_cast %get3A_303 : vector<16xf32> to vector<1x16xf32>
      tpu.vector_store %arg9[%swap3A_304, %swap3A_305], %swap3A_308 {add = true, strides = array<i32>} : memref<40x768xf32, #tpu.memory_space<vmem>>, vector<1x16xf32>,
      %add3A_309 = arith.constant 40 : i32
      %add3A_310 = arith.addi %add3A_309, %scan3A_90 : i32
      %get3A_311 = arith.index_cast %add3A_310 : i32 to index
      %get3A_312 = arith.constant 320 : index
      %get3A_313 = tpu.vector_load %arg7[%get3A_311, %get3A_312] {strides = array<i32>} : memref<77x768xf32, #tpu.memory_space<vmem>>, vector<1x16xf32>,
      %get3A_314 = vector.shape_cast %get3A_313 : vector<1x16xf32> to vector<16xf32>
      %swap3A_315 = arith.index_cast %scan3A_90 : i32 to index
      %swap3A_316 = arith.constant 320 : index
      %swap3A_317 = tpu.vector_load %arg9[%swap3A_315, %swap3A_316] {strides = array<i32>} : memref<40x768xf32, #tpu.memory_space<vmem>>, vector<1x16xf32>,
      %swap3A_318 = vector.shape_cast %swap3A_317 : vector<1x16xf32> to vector<16xf32>
      %swap3A_319 = vector.shape_cast %get3A_314 : vector<16xf32> to vector<1x16xf32>
      tpu.vector_store %arg9[%swap3A_315, %swap3A_316], %swap3A_319 {add = true, strides = array<i32>} : memref<40x768xf32, #tpu.memory_space<vmem>>, vector<1x16xf32>,
      %add3A_320 = arith.constant 40 : i32
      %add3A_321 = arith.addi %add3A_320, %scan3A_90 : i32
      %get3A_322 = arith.index_cast %add3A_321 : i32 to index
      %get3A_323 = arith.constant 336 : index
      %get3A_324 = tpu.vector_load %arg7[%get3A_322, %get3A_323] {strides = array<i32>} : memref<77x768xf32, #tpu.memory_space<vmem>>, vector<1x16xf32>,
      %get3A_325 = vector.shape_cast %get3A_324 : vector<1x16xf32> to vector<16xf32>
      %swap3A_326 = arith.index_cast %scan3A_90 : i32 to index
      %swap3A_327 = arith.constant 336 : index
      %swap3A_328 = tpu.vector_load %arg9[%swap3A_326, %swap3A_327] {strides = array<i32>} : memref<40x768xf32, #tpu.memory_space<vmem>>, vector<1x16xf32>,
      %swap3A_329 = vector.shape_cast %swap3A_328 : vector<1x16xf32> to vector<16xf32>
      %swap3A_330 = vector.shape_cast %get3A_325 : vector<16xf32> to vector<1x16xf32>
      tpu.vector_store %arg9[%swap3A_326, %swap3A_327], %swap3A_330 {add = true, strides = array<i32>} : memref<40x768xf32, #tpu.memory_space<vmem>>, vector<1x16xf32>,
      %add3A_331 = arith.constant 40 : i32
      %add3A_332 = arith.addi %add3A_331, %scan3A_90 : i32
      %get3A_333 = arith.index_cast %add3A_332 : i32 to index
      %get3A_334 = arith.constant 352 : index
      %get3A_335 = tpu.vector_load %arg7[%get3A_333, %get3A_334] {strides = array<i32>} : memref<77x768xf32, #tpu.memory_space<vmem>>, vector<1x16xf32>,
      %get3A_336 = vector.shape_cast %get3A_335 : vector<1x16xf32> to vector<16xf32>
      %swap3A_337 = arith.index_cast %scan3A_90 : i32 to index
      %swap3A_338 = arith.constant 352 : index
      %swap3A_339 = tpu.vector_load %arg9[%swap3A_337, %swap3A_338] {strides = array<i32>} : memref<40x768xf32, #tpu.memory_space<vmem>>, vector<1x16xf32>,
      %swap3A_340 = vector.shape_cast %swap3A_339 : vector<1x16xf32> to vector<16xf32>
      %swap3A_341 = vector.shape_cast %get3A_336 : vector<16xf32> to vector<1x16xf32>
      tpu.vector_store %arg9[%swap3A_337, %swap3A_338], %swap3A_341 {add = true, strides = array<i32>} : memref<40x768xf32, #tpu.memory_space<vmem>>, vector<1x16xf32>,
      %add3A_342 = arith.constant 40 : i32
      %add3A_343 = arith.addi %add3A_342, %scan3A_90 : i32
      %get3A_344 = arith.index_cast %add3A_343 : i32 to index
      %get3A_345 = arith.constant 368 : index
      %get3A_346 = tpu.vector_load %arg7[%get3A_344, %get3A_345] {strides = array<i32>} : memref<77x768xf32, #tpu.memory_space<vmem>>, vector<1x16xf32>,
      %get3A_347 = vector.shape_cast %get3A_346 : vector<1x16xf32> to vector<16xf32>
      %swap3A_348 = arith.index_cast %scan3A_90 : i32 to index
      %swap3A_349 = arith.constant 368 : index
      %swap3A_350 = tpu.vector_load %arg9[%swap3A_348, %swap3A_349] {strides = array<i32>} : memref<40x768xf32, #tpu.memory_space<vmem>>, vector<1x16xf32>,
      %swap3A_351 = vector.shape_cast %swap3A_350 : vector<1x16xf32> to vector<16xf32>
      %swap3A_352 = vector.shape_cast %get3A_347 : vector<16xf32> to vector<1x16xf32>
      tpu.vector_store %arg9[%swap3A_348, %swap3A_349], %swap3A_352 {add = true, strides = array<i32>} : memref<40x768xf32, #tpu.memory_space<vmem>>, vector<1x16xf32>,
      %add3A_353 = arith.constant 40 : i32
      %add3A_354 = arith.addi %add3A_353, %scan3A_90 : i32
      %get3A_355 = arith.index_cast %add3A_354 : i32 to index
      %get3A_356 = arith.constant 384 : index
      %get3A_357 = tpu.vector_load %arg7[%get3A_355, %get3A_356] {strides = array<i32>} : memref<77x768xf32, #tpu.memory_space<vmem>>, vector<1x16xf32>,
      %get3A_358 = vector.shape_cast %get3A_357 : vector<1x16xf32> to vector<16xf32>
      %swap3A_359 = arith.index_cast %scan3A_90 : i32 to index
      %swap3A_360 = arith.constant 384 : index
      %swap3A_361 = tpu.vector_load %arg9[%swap3A_359, %swap3A_360] {strides = array<i32>} : memref<40x768xf32, #tpu.memory_space<vmem>>, vector<1x16xf32>,
      %swap3A_362 = vector.shape_cast %swap3A_361 : vector<1x16xf32> to vector<16xf32>
      %swap3A_363 = vector.shape_cast %get3A_358 : vector<16xf32> to vector<1x16xf32>
      tpu.vector_store %arg9[%swap3A_359, %swap3A_360], %swap3A_363 {add = true, strides = array<i32>} : memref<40x768xf32, #tpu.memory_space<vmem>>, vector<1x16xf32>,
      %add3A_364 = arith.constant 40 : i32
      %add3A_365 = arith.addi %add3A_364, %scan3A_90 : i32
      %get3A_366 = arith.index_cast %add3A_365 : i32 to index
      %get3A_367 = arith.constant 400 : index
      %get3A_368 = tpu.vector_load %arg7[%get3A_366, %get3A_367] {strides = array<i32>} : memref<77x768xf32, #tpu.memory_space<vmem>>, vector<1x16xf32>,
      %get3A_369 = vector.shape_cast %get3A_368 : vector<1x16xf32> to vector<16xf32>
      %swap3A_370 = arith.index_cast %scan3A_90 : i32 to index
      %swap3A_371 = arith.constant 400 : index
      %swap3A_372 = tpu.vector_load %arg9[%swap3A_370, %swap3A_371] {strides = array<i32>} : memref<40x768xf32, #tpu.memory_space<vmem>>, vector<1x16xf32>,
      %swap3A_373 = vector.shape_cast %swap3A_372 : vector<1x16xf32> to vector<16xf32>
      %swap3A_374 = vector.shape_cast %get3A_369 : vector<16xf32> to vector<1x16xf32>
      tpu.vector_store %arg9[%swap3A_370, %swap3A_371], %swap3A_374 {add = true, strides = array<i32>} : memref<40x768xf32, #tpu.memory_space<vmem>>, vector<1x16xf32>,
      %add3A_375 = arith.constant 40 : i32
      %add3A_376 = arith.addi %add3A_375, %scan3A_90 : i32
      %get3A_377 = arith.index_cast %add3A_376 : i32 to index
      %get3A_378 = arith.constant 416 : index
      %get3A_379 = tpu.vector_load %arg7[%get3A_377, %get3A_378] {strides = array<i32>} : memref<77x768xf32, #tpu.memory_space<vmem>>, vector<1x16xf32>,
      %get3A_380 = vector.shape_cast %get3A_379 : vector<1x16xf32> to vector<16xf32>
      %swap3A_381 = arith.index_cast %scan3A_90 : i32 to index
      %swap3A_382 = arith.constant 416 : index
      %swap3A_383 = tpu.vector_load %arg9[%swap3A_381, %swap3A_382] {strides = array<i32>} : memref<40x768xf32, #tpu.memory_space<vmem>>, vector<1x16xf32>,
      %swap3A_384 = vector.shape_cast %swap3A_383 : vector<1x16xf32> to vector<16xf32>
      %swap3A_385 = vector.shape_cast %get3A_380 : vector<16xf32> to vector<1x16xf32>
      tpu.vector_store %arg9[%swap3A_381, %swap3A_382], %swap3A_385 {add = true, strides = array<i32>} : memref<40x768xf32, #tpu.memory_space<vmem>>, vector<1x16xf32>,
      %add3A_386 = arith.constant 40 : i32
      %add3A_387 = arith.addi %add3A_386, %scan3A_90 : i32
      %get3A_388 = arith.index_cast %add3A_387 : i32 to index
      %get3A_389 = arith.constant 432 : index
      %get3A_390 = tpu.vector_load %arg7[%get3A_388, %get3A_389] {strides = array<i32>} : memref<77x768xf32, #tpu.memory_space<vmem>>, vector<1x16xf32>,
      %get3A_391 = vector.shape_cast %get3A_390 : vector<1x16xf32> to vector<16xf32>
      %swap3A_392 = arith.index_cast %scan3A_90 : i32 to index
      %swap3A_393 = arith.constant 432 : index
      %swap3A_394 = tpu.vector_load %arg9[%swap3A_392, %swap3A_393] {strides = array<i32>} : memref<40x768xf32, #tpu.memory_space<vmem>>, vector<1x16xf32>,
      %swap3A_395 = vector.shape_cast %swap3A_394 : vector<1x16xf32> to vector<16xf32>
      %swap3A_396 = vector.shape_cast %get3A_391 : vector<16xf32> to vector<1x16xf32>
      tpu.vector_store %arg9[%swap3A_392, %swap3A_393], %swap3A_396 {add = true, strides = array<i32>} : memref<40x768xf32, #tpu.memory_space<vmem>>, vector<1x16xf32>,
      %add3A_397 = arith.constant 40 : i32
      %add3A_398 = arith.addi %add3A_397, %scan3A_90 : i32
      %get3A_399 = arith.index_cast %add3A_398 : i32 to index
      %get3A_400 = arith.constant 448 : index
      %get3A_401 = tpu.vector_load %arg7[%get3A_399, %get3A_400] {strides = array<i32>} : memref<77x768xf32, #tpu.memory_space<vmem>>, vector<1x16xf32>,
      %get3A_402 = vector.shape_cast %get3A_401 : vector<1x16xf32> to vector<16xf32>
      %swap3A_403 = arith.index_cast %scan3A_90 : i32 to index
      %swap3A_404 = arith.constant 448 : index
      %swap3A_405 = tpu.vector_load %arg9[%swap3A_403, %swap3A_404] {strides = array<i32>} : memref<40x768xf32, #tpu.memory_space<vmem>>, vector<1x16xf32>,
      %swap3A_406 = vector.shape_cast %swap3A_405 : vector<1x16xf32> to vector<16xf32>
      %swap3A_407 = vector.shape_cast %get3A_402 : vector<16xf32> to vector<1x16xf32>
      tpu.vector_store %arg9[%swap3A_403, %swap3A_404], %swap3A_407 {add = true, strides = array<i32>} : memref<40x768xf32, #tpu.memory_space<vmem>>, vector<1x16xf32>,
      %add3A_408 = arith.constant 40 : i32
      %add3A_409 = arith.addi %add3A_408, %scan3A_90 : i32
      %get3A_410 = arith.index_cast %add3A_409 : i32 to index
      %get3A_411 = arith.constant 464 : index
      %get3A_412 = tpu.vector_load %arg7[%get3A_410, %get3A_411] {strides = array<i32>} : memref<77x768xf32, #tpu.memory_space<vmem>>, vector<1x16xf32>,
      %get3A_413 = vector.shape_cast %get3A_412 : vector<1x16xf32> to vector<16xf32>
      %swap3A_414 = arith.index_cast %scan3A_90 : i32 to index
      %swap3A_415 = arith.constant 464 : index
      %swap3A_416 = tpu.vector_load %arg9[%swap3A_414, %swap3A_415] {strides = array<i32>} : memref<40x768xf32, #tpu.memory_space<vmem>>, vector<1x16xf32>,
      %swap3A_417 = vector.shape_cast %swap3A_416 : vector<1x16xf32> to vector<16xf32>
      %swap3A_418 = vector.shape_cast %get3A_413 : vector<16xf32> to vector<1x16xf32>
      tpu.vector_store %arg9[%swap3A_414, %swap3A_415], %swap3A_418 {add = true, strides = array<i32>} : memref<40x768xf32, #tpu.memory_space<vmem>>, vector<1x16xf32>,
      %add3A_419 = arith.constant 40 : i32
      %add3A_420 = arith.addi %add3A_419, %scan3A_90 : i32
      %get3A_421 = arith.index_cast %add3A_420 : i32 to index
      %get3A_422 = arith.constant 480 : index
      %get3A_423 = tpu.vector_load %arg7[%get3A_421, %get3A_422] {strides = array<i32>} : memref<77x768xf32, #tpu.memory_space<vmem>>, vector<1x16xf32>,
      %get3A_424 = vector.shape_cast %get3A_423 : vector<1x16xf32> to vector<16xf32>
      %swap3A_425 = arith.index_cast %scan3A_90 : i32 to index
      %swap3A_426 = arith.constant 480 : index
      %swap3A_427 = tpu.vector_load %arg9[%swap3A_425, %swap3A_426] {strides = array<i32>} : memref<40x768xf32, #tpu.memory_space<vmem>>, vector<1x16xf32>,
      %swap3A_428 = vector.shape_cast %swap3A_427 : vector<1x16xf32> to vector<16xf32>
      %swap3A_429 = vector.shape_cast %get3A_424 : vector<16xf32> to vector<1x16xf32>
      tpu.vector_store %arg9[%swap3A_425, %swap3A_426], %swap3A_429 {add = true, strides = array<i32>} : memref<40x768xf32, #tpu.memory_space<vmem>>, vector<1x16xf32>,
      %add3A_430 = arith.constant 40 : i32
      %add3A_431 = arith.addi %add3A_430, %scan3A_90 : i32
      %get3A_432 = arith.index_cast %add3A_431 : i32 to index
      %get3A_433 = arith.constant 496 : index
      %get3A_434 = tpu.vector_load %arg7[%get3A_432, %get3A_433] {strides = array<i32>} : memref<77x768xf32, #tpu.memory_space<vmem>>, vector<1x16xf32>,
      %get3A_435 = vector.shape_cast %get3A_434 : vector<1x16xf32> to vector<16xf32>
      %swap3A_436 = arith.index_cast %scan3A_90 : i32 to index
      %swap3A_437 = arith.constant 496 : index
      %swap3A_438 = tpu.vector_load %arg9[%swap3A_436, %swap3A_437] {strides = array<i32>} : memref<40x768xf32, #tpu.memory_space<vmem>>, vector<1x16xf32>,
      %swap3A_439 = vector.shape_cast %swap3A_438 : vector<1x16xf32> to vector<16xf32>
      %swap3A_440 = vector.shape_cast %get3A_435 : vector<16xf32> to vector<1x16xf32>
      tpu.vector_store %arg9[%swap3A_436, %swap3A_437], %swap3A_440 {add = true, strides = array<i32>} : memref<40x768xf32, #tpu.memory_space<vmem>>, vector<1x16xf32>,
      %add3A_441 = arith.constant 40 : i32
      %add3A_442 = arith.addi %add3A_441, %scan3A_90 : i32
      %get3A_443 = arith.index_cast %add3A_442 : i32 to index
      %get3A_444 = arith.constant 512 : index
      %get3A_445 = tpu.vector_load %arg7[%get3A_443, %get3A_444] {strides = array<i32>} : memref<77x768xf32, #tpu.memory_space<vmem>>, vector<1x16xf32>,
      %get3A_446 = vector.shape_cast %get3A_445 : vector<1x16xf32> to vector<16xf32>
      %swap3A_447 = arith.index_cast %scan3A_90 : i32 to index
      %swap3A_448 = arith.constant 512 : index
      %swap3A_449 = tpu.vector_load %arg9[%swap3A_447, %swap3A_448] {strides = array<i32>} : memref<40x768xf32, #tpu.memory_space<vmem>>, vector<1x16xf32>,
      %swap3A_450 = vector.shape_cast %swap3A_449 : vector<1x16xf32> to vector<16xf32>
      %swap3A_451 = vector.shape_cast %get3A_446 : vector<16xf32> to vector<1x16xf32>
      tpu.vector_store %arg9[%swap3A_447, %swap3A_448], %swap3A_451 {add = true, strides = array<i32>} : memref<40x768xf32, #tpu.memory_space<vmem>>, vector<1x16xf32>,
      %add3A_452 = arith.constant 40 : i32
      %add3A_453 = arith.addi %add3A_452, %scan3A_90 : i32
      %get3A_454 = arith.index_cast %add3A_453 : i32 to index
      %get3A_455 = arith.constant 528 : index
      %get3A_456 = tpu.vector_load %arg7[%get3A_454, %get3A_455] {strides = array<i32>} : memref<77x768xf32, #tpu.memory_space<vmem>>, vector<1x16xf32>,
      %get3A_457 = vector.shape_cast %get3A_456 : vector<1x16xf32> to vector<16xf32>
      %swap3A_458 = arith.index_cast %scan3A_90 : i32 to index
      %swap3A_459 = arith.constant 528 : index
      %swap3A_460 = tpu.vector_load %arg9[%swap3A_458, %swap3A_459] {strides = array<i32>} : memref<40x768xf32, #tpu.memory_space<vmem>>, vector<1x16xf32>,
      %swap3A_461 = vector.shape_cast %swap3A_460 : vector<1x16xf32> to vector<16xf32>
      %swap3A_462 = vector.shape_cast %get3A_457 : vector<16xf32> to vector<1x16xf32>
      tpu.vector_store %arg9[%swap3A_458, %swap3A_459], %swap3A_462 {add = true, strides = array<i32>} : memref<40x768xf32, #tpu.memory_space<vmem>>, vector<1x16xf32>,
      %add3A_463 = arith.constant 40 : i32
      %add3A_464 = arith.addi %add3A_463, %scan3A_90 : i32
      %get3A_465 = arith.index_cast %add3A_464 : i32 to index
      %get3A_466 = arith.constant 544 : index
      %get3A_467 = tpu.vector_load %arg7[%get3A_465, %get3A_466] {strides = array<i32>} : memref<77x768xf32, #tpu.memory_space<vmem>>, vector<1x16xf32>,
      %get3A_468 = vector.shape_cast %get3A_467 : vector<1x16xf32> to vector<16xf32>
      %swap3A_469 = arith.index_cast %scan3A_90 : i32 to index
      %swap3A_470 = arith.constant 544 : index
      %swap3A_471 = tpu.vector_load %arg9[%swap3A_469, %swap3A_470] {strides = array<i32>} : memref<40x768xf32, #tpu.memory_space<vmem>>, vector<1x16xf32>,
      %swap3A_472 = vector.shape_cast %swap3A_471 : vector<1x16xf32> to vector<16xf32>
      %swap3A_473 = vector.shape_cast %get3A_468 : vector<16xf32> to vector<1x16xf32>
      tpu.vector_store %arg9[%swap3A_469, %swap3A_470], %swap3A_473 {add = true, strides = array<i32>} : memref<40x768xf32, #tpu.memory_space<vmem>>, vector<1x16xf32>,
      %add3A_474 = arith.constant 40 : i32
      %add3A_475 = arith.addi %add3A_474, %scan3A_90 : i32
      %get3A_476 = arith.index_cast %add3A_475 : i32 to index
      %get3A_477 = arith.constant 560 : index
      %get3A_478 = tpu.vector_load %arg7[%get3A_476, %get3A_477] {strides = array<i32>} : memref<77x768xf32, #tpu.memory_space<vmem>>, vector<1x16xf32>,
      %get3A_479 = vector.shape_cast %get3A_478 : vector<1x16xf32> to vector<16xf32>
      %swap3A_480 = arith.index_cast %scan3A_90 : i32 to index
      %swap3A_481 = arith.constant 560 : index
      %swap3A_482 = tpu.vector_load %arg9[%swap3A_480, %swap3A_481] {strides = array<i32>} : memref<40x768xf32, #tpu.memory_space<vmem>>, vector<1x16xf32>,
      %swap3A_483 = vector.shape_cast %swap3A_482 : vector<1x16xf32> to vector<16xf32>
      %swap3A_484 = vector.shape_cast %get3A_479 : vector<16xf32> to vector<1x16xf32>
      tpu.vector_store %arg9[%swap3A_480, %swap3A_481], %swap3A_484 {add = true, strides = array<i32>} : memref<40x768xf32, #tpu.memory_space<vmem>>, vector<1x16xf32>,
      %add3A_485 = arith.constant 40 : i32
      %add3A_486 = arith.addi %add3A_485, %scan3A_90 : i32
      %get3A_487 = arith.index_cast %add3A_486 : i32 to index
      %get3A_488 = arith.constant 576 : index
      %get3A_489 = tpu.vector_load %arg7[%get3A_487, %get3A_488] {strides = array<i32>} : memref<77x768xf32, #tpu.memory_space<vmem>>, vector<1x16xf32>,
      %get3A_490 = vector.shape_cast %get3A_489 : vector<1x16xf32> to vector<16xf32>
      %swap3A_491 = arith.index_cast %scan3A_90 : i32 to index
      %swap3A_492 = arith.constant 576 : index
      %swap3A_493 = tpu.vector_load %arg9[%swap3A_491, %swap3A_492] {strides = array<i32>} : memref<40x768xf32, #tpu.memory_space<vmem>>, vector<1x16xf32>,
      %swap3A_494 = vector.shape_cast %swap3A_493 : vector<1x16xf32> to vector<16xf32>
      %swap3A_495 = vector.shape_cast %get3A_490 : vector<16xf32> to vector<1x16xf32>
      tpu.vector_store %arg9[%swap3A_491, %swap3A_492], %swap3A_495 {add = true, strides = array<i32>} : memref<40x768xf32, #tpu.memory_space<vmem>>, vector<1x16xf32>,
      %add3A_496 = arith.constant 40 : i32
      %add3A_497 = arith.addi %add3A_496, %scan3A_90 : i32
      %get3A_498 = arith.index_cast %add3A_497 : i32 to index
      %get3A_499 = arith.constant 592 : index
      %get3A_500 = tpu.vector_load %arg7[%get3A_498, %get3A_499] {strides = array<i32>} : memref<77x768xf32, #tpu.memory_space<vmem>>, vector<1x16xf32>,
      %get3A_501 = vector.shape_cast %get3A_500 : vector<1x16xf32> to vector<16xf32>
      %swap3A_502 = arith.index_cast %scan3A_90 : i32 to index
      %swap3A_503 = arith.constant 592 : index
      %swap3A_504 = tpu.vector_load %arg9[%swap3A_502, %swap3A_503] {strides = array<i32>} : memref<40x768xf32, #tpu.memory_space<vmem>>, vector<1x16xf32>,
      %swap3A_505 = vector.shape_cast %swap3A_504 : vector<1x16xf32> to vector<16xf32>
      %swap3A_506 = vector.shape_cast %get3A_501 : vector<16xf32> to vector<1x16xf32>
      tpu.vector_store %arg9[%swap3A_502, %swap3A_503], %swap3A_506 {add = true, strides = array<i32>} : memref<40x768xf32, #tpu.memory_space<vmem>>, vector<1x16xf32>,
      %add3A_507 = arith.constant 40 : i32
      %add3A_508 = arith.addi %add3A_507, %scan3A_90 : i32
      %get3A_509 = arith.index_cast %add3A_508 : i32 to index
      %get3A_510 = arith.constant 608 : index
      %get3A_511 = tpu.vector_load %arg7[%get3A_509, %get3A_510] {strides = array<i32>} : memref<77x768xf32, #tpu.memory_space<vmem>>, vector<1x16xf32>,
      %get3A_512 = vector.shape_cast %get3A_511 : vector<1x16xf32> to vector<16xf32>
      %swap3A_513 = arith.index_cast %scan3A_90 : i32 to index
      %swap3A_514 = arith.constant 608 : index
      %swap3A_515 = tpu.vector_load %arg9[%swap3A_513, %swap3A_514] {strides = array<i32>} : memref<40x768xf32, #tpu.memory_space<vmem>>, vector<1x16xf32>,
      %swap3A_516 = vector.shape_cast %swap3A_515 : vector<1x16xf32> to vector<16xf32>
      %swap3A_517 = vector.shape_cast %get3A_512 : vector<16xf32> to vector<1x16xf32>
      tpu.vector_store %arg9[%swap3A_513, %swap3A_514], %swap3A_517 {add = true, strides = array<i32>} : memref<40x768xf32, #tpu.memory_space<vmem>>, vector<1x16xf32>,
      %add3A_518 = arith.constant 40 : i32
      %add3A_519 = arith.addi %add3A_518, %scan3A_90 : i32
      %get3A_520 = arith.index_cast %add3A_519 : i32 to index
      %get3A_521 = arith.constant 624 : index
      %get3A_522 = tpu.vector_load %arg7[%get3A_520, %get3A_521] {strides = array<i32>} : memref<77x768xf32, #tpu.memory_space<vmem>>, vector<1x16xf32>,
      %get3A_523 = vector.shape_cast %get3A_522 : vector<1x16xf32> to vector<16xf32>
      %swap3A_524 = arith.index_cast %scan3A_90 : i32 to index
      %swap3A_525 = arith.constant 624 : index
      %swap3A_526 = tpu.vector_load %arg9[%swap3A_524, %swap3A_525] {strides = array<i32>} : memref<40x768xf32, #tpu.memory_space<vmem>>, vector<1x16xf32>,
      %swap3A_527 = vector.shape_cast %swap3A_526 : vector<1x16xf32> to vector<16xf32>
      %swap3A_528 = vector.shape_cast %get3A_523 : vector<16xf32> to vector<1x16xf32>
      tpu.vector_store %arg9[%swap3A_524, %swap3A_525], %swap3A_528 {add = true, strides = array<i32>} : memref<40x768xf32, #tpu.memory_space<vmem>>, vector<1x16xf32>,
      %add3A_529 = arith.constant 40 : i32
      %add3A_530 = arith.addi %add3A_529, %scan3A_90 : i32
      %get3A_531 = arith.index_cast %add3A_530 : i32 to index
      %get3A_532 = arith.constant 640 : index
      %get3A_533 = tpu.vector_load %arg7[%get3A_531, %get3A_532] {strides = array<i32>} : memref<77x768xf32, #tpu.memory_space<vmem>>, vector<1x16xf32>,
      %get3A_534 = vector.shape_cast %get3A_533 : vector<1x16xf32> to vector<16xf32>
      %swap3A_535 = arith.index_cast %scan3A_90 : i32 to index
      %swap3A_536 = arith.constant 640 : index
      %swap3A_537 = tpu.vector_load %arg9[%swap3A_535, %swap3A_536] {strides = array<i32>} : memref<40x768xf32, #tpu.memory_space<vmem>>, vector<1x16xf32>,
      %swap3A_538 = vector.shape_cast %swap3A_537 : vector<1x16xf32> to vector<16xf32>
      %swap3A_539 = vector.shape_cast %get3A_534 : vector<16xf32> to vector<1x16xf32>
      tpu.vector_store %arg9[%swap3A_535, %swap3A_536], %swap3A_539 {add = true, strides = array<i32>} : memref<40x768xf32, #tpu.memory_space<vmem>>, vector<1x16xf32>,
      %add3A_540 = arith.constant 40 : i32
      %add3A_541 = arith.addi %add3A_540, %scan3A_90 : i32
      %get3A_542 = arith.index_cast %add3A_541 : i32 to index
      %get3A_543 = arith.constant 656 : index
      %get3A_544 = tpu.vector_load %arg7[%get3A_542, %get3A_543] {strides = array<i32>} : memref<77x768xf32, #tpu.memory_space<vmem>>, vector<1x16xf32>,
      %get3A_545 = vector.shape_cast %get3A_544 : vector<1x16xf32> to vector<16xf32>
      %swap3A_546 = arith.index_cast %scan3A_90 : i32 to index
      %swap3A_547 = arith.constant 656 : index
      %swap3A_548 = tpu.vector_load %arg9[%swap3A_546, %swap3A_547] {strides = array<i32>} : memref<40x768xf32, #tpu.memory_space<vmem>>, vector<1x16xf32>,
      %swap3A_549 = vector.shape_cast %swap3A_548 : vector<1x16xf32> to vector<16xf32>
      %swap3A_550 = vector.shape_cast %get3A_545 : vector<16xf32> to vector<1x16xf32>
      tpu.vector_store %arg9[%swap3A_546, %swap3A_547], %swap3A_550 {add = true, strides = array<i32>} : memref<40x768xf32, #tpu.memory_space<vmem>>, vector<1x16xf32>,
      %add3A_551 = arith.constant 40 : i32
      %add3A_552 = arith.addi %add3A_551, %scan3A_90 : i32
      %get3A_553 = arith.index_cast %add3A_552 : i32 to index
      %get3A_554 = arith.constant 672 : index
      %get3A_555 = tpu.vector_load %arg7[%get3A_553, %get3A_554] {strides = array<i32>} : memref<77x768xf32, #tpu.memory_space<vmem>>, vector<1x16xf32>,
      %get3A_556 = vector.shape_cast %get3A_555 : vector<1x16xf32> to vector<16xf32>
      %swap3A_557 = arith.index_cast %scan3A_90 : i32 to index
      %swap3A_558 = arith.constant 672 : index
      %swap3A_559 = tpu.vector_load %arg9[%swap3A_557, %swap3A_558] {strides = array<i32>} : memref<40x768xf32, #tpu.memory_space<vmem>>, vector<1x16xf32>,
      %swap3A_560 = vector.shape_cast %swap3A_559 : vector<1x16xf32> to vector<16xf32>
      %swap3A_561 = vector.shape_cast %get3A_556 : vector<16xf32> to vector<1x16xf32>
      tpu.vector_store %arg9[%swap3A_557, %swap3A_558], %swap3A_561 {add = true, strides = array<i32>} : memref<40x768xf32, #tpu.memory_space<vmem>>, vector<1x16xf32>,
      %add3A_562 = arith.constant 40 : i32
      %add3A_563 = arith.addi %add3A_562, %scan3A_90 : i32
      %get3A_564 = arith.index_cast %add3A_563 : i32 to index
      %get3A_565 = arith.constant 688 : index
      %get3A_566 = tpu.vector_load %arg7[%get3A_564, %get3A_565] {strides = array<i32>} : memref<77x768xf32, #tpu.memory_space<vmem>>, vector<1x16xf32>,
      %get3A_567 = vector.shape_cast %get3A_566 : vector<1x16xf32> to vector<16xf32>
      %swap3A_568 = arith.index_cast %scan3A_90 : i32 to index
      %swap3A_569 = arith.constant 688 : index
      %swap3A_570 = tpu.vector_load %arg9[%swap3A_568, %swap3A_569] {strides = array<i32>} : memref<40x768xf32, #tpu.memory_space<vmem>>, vector<1x16xf32>,
      %swap3A_571 = vector.shape_cast %swap3A_570 : vector<1x16xf32> to vector<16xf32>
      %swap3A_572 = vector.shape_cast %get3A_567 : vector<16xf32> to vector<1x16xf32>
      tpu.vector_store %arg9[%swap3A_568, %swap3A_569], %swap3A_572 {add = true, strides = array<i32>} : memref<40x768xf32, #tpu.memory_space<vmem>>, vector<1x16xf32>,
      %add3A_573 = arith.constant 40 : i32
      %add3A_574 = arith.addi %add3A_573, %scan3A_90 : i32
      %get3A_575 = arith.index_cast %add3A_574 : i32 to index
      %get3A_576 = arith.constant 704 : index
      %get3A_577 = tpu.vector_load %arg7[%get3A_575, %get3A_576] {strides = array<i32>} : memref<77x768xf32, #tpu.memory_space<vmem>>, vector<1x16xf32>,
      %get3A_578 = vector.shape_cast %get3A_577 : vector<1x16xf32> to vector<16xf32>
      %swap3A_579 = arith.index_cast %scan3A_90 : i32 to index
      %swap3A_580 = arith.constant 704 : index
      %swap3A_581 = tpu.vector_load %arg9[%swap3A_579, %swap3A_580] {strides = array<i32>} : memref<40x768xf32, #tpu.memory_space<vmem>>, vector<1x16xf32>,
      %swap3A_582 = vector.shape_cast %swap3A_581 : vector<1x16xf32> to vector<16xf32>
      %swap3A_583 = vector.shape_cast %get3A_578 : vector<16xf32> to vector<1x16xf32>
      tpu.vector_store %arg9[%swap3A_579, %swap3A_580], %swap3A_583 {add = true, strides = array<i32>} : memref<40x768xf32, #tpu.memory_space<vmem>>, vector<1x16xf32>,
      %add3A_584 = arith.constant 40 : i32
      %add3A_585 = arith.addi %add3A_584, %scan3A_90 : i32
      %get3A_586 = arith.index_cast %add3A_585 : i32 to index
      %get3A_587 = arith.constant 720 : index
      %get3A_588 = tpu.vector_load %arg7[%get3A_586, %get3A_587] {strides = array<i32>} : memref<77x768xf32, #tpu.memory_space<vmem>>, vector<1x16xf32>,
      %get3A_589 = vector.shape_cast %get3A_588 : vector<1x16xf32> to vector<16xf32>
      %swap3A_590 = arith.index_cast %scan3A_90 : i32 to index
      %swap3A_591 = arith.constant 720 : index
      %swap3A_592 = tpu.vector_load %arg9[%swap3A_590, %swap3A_591] {strides = array<i32>} : memref<40x768xf32, #tpu.memory_space<vmem>>, vector<1x16xf32>,
      %swap3A_593 = vector.shape_cast %swap3A_592 : vector<1x16xf32> to vector<16xf32>
      %swap3A_594 = vector.shape_cast %get3A_589 : vector<16xf32> to vector<1x16xf32>
      tpu.vector_store %arg9[%swap3A_590, %swap3A_591], %swap3A_594 {add = true, strides = array<i32>} : memref<40x768xf32, #tpu.memory_space<vmem>>, vector<1x16xf32>,
      %add3A_595 = arith.constant 40 : i32
      %add3A_596 = arith.addi %add3A_595, %scan3A_90 : i32
      %get3A_597 = arith.index_cast %add3A_596 : i32 to index
      %get3A_598 = arith.constant 736 : index
      %get3A_599 = tpu.vector_load %arg7[%get3A_597, %get3A_598] {strides = array<i32>} : memref<77x768xf32, #tpu.memory_space<vmem>>, vector<1x16xf32>,
      %get3A_600 = vector.shape_cast %get3A_599 : vector<1x16xf32> to vector<16xf32>
      %swap3A_601 = arith.index_cast %scan3A_90 : i32 to index
      %swap3A_602 = arith.constant 736 : index
      %swap3A_603 = tpu.vector_load %arg9[%swap3A_601, %swap3A_602] {strides = array<i32>} : memref<40x768xf32, #tpu.memory_space<vmem>>, vector<1x16xf32>,
      %swap3A_604 = vector.shape_cast %swap3A_603 : vector<1x16xf32> to vector<16xf32>
      %swap3A_605 = vector.shape_cast %get3A_600 : vector<16xf32> to vector<1x16xf32>
      tpu.vector_store %arg9[%swap3A_601, %swap3A_602], %swap3A_605 {add = true, strides = array<i32>} : memref<40x768xf32, #tpu.memory_space<vmem>>, vector<1x16xf32>,
      %add3A_606 = arith.constant 40 : i32
      %add3A_607 = arith.addi %add3A_606, %scan3A_90 : i32
      %get3A_608 = arith.index_cast %add3A_607 : i32 to index
      %get3A_609 = arith.constant 752 : index
      %get3A_610 = tpu.vector_load %arg7[%get3A_608, %get3A_609] {strides = array<i32>} : memref<77x768xf32, #tpu.memory_space<vmem>>, vector<1x16xf32>,
      %get3A_611 = vector.shape_cast %get3A_610 : vector<1x16xf32> to vector<16xf32>
      %swap3A_612 = arith.index_cast %scan3A_90 : i32 to index
      %swap3A_613 = arith.constant 752 : index
      %swap3A_614 = tpu.vector_load %arg9[%swap3A_612, %swap3A_613] {strides = array<i32>} : memref<40x768xf32, #tpu.memory_space<vmem>>, vector<1x16xf32>,
      %swap3A_615 = vector.shape_cast %swap3A_614 : vector<1x16xf32> to vector<16xf32>
      %swap3A_616 = vector.shape_cast %get3A_611 : vector<16xf32> to vector<1x16xf32>
      tpu.vector_store %arg9[%swap3A_612, %swap3A_613], %swap3A_616 {add = true, strides = array<i32>} : memref<40x768xf32, #tpu.memory_space<vmem>>, vector<1x16xf32>,
    }
    %scan3A_60 = arith.constant 37 : i32
    %mul3A_61 = arith.constant 0 : i32
    %mul3A_62 = arith.muli %add3A, %mul3A_61 : i32
    %add3A_63 = arith.constant 40 : i32
    %add3A_64 = arith.addi %add3A_63, %mul3A_62 : i32
    %multiple_of3A_65 = tpu.assume_multiple %add3A_64, 40 : i32
    %add3A_66 = arith.constant 31 : i32
    %add3A_67 = arith.addi %mul3A_2, %add3A_66 : i32
    %dma_start3A_68 = arith.constant 0 : i32
    %dma_start3A_69 = tpu.memref_slice %arg5[%add3A_67, %multiple_of3A_65, %dma_start3A_68] : memref<1024x77x768xf32, #tpu.memory_space<hbm>> -> memref<1x40x768xf32, #tpu.memory_space<hbm>>
    %dma_start3A_70 = tpu.memref_squeeze %dma_start3A_69 : memref<1x40x768xf32, #tpu.memory_space<hbm>> -> memref<40x768xf32, #tpu.memory_space<hbm>>
    %dma_start3A_71 = arith.constant 0 : i32
    %dma_start3A_72 = tpu.memref_slice %arg5[%add3A_67, %multiple_of3A_65, %dma_start3A_71] : memref<1024x77x768xf32, #tpu.memory_space<hbm>> -> memref<1x40x768xf32, #tpu.memory_space<hbm>>
    %dma_start3A_73 = tpu.memref_squeeze %dma_start3A_72 : memref<1x40x768xf32, #tpu.memory_space<hbm>> -> memref<40x768xf32, #tpu.memory_space<hbm>>
    tpu.enqueue_dma source(%arg9 : memref<40x768xf32, #tpu.memory_space<vmem>>) target(%dma_start3A_73 : memref<40x768xf32, #tpu.memory_space<hbm>>) target_semaphore(%arg13 : memref<!tpu.dma_semaphore, #tpu.memory_space<semaphore_mem>>)
    %dma_wait3A_74 = arith.constant 0 : i32
    %dma_wait3A_75 = arith.constant 0 : i32
    %dma_wait3A_76 = tpu.memref_slice %arg5[%mul3A_2, %dma_wait3A_74, %dma_wait3A_75] : memref<1024x77x768xf32, #tpu.memory_space<hbm>> -> memref<1x40x768xf32, #tpu.memory_space<hbm>>
    %dma_wait3A_77 = tpu.memref_squeeze %dma_wait3A_76 : memref<1x40x768xf32, #tpu.memory_space<hbm>> -> memref<40x768xf32, #tpu.memory_space<hbm>>
    %dma_wait3A_78 = arith.constant 0 : i32
    %dma_wait3A_79 = arith.constant 0 : i32
    %dma_wait3A_80 = tpu.memref_slice %arg5[%mul3A_2, %dma_wait3A_78, %dma_wait3A_79] : memref<1024x77x768xf32, #tpu.memory_space<hbm>> -> memref<1x40x768xf32, #tpu.memory_space<hbm>>
    %dma_wait3A_81 = tpu.memref_squeeze %dma_wait3A_80 : memref<1x40x768xf32, #tpu.memory_space<hbm>> -> memref<40x768xf32, #tpu.memory_space<hbm>>
    tpu.wait_dma2 semaphore(%arg12 : memref<!tpu.dma_semaphore, #tpu.memory_space<semaphore_mem>>) src(%arg8 : memref<40x768xf32, #tpu.memory_space<vmem>>) dst(%dma_wait3A_81 : memref<40x768xf32, #tpu.memory_space<hbm>>)
    %dma_wait3A_82 = arith.constant 0 : i32
    %dma_wait3A_83 = arith.constant 0 : i32
    %dma_wait3A_84 = tpu.memref_slice %arg5[%mul3A_2, %dma_wait3A_82, %dma_wait3A_83] : memref<1024x77x768xf32, #tpu.memory_space<hbm>> -> memref<1x40x768xf32, #tpu.memory_space<hbm>>
    %dma_wait3A_85 = tpu.memref_squeeze %dma_wait3A_84 : memref<1x40x768xf32, #tpu.memory_space<hbm>> -> memref<40x768xf32, #tpu.memory_space<hbm>>
    %dma_wait3A_86 = arith.constant 0 : i32
    %dma_wait3A_87 = arith.constant 0 : i32
    %dma_wait3A_88 = tpu.memref_slice %arg5[%mul3A_2, %dma_wait3A_86, %dma_wait3A_87] : memref<1024x77x768xf32, #tpu.memory_space<hbm>> -> memref<1x40x768xf32, #tpu.memory_space<hbm>>
    %dma_wait3A_89 = tpu.memref_squeeze %dma_wait3A_88 : memref<1x40x768xf32, #tpu.memory_space<hbm>> -> memref<40x768xf32, #tpu.memory_space<hbm>>
    tpu.wait_dma2 semaphore(%arg13 : memref<!tpu.dma_semaphore, #tpu.memory_space<semaphore_mem>>) src(%arg9 : memref<40x768xf32, #tpu.memory_space<vmem>>) dst(%dma_wait3A_89 : memref<40x768xf32, #tpu.memory_space<hbm>>)
    return
  }
}

</mosaic_0001>

<sc_bundles>
// kernel: kernel.3.cloned.1.call-start
scs
__scs_entry_jumppad:
0x0: {  	(pc) =	sbr.rel $0x88, $3  }
0x1: {  	(tag) =	ssettag $0x0;
	lr =	simm.s32 $0x1  }
0x2: {  	[smem:$0x3F9E] =	sst lr;
	_ =	strace $0xD0000000  }
0x3: {  	_ = 	snop  }
0x4: {  	_ = 	snop  }
0x5: {  	_ = 	snop  }
0x6: {  	_ = 	snop  }
0x7: {  	_ = 	snop  }
__scs_overlays_trampoline_lowered:
0x8: {  	[smem:$0x3FAD] =	sst s0  }
0x9: {  	[smem:$0x3FAE] =	sst s1  }
0xa: {  	[smem:$0x3FAF] =	sst s2  }
0xb: {  	[smem:$0x3FB0] =	sst s3  }
0xc: {  	[smem:$0x3FB1] =	sst s4  }
0xd: {  	[smem:$0x3FB2] =	sst s5  }
0xe: {  	[smem:$0x3FB3] =	sst s6  }
0xf: {  	[smem:$0x3FB4] =	sst s7  }
0x10: {  	[smem:$0x3FB5] =	sst s8  }
0x11: {  	[smem:$0x3FB6] =	sst s9;
	s0 =	simm.s32 @!p0 $0x0  }
0x12: {  	s1 =	sld [smem:$0x3F9C];
	s0 =	simm.s32 @p0 $0x1  }
0x13: {  	[smem:$0x3FB7] =	sst s0;
	s0 =	simm.s32 @!p1 $0x0  }
0x14: {  	s2 =	sld [smem:$0x3F9B];
	s0 =	simm.s32 @p1 $0x1  }
0x15: {  	[smem:$0x3FB8] =	sst s0;
	s0 =	simm.s32 @!p2 $0x0  }
0x16: {  	s3 =	sld [smem:$0x3FDB];
	s0 =	simm.s32 @p2 $0x1  }
0x17: {  	s4 =	simm.s32 $0x1BF5;
	[smem:$0x3FBA] =	sst s0  }
0x18: {  	s0 =	sld [smem:$0x3F9D];
	_ =	swait.ge [sflag:s4], $0x0  }
0x19: {  	s7 =	sld [smem:$0x3F9E]  }
0x1a: {  	s8 =	sadd.s32 $0xFFFFE003, lr  }
0x1b: {  	s9 =	sadd.s32 $0xFFFFFEF7, lr;
	s5 =	simm.s32 $0xFFFFFFFF;
	p2 =	slt.u32 s8, $0xFFFFF086  }
0x1c: {  	p1 =	slt.u32 s9, $0xF7A;
	s5 =	simm.s32 @!p2 $0x0  }
0x1d: {  	s5 =	simm.s32 @p1 $0x1;
	p0 =	seq.s32 s7, s2  }
0x1e: {  	s7 =	smul.u32 @!p0 $0xF7A, s2;
	p2 =	seq.s32 @!p0 s5, $0x0  }
0x1f: {  	s9 =	smul.u32 $0xF7A, s1;
	s8 =	simm.s32 @!p0 $0x1BF5;
	p2 =	por !p2, p0  }
0x20: {  	[sflag:s8] =	ssyncset.s32 @!p0 $0xFFFFF086;
	s6 =	sadd.s32 @!p0 s3, s7;
	s7 =	simm.s32 @!p0 $0x108  }
0x21: {  	s3 =	sadd.s32 s3, s9;
	s6 =	sadd.s32 @!p0 $0x88, s6;
	s7 =	simm.s32 @p2 $0x1082  }
0x22: {  	[simem:s7], [sflag:s8] =	dma.local @!p0 [hbm:s6], $0xF7A  }
0x23: {  	s9 =	sor.u32 $0xD0000000, s2;
	s6 =	simm.s32 $0x108;
	_ =	swait.ge @!p0 [sflag:s8], $0x0  }
0x24: {  	s3 =	sadd.s32 $0x88, s3;
	s6 =	simm.s32 @!p1 $0x1082;
	[sflag:s4] =	ssyncset.s32 $0xFFFFF086  }
0x25: {  	[simem:s6], [sflag:s4] =	dma.local [hbm:s3], $0xF7A  }
0x26: {  	[smem:$0x3F9E] =	sst s1;
	(tag) =	ssettag s2;
	_ =	strace s9  }
0x27: {  	s1 =	sld [smem:$0x3FAE]  }
0x28: {  	s2 =	sld [smem:$0x3FAF]  }
0x29: {  	s4 =	sld [smem:$0x3FB1]  }
0x2a: {  	p0 =	seq.s32 s5, $0x0;
	s5 =	sld [smem:$0x3FB2]  }
0x2b: {  	s6 =	sld [smem:$0x3FB3]  }
0x2c: {  	s7 =	sld [smem:$0x3FB4]  }
0x2d: {  	s3 =	simm.s32 $0x108;
	s8 =	sld [smem:$0x3FB5]  }
0x2e: {  	s3 =	simm.s32 @!p0 $0x1082;
	s9 =	sld [smem:$0x3FB6]  }
0x2f: {  	lr =	sadd.s32 s0, s3;
	s0 =	sld [smem:$0x3FAD]  }
0x30: {  	s3 =	sld [smem:$0x3FB0]  }
0x31: {  	[smem:$0x3FB9] =	sst s10  }
0x32: {  	s10 =	sld [smem:$0x3FB7];
	_ =	sdelay $0x3  }
0x33: {  	p0 =	seq.s32 s10, $0x1;
	s10 =	sld [smem:$0x3FB9];
	_ =	sdelay $0x3  }
0x34: {  	[smem:$0x3FB9] =	sst s10  }
0x35: {  	s10 =	sld [smem:$0x3FB8];
	_ =	sdelay $0x3  }
0x36: {  	p1 =	seq.s32 s10, $0x1;
	s10 =	sld [smem:$0x3FB9];
	_ =	sdelay $0x3  }
0x37: {  	[smem:$0x3FB9] =	sst s10  }
0x38: {  	s10 =	sld [smem:$0x3FBA]  }
0x39: {  	_ = 	snop;
	(pc) =	sbr.ind lr, $3  }
0x3a: {  	_ = 	snop  }
0x3b: {  	_ = 	snop  }
0x3c: {  	p2 =	seq.s32 s10, $0x1;
	s10 =	sld [smem:$0x3FB9]  }
0x3d: {  	_ =	shalt  }
0x3e: {  	_ =	shalt  }
0x3f: {  	_ =	shalt  }
0x40: {  	_ =	shalt  }
0x41: {  	_ =	shalt  }
0x42: {  	_ =	shalt  }
0x43: {  	_ =	shalt  }
0x44: {  	_ =	shalt  }
0x45: {  	_ =	shalt  }
0x46: {  	_ =	shalt  }
0x47: {  	_ =	shalt  }
0x48: {  	_ =	shalt  }
0x49: {  	_ =	shalt  }
0x4a: {  	_ =	shalt  }
0x4b: {  	_ =	shalt  }
0x4c: {  	_ =	shalt  }
0x4d: {  	_ =	shalt  }
0x4e: {  	_ =	shalt  }
0x4f: {  	_ =	shalt  }
0x50: {  	_ =	shalt  }
0x51: {  	_ =	shalt  }
0x52: {  	_ =	shalt  }
0x53: {  	_ =	shalt  }
0x54: {  	_ =	shalt  }
0x55: {  	_ =	shalt  }
0x56: {  	_ =	shalt  }
0x57: {  	_ =	shalt  }
0x58: {  	_ =	shalt  }
0x59: {  	_ =	shalt  }
0x5a: {  	_ =	shalt  }
0x5b: {  	_ =	shalt  }
0x5c: {  	_ =	shalt  }
0x5d: {  	_ =	shalt  }
0x5e: {  	_ =	shalt  }
0x5f: {  	_ =	shalt  }
0x60: {  	_ =	shalt  }
0x61: {  	_ =	shalt  }
0x62: {  	_ =	shalt  }
0x63: {  	_ =	shalt  }
0x64: {  	_ =	shalt  }
0x65: {  	_ =	shalt  }
0x66: {  	_ =	shalt  }
0x67: {  	_ =	shalt  }
0x68: {  	_ =	shalt  }
0x69: {  	_ =	shalt  }
0x6a: {  	_ =	shalt  }
0x6b: {  	_ =	shalt  }
0x6c: {  	_ =	shalt  }
0x6d: {  	_ =	shalt  }
0x6e: {  	_ =	shalt  }
0x6f: {  	_ =	shalt  }
0x70: {  	_ =	shalt  }
0x71: {  	_ =	shalt  }
0x72: {  	_ =	shalt  }
0x73: {  	_ =	shalt  }
0x74: {  	_ =	shalt  }
0x75: {  	_ =	shalt  }
0x76: {  	_ =	shalt  }
0x77: {  	_ =	shalt  }
0x78: {  	_ =	shalt  }
0x79: {  	_ =	shalt  }
0x7a: {  	_ =	shalt  }
0x7b: {  	_ =	shalt  }
0x7c: {  	_ =	shalt  }
0x7d: {  	_ =	shalt  }
0x7e: {  	_ =	shalt  }
0x7f: {  	_ =	shalt  }
0x80: {  	_ =	shalt  }
0x81: {  	_ =	shalt  }
0x82: {  	_ =	shalt  }
0x83: {  	_ =	shalt  }
0x84: {  	_ =	shalt  }
0x85: {  	_ =	shalt  }
0x86: {  	_ =	shalt  }
0x87: {  	_ =	shalt  }
.Lfunc_end0:
.L_simem_size_0:
called_computation_lowered:
.L_overlay_start_0:
0x88: {  	s2 =	sld [smem:$0x3FD9]  }
0x89: {  	s3 =	sld [smem:$0x3FFE];
	_ =	sdelay $0x1  }
0x8a: {  	s1 =	srdreg.scid  }
0x8b: {  	s0 =	sand.u32 $0x1, s1  }
0x8c: {  	s17 =	sshll.u32 s0, $0xA;
	s2 =	sadd.s32 s3, s2  }
0x8d: {  	s2 =	sadd.s32 s2, s17  }
0x8e: {  	[smem:$0x3FC5] =	sst s2  }
0x8f: {  	_ = 	snop  }
0x90: {  	s2 =	sld [smem:$0x3FC8]  }
0x91: {  	s18 =	sld [smem:$0x3FC7]  }
0x92: {  	s4 =	sld [smem:$0x3FD0];
	(tm) =	ssettm $0x1  }
0x93: {  	s5 =	sld [smem:$0x3FFB];
	_ =	sdelay $0x3  }
0x94: {  	_ =	strace s5  }
0x95: {  	s5 =	sld [smem:$0x3FFC];
	_ =	sdelay $0x3  }
0x96: {  	_ =	strace s5  }
0x97: {  	s5 =	sld [smem:$0x3FFD];
	_ =	sdelay $0x3  }
0x98: {  	_ =	strace s5  }
0x99: {  	_ =	strace $0x8FFFFFFF  }
0x9a: {  	s19 =	sld [smem:$0x3FDB];
	_ =	sdelay $0x1  }
0x9b: {  	s6 =	simm.s32 $_scs_section_size  }
0x9c: {  	s7 =	simm.s32 $_size__tile_overlayer_lowered;
	s8 =	simm.s32 $_tile_overlayer_lowered  }
0x9d: {  	s22 =	simm.s32 $0x1BFF;
	s21 =	sshll.u32 s8, $0x1;
	s5 =	sadd.s32 s6, s19  }
0x9e: {  	s9 =	simm.s32 $0x0;
	s20 =	sshll.u32 s7, $0x1;
	s7 =	sadd.s32 s21, s5  }
0x9f: {  	[timem:s9], [sflag:s22] =	dma.local [hbm:s7], s20  }
0xa0: {  	_ =	swait.ge [sflag:s22], s20  }
0xa1: {  	s6 =	ssub.s32 $0x0, s20;
	[sflag:s22] =	ssyncset.done $0x0  }
0xa2: {  	[sflag:s22] =	ssyncadd.s32 s6;
	_ =	sdelay $0x1  }
0xa3: {  	s23 =	simm.s32 $0x1B8B  }
0xa4: {  	_ =	swait.ge [sflag:s23], $0x1  }
0xa5: {  	[sflag:s23] =	ssyncset.done $0x0  }
0xa6: {  	s25 =	simm.s32 $0x1B8E;
	s24 =	sld [smem:$0x3FFE];
	[sflag:s23] =	ssyncadd.s32 $0xFFFFFFFF  }
0xa7: {  	s26 =	simm.s32 $execute0_lowered;
	[smem:$0x3FD2] =	sst s25  }
0xa8: {  	s7 =	sshll.u32 s26, $0x1;
	_ =	strace $0x80000046;
	[dreg:$0x1] =	wrdreg $0xFFFFFFFF  }
0xa9: {  	s28 =	simm.s32 $_size_execute0_lowered;
	s5 =	sadd.s32 s5, s7;
	[dreg:$0x0] =	wrdreg $0x0  }
0xaa: {  	s7 =	sshll.u32 s28, $0x1;
	[dreg:$0x2] =	wrdreg s5  }
0xab: {  	[dreg:$0x3] =	wrdreg s7  }
0xac: {  	[dreg:$0x4] =	wrdreg $0xC0  }
0xad: {  	_ =	task [dreg:s9], $0x5FFFF  }
0xae: {  	[dreg:$0x1] =	wrdreg $0xFFFFFFFF  }
0xaf: {  	[dreg:$0x0] =	wrdreg $0x60  }
0xb0: {  	[dreg:$0x2] =	wrdreg s4  }
0xb1: {  	[dreg:$0x3] =	wrdreg s2  }
0xb2: {  	[dreg:$0x4] =	wrdreg s18  }
0xb3: {  	[dreg:$0x5] =	wrdreg s24  }
0xb4: {  	[dreg:$0x6] =	wrdreg $0x9  }
0xb5: {  	_ =	task.clear_ibuf [dreg:s9], $0x7FFFF;
	_ =	strace $0x90000046  }
0xb6: {  	s29 =	simm.s32 $0x9;
	_ =	strace $0x80000048  }
0xb7: {  	_ =	swait.ge [sflag:s29], $0x1  }
0xb8: {  	[sflag:s29] =	ssyncadd.s32 $0xFFFFFFFF  }
0xb9: {  	_ =	strace $0x90000048  }
0xba: {  	_ =	sfence  }
0xbb: {  	s30 =	sld [smem:$0x0];
	_ =	sdelay $0x2  }
0xbc: {  	s31 =	sshll.u32 s1, $0xD;
	s1 =	sshrl.u32 s1, $0x2  }
0xbd: {  	s3 =	sand.u32 $0x4000, s31;
	s1 =	sadd.s32 s1, s30  }
0xbe: {  	s0 =	sor.u32 s3, s0;
	s1 =	sshll.u32 s1, $0x11  }
0xbf: {  	s0 =	sor.u32 s1, s0  }
0xc0: {  	s0 =	sadd.s32 $0x8F2B, s0  }
0xc1: {  	[sflag:s0] =	ssyncadd.remote.s32 $0x1  }
0xc2: {  	_ =	sfence.sel $0xFFFF  }
0xc3: {  	[dreg:$0x0] =	wrdreg $0xFFFFFFFF;
	(pc) =	sbr.abs _section_cstart, $3  }
0xc4: {  	[dreg:$0x1] =	wrdreg $0xFFFFFFFF  }
0xc5: {  	_ =	task.clear_ibuf [dreg:s9], $0x2FFFF;
	_ =	strace $0x9FFFFFFF  }
0xc6: {  	(tm) =	ssettm $0x7FFFFFFF  }
0xc7: {  	_ =	shalt  }
tec
execute0_lowered:
.L_overlay_start_1:
0x0: {  	(tag) =	ssettag $0x1  }
0x1: {  	s0 =	rddreg [dreg:$0x0]  }
0x2: {  	s1 =	rddreg [dreg:$0x1]  }
0x3: {  	s2 =	srdreg.scid;
	s4 =	stileid.u32  }
0x4: {  	s3 =	rddreg [dreg:$0x3];
	s15 =	simm.s32 $0x10000;
	s31 =	simm.s32 $0x17800  }
0x5: {  	s12 =	simm.s32 $0x1B800;
	s13 =	simm.s32 $0x1C000;
	s16 =	simm.s32 $0x1C800  }
0x6: {  	s17 =	simm.s32 $0x1D000;
	s18 =	simm.s32 $0x1D800;
	s19 =	simm.s32 $0x1E000  }
0x7: {  	s20 =	simm.s32 $0x1E800;
	s21 =	simm.s32 $0x1;
	s2 =	sand.u32 $0x1, s2  }
0x8: {  	s5 =	sshll.u32 s4, $0x6;
	s4 =	simm.s32 $0x0;
	s6 =	sshll.u32 s2, $0x5  }
0x9: {  	s22 =	simm.s32 $0x3;
	[smem:$0x7FF] =	sst s4;
	s5 =	sor.u32 s6, s5  }
0xa: {  	s2 =	ssub.s32 $0x2, s2;
	_ =	strace $0x80000047;
	s7 =	smul.u32 $0xF000, s5  }
0xb: {  	s6 =	sadd.s32 $0x400, s3;
	s26 =	sshrl.u32 s2, $0x1;
	s8 =	sshll.u32 s5, $0x4  }
0xc: {  	s2 =	ssub.s32 s2, s26;
	s0 =	sadd.s32 s0, s8;
	s7 =	sshrl.u32 s7, $0x3  }
0xd: {  	s30 =	smax.u32 s2, $0x1;
	[dreg:$0x5] =	wrdreg s0;
	s28 =	sadd.s32 s6, s7  }
0xe: {  	v2 =	vlaneseq.u32;
	s23 =	simm.s32 $0x2;
	[dreg:$0x8] =	wrdreg s30;
	s29 =	sadd.s32 $0x3A200, s28  }
0xf: {  	vm0 =	vmmov $0xffff;
	s9 =	sadd.s32 $0x200, s1;
	v1 =	vshrl.u32 v2, $0x3;
	s0 =	sadd.s32 $0x3B100, s28;
	[dreg:$0x6] =	wrdreg s29  }
0x10: {  	v0 =	vand.u32 $0x7, v2;
	v2 =	vor.u32 $0x8, v2;
	v1 =	vmul.u32 $0x8, v1;
	s8 =	sadd.s32 $0x100, s1;
	s2 =	simm.s32 $0x0;
	[dreg:$0x7] =	wrdreg s0  }
.LBB2_1:
0x11: {  	[dreg:$0x9] =	wrdreg s2  }
0x12: {  	s0 =	rddreg [dreg:$0x5];
	s26 =	simm.s32 $0x5  }
0x13: {  	[tilespmem:s4], [sflag:$0x5] =	stream.linear.gather [hbm4b:s0+s4], $0x1000, $0x38;
	[tilespmem:$0x1F000] =	vst v63  }
0x14: {  	_ =	swait.ge [sflag:s26], $0x1000  }
0x15: {  	[sflag:s26] =	ssyncset.done $0x0  }
0x16: {  	[sflag:s26] =	ssyncadd.s32 $0xFFFFF000  }
0x17: {  	s3 =	simm.s32 $0x1000;
	s28 =	rddreg [dreg:$0x2]  }
0x18: {  	[tilespmem:s3], [sflag:$0x5] =	stream.linear.gather [hbm4b:s28+s4], $0xF000, $0x38;
	[tilespmem:$0x1F000] =	vst v63  }
0x19: {  	_ =	swait.ge [sflag:s26], $0xF000  }
0x1a: {  	[sflag:s26] =	ssyncset.done $0x0  }
0x1b: {  	[sflag:s26] =	ssyncadd.s32 $0xFFFF1000  }
0x1c: {  	v3 =	vld [tilespmem:$0x0];
	_ =	sdelay $0x4  }
0x1d: {  	v4 =	vshrl.u32 v3, $0x3  }
0x1e: {  	v4 =	vmul.u32 $0x30, v4  }
0x1f: {  	v3 =	vand.u32 $0x7, v3  }
0x20: {  	v3 =	vor.u32 v3, v4  }
0x21: {  	v4 =	vperm.xlane v3, v0;
	_ =	sdelay $0x1  }
0x22: {  	v4 =	vadd.s32 v1, v4;
	_ =	sdelay $0x3  }
0x23: {  	v3 =	vperm.xlane v3, v2  }
0x24: {  	[tilespmem:s15], [sflag:$0x1] =	stream.indirect_vreg.gather [hbm4b:s1+s4], $0x80, v4, vm0, $0xb8;
	[tilespmem:$0x1F000] =	vst v63  }
0x25: {  	s29 =	simm.s32 $0x10800;
	v3 =	vadd.s32 v1, v3  }
0x26: {  	[tilespmem:s29], [sflag:$0x1] =	stream.indirect_vreg.gather [hbm4b:s8+s4], $0x80, v4, vm0, $0xb8;
	[tilespmem:$0x1F000] =	vst v63  }
0x27: {  	s30 =	simm.s32 $0x11000  }
0x28: {  	[tilespmem:s30], [sflag:$0x1] =	stream.indirect_vreg.gather [hbm4b:s9+s4], $0x80, v4, vm0, $0xb8;
	[tilespmem:$0x1F000] =	vst v63  }
0x29: {  	s2 =	simm.s32 $0x11800  }
0x2a: {  	[tilespmem:s2], [sflag:$0x1] =	stream.indirect_vreg.gather [hbm4b:s1+s4], $0x80, v3, vm0, $0xb8;
	[tilespmem:$0x1F000] =	vst v63  }
0x2b: {  	s3 =	simm.s32 $0x12000  }
0x2c: {  	[tilespmem:s3], [sflag:$0x1] =	stream.indirect_vreg.gather [hbm4b:s8+s4], $0x80, v3, vm0, $0xb8;
	[tilespmem:$0x1F000] =	vst v63  }
0x2d: {  	s7 =	simm.s32 $0x12800  }
0x2e: {  	[tilespmem:s7], [sflag:$0x1] =	stream.indirect_vreg.gather [hbm4b:s9+s4], $0x80, v3, vm0, $0xb8;
	[tilespmem:$0x1F000] =	vst v63  }
0x2f: {  	v3 =	vld [tilespmem:$0x10];
	_ =	sdelay $0x4  }
0x30: {  	v62 =	vshrl.u32 v3, $0x3  }
0x31: {  	v4 =	vmul.u32 $0x30, v62  }
0x32: {  	v3 =	vand.u32 $0x7, v3  }
0x33: {  	v3 =	vor.u32 v3, v4  }
0x34: {  	v4 =	vperm.xlane v3, v0;
	_ =	sdelay $0x1  }
0x35: {  	v4 =	vadd.s32 v1, v4;
	_ =	sdelay $0x3  }
0x36: {  	s10 =	simm.s32 $0x13000;
	v3 =	vperm.xlane v3, v2  }
0x37: {  	[tilespmem:s10], [sflag:$0x1] =	stream.indirect_vreg.gather [hbm4b:s1+s4], $0x80, v4, vm0, $0xb8;
	[tilespmem:$0x1F000] =	vst v63  }
0x38: {  	s11 =	simm.s32 $0x13800;
	v3 =	vadd.s32 v1, v3  }
0x39: {  	[tilespmem:s11], [sflag:$0x1] =	stream.indirect_vreg.gather [hbm4b:s8+s4], $0x80, v4, vm0, $0xb8;
	[tilespmem:$0x1F000] =	vst v63  }
0x3a: {  	s14 =	simm.s32 $0x14000  }
0x3b: {  	[tilespmem:s14], [sflag:$0x1] =	stream.indirect_vreg.gather [hbm4b:s9+s4], $0x80, v4, vm0, $0xb8;
	[tilespmem:$0x1F000] =	vst v63  }
0x3c: {  	s24 =	simm.s32 $0x14800  }
0x3d: {  	[tilespmem:s24], [sflag:$0x1] =	stream.indirect_vreg.gather [hbm4b:s1+s4], $0x80, v3, vm0, $0xb8;
	[tilespmem:$0x1F000] =	vst v63  }
0x3e: {  	s25 =	simm.s32 $0x15000  }
0x3f: {  	[tilespmem:s25], [sflag:$0x1] =	stream.indirect_vreg.gather [hbm4b:s8+s4], $0x80, v3, vm0, $0xb8;
	[tilespmem:$0x1F000] =	vst v63  }
0x40: {  	s26 =	simm.s32 $0x15800  }
0x41: {  	[tilespmem:s26], [sflag:$0x1] =	stream.indirect_vreg.gather [hbm4b:s9+s4], $0x80, v3, vm0, $0xb8;
	[tilespmem:$0x1F000] =	vst v63  }
0x42: {  	v3 =	vld.msk [tilespmem:$0x20], $0xff;
	_ =	sdelay $0x4  }
0x43: {  	v63 =	vshrl.u32 v3, $0x3  }
0x44: {  	v4 =	vmul.u32 $0x30, v63  }
0x45: {  	v3 =	vand.u32 $0x7, v3  }
0x46: {  	v3 =	vor.u32 v3, v4  }
0x47: {  	v3 =	vperm.xlane v3, v0;
	_ =	sdelay $0x1  }
0x48: {  	v3 =	vadd.s32 v1, v3;
	_ =	sdelay $0x3  }
0x49: {  	s28 =	simm.s32 $0x16000  }
0x4a: {  	[tilespmem:s28], [sflag:$0x1] =	stream.indirect_vreg.gather [hbm4b:s1+s4], $0x80, v3, vm0, $0xb8;
	[tilespmem:$0x1F000] =	vst v63  }
0x4b: {  	s29 =	simm.s32 $0x16800  }
0x4c: {  	[tilespmem:s29], [sflag:$0x1] =	stream.indirect_vreg.gather [hbm4b:s8+s4], $0x80, v3, vm0, $0xb8;
	[tilespmem:$0x1F000] =	vst v63  }
0x4d: {  	s30 =	simm.s32 $0x17000;
	s24 =	simm.s32 $0x0  }
0x4e: {  	[tilespmem:s30], [sflag:$0x1] =	stream.indirect_vreg.gather [hbm4b:s9+s4], $0x80, v3, vm0, $0xb8;
	[tilespmem:$0x1F000] =	vst v63  }
.LBB2_2:
0x4f: {  	p0 =	seq.s32 s24, $0x0  }
0x50: {  	s0 =	simm.s32 @!p0 $0x4  }
0x51: {  	_ =	swait.ge @!p0 [sflag:s0], $0x7800  }
0x52: {  	s2 =	sshll.u32 s24, $0x7;
	[sflag:s0] =	ssyncset.done @!p0 $0x0  }
0x53: {  	s26 =	sand.u32 $0x3FFFFF80, s2;
	[sflag:s0] =	ssyncadd.s32 @!p0 $0xFFFF8800  }
0x54: {  	v3 =	vld [tilespmem:s26+$0x28];
	_ =	sdelay $0x4  }
0x55: {  	v4 =	vshrl.u32 v3, $0x3  }
0x56: {  	v4 =	vmul.u32 $0x30, v4  }
0x57: {  	v3 =	vand.u32 $0x7, v3  }
0x58: {  	v3 =	vor.u32 v3, v4  }
0x59: {  	v4 =	vperm.xlane v3, v0;
	_ =	sdelay $0x1  }
0x5a: {  	v4 =	vadd.s32 v1, v4;
	_ =	sdelay $0x3  }
0x5b: {  	s0 =	simm.s32 $0x0;
	v3 =	vperm.xlane v3, v2  }
0x5c: {  	[tilespmem:s31], [sflag:$0x2] =	stream.indirect_vreg.gather [hbm4b:s1+s0], $0x80, v4, vm0, $0xb8;
	[tilespmem:$0x1F000] =	vst v63  }
0x5d: {  	s3 =	simm.s32 $0x18000;
	v3 =	vadd.s32 v1, v3  }
0x5e: {  	[tilespmem:s3], [sflag:$0x2] =	stream.indirect_vreg.gather [hbm4b:s8+s0], $0x80, v4, vm0, $0xb8;
	[tilespmem:$0x1F000] =	vst v63  }
0x5f: {  	s7 =	simm.s32 $0x18800  }
0x60: {  	[tilespmem:s7], [sflag:$0x2] =	stream.indirect_vreg.gather [hbm4b:s9+s0], $0x80, v4, vm0, $0xb8;
	[tilespmem:$0x1F000] =	vst v63  }
0x61: {  	s10 =	simm.s32 $0x19000  }
0x62: {  	[tilespmem:s10], [sflag:$0x2] =	stream.indirect_vreg.gather [hbm4b:s1+s0], $0x80, v3, vm0, $0xb8;
	[tilespmem:$0x1F000] =	vst v63  }
0x63: {  	s11 =	simm.s32 $0x19800  }
0x64: {  	[tilespmem:s11], [sflag:$0x2] =	stream.indirect_vreg.gather [hbm4b:s8+s0], $0x80, v3, vm0, $0xb8;
	[tilespmem:$0x1F000] =	vst v63  }
0x65: {  	s14 =	simm.s32 $0x1A000  }
0x66: {  	[tilespmem:s14], [sflag:$0x2] =	stream.indirect_vreg.gather [hbm4b:s9+s0], $0x80, v3, vm0, $0xb8;
	[tilespmem:$0x1F000] =	vst v63  }
0x67: {  	v3 =	vld [tilespmem:s26+$0x38];
	_ =	sdelay $0x4  }
0x68: {  	v4 =	vshrl.u32 v3, $0x3  }
0x69: {  	v4 =	vmul.u32 $0x30, v4  }
0x6a: {  	v3 =	vand.u32 $0x7, v3  }
0x6b: {  	v3 =	vor.u32 v3, v4  }
0x6c: {  	v4 =	vperm.xlane v3, v0;
	_ =	sdelay $0x1  }
0x6d: {  	v4 =	vadd.s32 v1, v4;
	_ =	sdelay $0x3  }
0x6e: {  	s25 =	simm.s32 $0x1A800;
	v3 =	vperm.xlane v3, v2  }
0x6f: {  	[tilespmem:s25], [sflag:$0x2] =	stream.indirect_vreg.gather [hbm4b:s1+s0], $0x80, v4, vm0, $0xb8;
	[tilespmem:$0x1F000] =	vst v63  }
0x70: {  	s28 =	simm.s32 $0x1B000;
	v3 =	vadd.s32 v1, v3  }
0x71: {  	[tilespmem:s28], [sflag:$0x2] =	stream.indirect_vreg.gather [hbm4b:s8+s0], $0x80, v4, vm0, $0xb8;
	[tilespmem:$0x1F000] =	vst v63  }
0x72: {  	_ = 	snop  }
0x73: {  	[tilespmem:s12], [sflag:$0x2] =	stream.indirect_vreg.gather [hbm4b:s9+s0], $0x80, v4, vm0, $0xb8;
	[tilespmem:$0x1F000] =	vst v63  }
0x74: {  	_ = 	snop  }
0x75: {  	[tilespmem:s13], [sflag:$0x2] =	stream.indirect_vreg.gather [hbm4b:s1+s0], $0x80, v3, vm0, $0xb8;
	[tilespmem:$0x1F000] =	vst v63  }
0x76: {  	_ = 	snop  }
0x77: {  	[tilespmem:s16], [sflag:$0x2] =	stream.indirect_vreg.gather [hbm4b:s8+s0], $0x80, v3, vm0, $0xb8;
	[tilespmem:$0x1F000] =	vst v63  }
0x78: {  	s29 =	sor.u32 $0x48, s26  }
0x79: {  	[tilespmem:s17], [sflag:$0x2] =	stream.indirect_vreg.gather [hbm4b:s9+s0], $0x80, v3, vm0, $0xb8;
	[tilespmem:$0x1F000] =	vst v63  }
0x7a: {  	v3 =	vld.msk [tilespmem:s29+$0x0], $0xff;
	_ =	sdelay $0x4  }
0x7b: {  	v4 =	vshrl.u32 v3, $0x3  }
0x7c: {  	v4 =	vmul.u32 $0x30, v4  }
0x7d: {  	v3 =	vand.u32 $0x7, v3  }
0x7e: {  	v3 =	vor.u32 v3, v4  }
0x7f: {  	v3 =	vperm.xlane v3, v0;
	_ =	sdelay $0x1  }
0x80: {  	v3 =	vadd.s32 v1, v3;
	_ =	sdelay $0x4  }
0x81: {  	[tilespmem:s18], [sflag:$0x2] =	stream.indirect_vreg.gather [hbm4b:s1+s0], $0x80, v3, vm0, $0xb8;
	[tilespmem:$0x1F000] =	vst v63  }
0x82: {  	_ = 	snop  }
0x83: {  	[tilespmem:s19], [sflag:$0x2] =	stream.indirect_vreg.gather [hbm4b:s8+s0], $0x80, v3, vm0, $0xb8;
	[tilespmem:$0x1F000] =	vst v63  }
0x84: {  	s30 =	simm.s32 $0x0  }
0x85: {  	[tilespmem:s20], [sflag:$0x2] =	stream.indirect_vreg.gather [hbm4b:s9+s0], $0x80, v3, vm0, $0xb8;
	[tilespmem:$0x1F000] =	vst v63  }
0x86: {  	s2 =	smul.u32 $0x1800, s30;
	_ =	swait.ge [sflag:s21], $0x7800  }
0x87: {  	s3 =	sand.u32 $0x380, s0;
	[sflag:s21] =	ssyncset.done $0x0  }
0x88: {  	s2 =	sor.u32 s3, s2;
	[sflag:s21] =	ssyncadd.s32 $0xFFFF8800  }
0x89: {  	v3 =	vld [tilespmem:s2+$0x2470]  }
0x8a: {  	v6 =	vld [tilespmem:s2+$0x1000]  }
0x8b: {  	v7 =	vld [tilespmem:s2+$0x1010]  }
0x8c: {  	v8 =	vld [tilespmem:s2+$0x1020]  }
0x8d: {  	v9 =	vld [tilespmem:s2+$0x1030]  }
0x8e: {  	v10 =	vld [tilespmem:s2+$0x1040]  }
0x8f: {  	v11 =	vld [tilespmem:s2+$0x1050]  }
0x90: {  	v12 =	vld [tilespmem:s2+$0x1060]  }
0x91: {  	v13 =	vld [tilespmem:s2+$0x1070]  }
0x92: {  	v14 =	vld [tilespmem:s2+$0x1400]  }
0x93: {  	v15 =	vld [tilespmem:s2+$0x1410]  }
0x94: {  	v16 =	vld [tilespmem:s2+$0x1420]  }
0x95: {  	v17 =	vld [tilespmem:s2+$0x1430]  }
0x96: {  	v18 =	vld [tilespmem:s2+$0x1440]  }
0x97: {  	v19 =	vld [tilespmem:s2+$0x1450]  }
0x98: {  	v20 =	vld [tilespmem:s2+$0x1460]  }
0x99: {  	v21 =	vld [tilespmem:s2+$0x1470]  }
0x9a: {  	v22 =	vld [tilespmem:s2+$0x1800]  }
0x9b: {  	v23 =	vld [tilespmem:s2+$0x1810]  }
0x9c: {  	v24 =	vld [tilespmem:s2+$0x1820]  }
0x9d: {  	v25 =	vld [tilespmem:s2+$0x1830]  }
0x9e: {  	v26 =	vld [tilespmem:s2+$0x1840]  }
0x9f: {  	v27 =	vld [tilespmem:s2+$0x1850]  }
0xa0: {  	v28 =	vld [tilespmem:s2+$0x1860]  }
0xa1: {  	v29 =	vld [tilespmem:s2+$0x1870]  }
0xa2: {  	v30 =	vld [tilespmem:s2+$0x1C00]  }
0xa3: {  	v31 =	vld [tilespmem:s2+$0x1C10]  }
0xa4: {  	v32 =	vld [tilespmem:s2+$0x1C20]  }
0xa5: {  	v33 =	vld [tilespmem:s2+$0x1C30]  }
0xa6: {  	v34 =	vld [tilespmem:s2+$0x1C40]  }
0xa7: {  	v35 =	vld [tilespmem:s2+$0x1C50]  }
0xa8: {  	v36 =	vld [tilespmem:s2+$0x1C60]  }
0xa9: {  	v37 =	vld [tilespmem:s2+$0x1C70]  }
0xaa: {  	v38 =	vld [tilespmem:s2+$0x2000]  }
0xab: {  	v39 =	vld [tilespmem:s2+$0x2010]  }
0xac: {  	v40 =	vld [tilespmem:s2+$0x2020]  }
0xad: {  	v41 =	vld [tilespmem:s2+$0x2030]  }
0xae: {  	v42 =	vld [tilespmem:s2+$0x2040]  }
0xaf: {  	v43 =	vld [tilespmem:s2+$0x2050]  }
0xb0: {  	v44 =	vld [tilespmem:s2+$0x2060]  }
0xb1: {  	v45 =	vld [tilespmem:s2+$0x2070]  }
0xb2: {  	v46 =	vld [tilespmem:s2+$0x2400]  }
0xb3: {  	v47 =	vld [tilespmem:s2+$0x2410]  }
0xb4: {  	v48 =	vld [tilespmem:s2+$0x2420]  }
0xb5: {  	v49 =	vld [tilespmem:s2+$0x2430]  }
0xb6: {  	v5 =	vld [tilespmem:s2+$0x2440]  }
0xb7: {  	v4 =	vld [tilespmem:s2+$0x2450]  }
0xb8: {  	[tilespmem:s2+$0x11470] =	vst.add.f32.msk $0xffff, v3  }
0xb9: {  	v3 =	vld [tilespmem:s2+$0x2460]  }
0xba: {  	[tilespmem:s2+$0x10000] =	vst.add.f32.msk $0xffff, v6  }
0xbb: {  	[tilespmem:s2+$0x10010] =	vst.add.f32.msk $0xffff, v7  }
0xbc: {  	[tilespmem:s2+$0x10020] =	vst.add.f32.msk $0xffff, v8  }
0xbd: {  	[tilespmem:s2+$0x10030] =	vst.add.f32.msk $0xffff, v9  }
0xbe: {  	[tilespmem:s2+$0x10040] =	vst.add.f32.msk $0xffff, v10  }
0xbf: {  	[tilespmem:s2+$0x10050] =	vst.add.f32.msk $0xffff, v11  }
0xc0: {  	[tilespmem:s2+$0x10060] =	vst.add.f32.msk $0xffff, v12  }
0xc1: {  	[tilespmem:s2+$0x10070] =	vst.add.f32.msk $0xffff, v13  }
0xc2: {  	[tilespmem:s2+$0x10400] =	vst.add.f32.msk $0xffff, v14  }
0xc3: {  	[tilespmem:s2+$0x10410] =	vst.add.f32.msk $0xffff, v15  }
0xc4: {  	[tilespmem:s2+$0x10420] =	vst.add.f32.msk $0xffff, v16  }
0xc5: {  	[tilespmem:s2+$0x10430] =	vst.add.f32.msk $0xffff, v17  }
0xc6: {  	[tilespmem:s2+$0x10440] =	vst.add.f32.msk $0xffff, v18  }
0xc7: {  	[tilespmem:s2+$0x10450] =	vst.add.f32.msk $0xffff, v19  }
0xc8: {  	[tilespmem:s2+$0x10460] =	vst.add.f32.msk $0xffff, v20  }
0xc9: {  	[tilespmem:s2+$0x10470] =	vst.add.f32.msk $0xffff, v21  }
0xca: {  	[tilespmem:s2+$0x10800] =	vst.add.f32.msk $0xffff, v22  }
0xcb: {  	[tilespmem:s2+$0x10810] =	vst.add.f32.msk $0xffff, v23  }
0xcc: {  	[tilespmem:s2+$0x10820] =	vst.add.f32.msk $0xffff, v24  }
0xcd: {  	[tilespmem:s2+$0x10830] =	vst.add.f32.msk $0xffff, v25  }
0xce: {  	[tilespmem:s2+$0x10840] =	vst.add.f32.msk $0xffff, v26  }
0xcf: {  	[tilespmem:s2+$0x10850] =	vst.add.f32.msk $0xffff, v27  }
0xd0: {  	[tilespmem:s2+$0x10860] =	vst.add.f32.msk $0xffff, v28  }
0xd1: {  	[tilespmem:s2+$0x10870] =	vst.add.f32.msk $0xffff, v29  }
0xd2: {  	[tilespmem:s2+$0x10C00] =	vst.add.f32.msk $0xffff, v30  }
0xd3: {  	[tilespmem:s2+$0x10C10] =	vst.add.f32.msk $0xffff, v31  }
0xd4: {  	[tilespmem:s2+$0x10C20] =	vst.add.f32.msk $0xffff, v32  }
0xd5: {  	[tilespmem:s2+$0x10C30] =	vst.add.f32.msk $0xffff, v33  }
0xd6: {  	[tilespmem:s2+$0x10C40] =	vst.add.f32.msk $0xffff, v34  }
0xd7: {  	[tilespmem:s2+$0x10C50] =	vst.add.f32.msk $0xffff, v35  }
0xd8: {  	[tilespmem:s2+$0x10C60] =	vst.add.f32.msk $0xffff, v36  }
0xd9: {  	[tilespmem:s2+$0x10C70] =	vst.add.f32.msk $0xffff, v37  }
0xda: {  	[tilespmem:s2+$0x11000] =	vst.add.f32.msk $0xffff, v38  }
0xdb: {  	[tilespmem:s2+$0x11010] =	vst.add.f32.msk $0xffff, v39  }
0xdc: {  	[tilespmem:s2+$0x11020] =	vst.add.f32.msk $0xffff, v40  }
0xdd: {  	[tilespmem:s2+$0x11030] =	vst.add.f32.msk $0xffff, v41  }
0xde: {  	[tilespmem:s2+$0x11040] =	vst.add.f32.msk $0xffff, v42  }
0xdf: {  	[tilespmem:s2+$0x11050] =	vst.add.f32.msk $0xffff, v43  }
0xe0: {  	[tilespmem:s2+$0x11060] =	vst.add.f32.msk $0xffff, v44  }
0xe1: {  	[tilespmem:s2+$0x11070] =	vst.add.f32.msk $0xffff, v45  }
0xe2: {  	[tilespmem:s2+$0x11400] =	vst.add.f32.msk $0xffff, v46  }
0xe3: {  	[tilespmem:s2+$0x11410] =	vst.add.f32.msk $0xffff, v47  }
0xe4: {  	[tilespmem:s2+$0x11420] =	vst.add.f32.msk $0xffff, v48  }
0xe5: {  	s3 =	simm.s32 $0x2;
	s7 =	simm.s32 $0x0;
	[tilespmem:s2+$0x11430] =	vst.add.f32.msk $0xffff, v49  }
.LBB2_3:
0xe6: {  	p0 =	sne.s32 s3, $0x27;
	s7 =	smul.u32 $0x1800, s7;
	[tilespmem:s2+$0x11440] =	vst.add.f32.msk $0xffff, v5;
	s0 =	sadd.s32 $0x80, s0  }
0xe7: {  	s10 =	sand.u32 $0x380, s0;
	[tilespmem:s2+$0x11450] =	vst.add.f32.msk $0xffff, v4  }
0xe8: {  	[tilespmem:s2+$0x11460] =	vst.add.f32.msk $0xffff, v3;
	s2 =	sor.u32 s10, s7  }
0xe9: {  	v3 =	vld [tilespmem:s2+$0x2470]  }
0xea: {  	v6 =	vld [tilespmem:s2+$0x1000]  }
0xeb: {  	v7 =	vld [tilespmem:s2+$0x1010]  }
0xec: {  	v8 =	vld [tilespmem:s2+$0x1020]  }
0xed: {  	v9 =	vld [tilespmem:s2+$0x1030]  }
0xee: {  	[tilespmem:s2+$0x11470] =	vst.add.f32.msk $0xffff, v3  }
0xef: {  	v10 =	vld [tilespmem:s2+$0x1040]  }
0xf0: {  	v11 =	vld [tilespmem:s2+$0x1050]  }
0xf1: {  	v12 =	vld [tilespmem:s2+$0x1060]  }
0xf2: {  	v13 =	vld [tilespmem:s2+$0x1070]  }
0xf3: {  	v14 =	vld [tilespmem:s2+$0x1400]  }
0xf4: {  	v15 =	vld [tilespmem:s2+$0x1410]  }
0xf5: {  	v16 =	vld [tilespmem:s2+$0x1420]  }
0xf6: {  	v17 =	vld [tilespmem:s2+$0x1430]  }
0xf7: {  	v18 =	vld [tilespmem:s2+$0x1440]  }
0xf8: {  	v19 =	vld [tilespmem:s2+$0x1450]  }
0xf9: {  	v20 =	vld [tilespmem:s2+$0x1460]  }
0xfa: {  	v21 =	vld [tilespmem:s2+$0x1470]  }
0xfb: {  	v22 =	vld [tilespmem:s2+$0x1800]  }
0xfc: {  	v23 =	vld [tilespmem:s2+$0x1810]  }
0xfd: {  	v24 =	vld [tilespmem:s2+$0x1820]  }
0xfe: {  	v25 =	vld [tilespmem:s2+$0x1830]  }
0xff: {  	v26 =	vld [tilespmem:s2+$0x1840]  }
0x100: {  	v27 =	vld [tilespmem:s2+$0x1850]  }
0x101: {  	v28 =	vld [tilespmem:s2+$0x1860]  }
0x102: {  	v29 =	vld [tilespmem:s2+$0x1870]  }
0x103: {  	v30 =	vld [tilespmem:s2+$0x1C00]  }
0x104: {  	v31 =	vld [tilespmem:s2+$0x1C10]  }
0x105: {  	v32 =	vld [tilespmem:s2+$0x1C20]  }
0x106: {  	v33 =	vld [tilespmem:s2+$0x1C30]  }
0x107: {  	v34 =	vld [tilespmem:s2+$0x1C40]  }
0x108: {  	v35 =	vld [tilespmem:s2+$0x1C50]  }
0x109: {  	v36 =	vld [tilespmem:s2+$0x1C60]  }
0x10a: {  	v37 =	vld [tilespmem:s2+$0x1C70]  }
0x10b: {  	v38 =	vld [tilespmem:s2+$0x2000]  }
0x10c: {  	v39 =	vld [tilespmem:s2+$0x2010]  }
0x10d: {  	v40 =	vld [tilespmem:s2+$0x2020]  }
0x10e: {  	v41 =	vld [tilespmem:s2+$0x2030]  }
0x10f: {  	v42 =	vld [tilespmem:s2+$0x2040]  }
0x110: {  	v43 =	vld [tilespmem:s2+$0x2050]  }
0x111: {  	v44 =	vld [tilespmem:s2+$0x2060]  }
0x112: {  	v45 =	vld [tilespmem:s2+$0x2070]  }
0x113: {  	v46 =	vld [tilespmem:s2+$0x2400]  }
0x114: {  	v47 =	vld [tilespmem:s2+$0x2410]  }
0x115: {  	v48 =	vld [tilespmem:s2+$0x2420]  }
0x116: {  	v49 =	vld [tilespmem:s2+$0x2430]  }
0x117: {  	v5 =	vld [tilespmem:s2+$0x2440]  }
0x118: {  	v4 =	vld [tilespmem:s2+$0x2450]  }
0x119: {  	v3 =	vld [tilespmem:s2+$0x2460]  }
0x11a: {  	[tilespmem:s2+$0x10000] =	vst.add.f32.msk $0xffff, v6  }
0x11b: {  	[tilespmem:s2+$0x10010] =	vst.add.f32.msk $0xffff, v7  }
0x11c: {  	[tilespmem:s2+$0x10020] =	vst.add.f32.msk $0xffff, v8  }
0x11d: {  	[tilespmem:s2+$0x10030] =	vst.add.f32.msk $0xffff, v9  }
0x11e: {  	[tilespmem:s2+$0x10040] =	vst.add.f32.msk $0xffff, v10  }
0x11f: {  	[tilespmem:s2+$0x10050] =	vst.add.f32.msk $0xffff, v11  }
0x120: {  	[tilespmem:s2+$0x10060] =	vst.add.f32.msk $0xffff, v12  }
0x121: {  	[tilespmem:s2+$0x10070] =	vst.add.f32.msk $0xffff, v13  }
0x122: {  	[tilespmem:s2+$0x10400] =	vst.add.f32.msk $0xffff, v14  }
0x123: {  	[tilespmem:s2+$0x10410] =	vst.add.f32.msk $0xffff, v15  }
0x124: {  	[tilespmem:s2+$0x10420] =	vst.add.f32.msk $0xffff, v16  }
0x125: {  	[tilespmem:s2+$0x10430] =	vst.add.f32.msk $0xffff, v17  }
0x126: {  	[tilespmem:s2+$0x10440] =	vst.add.f32.msk $0xffff, v18  }
0x127: {  	[tilespmem:s2+$0x10450] =	vst.add.f32.msk $0xffff, v19  }
0x128: {  	[tilespmem:s2+$0x10460] =	vst.add.f32.msk $0xffff, v20  }
0x129: {  	[tilespmem:s2+$0x10470] =	vst.add.f32.msk $0xffff, v21  }
0x12a: {  	[tilespmem:s2+$0x10800] =	vst.add.f32.msk $0xffff, v22  }
0x12b: {  	[tilespmem:s2+$0x10810] =	vst.add.f32.msk $0xffff, v23  }
0x12c: {  	[tilespmem:s2+$0x10820] =	vst.add.f32.msk $0xffff, v24  }
0x12d: {  	[tilespmem:s2+$0x10830] =	vst.add.f32.msk $0xffff, v25  }
0x12e: {  	[tilespmem:s2+$0x10840] =	vst.add.f32.msk $0xffff, v26  }
0x12f: {  	[tilespmem:s2+$0x10850] =	vst.add.f32.msk $0xffff, v27  }
0x130: {  	[tilespmem:s2+$0x10860] =	vst.add.f32.msk $0xffff, v28  }
0x131: {  	[tilespmem:s2+$0x10870] =	vst.add.f32.msk $0xffff, v29  }
0x132: {  	[tilespmem:s2+$0x10C00] =	vst.add.f32.msk $0xffff, v30  }
0x133: {  	[tilespmem:s2+$0x10C10] =	vst.add.f32.msk $0xffff, v31  }
0x134: {  	[tilespmem:s2+$0x10C20] =	vst.add.f32.msk $0xffff, v32  }
0x135: {  	[tilespmem:s2+$0x10C30] =	vst.add.f32.msk $0xffff, v33  }
0x136: {  	[tilespmem:s2+$0x10C40] =	vst.add.f32.msk $0xffff, v34  }
0x137: {  	[tilespmem:s2+$0x10C50] =	vst.add.f32.msk $0xffff, v35  }
0x138: {  	[tilespmem:s2+$0x10C60] =	vst.add.f32.msk $0xffff, v36  }
0x139: {  	[tilespmem:s2+$0x10C70] =	vst.add.f32.msk $0xffff, v37  }
0x13a: {  	[tilespmem:s2+$0x11000] =	vst.add.f32.msk $0xffff, v38  }
0x13b: {  	[tilespmem:s2+$0x11010] =	vst.add.f32.msk $0xffff, v39  }
0x13c: {  	[tilespmem:s2+$0x11020] =	vst.add.f32.msk $0xffff, v40  }
0x13d: {  	[tilespmem:s2+$0x11030] =	vst.add.f32.msk $0xffff, v41  }
0x13e: {  	[tilespmem:s2+$0x11040] =	vst.add.f32.msk $0xffff, v42  }
0x13f: {  	[tilespmem:s2+$0x11050] =	vst.add.f32.msk $0xffff, v43  }
0x140: {  	[tilespmem:s2+$0x11060] =	vst.add.f32.msk $0xffff, v44  }
.Ltmp0:
0x141: {  	[tilespmem:s2+$0x11070] =	vst.add.f32.msk $0xffff, v45;
	(pc) =	sbr.rel @p0 .LBB2_3-.Ltmp0, $4  }
0x142: {  	[tilespmem:s2+$0x11400] =	vst.add.f32.msk $0xffff, v46  }
0x143: {  	[tilespmem:s2+$0x11410] =	vst.add.f32.msk $0xffff, v47  }
0x144: {  	[tilespmem:s2+$0x11420] =	vst.add.f32.msk $0xffff, v48  }
0x145: {  	s7 =	sshrl.u32 s3, $0x3;
	s3 =	sadd.s32 $0x1, s3;
	[tilespmem:s2+$0x11430] =	vst.add.f32.msk $0xffff, v49  }
0x146: {  	s3 =	smul.u32 $0x1800, s7;
	[tilespmem:s2+$0x11440] =	vst.add.f32.msk $0xffff, v5;
	s0 =	sadd.s32 $0x80, s0  }
0x147: {  	[tilespmem:s2+$0x11450] =	vst.add.f32.msk $0xffff, v4;
	s0 =	sand.u32 $0x380, s0  }
0x148: {  	[tilespmem:s2+$0x11460] =	vst.add.f32.msk $0xffff, v3;
	s0 =	sor.u32 s0, s3  }
0x149: {  	v3 =	vld [tilespmem:s0+$0x2470]  }
0x14a: {  	v4 =	vld [tilespmem:s0+$0x1000]  }
0x14b: {  	v5 =	vld [tilespmem:s0+$0x1010]  }
0x14c: {  	v6 =	vld [tilespmem:s0+$0x1020]  }
0x14d: {  	v7 =	vld [tilespmem:s0+$0x1030]  }
0x14e: {  	v8 =	vld [tilespmem:s0+$0x1050]  }
0x14f: {  	v9 =	vld [tilespmem:s0+$0x1060]  }
0x150: {  	v10 =	vld [tilespmem:s0+$0x1070]  }
0x151: {  	v11 =	vld [tilespmem:s0+$0x1400]  }
0x152: {  	v12 =	vld [tilespmem:s0+$0x1410]  }
0x153: {  	v13 =	vld [tilespmem:s0+$0x1420]  }
0x154: {  	v14 =	vld [tilespmem:s0+$0x1430]  }
0x155: {  	v15 =	vld [tilespmem:s0+$0x1440]  }
0x156: {  	v16 =	vld [tilespmem:s0+$0x1450]  }
0x157: {  	v17 =	vld [tilespmem:s0+$0x1460]  }
0x158: {  	v18 =	vld [tilespmem:s0+$0x1470]  }
0x159: {  	v19 =	vld [tilespmem:s0+$0x1800]  }
0x15a: {  	v20 =	vld [tilespmem:s0+$0x1810]  }
0x15b: {  	v21 =	vld [tilespmem:s0+$0x1820]  }
0x15c: {  	v22 =	vld [tilespmem:s0+$0x1830]  }
0x15d: {  	v23 =	vld [tilespmem:s0+$0x1840]  }
0x15e: {  	v24 =	vld [tilespmem:s0+$0x1850]  }
0x15f: {  	v25 =	vld [tilespmem:s0+$0x1860]  }
0x160: {  	v26 =	vld [tilespmem:s0+$0x1870]  }
0x161: {  	v27 =	vld [tilespmem:s0+$0x1C00]  }
0x162: {  	v28 =	vld [tilespmem:s0+$0x1C10]  }
0x163: {  	v29 =	vld [tilespmem:s0+$0x1C20]  }
0x164: {  	v30 =	vld [tilespmem:s0+$0x1C30]  }
0x165: {  	v31 =	vld [tilespmem:s0+$0x1C40]  }
0x166: {  	v32 =	vld [tilespmem:s0+$0x1C50]  }
0x167: {  	v33 =	vld [tilespmem:s0+$0x1C60]  }
0x168: {  	v34 =	vld [tilespmem:s0+$0x1C70]  }
0x169: {  	v35 =	vld [tilespmem:s0+$0x2000]  }
0x16a: {  	v36 =	vld [tilespmem:s0+$0x2010]  }
0x16b: {  	v37 =	vld [tilespmem:s0+$0x2020]  }
0x16c: {  	v38 =	vld [tilespmem:s0+$0x2030]  }
0x16d: {  	v39 =	vld [tilespmem:s0+$0x2040]  }
0x16e: {  	v40 =	vld [tilespmem:s0+$0x2050]  }
0x16f: {  	v41 =	vld [tilespmem:s0+$0x2060]  }
0x170: {  	v42 =	vld [tilespmem:s0+$0x2070]  }
0x171: {  	v43 =	vld [tilespmem:s0+$0x2400]  }
0x172: {  	v44 =	vld [tilespmem:s0+$0x2410]  }
0x173: {  	v45 =	vld [tilespmem:s0+$0x2420]  }
0x174: {  	v46 =	vld [tilespmem:s0+$0x2430]  }
0x175: {  	v47 =	vld [tilespmem:s0+$0x2440]  }
0x176: {  	v48 =	vld [tilespmem:s0+$0x2450]  }
0x177: {  	v49 =	vld [tilespmem:s0+$0x2460]  }
0x178: {  	[tilespmem:s0+$0x11470] =	vst.add.f32.msk $0xffff, v3  }
0x179: {  	v3 =	vld [tilespmem:s0+$0x1040]  }
0x17a: {  	[tilespmem:s0+$0x10000] =	vst.add.f32.msk $0xffff, v4  }
0x17b: {  	[tilespmem:s0+$0x10010] =	vst.add.f32.msk $0xffff, v5  }
0x17c: {  	[tilespmem:s0+$0x10020] =	vst.add.f32.msk $0xffff, v6  }
0x17d: {  	[tilespmem:s0+$0x10030] =	vst.add.f32.msk $0xffff, v7  }
0x17e: {  	[tilespmem:s0+$0x10050] =	vst.add.f32.msk $0xffff, v8  }
0x17f: {  	[tilespmem:s0+$0x10060] =	vst.add.f32.msk $0xffff, v9  }
0x180: {  	[tilespmem:s0+$0x10070] =	vst.add.f32.msk $0xffff, v10  }
0x181: {  	[tilespmem:s0+$0x10400] =	vst.add.f32.msk $0xffff, v11  }
0x182: {  	[tilespmem:s0+$0x10410] =	vst.add.f32.msk $0xffff, v12  }
0x183: {  	[tilespmem:s0+$0x10420] =	vst.add.f32.msk $0xffff, v13  }
0x184: {  	[tilespmem:s0+$0x10430] =	vst.add.f32.msk $0xffff, v14  }
0x185: {  	[tilespmem:s0+$0x10440] =	vst.add.f32.msk $0xffff, v15  }
0x186: {  	[tilespmem:s0+$0x10450] =	vst.add.f32.msk $0xffff, v16  }
0x187: {  	[tilespmem:s0+$0x10460] =	vst.add.f32.msk $0xffff, v17  }
0x188: {  	[tilespmem:s0+$0x10470] =	vst.add.f32.msk $0xffff, v18  }
0x189: {  	[tilespmem:s0+$0x10800] =	vst.add.f32.msk $0xffff, v19  }
0x18a: {  	[tilespmem:s0+$0x10810] =	vst.add.f32.msk $0xffff, v20  }
0x18b: {  	[tilespmem:s0+$0x10820] =	vst.add.f32.msk $0xffff, v21  }
0x18c: {  	[tilespmem:s0+$0x10830] =	vst.add.f32.msk $0xffff, v22  }
0x18d: {  	[tilespmem:s0+$0x10840] =	vst.add.f32.msk $0xffff, v23  }
0x18e: {  	[tilespmem:s0+$0x10850] =	vst.add.f32.msk $0xffff, v24  }
0x18f: {  	[tilespmem:s0+$0x10860] =	vst.add.f32.msk $0xffff, v25  }
0x190: {  	[tilespmem:s0+$0x10870] =	vst.add.f32.msk $0xffff, v26  }
0x191: {  	[tilespmem:s0+$0x10C00] =	vst.add.f32.msk $0xffff, v27  }
0x192: {  	[tilespmem:s0+$0x10C10] =	vst.add.f32.msk $0xffff, v28  }
0x193: {  	[tilespmem:s0+$0x10C20] =	vst.add.f32.msk $0xffff, v29  }
0x194: {  	[tilespmem:s0+$0x10C30] =	vst.add.f32.msk $0xffff, v30  }
0x195: {  	[tilespmem:s0+$0x10C40] =	vst.add.f32.msk $0xffff, v31  }
0x196: {  	[tilespmem:s0+$0x10C50] =	vst.add.f32.msk $0xffff, v32  }
0x197: {  	[tilespmem:s0+$0x10C60] =	vst.add.f32.msk $0xffff, v33  }
0x198: {  	[tilespmem:s0+$0x10C70] =	vst.add.f32.msk $0xffff, v34  }
0x199: {  	[tilespmem:s0+$0x11000] =	vst.add.f32.msk $0xffff, v35  }
0x19a: {  	[tilespmem:s0+$0x11010] =	vst.add.f32.msk $0xffff, v36  }
0x19b: {  	[tilespmem:s0+$0x11020] =	vst.add.f32.msk $0xffff, v37  }
0x19c: {  	[tilespmem:s0+$0x11030] =	vst.add.f32.msk $0xffff, v38  }
0x19d: {  	[tilespmem:s0+$0x11040] =	vst.add.f32.msk $0xffff, v39  }
0x19e: {  	[tilespmem:s0+$0x11050] =	vst.add.f32.msk $0xffff, v40  }
0x19f: {  	[tilespmem:s0+$0x11060] =	vst.add.f32.msk $0xffff, v41  }
0x1a0: {  	[tilespmem:s0+$0x11070] =	vst.add.f32.msk $0xffff, v42  }
0x1a1: {  	[tilespmem:s0+$0x11400] =	vst.add.f32.msk $0xffff, v43  }
0x1a2: {  	[tilespmem:s0+$0x11410] =	vst.add.f32.msk $0xffff, v44  }
0x1a3: {  	[tilespmem:s0+$0x11420] =	vst.add.f32.msk $0xffff, v45  }
0x1a4: {  	s25 =	sor.u32 s5, s24;
	[tilespmem:s0+$0x11430] =	vst.add.f32.msk $0xffff, v46  }
0x1a5: {  	s2 =	smul.u32 $0xF000, s25;
	[tilespmem:s0+$0x11440] =	vst.add.f32.msk $0xffff, v47  }
0x1a6: {  	[tilespmem:s0+$0x11450] =	vst.add.f32.msk $0xffff, v48  }
0x1a7: {  	s2 =	sshrl.u32 s2, $0x3;
	[tilespmem:s0+$0x11460] =	vst.add.f32.msk $0xffff, v49  }
0x1a8: {  	s25 =	sadd.s32 s6, s2;
	[tilespmem:s0+$0x10040] =	vst.add.f32.msk $0xffff, v3;
	s0 =	simm.s32 $0x0  }
0x1a9: {  	[hbm4b:s25+s0] =	stream.linear.scatter [tilespmem:s15], [sflag:$0x3], $0x7800, $0x38;
	[tilespmem:$0x1F000] =	vst v63  }
0x1aa: {  	_ =	swait.ge [sflag:s22], $0x7800  }
0x1ab: {  	[sflag:s22] =	ssyncset.done $0x0  }
0x1ac: {  	[sflag:s22] =	ssyncadd.s32 $0xFFFF8800  }
0x1ad: {  	v3 =	vld [tilespmem:s26+$0x80];
	_ =	sdelay $0x4  }
0x1ae: {  	v4 =	vshrl.u32 v3, $0x3  }
0x1af: {  	v4 =	vmul.u32 $0x30, v4  }
0x1b0: {  	v3 =	vand.u32 $0x7, v3  }
0x1b1: {  	v3 =	vor.u32 v3, v4  }
0x1b2: {  	v4 =	vperm.xlane v3, v0;
	_ =	sdelay $0x1  }
0x1b3: {  	v4 =	vadd.s32 v1, v4;
	_ =	sdelay $0x3  }
0x1b4: {  	v3 =	vperm.xlane v3, v2  }
0x1b5: {  	[tilespmem:s15], [sflag:$0x1] =	stream.indirect_vreg.gather [hbm4b:s1+s0], $0x80, v4, vm0, $0xb8;
	[tilespmem:$0x1F000] =	vst v63  }
0x1b6: {  	s30 =	simm.s32 $0x10800;
	v3 =	vadd.s32 v1, v3  }
0x1b7: {  	[tilespmem:s30], [sflag:$0x1] =	stream.indirect_vreg.gather [hbm4b:s8+s0], $0x80, v4, vm0, $0xb8;
	[tilespmem:$0x1F000] =	vst v63  }
0x1b8: {  	s3 =	simm.s32 $0x11000  }
0x1b9: {  	[tilespmem:s3], [sflag:$0x1] =	stream.indirect_vreg.gather [hbm4b:s9+s0], $0x80, v4, vm0, $0xb8;
	[tilespmem:$0x1F000] =	vst v63  }
0x1ba: {  	s7 =	simm.s32 $0x11800  }
0x1bb: {  	[tilespmem:s7], [sflag:$0x1] =	stream.indirect_vreg.gather [hbm4b:s1+s0], $0x80, v3, vm0, $0xb8;
	[tilespmem:$0x1F000] =	vst v63  }
0x1bc: {  	s10 =	simm.s32 $0x12000  }
0x1bd: {  	[tilespmem:s10], [sflag:$0x1] =	stream.indirect_vreg.gather [hbm4b:s8+s0], $0x80, v3, vm0, $0xb8;
	[tilespmem:$0x1F000] =	vst v63  }
0x1be: {  	s11 =	simm.s32 $0x12800  }
0x1bf: {  	[tilespmem:s11], [sflag:$0x1] =	stream.indirect_vreg.gather [hbm4b:s9+s0], $0x80, v3, vm0, $0xb8;
	[tilespmem:$0x1F000] =	vst v63  }
0x1c0: {  	v3 =	vld [tilespmem:s26+$0x90];
	_ =	sdelay $0x4  }
0x1c1: {  	v4 =	vshrl.u32 v3, $0x3  }
0x1c2: {  	v4 =	vmul.u32 $0x30, v4  }
0x1c3: {  	v3 =	vand.u32 $0x7, v3  }
0x1c4: {  	v3 =	vor.u32 v3, v4  }
0x1c5: {  	v4 =	vperm.xlane v3, v0;
	_ =	sdelay $0x1  }
0x1c6: {  	v4 =	vadd.s32 v1, v4;
	_ =	sdelay $0x3  }
0x1c7: {  	s14 =	simm.s32 $0x13000;
	v3 =	vperm.xlane v3, v2  }
0x1c8: {  	[tilespmem:s14], [sflag:$0x1] =	stream.indirect_vreg.gather [hbm4b:s1+s0], $0x80, v4, vm0, $0xb8;
	[tilespmem:$0x1F000] =	vst v63  }
0x1c9: {  	s30 =	simm.s32 $0x13800;
	v3 =	vadd.s32 v1, v3  }
0x1ca: {  	[tilespmem:s30], [sflag:$0x1] =	stream.indirect_vreg.gather [hbm4b:s8+s0], $0x80, v4, vm0, $0xb8;
	[tilespmem:$0x1F000] =	vst v63  }
0x1cb: {  	s3 =	simm.s32 $0x14000  }
0x1cc: {  	[tilespmem:s3], [sflag:$0x1] =	stream.indirect_vreg.gather [hbm4b:s9+s0], $0x80, v4, vm0, $0xb8;
	[tilespmem:$0x1F000] =	vst v63  }
0x1cd: {  	s7 =	simm.s32 $0x14800  }
0x1ce: {  	[tilespmem:s7], [sflag:$0x1] =	stream.indirect_vreg.gather [hbm4b:s1+s0], $0x80, v3, vm0, $0xb8;
	[tilespmem:$0x1F000] =	vst v63  }
0x1cf: {  	s10 =	simm.s32 $0x15000  }
0x1d0: {  	[tilespmem:s10], [sflag:$0x1] =	stream.indirect_vreg.gather [hbm4b:s8+s0], $0x80, v3, vm0, $0xb8;
	[tilespmem:$0x1F000] =	vst v63  }
0x1d1: {  	s11 =	simm.s32 $0x15800  }
0x1d2: {  	[tilespmem:s11], [sflag:$0x1] =	stream.indirect_vreg.gather [hbm4b:s9+s0], $0x80, v3, vm0, $0xb8;
	[tilespmem:$0x1F000] =	vst v63  }
0x1d3: {  	v3 =	vld.msk [tilespmem:s26+$0xA0], $0xff;
	_ =	sdelay $0x4  }
0x1d4: {  	v4 =	vshrl.u32 v3, $0x3  }
0x1d5: {  	v4 =	vmul.u32 $0x30, v4  }
0x1d6: {  	v3 =	vand.u32 $0x7, v3  }
0x1d7: {  	v3 =	vor.u32 v3, v4  }
0x1d8: {  	v3 =	vperm.xlane v3, v0;
	_ =	sdelay $0x1  }
0x1d9: {  	v3 =	vadd.s32 v1, v3;
	_ =	sdelay $0x3  }
0x1da: {  	s14 =	simm.s32 $0x16000  }
0x1db: {  	[tilespmem:s14], [sflag:$0x1] =	stream.indirect_vreg.gather [hbm4b:s1+s0], $0x80, v3, vm0, $0xb8;
	[tilespmem:$0x1F000] =	vst v63  }
0x1dc: {  	s3 =	simm.s32 $0x5;
	s26 =	simm.s32 $0x16800  }
0x1dd: {  	[tilespmem:s26], [sflag:$0x1] =	stream.indirect_vreg.gather [hbm4b:s8+s0], $0x80, v3, vm0, $0xb8;
	[tilespmem:$0x1F000] =	vst v63  }
0x1de: {  	s30 =	simm.s32 $0x17000;
	s2 =	smul.u32 $0x6000, s3  }
0x1df: {  	[tilespmem:s30], [sflag:$0x1] =	stream.indirect_vreg.gather [hbm4b:s9+s0], $0x80, v3, vm0, $0xb8;
	[tilespmem:$0x1F000] =	vst v63  }
0x1e0: {  	_ =	swait.ge [sflag:s23], $0x7800  }
0x1e1: {  	s7 =	sand.u32 $0x380, s0;
	s10 =	sshra.s32 s2, $0x2;
	[sflag:s23] =	ssyncset.done $0x0  }
0x1e2: {  	s0 =	sor.u32 s7, s10;
	[sflag:s23] =	ssyncadd.s32 $0xFFFF8800  }
0x1e3: {  	s11 =	simm.s32 $0x0;
	v3 =	vld [tilespmem:s0+$0x1000]  }
0x1e4: {  	s2 =	smul.u32 $0x6000, s11;
	_ =	sdelay $0x1  }
0x1e5: {  	s2 =	sshra.s32 s2, $0x2  }
0x1e6: {  	s2 =	sor.u32 s7, s2  }
0x1e7: {  	[tilespmem:s2+$0x17800] =	vst.add.f32.msk $0xffff, v3  }
0x1e8: {  	v3 =	vld [tilespmem:s0+$0x1010];
	_ =	sdelay $0x2  }
0x1e9: {  	s3 =	sadd.s32 $0x17800, s2  }
0x1ea: {  	s14 =	sor.u32 $0x10, s3  }
0x1eb: {  	[tilespmem:s14+$0x0] =	vst.add.f32.msk $0xffff, v3  }
0x1ec: {  	v3 =	vld [tilespmem:s0+$0x1020];
	_ =	sdelay $0x3  }
0x1ed: {  	s26 =	sor.u32 $0x20, s3  }
0x1ee: {  	[tilespmem:s26+$0x0] =	vst.add.f32.msk $0xffff, v3  }
0x1ef: {  	v3 =	vld [tilespmem:s0+$0x1030];
	_ =	sdelay $0x3  }
0x1f0: {  	s30 =	sor.u32 $0x30, s3  }
0x1f1: {  	[tilespmem:s30+$0x0] =	vst.add.f32.msk $0xffff, v3  }
0x1f2: {  	v3 =	vld [tilespmem:s0+$0x1040];
	_ =	sdelay $0x3  }
0x1f3: {  	s10 =	sor.u32 $0x40, s3  }
0x1f4: {  	[tilespmem:s10+$0x0] =	vst.add.f32.msk $0xffff, v3  }
0x1f5: {  	v3 =	vld [tilespmem:s0+$0x1050];
	_ =	sdelay $0x3  }
0x1f6: {  	s11 =	sor.u32 $0x50, s3  }
0x1f7: {  	[tilespmem:s11+$0x0] =	vst.add.f32.msk $0xffff, v3  }
0x1f8: {  	v3 =	vld [tilespmem:s0+$0x1060];
	_ =	sdelay $0x3  }
0x1f9: {  	s14 =	sor.u32 $0x60, s3  }
0x1fa: {  	[tilespmem:s14+$0x0] =	vst.add.f32.msk $0xffff, v3  }
0x1fb: {  	v3 =	vld [tilespmem:s0+$0x1070];
	_ =	sdelay $0x3  }
0x1fc: {  	s26 =	sor.u32 $0x70, s3  }
0x1fd: {  	[tilespmem:s26+$0x0] =	vst.add.f32.msk $0xffff, v3  }
0x1fe: {  	v3 =	vld [tilespmem:s0+$0x1400];
	_ =	sdelay $0x3  }
0x1ff: {  	s30 =	sor.u32 $0x400, s3  }
0x200: {  	[tilespmem:s30+$0x0] =	vst.add.f32.msk $0xffff, v3  }
0x201: {  	v3 =	vld [tilespmem:s0+$0x1410];
	_ =	sdelay $0x3  }
0x202: {  	s10 =	sor.u32 $0x410, s3  }
0x203: {  	[tilespmem:s10+$0x0] =	vst.add.f32.msk $0xffff, v3  }
0x204: {  	v3 =	vld [tilespmem:s0+$0x1420];
	_ =	sdelay $0x3  }
0x205: {  	s11 =	sor.u32 $0x420, s3  }
0x206: {  	[tilespmem:s11+$0x0] =	vst.add.f32.msk $0xffff, v3  }
0x207: {  	v3 =	vld [tilespmem:s0+$0x1430];
	_ =	sdelay $0x3  }
0x208: {  	s14 =	sor.u32 $0x430, s3  }
0x209: {  	[tilespmem:s14+$0x0] =	vst.add.f32.msk $0xffff, v3  }
0x20a: {  	v3 =	vld [tilespmem:s0+$0x1440];
	_ =	sdelay $0x3  }
0x20b: {  	s26 =	sor.u32 $0x440, s3  }
0x20c: {  	[tilespmem:s26+$0x0] =	vst.add.f32.msk $0xffff, v3  }
0x20d: {  	v3 =	vld [tilespmem:s0+$0x1450];
	_ =	sdelay $0x3  }
0x20e: {  	s30 =	sor.u32 $0x450, s3  }
0x20f: {  	[tilespmem:s30+$0x0] =	vst.add.f32.msk $0xffff, v3  }
0x210: {  	v3 =	vld [tilespmem:s0+$0x1460];
	_ =	sdelay $0x3  }
0x211: {  	s10 =	sor.u32 $0x460, s3  }
0x212: {  	[tilespmem:s10+$0x0] =	vst.add.f32.msk $0xffff, v3  }
0x213: {  	v3 =	vld [tilespmem:s0+$0x1470];
	_ =	sdelay $0x3  }
0x214: {  	s3 =	sor.u32 $0x470, s3  }
0x215: {  	[tilespmem:s3+$0x0] =	vst.add.f32.msk $0xffff, v3  }
0x216: {  	v3 =	vld [tilespmem:s0+$0x1800];
	_ =	sdelay $0x4  }
0x217: {  	[tilespmem:s2+$0x18000] =	vst.add.f32.msk $0xffff, v3  }
0x218: {  	v3 =	vld [tilespmem:s0+$0x1810];
	_ =	sdelay $0x2  }
0x219: {  	s3 =	sadd.s32 $0x18000, s2  }
0x21a: {  	s11 =	sor.u32 $0x10, s3  }
0x21b: {  	[tilespmem:s11+$0x0] =	vst.add.f32.msk $0xffff, v3  }
0x21c: {  	v3 =	vld [tilespmem:s0+$0x1820];
	_ =	sdelay $0x3  }
0x21d: {  	s14 =	sor.u32 $0x20, s3  }
0x21e: {  	[tilespmem:s14+$0x0] =	vst.add.f32.msk $0xffff, v3  }
0x21f: {  	v3 =	vld [tilespmem:s0+$0x1830];
	_ =	sdelay $0x3  }
0x220: {  	s26 =	sor.u32 $0x30, s3  }
0x221: {  	[tilespmem:s26+$0x0] =	vst.add.f32.msk $0xffff, v3  }
0x222: {  	v3 =	vld [tilespmem:s0+$0x1840];
	_ =	sdelay $0x3  }
0x223: {  	s30 =	sor.u32 $0x40, s3  }
0x224: {  	[tilespmem:s30+$0x0] =	vst.add.f32.msk $0xffff, v3  }
0x225: {  	v3 =	vld [tilespmem:s0+$0x1850];
	_ =	sdelay $0x3  }
0x226: {  	s10 =	sor.u32 $0x50, s3  }
0x227: {  	[tilespmem:s10+$0x0] =	vst.add.f32.msk $0xffff, v3  }
0x228: {  	v3 =	vld [tilespmem:s0+$0x1860];
	_ =	sdelay $0x3  }
0x229: {  	s11 =	sor.u32 $0x60, s3  }
0x22a: {  	[tilespmem:s11+$0x0] =	vst.add.f32.msk $0xffff, v3  }
0x22b: {  	v3 =	vld [tilespmem:s0+$0x1870];
	_ =	sdelay $0x3  }
0x22c: {  	s3 =	sor.u32 $0x70, s3  }
0x22d: {  	[tilespmem:s3+$0x0] =	vst.add.f32.msk $0xffff, v3  }
0x22e: {  	v3 =	vld [tilespmem:s0+$0x1C00];
	_ =	sdelay $0x4  }
0x22f: {  	[tilespmem:s2+$0x18400] =	vst.add.f32.msk $0xffff, v3  }
0x230: {  	v3 =	vld [tilespmem:s0+$0x1C10];
	_ =	sdelay $0x2  }
0x231: {  	s3 =	sadd.s32 $0x18400, s2  }
0x232: {  	s14 =	sor.u32 $0x10, s3  }
0x233: {  	[tilespmem:s14+$0x0] =	vst.add.f32.msk $0xffff, v3  }
0x234: {  	v3 =	vld [tilespmem:s0+$0x1C20];
	_ =	sdelay $0x3  }
0x235: {  	s26 =	sor.u32 $0x20, s3  }
0x236: {  	[tilespmem:s26+$0x0] =	vst.add.f32.msk $0xffff, v3  }
0x237: {  	v3 =	vld [tilespmem:s0+$0x1C30];
	_ =	sdelay $0x3  }
0x238: {  	s30 =	sor.u32 $0x30, s3  }
0x239: {  	[tilespmem:s30+$0x0] =	vst.add.f32.msk $0xffff, v3  }
0x23a: {  	v3 =	vld [tilespmem:s0+$0x1C40];
	_ =	sdelay $0x3  }
0x23b: {  	s10 =	sor.u32 $0x40, s3  }
0x23c: {  	[tilespmem:s10+$0x0] =	vst.add.f32.msk $0xffff, v3  }
0x23d: {  	v3 =	vld [tilespmem:s0+$0x1C50];
	_ =	sdelay $0x3  }
0x23e: {  	s11 =	sor.u32 $0x50, s3  }
0x23f: {  	[tilespmem:s11+$0x0] =	vst.add.f32.msk $0xffff, v3  }
0x240: {  	v3 =	vld [tilespmem:s0+$0x1C60];
	_ =	sdelay $0x3  }
0x241: {  	s14 =	sor.u32 $0x60, s3  }
0x242: {  	[tilespmem:s14+$0x0] =	vst.add.f32.msk $0xffff, v3  }
0x243: {  	v3 =	vld [tilespmem:s0+$0x1C70];
	_ =	sdelay $0x3  }
0x244: {  	s3 =	sor.u32 $0x70, s3  }
0x245: {  	[tilespmem:s3+$0x0] =	vst.add.f32.msk $0xffff, v3  }
0x246: {  	v3 =	vld [tilespmem:s0+$0x2000];
	_ =	sdelay $0x4  }
0x247: {  	[tilespmem:s2+$0x18800] =	vst.add.f32.msk $0xffff, v3  }
0x248: {  	v3 =	vld [tilespmem:s0+$0x2010];
	_ =	sdelay $0x2  }
0x249: {  	s3 =	sadd.s32 $0x18800, s2  }
0x24a: {  	s26 =	sor.u32 $0x10, s3  }
0x24b: {  	[tilespmem:s26+$0x0] =	vst.add.f32.msk $0xffff, v3  }
0x24c: {  	v3 =	vld [tilespmem:s0+$0x2020];
	_ =	sdelay $0x3  }
0x24d: {  	s30 =	sor.u32 $0x20, s3  }
0x24e: {  	[tilespmem:s30+$0x0] =	vst.add.f32.msk $0xffff, v3  }
0x24f: {  	v3 =	vld [tilespmem:s0+$0x2030];
	_ =	sdelay $0x3  }
0x250: {  	s10 =	sor.u32 $0x30, s3  }
0x251: {  	[tilespmem:s10+$0x0] =	vst.add.f32.msk $0xffff, v3  }
0x252: {  	v3 =	vld [tilespmem:s0+$0x2040];
	_ =	sdelay $0x3  }
0x253: {  	s11 =	sor.u32 $0x40, s3  }
0x254: {  	[tilespmem:s11+$0x0] =	vst.add.f32.msk $0xffff, v3  }
0x255: {  	v3 =	vld [tilespmem:s0+$0x2050];
	_ =	sdelay $0x3  }
0x256: {  	s14 =	sor.u32 $0x50, s3  }
0x257: {  	[tilespmem:s14+$0x0] =	vst.add.f32.msk $0xffff, v3  }
0x258: {  	v3 =	vld [tilespmem:s0+$0x2060];
	_ =	sdelay $0x3  }
0x259: {  	s26 =	sor.u32 $0x60, s3  }
0x25a: {  	[tilespmem:s26+$0x0] =	vst.add.f32.msk $0xffff, v3  }
0x25b: {  	v3 =	vld [tilespmem:s0+$0x2070];
	_ =	sdelay $0x3  }
0x25c: {  	s3 =	sor.u32 $0x70, s3  }
0x25d: {  	[tilespmem:s3+$0x0] =	vst.add.f32.msk $0xffff, v3  }
0x25e: {  	v3 =	vld [tilespmem:s0+$0x2400];
	_ =	sdelay $0x4  }
0x25f: {  	[tilespmem:s2+$0x18C00] =	vst.add.f32.msk $0xffff, v3  }
0x260: {  	v3 =	vld [tilespmem:s0+$0x2410];
	_ =	sdelay $0x2  }
0x261: {  	s2 =	sadd.s32 $0x18C00, s2  }
0x262: {  	s30 =	sor.u32 $0x10, s2  }
0x263: {  	[tilespmem:s30+$0x0] =	vst.add.f32.msk $0xffff, v3  }
0x264: {  	v3 =	vld [tilespmem:s0+$0x2420];
	_ =	sdelay $0x3  }
0x265: {  	s7 =	sor.u32 $0x20, s2  }
0x266: {  	[tilespmem:s7+$0x0] =	vst.add.f32.msk $0xffff, v3  }
0x267: {  	v3 =	vld [tilespmem:s0+$0x2430];
	_ =	sdelay $0x3  }
0x268: {  	s10 =	sor.u32 $0x30, s2  }
0x269: {  	[tilespmem:s10+$0x0] =	vst.add.f32.msk $0xffff, v3  }
0x26a: {  	v3 =	vld [tilespmem:s0+$0x2440];
	_ =	sdelay $0x3  }
0x26b: {  	s11 =	sor.u32 $0x40, s2  }
0x26c: {  	[tilespmem:s11+$0x0] =	vst.add.f32.msk $0xffff, v3  }
0x26d: {  	v3 =	vld [tilespmem:s0+$0x2450];
	_ =	sdelay $0x3  }
0x26e: {  	s14 =	sor.u32 $0x50, s2  }
0x26f: {  	[tilespmem:s14+$0x0] =	vst.add.f32.msk $0xffff, v3  }
0x270: {  	v3 =	vld [tilespmem:s0+$0x2460];
	_ =	sdelay $0x3  }
0x271: {  	s30 =	sor.u32 $0x60, s2  }
0x272: {  	[tilespmem:s30+$0x0] =	vst.add.f32.msk $0xffff, v3  }
0x273: {  	s26 =	simm.s32 $0x5;
	v3 =	vld [tilespmem:s0+$0x2470]  }
0x274: {  	s29 =	simm.s32 $0x80;
	s10 =	smul.u32 $0x6000, s26  }
0x275: {  	s28 =	simm.s32 $0x2;
	s3 =	sand.u32 $0x380, s29  }
0x276: {  	s2 =	sor.u32 $0x70, s2;
	s26 =	simm.s32 $0x1;
	s0 =	sshra.s32 s10, $0x2  }
.LBB2_5:
0x277: {  	p0 =	sne.s32 s28, $0x24  }
0x278: {  	s30 =	sor.u32 s3, s0;
	[tilespmem:s2+$0x0] =	vst.add.f32.msk $0xffff, v3;
	s0 =	smov.u32 s28;
	s28 =	sadd.s32 $0x1, s28  }
0x279: {  	s2 =	sshrl.u32 s26, $0x3;
	v3 =	vld [tilespmem:s30+$0x1000];
	s26 =	smov.u32 s0  }
0x27a: {  	s0 =	smul.u32 $0x6000, s2;
	_ =	sdelay $0x1  }
0x27b: {  	s0 =	sshra.s32 s0, $0x2  }
0x27c: {  	s0 =	sor.u32 s3, s0  }
0x27d: {  	s7 =	sadd.s32 $0x18000, s0;
	s14 =	sadd.s32 $0x18400, s0;
	s3 =	sadd.s32 $0x18800, s0;
	[tilespmem:s0+$0x17800] =	vst.add.f32.msk $0xffff, v3  }
0x27e: {  	s2 =	sadd.s32 $0x18C00, s0;
	v3 =	vld [tilespmem:s30+$0x1010];
	_ =	sdelay $0x2  }
0x27f: {  	s10 =	sadd.s32 $0x17800, s0  }
0x280: {  	s11 =	sor.u32 $0x10, s10  }
0x281: {  	[tilespmem:s11+$0x0] =	vst.add.f32.msk $0xffff, v3  }
0x282: {  	v3 =	vld [tilespmem:s30+$0x1020];
	_ =	sdelay $0x3  }
0x283: {  	s11 =	sor.u32 $0x20, s10  }
0x284: {  	[tilespmem:s11+$0x0] =	vst.add.f32.msk $0xffff, v3  }
0x285: {  	v3 =	vld [tilespmem:s30+$0x1030];
	_ =	sdelay $0x3  }
0x286: {  	s11 =	sor.u32 $0x30, s10  }
0x287: {  	[tilespmem:s11+$0x0] =	vst.add.f32.msk $0xffff, v3  }
0x288: {  	v3 =	vld [tilespmem:s30+$0x1040];
	_ =	sdelay $0x3  }
0x289: {  	s11 =	sor.u32 $0x40, s10  }
0x28a: {  	[tilespmem:s11+$0x0] =	vst.add.f32.msk $0xffff, v3  }
0x28b: {  	v3 =	vld [tilespmem:s30+$0x1050];
	_ =	sdelay $0x3  }
0x28c: {  	s11 =	sor.u32 $0x50, s10  }
0x28d: {  	[tilespmem:s11+$0x0] =	vst.add.f32.msk $0xffff, v3  }
0x28e: {  	v3 =	vld [tilespmem:s30+$0x1060];
	_ =	sdelay $0x3  }
0x28f: {  	s11 =	sor.u32 $0x60, s10  }
0x290: {  	[tilespmem:s11+$0x0] =	vst.add.f32.msk $0xffff, v3  }
0x291: {  	v3 =	vld [tilespmem:s30+$0x1070];
	_ =	sdelay $0x3  }
0x292: {  	s11 =	sor.u32 $0x70, s10  }
0x293: {  	[tilespmem:s11+$0x0] =	vst.add.f32.msk $0xffff, v3  }
0x294: {  	v3 =	vld [tilespmem:s30+$0x1400];
	_ =	sdelay $0x3  }
0x295: {  	s11 =	sor.u32 $0x400, s10  }
0x296: {  	[tilespmem:s11+$0x0] =	vst.add.f32.msk $0xffff, v3  }
0x297: {  	v3 =	vld [tilespmem:s30+$0x1410];
	_ =	sdelay $0x3  }
0x298: {  	s11 =	sor.u32 $0x410, s10  }
0x299: {  	[tilespmem:s11+$0x0] =	vst.add.f32.msk $0xffff, v3  }
0x29a: {  	v3 =	vld [tilespmem:s30+$0x1420];
	_ =	sdelay $0x3  }
0x29b: {  	s11 =	sor.u32 $0x420, s10  }
0x29c: {  	[tilespmem:s11+$0x0] =	vst.add.f32.msk $0xffff, v3  }
0x29d: {  	v3 =	vld [tilespmem:s30+$0x1430];
	_ =	sdelay $0x3  }
0x29e: {  	s11 =	sor.u32 $0x430, s10  }
0x29f: {  	[tilespmem:s11+$0x0] =	vst.add.f32.msk $0xffff, v3  }
0x2a0: {  	v3 =	vld [tilespmem:s30+$0x1440];
	_ =	sdelay $0x3  }
0x2a1: {  	s11 =	sor.u32 $0x440, s10  }
0x2a2: {  	[tilespmem:s11+$0x0] =	vst.add.f32.msk $0xffff, v3  }
0x2a3: {  	v3 =	vld [tilespmem:s30+$0x1450];
	_ =	sdelay $0x3  }
0x2a4: {  	s11 =	sor.u32 $0x450, s10  }
0x2a5: {  	[tilespmem:s11+$0x0] =	vst.add.f32.msk $0xffff, v3  }
0x2a6: {  	v3 =	vld [tilespmem:s30+$0x1460];
	_ =	sdelay $0x3  }
0x2a7: {  	s11 =	sor.u32 $0x460, s10  }
0x2a8: {  	[tilespmem:s11+$0x0] =	vst.add.f32.msk $0xffff, v3  }
0x2a9: {  	v3 =	vld [tilespmem:s30+$0x1470];
	_ =	sdelay $0x3  }
0x2aa: {  	s10 =	sor.u32 $0x470, s10  }
0x2ab: {  	[tilespmem:s10+$0x0] =	vst.add.f32.msk $0xffff, v3  }
0x2ac: {  	v3 =	vld [tilespmem:s30+$0x1800];
	_ =	sdelay $0x4  }
0x2ad: {  	[tilespmem:s0+$0x18000] =	vst.add.f32.msk $0xffff, v3  }
0x2ae: {  	v3 =	vld [tilespmem:s30+$0x1810];
	_ =	sdelay $0x3  }
0x2af: {  	s10 =	sor.u32 $0x10, s7  }
0x2b0: {  	[tilespmem:s10+$0x0] =	vst.add.f32.msk $0xffff, v3  }
0x2b1: {  	v3 =	vld [tilespmem:s30+$0x1820];
	_ =	sdelay $0x3  }
0x2b2: {  	s10 =	sor.u32 $0x20, s7  }
0x2b3: {  	[tilespmem:s10+$0x0] =	vst.add.f32.msk $0xffff, v3  }
0x2b4: {  	v3 =	vld [tilespmem:s30+$0x1830];
	_ =	sdelay $0x3  }
0x2b5: {  	s10 =	sor.u32 $0x30, s7  }
0x2b6: {  	[tilespmem:s10+$0x0] =	vst.add.f32.msk $0xffff, v3  }
0x2b7: {  	v3 =	vld [tilespmem:s30+$0x1840];
	_ =	sdelay $0x3  }
0x2b8: {  	s10 =	sor.u32 $0x40, s7  }
0x2b9: {  	[tilespmem:s10+$0x0] =	vst.add.f32.msk $0xffff, v3  }
0x2ba: {  	v3 =	vld [tilespmem:s30+$0x1850];
	_ =	sdelay $0x3  }
0x2bb: {  	s10 =	sor.u32 $0x50, s7  }
0x2bc: {  	[tilespmem:s10+$0x0] =	vst.add.f32.msk $0xffff, v3  }
0x2bd: {  	v3 =	vld [tilespmem:s30+$0x1860];
	_ =	sdelay $0x3  }
0x2be: {  	s10 =	sor.u32 $0x60, s7  }
0x2bf: {  	[tilespmem:s10+$0x0] =	vst.add.f32.msk $0xffff, v3  }
0x2c0: {  	v3 =	vld [tilespmem:s30+$0x1870];
	_ =	sdelay $0x3  }
0x2c1: {  	s7 =	sor.u32 $0x70, s7  }
0x2c2: {  	[tilespmem:s7+$0x0] =	vst.add.f32.msk $0xffff, v3  }
0x2c3: {  	v3 =	vld [tilespmem:s30+$0x1C00];
	_ =	sdelay $0x4  }
0x2c4: {  	[tilespmem:s0+$0x18400] =	vst.add.f32.msk $0xffff, v3  }
0x2c5: {  	v3 =	vld [tilespmem:s30+$0x1C10];
	_ =	sdelay $0x3  }
0x2c6: {  	s7 =	sor.u32 $0x10, s14  }
0x2c7: {  	[tilespmem:s7+$0x0] =	vst.add.f32.msk $0xffff, v3  }
0x2c8: {  	v3 =	vld [tilespmem:s30+$0x1C20];
	_ =	sdelay $0x3  }
0x2c9: {  	s7 =	sor.u32 $0x20, s14  }
0x2ca: {  	[tilespmem:s7+$0x0] =	vst.add.f32.msk $0xffff, v3  }
0x2cb: {  	v3 =	vld [tilespmem:s30+$0x1C30];
	_ =	sdelay $0x3  }
0x2cc: {  	s7 =	sor.u32 $0x30, s14  }
0x2cd: {  	[tilespmem:s7+$0x0] =	vst.add.f32.msk $0xffff, v3  }
0x2ce: {  	v3 =	vld [tilespmem:s30+$0x1C40];
	_ =	sdelay $0x3  }
0x2cf: {  	s7 =	sor.u32 $0x40, s14  }
0x2d0: {  	[tilespmem:s7+$0x0] =	vst.add.f32.msk $0xffff, v3  }
0x2d1: {  	v3 =	vld [tilespmem:s30+$0x1C50];
	_ =	sdelay $0x3  }
0x2d2: {  	s7 =	sor.u32 $0x50, s14  }
0x2d3: {  	[tilespmem:s7+$0x0] =	vst.add.f32.msk $0xffff, v3  }
0x2d4: {  	v3 =	vld [tilespmem:s30+$0x1C60];
	_ =	sdelay $0x3  }
0x2d5: {  	s7 =	sor.u32 $0x60, s14  }
0x2d6: {  	[tilespmem:s7+$0x0] =	vst.add.f32.msk $0xffff, v3  }
0x2d7: {  	v3 =	vld [tilespmem:s30+$0x1C70];
	_ =	sdelay $0x3  }
0x2d8: {  	s7 =	sor.u32 $0x70, s14  }
0x2d9: {  	[tilespmem:s7+$0x0] =	vst.add.f32.msk $0xffff, v3  }
0x2da: {  	v3 =	vld [tilespmem:s30+$0x2000];
	_ =	sdelay $0x4  }
0x2db: {  	[tilespmem:s0+$0x18800] =	vst.add.f32.msk $0xffff, v3  }
0x2dc: {  	v3 =	vld [tilespmem:s30+$0x2010];
	_ =	sdelay $0x3  }
0x2dd: {  	s7 =	sor.u32 $0x10, s3  }
0x2de: {  	[tilespmem:s7+$0x0] =	vst.add.f32.msk $0xffff, v3  }
0x2df: {  	v3 =	vld [tilespmem:s30+$0x2020];
	_ =	sdelay $0x3  }
0x2e0: {  	s7 =	sor.u32 $0x20, s3  }
0x2e1: {  	[tilespmem:s7+$0x0] =	vst.add.f32.msk $0xffff, v3  }
0x2e2: {  	v3 =	vld [tilespmem:s30+$0x2030];
	_ =	sdelay $0x3  }
0x2e3: {  	s7 =	sor.u32 $0x30, s3  }
0x2e4: {  	[tilespmem:s7+$0x0] =	vst.add.f32.msk $0xffff, v3  }
0x2e5: {  	v3 =	vld [tilespmem:s30+$0x2040];
	_ =	sdelay $0x3  }
0x2e6: {  	s7 =	sor.u32 $0x40, s3  }
0x2e7: {  	[tilespmem:s7+$0x0] =	vst.add.f32.msk $0xffff, v3  }
0x2e8: {  	v3 =	vld [tilespmem:s30+$0x2050];
	_ =	sdelay $0x3  }
0x2e9: {  	s7 =	sor.u32 $0x50, s3  }
0x2ea: {  	[tilespmem:s7+$0x0] =	vst.add.f32.msk $0xffff, v3  }
0x2eb: {  	v3 =	vld [tilespmem:s30+$0x2060];
	_ =	sdelay $0x3  }
0x2ec: {  	s7 =	sor.u32 $0x60, s3  }
0x2ed: {  	[tilespmem:s7+$0x0] =	vst.add.f32.msk $0xffff, v3  }
0x2ee: {  	v3 =	vld [tilespmem:s30+$0x2070];
	_ =	sdelay $0x3  }
0x2ef: {  	s3 =	sor.u32 $0x70, s3  }
0x2f0: {  	[tilespmem:s3+$0x0] =	vst.add.f32.msk $0xffff, v3  }
0x2f1: {  	v3 =	vld [tilespmem:s30+$0x2400];
	_ =	sdelay $0x4  }
0x2f2: {  	[tilespmem:s0+$0x18C00] =	vst.add.f32.msk $0xffff, v3  }
0x2f3: {  	v3 =	vld [tilespmem:s30+$0x2410];
	_ =	sdelay $0x3  }
0x2f4: {  	s0 =	sor.u32 $0x10, s2  }
0x2f5: {  	[tilespmem:s0+$0x0] =	vst.add.f32.msk $0xffff, v3  }
0x2f6: {  	v3 =	vld [tilespmem:s30+$0x2420];
	_ =	sdelay $0x3  }
0x2f7: {  	s0 =	sor.u32 $0x20, s2  }
0x2f8: {  	[tilespmem:s0+$0x0] =	vst.add.f32.msk $0xffff, v3  }
0x2f9: {  	v3 =	vld [tilespmem:s30+$0x2430];
	_ =	sdelay $0x3  }
0x2fa: {  	s0 =	sor.u32 $0x30, s2  }
0x2fb: {  	[tilespmem:s0+$0x0] =	vst.add.f32.msk $0xffff, v3  }
0x2fc: {  	v3 =	vld [tilespmem:s30+$0x2440];
	_ =	sdelay $0x3  }
0x2fd: {  	s0 =	sor.u32 $0x40, s2  }
0x2fe: {  	[tilespmem:s0+$0x0] =	vst.add.f32.msk $0xffff, v3  }
0x2ff: {  	v3 =	vld [tilespmem:s30+$0x2450];
	_ =	sdelay $0x3  }
0x300: {  	s0 =	sor.u32 $0x50, s2  }
0x301: {  	[tilespmem:s0+$0x0] =	vst.add.f32.msk $0xffff, v3  }
0x302: {  	v3 =	vld [tilespmem:s30+$0x2460];
	_ =	sdelay $0x3  }
0x303: {  	s0 =	sor.u32 $0x60, s2  }
0x304: {  	[tilespmem:s0+$0x0] =	vst.add.f32.msk $0xffff, v3  }
.Ltmp1:
0x305: {  	s0 =	sadd.s32 $0x28, s26;
	v3 =	vld [tilespmem:s30+$0x2470];
	(pc) =	sbr.rel @p0 .LBB2_5-.Ltmp1, $4  }
0x306: {  	s0 =	sshrl.u32 s0, $0x3  }
0x307: {  	s0 =	smul.u32 $0x6000, s0  }
0x308: {  	s29 =	sadd.s32 $0x80, s29  }
0x309: {  	s3 =	sand.u32 $0x380, s29;
	s2 =	sor.u32 $0x70, s2;
	s0 =	sshra.s32 s0, $0x2  }
0x30a: {  	s0 =	sor.u32 s3, s0;
	[tilespmem:s2+$0x0] =	vst.add.f32.msk $0xffff, v3  }
0x30b: {  	s10 =	sshrl.u32 s26, $0x3;
	v3 =	vld [tilespmem:s0+$0x1000]  }
0x30c: {  	s2 =	smul.u32 $0x6000, s10;
	_ =	sdelay $0x1  }
0x30d: {  	s2 =	sshra.s32 s2, $0x2  }
0x30e: {  	s2 =	sor.u32 s3, s2  }
0x30f: {  	[tilespmem:s2+$0x17800] =	vst.add.f32.msk $0xffff, v3  }
0x310: {  	v3 =	vld [tilespmem:s0+$0x1010];
	_ =	sdelay $0x2  }
0x311: {  	s3 =	sadd.s32 $0x17800, s2  }
0x312: {  	s7 =	sor.u32 $0x10, s3  }
0x313: {  	[tilespmem:s7+$0x0] =	vst.add.f32.msk $0xffff, v3  }
0x314: {  	v3 =	vld [tilespmem:s0+$0x1020];
	_ =	sdelay $0x3  }
0x315: {  	s11 =	sor.u32 $0x20, s3  }
0x316: {  	[tilespmem:s11+$0x0] =	vst.add.f32.msk $0xffff, v3  }
0x317: {  	v3 =	vld [tilespmem:s0+$0x1030];
	_ =	sdelay $0x3  }
0x318: {  	s14 =	sor.u32 $0x30, s3  }
0x319: {  	[tilespmem:s14+$0x0] =	vst.add.f32.msk $0xffff, v3  }
0x31a: {  	v3 =	vld [tilespmem:s0+$0x1040];
	_ =	sdelay $0x3  }
0x31b: {  	s26 =	sor.u32 $0x40, s3  }
0x31c: {  	[tilespmem:s26+$0x0] =	vst.add.f32.msk $0xffff, v3  }
0x31d: {  	v3 =	vld [tilespmem:s0+$0x1050];
	_ =	sdelay $0x3  }
0x31e: {  	s28 =	sor.u32 $0x50, s3  }
0x31f: {  	[tilespmem:s28+$0x0] =	vst.add.f32.msk $0xffff, v3  }
0x320: {  	v3 =	vld [tilespmem:s0+$0x1060];
	_ =	sdelay $0x3  }
0x321: {  	s29 =	sor.u32 $0x60, s3  }
0x322: {  	[tilespmem:s29+$0x0] =	vst.add.f32.msk $0xffff, v3  }
0x323: {  	v3 =	vld [tilespmem:s0+$0x1070];
	_ =	sdelay $0x3  }
0x324: {  	s30 =	sor.u32 $0x70, s3  }
0x325: {  	[tilespmem:s30+$0x0] =	vst.add.f32.msk $0xffff, v3  }
0x326: {  	v3 =	vld [tilespmem:s0+$0x1400];
	_ =	sdelay $0x3  }
0x327: {  	s10 =	sor.u32 $0x400, s3  }
0x328: {  	[tilespmem:s10+$0x0] =	vst.add.f32.msk $0xffff, v3  }
0x329: {  	v3 =	vld [tilespmem:s0+$0x1410];
	_ =	sdelay $0x3  }
0x32a: {  	s11 =	sor.u32 $0x410, s3  }
0x32b: {  	[tilespmem:s11+$0x0] =	vst.add.f32.msk $0xffff, v3  }
0x32c: {  	v3 =	vld [tilespmem:s0+$0x1420];
	_ =	sdelay $0x3  }
0x32d: {  	s14 =	sor.u32 $0x420, s3  }
0x32e: {  	[tilespmem:s14+$0x0] =	vst.add.f32.msk $0xffff, v3  }
0x32f: {  	v3 =	vld [tilespmem:s0+$0x1430];
	_ =	sdelay $0x3  }
0x330: {  	s26 =	sor.u32 $0x430, s3  }
0x331: {  	[tilespmem:s26+$0x0] =	vst.add.f32.msk $0xffff, v3  }
0x332: {  	v3 =	vld [tilespmem:s0+$0x1440];
	_ =	sdelay $0x3  }
0x333: {  	s28 =	sor.u32 $0x440, s3  }
0x334: {  	[tilespmem:s28+$0x0] =	vst.add.f32.msk $0xffff, v3  }
0x335: {  	v3 =	vld [tilespmem:s0+$0x1450];
	_ =	sdelay $0x3  }
0x336: {  	s29 =	sor.u32 $0x450, s3  }
0x337: {  	[tilespmem:s29+$0x0] =	vst.add.f32.msk $0xffff, v3  }
0x338: {  	v3 =	vld [tilespmem:s0+$0x1460];
	_ =	sdelay $0x3  }
0x339: {  	s30 =	sor.u32 $0x460, s3  }
0x33a: {  	[tilespmem:s30+$0x0] =	vst.add.f32.msk $0xffff, v3  }
0x33b: {  	v3 =	vld [tilespmem:s0+$0x1470];
	_ =	sdelay $0x3  }
0x33c: {  	s3 =	sor.u32 $0x470, s3  }
0x33d: {  	[tilespmem:s3+$0x0] =	vst.add.f32.msk $0xffff, v3  }
0x33e: {  	v3 =	vld [tilespmem:s0+$0x1800];
	_ =	sdelay $0x4  }
0x33f: {  	[tilespmem:s2+$0x18000] =	vst.add.f32.msk $0xffff, v3  }
0x340: {  	v3 =	vld [tilespmem:s0+$0x1810];
	_ =	sdelay $0x2  }
0x341: {  	s10 =	sadd.s32 $0x18000, s2  }
0x342: {  	s11 =	sor.u32 $0x10, s10  }
0x343: {  	[tilespmem:s11+$0x0] =	vst.add.f32.msk $0xffff, v3  }
0x344: {  	v3 =	vld [tilespmem:s0+$0x1820];
	_ =	sdelay $0x3  }
0x345: {  	s14 =	sor.u32 $0x20, s10  }
0x346: {  	[tilespmem:s14+$0x0] =	vst.add.f32.msk $0xffff, v3  }
0x347: {  	v3 =	vld [tilespmem:s0+$0x1830];
	_ =	sdelay $0x3  }
0x348: {  	s26 =	sor.u32 $0x30, s10  }
0x349: {  	[tilespmem:s26+$0x0] =	vst.add.f32.msk $0xffff, v3  }
0x34a: {  	v3 =	vld [tilespmem:s0+$0x1840];
	_ =	sdelay $0x3  }
0x34b: {  	s28 =	sor.u32 $0x40, s10  }
0x34c: {  	[tilespmem:s28+$0x0] =	vst.add.f32.msk $0xffff, v3  }
0x34d: {  	v3 =	vld [tilespmem:s0+$0x1850];
	_ =	sdelay $0x3  }
0x34e: {  	s29 =	sor.u32 $0x50, s10  }
0x34f: {  	[tilespmem:s29+$0x0] =	vst.add.f32.msk $0xffff, v3  }
0x350: {  	v3 =	vld [tilespmem:s0+$0x1860];
	_ =	sdelay $0x3  }
0x351: {  	s30 =	sor.u32 $0x60, s10  }
0x352: {  	[tilespmem:s30+$0x0] =	vst.add.f32.msk $0xffff, v3  }
0x353: {  	v3 =	vld [tilespmem:s0+$0x1870];
	_ =	sdelay $0x3  }
0x354: {  	s3 =	sor.u32 $0x70, s10  }
0x355: {  	[tilespmem:s3+$0x0] =	vst.add.f32.msk $0xffff, v3  }
0x356: {  	v3 =	vld [tilespmem:s0+$0x1C00];
	_ =	sdelay $0x4  }
0x357: {  	[tilespmem:s2+$0x18400] =	vst.add.f32.msk $0xffff, v3  }
0x358: {  	v3 =	vld [tilespmem:s0+$0x1C10];
	_ =	sdelay $0x2  }
0x359: {  	s10 =	sadd.s32 $0x18400, s2  }
0x35a: {  	s11 =	sor.u32 $0x10, s10  }
0x35b: {  	[tilespmem:s11+$0x0] =	vst.add.f32.msk $0xffff, v3  }
0x35c: {  	v3 =	vld [tilespmem:s0+$0x1C20];
	_ =	sdelay $0x3  }
0x35d: {  	s14 =	sor.u32 $0x20, s10  }
0x35e: {  	[tilespmem:s14+$0x0] =	vst.add.f32.msk $0xffff, v3  }
0x35f: {  	v3 =	vld [tilespmem:s0+$0x1C30];
	_ =	sdelay $0x3  }
0x360: {  	s26 =	sor.u32 $0x30, s10  }
0x361: {  	[tilespmem:s26+$0x0] =	vst.add.f32.msk $0xffff, v3  }
0x362: {  	v3 =	vld [tilespmem:s0+$0x1C40];
	_ =	sdelay $0x3  }
0x363: {  	s28 =	sor.u32 $0x40, s10  }
0x364: {  	[tilespmem:s28+$0x0] =	vst.add.f32.msk $0xffff, v3  }
0x365: {  	v3 =	vld [tilespmem:s0+$0x1C50];
	_ =	sdelay $0x3  }
0x366: {  	s29 =	sor.u32 $0x50, s10  }
0x367: {  	[tilespmem:s29+$0x0] =	vst.add.f32.msk $0xffff, v3  }
0x368: {  	v3 =	vld [tilespmem:s0+$0x1C60];
	_ =	sdelay $0x3  }
0x369: {  	s30 =	sor.u32 $0x60, s10  }
0x36a: {  	[tilespmem:s30+$0x0] =	vst.add.f32.msk $0xffff, v3  }
0x36b: {  	v3 =	vld [tilespmem:s0+$0x1C70];
	_ =	sdelay $0x3  }
0x36c: {  	s3 =	sor.u32 $0x70, s10  }
0x36d: {  	[tilespmem:s3+$0x0] =	vst.add.f32.msk $0xffff, v3  }
0x36e: {  	v3 =	vld [tilespmem:s0+$0x2000];
	_ =	sdelay $0x4  }
0x36f: {  	[tilespmem:s2+$0x18800] =	vst.add.f32.msk $0xffff, v3  }
0x370: {  	v3 =	vld [tilespmem:s0+$0x2010];
	_ =	sdelay $0x2  }
0x371: {  	s10 =	sadd.s32 $0x18800, s2  }
0x372: {  	s11 =	sor.u32 $0x10, s10  }
0x373: {  	[tilespmem:s11+$0x0] =	vst.add.f32.msk $0xffff, v3  }
0x374: {  	v3 =	vld [tilespmem:s0+$0x2020];
	_ =	sdelay $0x3  }
0x375: {  	s14 =	sor.u32 $0x20, s10  }
0x376: {  	[tilespmem:s14+$0x0] =	vst.add.f32.msk $0xffff, v3  }
0x377: {  	v3 =	vld [tilespmem:s0+$0x2030];
	_ =	sdelay $0x3  }
0x378: {  	s26 =	sor.u32 $0x30, s10  }
0x379: {  	[tilespmem:s26+$0x0] =	vst.add.f32.msk $0xffff, v3  }
0x37a: {  	v3 =	vld [tilespmem:s0+$0x2040];
	_ =	sdelay $0x3  }
0x37b: {  	s28 =	sor.u32 $0x40, s10  }
0x37c: {  	[tilespmem:s28+$0x0] =	vst.add.f32.msk $0xffff, v3  }
0x37d: {  	v3 =	vld [tilespmem:s0+$0x2050];
	_ =	sdelay $0x3  }
0x37e: {  	s29 =	sor.u32 $0x50, s10  }
0x37f: {  	[tilespmem:s29+$0x0] =	vst.add.f32.msk $0xffff, v3  }
0x380: {  	v3 =	vld [tilespmem:s0+$0x2060];
	_ =	sdelay $0x3  }
0x381: {  	s30 =	sor.u32 $0x60, s10  }
0x382: {  	[tilespmem:s30+$0x0] =	vst.add.f32.msk $0xffff, v3  }
0x383: {  	v3 =	vld [tilespmem:s0+$0x2070];
	_ =	sdelay $0x3  }
0x384: {  	s3 =	sor.u32 $0x70, s10  }
0x385: {  	[tilespmem:s3+$0x0] =	vst.add.f32.msk $0xffff, v3  }
0x386: {  	v3 =	vld [tilespmem:s0+$0x2400];
	_ =	sdelay $0x4  }
0x387: {  	[tilespmem:s2+$0x18C00] =	vst.add.f32.msk $0xffff, v3  }
0x388: {  	v3 =	vld [tilespmem:s0+$0x2410];
	_ =	sdelay $0x2  }
0x389: {  	s2 =	sadd.s32 $0x18C00, s2  }
0x38a: {  	s7 =	sor.u32 $0x10, s2  }
0x38b: {  	[tilespmem:s7+$0x0] =	vst.add.f32.msk $0xffff, v3  }
0x38c: {  	v3 =	vld [tilespmem:s0+$0x2420];
	_ =	sdelay $0x3  }
0x38d: {  	s10 =	sor.u32 $0x20, s2  }
0x38e: {  	[tilespmem:s10+$0x0] =	vst.add.f32.msk $0xffff, v3  }
0x38f: {  	v3 =	vld [tilespmem:s0+$0x2430];
	_ =	sdelay $0x3  }
0x390: {  	s11 =	sor.u32 $0x30, s2  }
0x391: {  	[tilespmem:s11+$0x0] =	vst.add.f32.msk $0xffff, v3  }
0x392: {  	v3 =	vld [tilespmem:s0+$0x2440];
	_ =	sdelay $0x3  }
0x393: {  	s14 =	sor.u32 $0x40, s2  }
0x394: {  	[tilespmem:s14+$0x0] =	vst.add.f32.msk $0xffff, v3  }
0x395: {  	v3 =	vld [tilespmem:s0+$0x2450];
	_ =	sdelay $0x3  }
0x396: {  	s26 =	sor.u32 $0x50, s2  }
0x397: {  	[tilespmem:s26+$0x0] =	vst.add.f32.msk $0xffff, v3  }
0x398: {  	v3 =	vld [tilespmem:s0+$0x2460];
	_ =	sdelay $0x3  }
0x399: {  	s28 =	sor.u32 $0x60, s2  }
0x39a: {  	[tilespmem:s28+$0x0] =	vst.add.f32.msk $0xffff, v3  }
0x39b: {  	s24 =	sadd.s32 $0x1, s24;
	v3 =	vld [tilespmem:s0+$0x2470]  }
0x39c: {  	p0 =	sne.s32 s24, $0x1F  }
.Ltmp2:
0x39d: {  	_ = 	snop;
	(pc) =	sbr.rel @p0 .LBB2_2-.Ltmp2, $4  }
0x39e: {  	_ = 	snop  }
0x39f: {  	s29 =	sor.u32 $0x70, s2  }
0x3a0: {  	s30 =	sadd.s32 $0xF00, s25;
	[tilespmem:s29+$0x0] =	vst.add.f32.msk $0xffff, v3  }
0x3a1: {  	[hbm4b:s30+s4] =	stream.linear.scatter [tilespmem:s31], [sflag:$0x4], $0x7800, $0x38;
	[tilespmem:$0x1F000] =	vst v63  }
0x3a2: {  	s29 =	simm.s32 $0x4  }
0x3a3: {  	_ =	swait.ge [sflag:s29], $0x7800  }
0x3a4: {  	[sflag:s29] =	ssyncset.done $0x0  }
0x3a5: {  	[sflag:s29] =	ssyncadd.s32 $0xFFFF8800  }
0x3a6: {  	v3 =	vld [tilespmem:$0xFA8];
	_ =	sdelay $0x4  }
0x3a7: {  	v4 =	vshrl.u32 v3, $0x3  }
0x3a8: {  	v4 =	vmul.u32 $0x30, v4  }
0x3a9: {  	v3 =	vand.u32 $0x7, v3  }
0x3aa: {  	v3 =	vor.u32 v3, v4  }
0x3ab: {  	v4 =	vperm.xlane v3, v0;
	_ =	sdelay $0x1  }
0x3ac: {  	v4 =	vadd.s32 v1, v4;
	_ =	sdelay $0x3  }
0x3ad: {  	s0 =	simm.s32 $0x0;
	v3 =	vperm.xlane v3, v2  }
0x3ae: {  	[tilespmem:s31], [sflag:$0x2] =	stream.indirect_vreg.gather [hbm4b:s1+s0], $0x80, v4, vm0, $0xb8;
	[tilespmem:$0x1F000] =	vst v63  }
0x3af: {  	s2 =	simm.s32 $0x18000;
	v3 =	vadd.s32 v1, v3  }
0x3b0: {  	[tilespmem:s2], [sflag:$0x2] =	stream.indirect_vreg.gather [hbm4b:s8+s0], $0x80, v4, vm0, $0xb8;
	[tilespmem:$0x1F000] =	vst v63  }
0x3b1: {  	s11 =	simm.s32 $0x18800  }
0x3b2: {  	[tilespmem:s11], [sflag:$0x2] =	stream.indirect_vreg.gather [hbm4b:s9+s0], $0x80, v4, vm0, $0xb8;
	[tilespmem:$0x1F000] =	vst v63  }
0x3b3: {  	s14 =	simm.s32 $0x19000  }
0x3b4: {  	[tilespmem:s14], [sflag:$0x2] =	stream.indirect_vreg.gather [hbm4b:s1+s0], $0x80, v3, vm0, $0xb8;
	[tilespmem:$0x1F000] =	vst v63  }
0x3b5: {  	s24 =	simm.s32 $0x19800  }
0x3b6: {  	[tilespmem:s24], [sflag:$0x2] =	stream.indirect_vreg.gather [hbm4b:s8+s0], $0x80, v3, vm0, $0xb8;
	[tilespmem:$0x1F000] =	vst v63  }
0x3b7: {  	s25 =	simm.s32 $0x1A000  }
0x3b8: {  	[tilespmem:s25], [sflag:$0x2] =	stream.indirect_vreg.gather [hbm4b:s9+s0], $0x80, v3, vm0, $0xb8;
	[tilespmem:$0x1F000] =	vst v63  }
0x3b9: {  	v3 =	vld [tilespmem:$0xFB8];
	_ =	sdelay $0x4  }
0x3ba: {  	v4 =	vshrl.u32 v3, $0x3  }
0x3bb: {  	v4 =	vmul.u32 $0x30, v4  }
0x3bc: {  	v3 =	vand.u32 $0x7, v3  }
0x3bd: {  	v3 =	vor.u32 v3, v4  }
0x3be: {  	v4 =	vperm.xlane v3, v0;
	_ =	sdelay $0x1  }
0x3bf: {  	v4 =	vadd.s32 v1, v4;
	_ =	sdelay $0x3  }
0x3c0: {  	s26 =	simm.s32 $0x1A800;
	v3 =	vperm.xlane v3, v2  }
0x3c1: {  	[tilespmem:s26], [sflag:$0x2] =	stream.indirect_vreg.gather [hbm4b:s1+s0], $0x80, v4, vm0, $0xb8;
	[tilespmem:$0x1F000] =	vst v63  }
0x3c2: {  	s28 =	simm.s32 $0x1B000;
	v3 =	vadd.s32 v1, v3  }
0x3c3: {  	[tilespmem:s28], [sflag:$0x2] =	stream.indirect_vreg.gather [hbm4b:s8+s0], $0x80, v4, vm0, $0xb8;
	[tilespmem:$0x1F000] =	vst v63  }
0x3c4: {  	_ = 	snop  }
0x3c5: {  	[tilespmem:s12], [sflag:$0x2] =	stream.indirect_vreg.gather [hbm4b:s9+s0], $0x80, v4, vm0, $0xb8;
	[tilespmem:$0x1F000] =	vst v63  }
0x3c6: {  	_ = 	snop  }
0x3c7: {  	[tilespmem:s13], [sflag:$0x2] =	stream.indirect_vreg.gather [hbm4b:s1+s0], $0x80, v3, vm0, $0xb8;
	[tilespmem:$0x1F000] =	vst v63  }
0x3c8: {  	_ = 	snop  }
0x3c9: {  	[tilespmem:s16], [sflag:$0x2] =	stream.indirect_vreg.gather [hbm4b:s8+s0], $0x80, v3, vm0, $0xb8;
	[tilespmem:$0x1F000] =	vst v63  }
0x3ca: {  	_ = 	snop  }
0x3cb: {  	[tilespmem:s17], [sflag:$0x2] =	stream.indirect_vreg.gather [hbm4b:s9+s0], $0x80, v3, vm0, $0xb8;
	[tilespmem:$0x1F000] =	vst v63  }
0x3cc: {  	v3 =	vld.msk [tilespmem:$0xFC8], $0xff;
	_ =	sdelay $0x4  }
0x3cd: {  	v4 =	vshrl.u32 v3, $0x3  }
0x3ce: {  	v4 =	vmul.u32 $0x30, v4  }
0x3cf: {  	v3 =	vand.u32 $0x7, v3  }
0x3d0: {  	v3 =	vor.u32 v3, v4  }
0x3d1: {  	v3 =	vperm.xlane v3, v0;
	_ =	sdelay $0x1  }
0x3d2: {  	v3 =	vadd.s32 v1, v3;
	_ =	sdelay $0x4  }
0x3d3: {  	[tilespmem:s18], [sflag:$0x2] =	stream.indirect_vreg.gather [hbm4b:s1+s0], $0x80, v3, vm0, $0xb8;
	[tilespmem:$0x1F000] =	vst v63  }
0x3d4: {  	_ = 	snop  }
0x3d5: {  	[tilespmem:s19], [sflag:$0x2] =	stream.indirect_vreg.gather [hbm4b:s8+s0], $0x80, v3, vm0, $0xb8;
	[tilespmem:$0x1F000] =	vst v63  }
0x3d6: {  	s30 =	simm.s32 $0x0  }
0x3d7: {  	[tilespmem:s20], [sflag:$0x2] =	stream.indirect_vreg.gather [hbm4b:s9+s0], $0x80, v3, vm0, $0xb8;
	[tilespmem:$0x1F000] =	vst v63  }
0x3d8: {  	s2 =	smul.u32 $0x1800, s30;
	_ =	swait.ge [sflag:s21], $0x7800  }
0x3d9: {  	s3 =	sand.u32 $0x380, s0;
	[sflag:s21] =	ssyncset.done $0x0  }
0x3da: {  	s2 =	sor.u32 s3, s2;
	[sflag:s21] =	ssyncadd.s32 $0xFFFF8800  }
0x3db: {  	v3 =	vld [tilespmem:s2+$0x2470]  }
0x3dc: {  	v6 =	vld [tilespmem:s2+$0x1000]  }
0x3dd: {  	v7 =	vld [tilespmem:s2+$0x1010]  }
0x3de: {  	v8 =	vld [tilespmem:s2+$0x1020]  }
0x3df: {  	v9 =	vld [tilespmem:s2+$0x1030]  }
0x3e0: {  	v10 =	vld [tilespmem:s2+$0x1040]  }
0x3e1: {  	v11 =	vld [tilespmem:s2+$0x1050]  }
0x3e2: {  	v12 =	vld [tilespmem:s2+$0x1060]  }
0x3e3: {  	v13 =	vld [tilespmem:s2+$0x1070]  }
0x3e4: {  	v14 =	vld [tilespmem:s2+$0x1400]  }
0x3e5: {  	v15 =	vld [tilespmem:s2+$0x1410]  }
0x3e6: {  	v16 =	vld [tilespmem:s2+$0x1420]  }
0x3e7: {  	v17 =	vld [tilespmem:s2+$0x1430]  }
0x3e8: {  	v18 =	vld [tilespmem:s2+$0x1440]  }
0x3e9: {  	v19 =	vld [tilespmem:s2+$0x1450]  }
0x3ea: {  	v20 =	vld [tilespmem:s2+$0x1460]  }
0x3eb: {  	v21 =	vld [tilespmem:s2+$0x1470]  }
0x3ec: {  	v22 =	vld [tilespmem:s2+$0x1800]  }
0x3ed: {  	v23 =	vld [tilespmem:s2+$0x1810]  }
0x3ee: {  	v24 =	vld [tilespmem:s2+$0x1820]  }
0x3ef: {  	v25 =	vld [tilespmem:s2+$0x1830]  }
0x3f0: {  	v26 =	vld [tilespmem:s2+$0x1840]  }
0x3f1: {  	v27 =	vld [tilespmem:s2+$0x1850]  }
0x3f2: {  	v28 =	vld [tilespmem:s2+$0x1860]  }
0x3f3: {  	v29 =	vld [tilespmem:s2+$0x1870]  }
0x3f4: {  	v30 =	vld [tilespmem:s2+$0x1C00]  }
0x3f5: {  	v31 =	vld [tilespmem:s2+$0x1C10]  }
0x3f6: {  	v32 =	vld [tilespmem:s2+$0x1C20]  }
0x3f7: {  	v33 =	vld [tilespmem:s2+$0x1C30]  }
0x3f8: {  	v34 =	vld [tilespmem:s2+$0x1C40]  }
0x3f9: {  	v35 =	vld [tilespmem:s2+$0x1C50]  }
0x3fa: {  	v36 =	vld [tilespmem:s2+$0x1C60]  }
0x3fb: {  	v37 =	vld [tilespmem:s2+$0x1C70]  }
0x3fc: {  	v38 =	vld [tilespmem:s2+$0x2000]  }
0x3fd: {  	v39 =	vld [tilespmem:s2+$0x2010]  }
0x3fe: {  	v40 =	vld [tilespmem:s2+$0x2020]  }
0x3ff: {  	v41 =	vld [tilespmem:s2+$0x2030]  }
0x400: {  	v42 =	vld [tilespmem:s2+$0x2040]  }
0x401: {  	v43 =	vld [tilespmem:s2+$0x2050]  }
0x402: {  	v44 =	vld [tilespmem:s2+$0x2060]  }
0x403: {  	v45 =	vld [tilespmem:s2+$0x2070]  }
0x404: {  	v46 =	vld [tilespmem:s2+$0x2400]  }
0x405: {  	v47 =	vld [tilespmem:s2+$0x2410]  }
0x406: {  	v48 =	vld [tilespmem:s2+$0x2420]  }
0x407: {  	v49 =	vld [tilespmem:s2+$0x2430]  }
0x408: {  	v5 =	vld [tilespmem:s2+$0x2440]  }
0x409: {  	v4 =	vld [tilespmem:s2+$0x2450]  }
0x40a: {  	[tilespmem:s2+$0x11470] =	vst.add.f32.msk $0xffff, v3  }
0x40b: {  	v3 =	vld [tilespmem:s2+$0x2460]  }
0x40c: {  	[tilespmem:s2+$0x10000] =	vst.add.f32.msk $0xffff, v6  }
0x40d: {  	[tilespmem:s2+$0x10010] =	vst.add.f32.msk $0xffff, v7  }
0x40e: {  	[tilespmem:s2+$0x10020] =	vst.add.f32.msk $0xffff, v8  }
0x40f: {  	[tilespmem:s2+$0x10030] =	vst.add.f32.msk $0xffff, v9  }
0x410: {  	[tilespmem:s2+$0x10040] =	vst.add.f32.msk $0xffff, v10  }
0x411: {  	[tilespmem:s2+$0x10050] =	vst.add.f32.msk $0xffff, v11  }
0x412: {  	[tilespmem:s2+$0x10060] =	vst.add.f32.msk $0xffff, v12  }
0x413: {  	[tilespmem:s2+$0x10070] =	vst.add.f32.msk $0xffff, v13  }
0x414: {  	[tilespmem:s2+$0x10400] =	vst.add.f32.msk $0xffff, v14  }
0x415: {  	[tilespmem:s2+$0x10410] =	vst.add.f32.msk $0xffff, v15  }
0x416: {  	[tilespmem:s2+$0x10420] =	vst.add.f32.msk $0xffff, v16  }
0x417: {  	[tilespmem:s2+$0x10430] =	vst.add.f32.msk $0xffff, v17  }
0x418: {  	[tilespmem:s2+$0x10440] =	vst.add.f32.msk $0xffff, v18  }
0x419: {  	[tilespmem:s2+$0x10450] =	vst.add.f32.msk $0xffff, v19  }
0x41a: {  	[tilespmem:s2+$0x10460] =	vst.add.f32.msk $0xffff, v20  }
0x41b: {  	[tilespmem:s2+$0x10470] =	vst.add.f32.msk $0xffff, v21  }
0x41c: {  	[tilespmem:s2+$0x10800] =	vst.add.f32.msk $0xffff, v22  }
0x41d: {  	[tilespmem:s2+$0x10810] =	vst.add.f32.msk $0xffff, v23  }
0x41e: {  	[tilespmem:s2+$0x10820] =	vst.add.f32.msk $0xffff, v24  }
0x41f: {  	[tilespmem:s2+$0x10830] =	vst.add.f32.msk $0xffff, v25  }
0x420: {  	[tilespmem:s2+$0x10840] =	vst.add.f32.msk $0xffff, v26  }
0x421: {  	[tilespmem:s2+$0x10850] =	vst.add.f32.msk $0xffff, v27  }
0x422: {  	[tilespmem:s2+$0x10860] =	vst.add.f32.msk $0xffff, v28  }
0x423: {  	[tilespmem:s2+$0x10870] =	vst.add.f32.msk $0xffff, v29  }
0x424: {  	[tilespmem:s2+$0x10C00] =	vst.add.f32.msk $0xffff, v30  }
0x425: {  	[tilespmem:s2+$0x10C10] =	vst.add.f32.msk $0xffff, v31  }
0x426: {  	[tilespmem:s2+$0x10C20] =	vst.add.f32.msk $0xffff, v32  }
0x427: {  	[tilespmem:s2+$0x10C30] =	vst.add.f32.msk $0xffff, v33  }
0x428: {  	[tilespmem:s2+$0x10C40] =	vst.add.f32.msk $0xffff, v34  }
0x429: {  	[tilespmem:s2+$0x10C50] =	vst.add.f32.msk $0xffff, v35  }
0x42a: {  	[tilespmem:s2+$0x10C60] =	vst.add.f32.msk $0xffff, v36  }
0x42b: {  	[tilespmem:s2+$0x10C70] =	vst.add.f32.msk $0xffff, v37  }
0x42c: {  	[tilespmem:s2+$0x11000] =	vst.add.f32.msk $0xffff, v38  }
0x42d: {  	[tilespmem:s2+$0x11010] =	vst.add.f32.msk $0xffff, v39  }
0x42e: {  	[tilespmem:s2+$0x11020] =	vst.add.f32.msk $0xffff, v40  }
0x42f: {  	[tilespmem:s2+$0x11030] =	vst.add.f32.msk $0xffff, v41  }
0x430: {  	[tilespmem:s2+$0x11040] =	vst.add.f32.msk $0xffff, v42  }
0x431: {  	[tilespmem:s2+$0x11050] =	vst.add.f32.msk $0xffff, v43  }
0x432: {  	[tilespmem:s2+$0x11060] =	vst.add.f32.msk $0xffff, v44  }
0x433: {  	[tilespmem:s2+$0x11070] =	vst.add.f32.msk $0xffff, v45  }
0x434: {  	[tilespmem:s2+$0x11400] =	vst.add.f32.msk $0xffff, v46  }
0x435: {  	[tilespmem:s2+$0x11410] =	vst.add.f32.msk $0xffff, v47  }
0x436: {  	[tilespmem:s2+$0x11420] =	vst.add.f32.msk $0xffff, v48  }
0x437: {  	s7 =	simm.s32 $0x0;
	s3 =	simm.s32 $0x2;
	[tilespmem:s2+$0x11430] =	vst.add.f32.msk $0xffff, v49  }
.LBB2_8:
0x438: {  	p0 =	sne.s32 s3, $0x27;
	s7 =	smul.u32 $0x1800, s7;
	[tilespmem:s2+$0x11440] =	vst.add.f32.msk $0xffff, v5;
	s0 =	sadd.s32 $0x80, s0  }
0x439: {  	s10 =	sand.u32 $0x380, s0;
	[tilespmem:s2+$0x11450] =	vst.add.f32.msk $0xffff, v4  }
0x43a: {  	[tilespmem:s2+$0x11460] =	vst.add.f32.msk $0xffff, v3;
	s2 =	sor.u32 s10, s7  }
0x43b: {  	v3 =	vld [tilespmem:s2+$0x2470]  }
0x43c: {  	v6 =	vld [tilespmem:s2+$0x1000]  }
0x43d: {  	v7 =	vld [tilespmem:s2+$0x1010]  }
0x43e: {  	v8 =	vld [tilespmem:s2+$0x1020]  }
0x43f: {  	v9 =	vld [tilespmem:s2+$0x1030]  }
0x440: {  	[tilespmem:s2+$0x11470] =	vst.add.f32.msk $0xffff, v3  }
0x441: {  	v10 =	vld [tilespmem:s2+$0x1040]  }
0x442: {  	v11 =	vld [tilespmem:s2+$0x1050]  }
0x443: {  	v12 =	vld [tilespmem:s2+$0x1060]  }
0x444: {  	v13 =	vld [tilespmem:s2+$0x1070]  }
0x445: {  	v14 =	vld [tilespmem:s2+$0x1400]  }
0x446: {  	v15 =	vld [tilespmem:s2+$0x1410]  }
0x447: {  	v16 =	vld [tilespmem:s2+$0x1420]  }
0x448: {  	v17 =	vld [tilespmem:s2+$0x1430]  }
0x449: {  	v18 =	vld [tilespmem:s2+$0x1440]  }
0x44a: {  	v19 =	vld [tilespmem:s2+$0x1450]  }
0x44b: {  	v20 =	vld [tilespmem:s2+$0x1460]  }
0x44c: {  	v21 =	vld [tilespmem:s2+$0x1470]  }
0x44d: {  	v22 =	vld [tilespmem:s2+$0x1800]  }
0x44e: {  	v23 =	vld [tilespmem:s2+$0x1810]  }
0x44f: {  	v24 =	vld [tilespmem:s2+$0x1820]  }
0x450: {  	v25 =	vld [tilespmem:s2+$0x1830]  }
0x451: {  	v26 =	vld [tilespmem:s2+$0x1840]  }
0x452: {  	v27 =	vld [tilespmem:s2+$0x1850]  }
0x453: {  	v28 =	vld [tilespmem:s2+$0x1860]  }
0x454: {  	v29 =	vld [tilespmem:s2+$0x1870]  }
0x455: {  	v30 =	vld [tilespmem:s2+$0x1C00]  }
0x456: {  	v31 =	vld [tilespmem:s2+$0x1C10]  }
0x457: {  	v32 =	vld [tilespmem:s2+$0x1C20]  }
0x458: {  	v33 =	vld [tilespmem:s2+$0x1C30]  }
0x459: {  	v34 =	vld [tilespmem:s2+$0x1C40]  }
0x45a: {  	v35 =	vld [tilespmem:s2+$0x1C50]  }
0x45b: {  	v36 =	vld [tilespmem:s2+$0x1C60]  }
0x45c: {  	v37 =	vld [tilespmem:s2+$0x1C70]  }
0x45d: {  	v38 =	vld [tilespmem:s2+$0x2000]  }
0x45e: {  	v39 =	vld [tilespmem:s2+$0x2010]  }
0x45f: {  	v40 =	vld [tilespmem:s2+$0x2020]  }
0x460: {  	v41 =	vld [tilespmem:s2+$0x2030]  }
0x461: {  	v42 =	vld [tilespmem:s2+$0x2040]  }
0x462: {  	v43 =	vld [tilespmem:s2+$0x2050]  }
0x463: {  	v44 =	vld [tilespmem:s2+$0x2060]  }
0x464: {  	v45 =	vld [tilespmem:s2+$0x2070]  }
0x465: {  	v46 =	vld [tilespmem:s2+$0x2400]  }
0x466: {  	v47 =	vld [tilespmem:s2+$0x2410]  }
0x467: {  	v48 =	vld [tilespmem:s2+$0x2420]  }
0x468: {  	v49 =	vld [tilespmem:s2+$0x2430]  }
0x469: {  	v5 =	vld [tilespmem:s2+$0x2440]  }
0x46a: {  	v4 =	vld [tilespmem:s2+$0x2450]  }
0x46b: {  	v3 =	vld [tilespmem:s2+$0x2460]  }
0x46c: {  	[tilespmem:s2+$0x10000] =	vst.add.f32.msk $0xffff, v6  }
0x46d: {  	[tilespmem:s2+$0x10010] =	vst.add.f32.msk $0xffff, v7  }
0x46e: {  	[tilespmem:s2+$0x10020] =	vst.add.f32.msk $0xffff, v8  }
0x46f: {  	[tilespmem:s2+$0x10030] =	vst.add.f32.msk $0xffff, v9  }
0x470: {  	[tilespmem:s2+$0x10040] =	vst.add.f32.msk $0xffff, v10  }
0x471: {  	[tilespmem:s2+$0x10050] =	vst.add.f32.msk $0xffff, v11  }
0x472: {  	[tilespmem:s2+$0x10060] =	vst.add.f32.msk $0xffff, v12  }
0x473: {  	[tilespmem:s2+$0x10070] =	vst.add.f32.msk $0xffff, v13  }
0x474: {  	[tilespmem:s2+$0x10400] =	vst.add.f32.msk $0xffff, v14  }
0x475: {  	[tilespmem:s2+$0x10410] =	vst.add.f32.msk $0xffff, v15  }
0x476: {  	[tilespmem:s2+$0x10420] =	vst.add.f32.msk $0xffff, v16  }
0x477: {  	[tilespmem:s2+$0x10430] =	vst.add.f32.msk $0xffff, v17  }
0x478: {  	[tilespmem:s2+$0x10440] =	vst.add.f32.msk $0xffff, v18  }
0x479: {  	[tilespmem:s2+$0x10450] =	vst.add.f32.msk $0xffff, v19  }
0x47a: {  	[tilespmem:s2+$0x10460] =	vst.add.f32.msk $0xffff, v20  }
0x47b: {  	[tilespmem:s2+$0x10470] =	vst.add.f32.msk $0xffff, v21  }
0x47c: {  	[tilespmem:s2+$0x10800] =	vst.add.f32.msk $0xffff, v22  }
0x47d: {  	[tilespmem:s2+$0x10810] =	vst.add.f32.msk $0xffff, v23  }
0x47e: {  	[tilespmem:s2+$0x10820] =	vst.add.f32.msk $0xffff, v24  }
0x47f: {  	[tilespmem:s2+$0x10830] =	vst.add.f32.msk $0xffff, v25  }
0x480: {  	[tilespmem:s2+$0x10840] =	vst.add.f32.msk $0xffff, v26  }
0x481: {  	[tilespmem:s2+$0x10850] =	vst.add.f32.msk $0xffff, v27  }
0x482: {  	[tilespmem:s2+$0x10860] =	vst.add.f32.msk $0xffff, v28  }
0x483: {  	[tilespmem:s2+$0x10870] =	vst.add.f32.msk $0xffff, v29  }
0x484: {  	[tilespmem:s2+$0x10C00] =	vst.add.f32.msk $0xffff, v30  }
0x485: {  	[tilespmem:s2+$0x10C10] =	vst.add.f32.msk $0xffff, v31  }
0x486: {  	[tilespmem:s2+$0x10C20] =	vst.add.f32.msk $0xffff, v32  }
0x487: {  	[tilespmem:s2+$0x10C30] =	vst.add.f32.msk $0xffff, v33  }
0x488: {  	[tilespmem:s2+$0x10C40] =	vst.add.f32.msk $0xffff, v34  }
0x489: {  	[tilespmem:s2+$0x10C50] =	vst.add.f32.msk $0xffff, v35  }
0x48a: {  	[tilespmem:s2+$0x10C60] =	vst.add.f32.msk $0xffff, v36  }
0x48b: {  	[tilespmem:s2+$0x10C70] =	vst.add.f32.msk $0xffff, v37  }
0x48c: {  	[tilespmem:s2+$0x11000] =	vst.add.f32.msk $0xffff, v38  }
0x48d: {  	[tilespmem:s2+$0x11010] =	vst.add.f32.msk $0xffff, v39  }
0x48e: {  	[tilespmem:s2+$0x11020] =	vst.add.f32.msk $0xffff, v40  }
0x48f: {  	[tilespmem:s2+$0x11030] =	vst.add.f32.msk $0xffff, v41  }
0x490: {  	[tilespmem:s2+$0x11040] =	vst.add.f32.msk $0xffff, v42  }
0x491: {  	[tilespmem:s2+$0x11050] =	vst.add.f32.msk $0xffff, v43  }
0x492: {  	[tilespmem:s2+$0x11060] =	vst.add.f32.msk $0xffff, v44  }
.Ltmp3:
0x493: {  	[tilespmem:s2+$0x11070] =	vst.add.f32.msk $0xffff, v45;
	(pc) =	sbr.rel @p0 .LBB2_8-.Ltmp3, $4  }
0x494: {  	[tilespmem:s2+$0x11400] =	vst.add.f32.msk $0xffff, v46  }
0x495: {  	[tilespmem:s2+$0x11410] =	vst.add.f32.msk $0xffff, v47  }
0x496: {  	[tilespmem:s2+$0x11420] =	vst.add.f32.msk $0xffff, v48  }
0x497: {  	s7 =	sshrl.u32 s3, $0x3;
	s3 =	sadd.s32 $0x1, s3;
	[tilespmem:s2+$0x11430] =	vst.add.f32.msk $0xffff, v49  }
0x498: {  	s3 =	smul.u32 $0x1800, s7;
	[tilespmem:s2+$0x11440] =	vst.add.f32.msk $0xffff, v5;
	s0 =	sadd.s32 $0x80, s0  }
0x499: {  	[tilespmem:s2+$0x11450] =	vst.add.f32.msk $0xffff, v4;
	s0 =	sand.u32 $0x380, s0  }
0x49a: {  	[tilespmem:s2+$0x11460] =	vst.add.f32.msk $0xffff, v3;
	s0 =	sor.u32 s0, s3  }
0x49b: {  	v3 =	vld [tilespmem:s0+$0x2470]  }
0x49c: {  	v4 =	vld [tilespmem:s0+$0x1000]  }
0x49d: {  	v5 =	vld [tilespmem:s0+$0x1010]  }
0x49e: {  	v6 =	vld [tilespmem:s0+$0x1020]  }
0x49f: {  	v7 =	vld [tilespmem:s0+$0x1030]  }
0x4a0: {  	v8 =	vld [tilespmem:s0+$0x1050]  }
0x4a1: {  	v9 =	vld [tilespmem:s0+$0x1060]  }
0x4a2: {  	v10 =	vld [tilespmem:s0+$0x1070]  }
0x4a3: {  	v11 =	vld [tilespmem:s0+$0x1400]  }
0x4a4: {  	v12 =	vld [tilespmem:s0+$0x1410]  }
0x4a5: {  	v13 =	vld [tilespmem:s0+$0x1420]  }
0x4a6: {  	v14 =	vld [tilespmem:s0+$0x1430]  }
0x4a7: {  	v15 =	vld [tilespmem:s0+$0x1440]  }
0x4a8: {  	v16 =	vld [tilespmem:s0+$0x1450]  }
0x4a9: {  	v17 =	vld [tilespmem:s0+$0x1460]  }
0x4aa: {  	v18 =	vld [tilespmem:s0+$0x1470]  }
0x4ab: {  	v19 =	vld [tilespmem:s0+$0x1800]  }
0x4ac: {  	v20 =	vld [tilespmem:s0+$0x1810]  }
0x4ad: {  	v21 =	vld [tilespmem:s0+$0x1820]  }
0x4ae: {  	v22 =	vld [tilespmem:s0+$0x1830]  }
0x4af: {  	v23 =	vld [tilespmem:s0+$0x1840]  }
0x4b0: {  	v24 =	vld [tilespmem:s0+$0x1850]  }
0x4b1: {  	v25 =	vld [tilespmem:s0+$0x1860]  }
0x4b2: {  	v26 =	vld [tilespmem:s0+$0x1870]  }
0x4b3: {  	v27 =	vld [tilespmem:s0+$0x1C00]  }
0x4b4: {  	v28 =	vld [tilespmem:s0+$0x1C10]  }
0x4b5: {  	v29 =	vld [tilespmem:s0+$0x1C20]  }
0x4b6: {  	v30 =	vld [tilespmem:s0+$0x1C30]  }
0x4b7: {  	v31 =	vld [tilespmem:s0+$0x1C40]  }
0x4b8: {  	v32 =	vld [tilespmem:s0+$0x1C50]  }
0x4b9: {  	v33 =	vld [tilespmem:s0+$0x1C60]  }
0x4ba: {  	v34 =	vld [tilespmem:s0+$0x1C70]  }
0x4bb: {  	v35 =	vld [tilespmem:s0+$0x2000]  }
0x4bc: {  	v36 =	vld [tilespmem:s0+$0x2010]  }
0x4bd: {  	v37 =	vld [tilespmem:s0+$0x2020]  }
0x4be: {  	v38 =	vld [tilespmem:s0+$0x2030]  }
0x4bf: {  	v39 =	vld [tilespmem:s0+$0x2040]  }
0x4c0: {  	v40 =	vld [tilespmem:s0+$0x2050]  }
0x4c1: {  	v41 =	vld [tilespmem:s0+$0x2060]  }
0x4c2: {  	v42 =	vld [tilespmem:s0+$0x2070]  }
0x4c3: {  	v43 =	vld [tilespmem:s0+$0x2400]  }
0x4c4: {  	v44 =	vld [tilespmem:s0+$0x2410]  }
0x4c5: {  	v45 =	vld [tilespmem:s0+$0x2420]  }
0x4c6: {  	v46 =	vld [tilespmem:s0+$0x2430]  }
0x4c7: {  	v47 =	vld [tilespmem:s0+$0x2440]  }
0x4c8: {  	v48 =	vld [tilespmem:s0+$0x2450]  }
0x4c9: {  	v49 =	vld [tilespmem:s0+$0x2460]  }
0x4ca: {  	[tilespmem:s0+$0x11470] =	vst.add.f32.msk $0xffff, v3  }
0x4cb: {  	v3 =	vld [tilespmem:s0+$0x1040]  }
0x4cc: {  	[tilespmem:s0+$0x10000] =	vst.add.f32.msk $0xffff, v4  }
0x4cd: {  	[tilespmem:s0+$0x10010] =	vst.add.f32.msk $0xffff, v5  }
0x4ce: {  	[tilespmem:s0+$0x10020] =	vst.add.f32.msk $0xffff, v6  }
0x4cf: {  	[tilespmem:s0+$0x10030] =	vst.add.f32.msk $0xffff, v7  }
0x4d0: {  	[tilespmem:s0+$0x10050] =	vst.add.f32.msk $0xffff, v8  }
0x4d1: {  	[tilespmem:s0+$0x10060] =	vst.add.f32.msk $0xffff, v9  }
0x4d2: {  	[tilespmem:s0+$0x10070] =	vst.add.f32.msk $0xffff, v10  }
0x4d3: {  	[tilespmem:s0+$0x10400] =	vst.add.f32.msk $0xffff, v11  }
0x4d4: {  	[tilespmem:s0+$0x10410] =	vst.add.f32.msk $0xffff, v12  }
0x4d5: {  	[tilespmem:s0+$0x10420] =	vst.add.f32.msk $0xffff, v13  }
0x4d6: {  	[tilespmem:s0+$0x10430] =	vst.add.f32.msk $0xffff, v14  }
0x4d7: {  	[tilespmem:s0+$0x10440] =	vst.add.f32.msk $0xffff, v15  }
0x4d8: {  	[tilespmem:s0+$0x10450] =	vst.add.f32.msk $0xffff, v16  }
0x4d9: {  	[tilespmem:s0+$0x10460] =	vst.add.f32.msk $0xffff, v17  }
0x4da: {  	[tilespmem:s0+$0x10470] =	vst.add.f32.msk $0xffff, v18  }
0x4db: {  	[tilespmem:s0+$0x10800] =	vst.add.f32.msk $0xffff, v19  }
0x4dc: {  	[tilespmem:s0+$0x10810] =	vst.add.f32.msk $0xffff, v20  }
0x4dd: {  	[tilespmem:s0+$0x10820] =	vst.add.f32.msk $0xffff, v21  }
0x4de: {  	[tilespmem:s0+$0x10830] =	vst.add.f32.msk $0xffff, v22  }
0x4df: {  	[tilespmem:s0+$0x10840] =	vst.add.f32.msk $0xffff, v23  }
0x4e0: {  	[tilespmem:s0+$0x10850] =	vst.add.f32.msk $0xffff, v24  }
0x4e1: {  	[tilespmem:s0+$0x10860] =	vst.add.f32.msk $0xffff, v25  }
0x4e2: {  	[tilespmem:s0+$0x10870] =	vst.add.f32.msk $0xffff, v26  }
0x4e3: {  	[tilespmem:s0+$0x10C00] =	vst.add.f32.msk $0xffff, v27  }
0x4e4: {  	[tilespmem:s0+$0x10C10] =	vst.add.f32.msk $0xffff, v28  }
0x4e5: {  	[tilespmem:s0+$0x10C20] =	vst.add.f32.msk $0xffff, v29  }
0x4e6: {  	[tilespmem:s0+$0x10C30] =	vst.add.f32.msk $0xffff, v30  }
0x4e7: {  	[tilespmem:s0+$0x10C40] =	vst.add.f32.msk $0xffff, v31  }
0x4e8: {  	[tilespmem:s0+$0x10C50] =	vst.add.f32.msk $0xffff, v32  }
0x4e9: {  	[tilespmem:s0+$0x10C60] =	vst.add.f32.msk $0xffff, v33  }
0x4ea: {  	[tilespmem:s0+$0x10C70] =	vst.add.f32.msk $0xffff, v34  }
0x4eb: {  	[tilespmem:s0+$0x11000] =	vst.add.f32.msk $0xffff, v35  }
0x4ec: {  	[tilespmem:s0+$0x11010] =	vst.add.f32.msk $0xffff, v36  }
0x4ed: {  	[tilespmem:s0+$0x11020] =	vst.add.f32.msk $0xffff, v37  }
0x4ee: {  	[tilespmem:s0+$0x11030] =	vst.add.f32.msk $0xffff, v38  }
0x4ef: {  	[tilespmem:s0+$0x11040] =	vst.add.f32.msk $0xffff, v39  }
0x4f0: {  	[tilespmem:s0+$0x11050] =	vst.add.f32.msk $0xffff, v40  }
0x4f1: {  	[tilespmem:s0+$0x11060] =	vst.add.f32.msk $0xffff, v41  }
0x4f2: {  	[tilespmem:s0+$0x11070] =	vst.add.f32.msk $0xffff, v42  }
0x4f3: {  	[tilespmem:s0+$0x11400] =	vst.add.f32.msk $0xffff, v43  }
0x4f4: {  	[tilespmem:s0+$0x11410] =	vst.add.f32.msk $0xffff, v44  }
0x4f5: {  	[tilespmem:s0+$0x11420] =	vst.add.f32.msk $0xffff, v45  }
0x4f6: {  	[tilespmem:s0+$0x11430] =	vst.add.f32.msk $0xffff, v46  }
0x4f7: {  	[tilespmem:s0+$0x11440] =	vst.add.f32.msk $0xffff, v47  }
0x4f8: {  	[tilespmem:s0+$0x11450] =	vst.add.f32.msk $0xffff, v48  }
0x4f9: {  	s14 =	simm.s32 $0x5;
	[tilespmem:s0+$0x11460] =	vst.add.f32.msk $0xffff, v49  }
0x4fa: {  	s10 =	simm.s32 $0x0;
	s11 =	rddreg [dreg:$0x6];
	s2 =	smul.u32 $0x6000, s14;
	[tilespmem:s0+$0x10040] =	vst.add.f32.msk $0xffff, v3  }
0x4fb: {  	[hbm4b:s11+s10] =	stream.linear.scatter [tilespmem:s15], [sflag:$0x3], $0x7800, $0x38;
	[tilespmem:$0x1F000] =	vst v63  }
0x4fc: {  	_ =	swait.ge [sflag:s23], $0x7800  }
0x4fd: {  	s24 =	sand.u32 $0x380, s10;
	s25 =	sshra.s32 s2, $0x2;
	[sflag:s23] =	ssyncset.done $0x0  }
0x4fe: {  	s0 =	sor.u32 s24, s25;
	[sflag:s23] =	ssyncadd.s32 $0xFFFF8800  }
0x4ff: {  	s26 =	simm.s32 $0x0;
	v3 =	vld [tilespmem:s0+$0x1000]  }
0x500: {  	s2 =	smul.u32 $0x6000, s26;
	_ =	sdelay $0x1  }
0x501: {  	s2 =	sshra.s32 s2, $0x2  }
0x502: {  	s2 =	sor.u32 s24, s2  }
0x503: {  	[tilespmem:s2+$0x17800] =	vst.add.f32.msk $0xffff, v3  }
0x504: {  	v3 =	vld [tilespmem:s0+$0x1010];
	_ =	sdelay $0x2  }
0x505: {  	s3 =	sadd.s32 $0x17800, s2  }
0x506: {  	s28 =	sor.u32 $0x10, s3  }
0x507: {  	[tilespmem:s28+$0x0] =	vst.add.f32.msk $0xffff, v3  }
0x508: {  	v3 =	vld [tilespmem:s0+$0x1020];
	_ =	sdelay $0x3  }
0x509: {  	s30 =	sor.u32 $0x20, s3  }
0x50a: {  	[tilespmem:s30+$0x0] =	vst.add.f32.msk $0xffff, v3  }
0x50b: {  	v3 =	vld [tilespmem:s0+$0x1030];
	_ =	sdelay $0x3  }
0x50c: {  	s10 =	sor.u32 $0x30, s3  }
0x50d: {  	[tilespmem:s10+$0x0] =	vst.add.f32.msk $0xffff, v3  }
0x50e: {  	v3 =	vld [tilespmem:s0+$0x1040];
	_ =	sdelay $0x3  }
0x50f: {  	s11 =	sor.u32 $0x40, s3  }
0x510: {  	[tilespmem:s11+$0x0] =	vst.add.f32.msk $0xffff, v3  }
0x511: {  	v3 =	vld [tilespmem:s0+$0x1050];
	_ =	sdelay $0x3  }
0x512: {  	s14 =	sor.u32 $0x50, s3  }
0x513: {  	[tilespmem:s14+$0x0] =	vst.add.f32.msk $0xffff, v3  }
0x514: {  	v3 =	vld [tilespmem:s0+$0x1060];
	_ =	sdelay $0x3  }
0x515: {  	s24 =	sor.u32 $0x60, s3  }
0x516: {  	[tilespmem:s24+$0x0] =	vst.add.f32.msk $0xffff, v3  }
0x517: {  	v3 =	vld [tilespmem:s0+$0x1070];
	_ =	sdelay $0x3  }
0x518: {  	s25 =	sor.u32 $0x70, s3  }
0x519: {  	[tilespmem:s25+$0x0] =	vst.add.f32.msk $0xffff, v3  }
0x51a: {  	v3 =	vld [tilespmem:s0+$0x1400];
	_ =	sdelay $0x3  }
0x51b: {  	s26 =	sor.u32 $0x400, s3  }
0x51c: {  	[tilespmem:s26+$0x0] =	vst.add.f32.msk $0xffff, v3  }
0x51d: {  	v3 =	vld [tilespmem:s0+$0x1410];
	_ =	sdelay $0x3  }
0x51e: {  	s28 =	sor.u32 $0x410, s3  }
0x51f: {  	[tilespmem:s28+$0x0] =	vst.add.f32.msk $0xffff, v3  }
0x520: {  	v3 =	vld [tilespmem:s0+$0x1420];
	_ =	sdelay $0x3  }
0x521: {  	s30 =	sor.u32 $0x420, s3  }
0x522: {  	[tilespmem:s30+$0x0] =	vst.add.f32.msk $0xffff, v3  }
0x523: {  	v3 =	vld [tilespmem:s0+$0x1430];
	_ =	sdelay $0x3  }
0x524: {  	s10 =	sor.u32 $0x430, s3  }
0x525: {  	[tilespmem:s10+$0x0] =	vst.add.f32.msk $0xffff, v3  }
0x526: {  	v3 =	vld [tilespmem:s0+$0x1440];
	_ =	sdelay $0x3  }
0x527: {  	s11 =	sor.u32 $0x440, s3  }
0x528: {  	[tilespmem:s11+$0x0] =	vst.add.f32.msk $0xffff, v3  }
0x529: {  	v3 =	vld [tilespmem:s0+$0x1450];
	_ =	sdelay $0x3  }
0x52a: {  	s14 =	sor.u32 $0x450, s3  }
0x52b: {  	[tilespmem:s14+$0x0] =	vst.add.f32.msk $0xffff, v3  }
0x52c: {  	v3 =	vld [tilespmem:s0+$0x1460];
	_ =	sdelay $0x3  }
0x52d: {  	s24 =	sor.u32 $0x460, s3  }
0x52e: {  	[tilespmem:s24+$0x0] =	vst.add.f32.msk $0xffff, v3  }
0x52f: {  	v3 =	vld [tilespmem:s0+$0x1470];
	_ =	sdelay $0x3  }
0x530: {  	s3 =	sor.u32 $0x470, s3  }
0x531: {  	[tilespmem:s3+$0x0] =	vst.add.f32.msk $0xffff, v3  }
0x532: {  	v3 =	vld [tilespmem:s0+$0x1800];
	_ =	sdelay $0x4  }
0x533: {  	[tilespmem:s2+$0x18000] =	vst.add.f32.msk $0xffff, v3  }
0x534: {  	v3 =	vld [tilespmem:s0+$0x1810];
	_ =	sdelay $0x2  }
0x535: {  	s25 =	sadd.s32 $0x18000, s2  }
0x536: {  	s26 =	sor.u32 $0x10, s25  }
0x537: {  	[tilespmem:s26+$0x0] =	vst.add.f32.msk $0xffff, v3  }
0x538: {  	v3 =	vld [tilespmem:s0+$0x1820];
	_ =	sdelay $0x3  }
0x539: {  	s28 =	sor.u32 $0x20, s25  }
0x53a: {  	[tilespmem:s28+$0x0] =	vst.add.f32.msk $0xffff, v3  }
0x53b: {  	v3 =	vld [tilespmem:s0+$0x1830];
	_ =	sdelay $0x3  }
0x53c: {  	s30 =	sor.u32 $0x30, s25  }
0x53d: {  	[tilespmem:s30+$0x0] =	vst.add.f32.msk $0xffff, v3  }
0x53e: {  	v3 =	vld [tilespmem:s0+$0x1840];
	_ =	sdelay $0x3  }
0x53f: {  	s10 =	sor.u32 $0x40, s25  }
0x540: {  	[tilespmem:s10+$0x0] =	vst.add.f32.msk $0xffff, v3  }
0x541: {  	v3 =	vld [tilespmem:s0+$0x1850];
	_ =	sdelay $0x3  }
0x542: {  	s11 =	sor.u32 $0x50, s25  }
0x543: {  	[tilespmem:s11+$0x0] =	vst.add.f32.msk $0xffff, v3  }
0x544: {  	v3 =	vld [tilespmem:s0+$0x1860];
	_ =	sdelay $0x3  }
0x545: {  	s14 =	sor.u32 $0x60, s25  }
0x546: {  	[tilespmem:s14+$0x0] =	vst.add.f32.msk $0xffff, v3  }
0x547: {  	v3 =	vld [tilespmem:s0+$0x1870];
	_ =	sdelay $0x3  }
0x548: {  	s3 =	sor.u32 $0x70, s25  }
0x549: {  	[tilespmem:s3+$0x0] =	vst.add.f32.msk $0xffff, v3  }
0x54a: {  	v3 =	vld [tilespmem:s0+$0x1C00];
	_ =	sdelay $0x4  }
0x54b: {  	[tilespmem:s2+$0x18400] =	vst.add.f32.msk $0xffff, v3  }
0x54c: {  	v3 =	vld [tilespmem:s0+$0x1C10];
	_ =	sdelay $0x2  }
0x54d: {  	s24 =	sadd.s32 $0x18400, s2  }
0x54e: {  	s25 =	sor.u32 $0x10, s24  }
0x54f: {  	[tilespmem:s25+$0x0] =	vst.add.f32.msk $0xffff, v3  }
0x550: {  	v3 =	vld [tilespmem:s0+$0x1C20];
	_ =	sdelay $0x3  }
0x551: {  	s26 =	sor.u32 $0x20, s24  }
0x552: {  	[tilespmem:s26+$0x0] =	vst.add.f32.msk $0xffff, v3  }
0x553: {  	v3 =	vld [tilespmem:s0+$0x1C30];
	_ =	sdelay $0x3  }
0x554: {  	s28 =	sor.u32 $0x30, s24  }
0x555: {  	[tilespmem:s28+$0x0] =	vst.add.f32.msk $0xffff, v3  }
0x556: {  	v3 =	vld [tilespmem:s0+$0x1C40];
	_ =	sdelay $0x3  }
0x557: {  	s30 =	sor.u32 $0x40, s24  }
0x558: {  	[tilespmem:s30+$0x0] =	vst.add.f32.msk $0xffff, v3  }
0x559: {  	v3 =	vld [tilespmem:s0+$0x1C50];
	_ =	sdelay $0x3  }
0x55a: {  	s10 =	sor.u32 $0x50, s24  }
0x55b: {  	[tilespmem:s10+$0x0] =	vst.add.f32.msk $0xffff, v3  }
0x55c: {  	v3 =	vld [tilespmem:s0+$0x1C60];
	_ =	sdelay $0x3  }
0x55d: {  	s11 =	sor.u32 $0x60, s24  }
0x55e: {  	[tilespmem:s11+$0x0] =	vst.add.f32.msk $0xffff, v3  }
0x55f: {  	v3 =	vld [tilespmem:s0+$0x1C70];
	_ =	sdelay $0x3  }
0x560: {  	s3 =	sor.u32 $0x70, s24  }
0x561: {  	[tilespmem:s3+$0x0] =	vst.add.f32.msk $0xffff, v3  }
0x562: {  	v3 =	vld [tilespmem:s0+$0x2000];
	_ =	sdelay $0x4  }
0x563: {  	[tilespmem:s2+$0x18800] =	vst.add.f32.msk $0xffff, v3  }
0x564: {  	v3 =	vld [tilespmem:s0+$0x2010];
	_ =	sdelay $0x2  }
0x565: {  	s14 =	sadd.s32 $0x18800, s2  }
0x566: {  	s24 =	sor.u32 $0x10, s14  }
0x567: {  	[tilespmem:s24+$0x0] =	vst.add.f32.msk $0xffff, v3  }
0x568: {  	v3 =	vld [tilespmem:s0+$0x2020];
	_ =	sdelay $0x3  }
0x569: {  	s25 =	sor.u32 $0x20, s14  }
0x56a: {  	[tilespmem:s25+$0x0] =	vst.add.f32.msk $0xffff, v3  }
0x56b: {  	v3 =	vld [tilespmem:s0+$0x2030];
	_ =	sdelay $0x3  }
0x56c: {  	s26 =	sor.u32 $0x30, s14  }
0x56d: {  	[tilespmem:s26+$0x0] =	vst.add.f32.msk $0xffff, v3  }
0x56e: {  	v3 =	vld [tilespmem:s0+$0x2040];
	_ =	sdelay $0x3  }
0x56f: {  	s28 =	sor.u32 $0x40, s14  }
0x570: {  	[tilespmem:s28+$0x0] =	vst.add.f32.msk $0xffff, v3  }
0x571: {  	v3 =	vld [tilespmem:s0+$0x2050];
	_ =	sdelay $0x3  }
0x572: {  	s30 =	sor.u32 $0x50, s14  }
0x573: {  	[tilespmem:s30+$0x0] =	vst.add.f32.msk $0xffff, v3  }
0x574: {  	v3 =	vld [tilespmem:s0+$0x2060];
	_ =	sdelay $0x3  }
0x575: {  	s10 =	sor.u32 $0x60, s14  }
0x576: {  	[tilespmem:s10+$0x0] =	vst.add.f32.msk $0xffff, v3  }
0x577: {  	v3 =	vld [tilespmem:s0+$0x2070];
	_ =	sdelay $0x3  }
0x578: {  	s3 =	sor.u32 $0x70, s14  }
0x579: {  	[tilespmem:s3+$0x0] =	vst.add.f32.msk $0xffff, v3  }
0x57a: {  	v3 =	vld [tilespmem:s0+$0x2400];
	_ =	sdelay $0x4  }
0x57b: {  	[tilespmem:s2+$0x18C00] =	vst.add.f32.msk $0xffff, v3  }
0x57c: {  	v3 =	vld [tilespmem:s0+$0x2410];
	_ =	sdelay $0x2  }
0x57d: {  	s2 =	sadd.s32 $0x18C00, s2  }
0x57e: {  	s11 =	sor.u32 $0x10, s2  }
0x57f: {  	[tilespmem:s11+$0x0] =	vst.add.f32.msk $0xffff, v3  }
0x580: {  	v3 =	vld [tilespmem:s0+$0x2420];
	_ =	sdelay $0x3  }
0x581: {  	s14 =	sor.u32 $0x20, s2  }
0x582: {  	[tilespmem:s14+$0x0] =	vst.add.f32.msk $0xffff, v3  }
0x583: {  	v3 =	vld [tilespmem:s0+$0x2430];
	_ =	sdelay $0x3  }
0x584: {  	s24 =	sor.u32 $0x30, s2  }
0x585: {  	[tilespmem:s24+$0x0] =	vst.add.f32.msk $0xffff, v3  }
0x586: {  	v3 =	vld [tilespmem:s0+$0x2440];
	_ =	sdelay $0x3  }
0x587: {  	s25 =	sor.u32 $0x40, s2  }
0x588: {  	[tilespmem:s25+$0x0] =	vst.add.f32.msk $0xffff, v3  }
0x589: {  	v3 =	vld [tilespmem:s0+$0x2450];
	_ =	sdelay $0x3  }
0x58a: {  	s26 =	sor.u32 $0x50, s2  }
0x58b: {  	[tilespmem:s26+$0x0] =	vst.add.f32.msk $0xffff, v3  }
0x58c: {  	v3 =	vld [tilespmem:s0+$0x2460];
	_ =	sdelay $0x3  }
0x58d: {  	s30 =	sor.u32 $0x60, s2  }
0x58e: {  	[tilespmem:s30+$0x0] =	vst.add.f32.msk $0xffff, v3  }
0x58f: {  	s28 =	simm.s32 $0x5;
	v3 =	vld [tilespmem:s0+$0x2470]  }
0x590: {  	s10 =	smul.u32 $0x6000, s28  }
0x591: {  	s2 =	sor.u32 $0x70, s2;
	s24 =	simm.s32 $0x1;
	s26 =	simm.s32 $0x80  }
0x592: {  	s25 =	simm.s32 $0x2;
	s3 =	sand.u32 $0x380, s26;
	s0 =	sshra.s32 s10, $0x2  }
.LBB2_10:
0x593: {  	p0 =	sne.s32 s25, $0x24  }
0x594: {  	s28 =	sor.u32 s3, s0;
	[tilespmem:s2+$0x0] =	vst.add.f32.msk $0xffff, v3;
	s0 =	smov.u32 s25;
	s25 =	sadd.s32 $0x1, s25  }
0x595: {  	s2 =	sshrl.u32 s24, $0x3;
	v3 =	vld [tilespmem:s28+$0x1000];
	s24 =	smov.u32 s0  }
0x596: {  	s0 =	smul.u32 $0x6000, s2;
	_ =	sdelay $0x1  }
0x597: {  	s0 =	sshra.s32 s0, $0x2  }
0x598: {  	s0 =	sor.u32 s3, s0  }
0x599: {  	s7 =	sadd.s32 $0x18000, s0;
	s14 =	sadd.s32 $0x18400, s0;
	s3 =	sadd.s32 $0x18800, s0;
	[tilespmem:s0+$0x17800] =	vst.add.f32.msk $0xffff, v3  }
0x59a: {  	s2 =	sadd.s32 $0x18C00, s0;
	v3 =	vld [tilespmem:s28+$0x1010];
	_ =	sdelay $0x2  }
0x59b: {  	s10 =	sadd.s32 $0x17800, s0  }
0x59c: {  	s11 =	sor.u32 $0x10, s10  }
0x59d: {  	[tilespmem:s11+$0x0] =	vst.add.f32.msk $0xffff, v3  }
0x59e: {  	v3 =	vld [tilespmem:s28+$0x1020];
	_ =	sdelay $0x3  }
0x59f: {  	s11 =	sor.u32 $0x20, s10  }
0x5a0: {  	[tilespmem:s11+$0x0] =	vst.add.f32.msk $0xffff, v3  }
0x5a1: {  	v3 =	vld [tilespmem:s28+$0x1030];
	_ =	sdelay $0x3  }
0x5a2: {  	s11 =	sor.u32 $0x30, s10  }
0x5a3: {  	[tilespmem:s11+$0x0] =	vst.add.f32.msk $0xffff, v3  }
0x5a4: {  	v3 =	vld [tilespmem:s28+$0x1040];
	_ =	sdelay $0x3  }
0x5a5: {  	s11 =	sor.u32 $0x40, s10  }
0x5a6: {  	[tilespmem:s11+$0x0] =	vst.add.f32.msk $0xffff, v3  }
0x5a7: {  	v3 =	vld [tilespmem:s28+$0x1050];
	_ =	sdelay $0x3  }
0x5a8: {  	s11 =	sor.u32 $0x50, s10  }
0x5a9: {  	[tilespmem:s11+$0x0] =	vst.add.f32.msk $0xffff, v3  }
0x5aa: {  	v3 =	vld [tilespmem:s28+$0x1060];
	_ =	sdelay $0x3  }
0x5ab: {  	s11 =	sor.u32 $0x60, s10  }
0x5ac: {  	[tilespmem:s11+$0x0] =	vst.add.f32.msk $0xffff, v3  }
0x5ad: {  	v3 =	vld [tilespmem:s28+$0x1070];
	_ =	sdelay $0x3  }
0x5ae: {  	s11 =	sor.u32 $0x70, s10  }
0x5af: {  	[tilespmem:s11+$0x0] =	vst.add.f32.msk $0xffff, v3  }
0x5b0: {  	v3 =	vld [tilespmem:s28+$0x1400];
	_ =	sdelay $0x3  }
0x5b1: {  	s11 =	sor.u32 $0x400, s10  }
0x5b2: {  	[tilespmem:s11+$0x0] =	vst.add.f32.msk $0xffff, v3  }
0x5b3: {  	v3 =	vld [tilespmem:s28+$0x1410];
	_ =	sdelay $0x3  }
0x5b4: {  	s11 =	sor.u32 $0x410, s10  }
0x5b5: {  	[tilespmem:s11+$0x0] =	vst.add.f32.msk $0xffff, v3  }
0x5b6: {  	v3 =	vld [tilespmem:s28+$0x1420];
	_ =	sdelay $0x3  }
0x5b7: {  	s11 =	sor.u32 $0x420, s10  }
0x5b8: {  	[tilespmem:s11+$0x0] =	vst.add.f32.msk $0xffff, v3  }
0x5b9: {  	v3 =	vld [tilespmem:s28+$0x1430];
	_ =	sdelay $0x3  }
0x5ba: {  	s11 =	sor.u32 $0x430, s10  }
0x5bb: {  	[tilespmem:s11+$0x0] =	vst.add.f32.msk $0xffff, v3  }
0x5bc: {  	v3 =	vld [tilespmem:s28+$0x1440];
	_ =	sdelay $0x3  }
0x5bd: {  	s11 =	sor.u32 $0x440, s10  }
0x5be: {  	[tilespmem:s11+$0x0] =	vst.add.f32.msk $0xffff, v3  }
0x5bf: {  	v3 =	vld [tilespmem:s28+$0x1450];
	_ =	sdelay $0x3  }
0x5c0: {  	s11 =	sor.u32 $0x450, s10  }
0x5c1: {  	[tilespmem:s11+$0x0] =	vst.add.f32.msk $0xffff, v3  }
0x5c2: {  	v3 =	vld [tilespmem:s28+$0x1460];
	_ =	sdelay $0x3  }
0x5c3: {  	s11 =	sor.u32 $0x460, s10  }
0x5c4: {  	[tilespmem:s11+$0x0] =	vst.add.f32.msk $0xffff, v3  }
0x5c5: {  	v3 =	vld [tilespmem:s28+$0x1470];
	_ =	sdelay $0x3  }
0x5c6: {  	s10 =	sor.u32 $0x470, s10  }
0x5c7: {  	[tilespmem:s10+$0x0] =	vst.add.f32.msk $0xffff, v3  }
0x5c8: {  	v3 =	vld [tilespmem:s28+$0x1800];
	_ =	sdelay $0x4  }
0x5c9: {  	[tilespmem:s0+$0x18000] =	vst.add.f32.msk $0xffff, v3  }
0x5ca: {  	v3 =	vld [tilespmem:s28+$0x1810];
	_ =	sdelay $0x3  }
0x5cb: {  	s10 =	sor.u32 $0x10, s7  }
0x5cc: {  	[tilespmem:s10+$0x0] =	vst.add.f32.msk $0xffff, v3  }
0x5cd: {  	v3 =	vld [tilespmem:s28+$0x1820];
	_ =	sdelay $0x3  }
0x5ce: {  	s10 =	sor.u32 $0x20, s7  }
0x5cf: {  	[tilespmem:s10+$0x0] =	vst.add.f32.msk $0xffff, v3  }
0x5d0: {  	v3 =	vld [tilespmem:s28+$0x1830];
	_ =	sdelay $0x3  }
0x5d1: {  	s10 =	sor.u32 $0x30, s7  }
0x5d2: {  	[tilespmem:s10+$0x0] =	vst.add.f32.msk $0xffff, v3  }
0x5d3: {  	v3 =	vld [tilespmem:s28+$0x1840];
	_ =	sdelay $0x3  }
0x5d4: {  	s10 =	sor.u32 $0x40, s7  }
0x5d5: {  	[tilespmem:s10+$0x0] =	vst.add.f32.msk $0xffff, v3  }
0x5d6: {  	v3 =	vld [tilespmem:s28+$0x1850];
	_ =	sdelay $0x3  }
0x5d7: {  	s10 =	sor.u32 $0x50, s7  }
0x5d8: {  	[tilespmem:s10+$0x0] =	vst.add.f32.msk $0xffff, v3  }
0x5d9: {  	v3 =	vld [tilespmem:s28+$0x1860];
	_ =	sdelay $0x3  }
0x5da: {  	s10 =	sor.u32 $0x60, s7  }
0x5db: {  	[tilespmem:s10+$0x0] =	vst.add.f32.msk $0xffff, v3  }
0x5dc: {  	v3 =	vld [tilespmem:s28+$0x1870];
	_ =	sdelay $0x3  }
0x5dd: {  	s7 =	sor.u32 $0x70, s7  }
0x5de: {  	[tilespmem:s7+$0x0] =	vst.add.f32.msk $0xffff, v3  }
0x5df: {  	v3 =	vld [tilespmem:s28+$0x1C00];
	_ =	sdelay $0x4  }
0x5e0: {  	[tilespmem:s0+$0x18400] =	vst.add.f32.msk $0xffff, v3  }
0x5e1: {  	v3 =	vld [tilespmem:s28+$0x1C10];
	_ =	sdelay $0x3  }
0x5e2: {  	s7 =	sor.u32 $0x10, s14  }
0x5e3: {  	[tilespmem:s7+$0x0] =	vst.add.f32.msk $0xffff, v3  }
0x5e4: {  	v3 =	vld [tilespmem:s28+$0x1C20];
	_ =	sdelay $0x3  }
0x5e5: {  	s7 =	sor.u32 $0x20, s14  }
0x5e6: {  	[tilespmem:s7+$0x0] =	vst.add.f32.msk $0xffff, v3  }
0x5e7: {  	v3 =	vld [tilespmem:s28+$0x1C30];
	_ =	sdelay $0x3  }
0x5e8: {  	s7 =	sor.u32 $0x30, s14  }
0x5e9: {  	[tilespmem:s7+$0x0] =	vst.add.f32.msk $0xffff, v3  }
0x5ea: {  	v3 =	vld [tilespmem:s28+$0x1C40];
	_ =	sdelay $0x3  }
0x5eb: {  	s7 =	sor.u32 $0x40, s14  }
0x5ec: {  	[tilespmem:s7+$0x0] =	vst.add.f32.msk $0xffff, v3  }
0x5ed: {  	v3 =	vld [tilespmem:s28+$0x1C50];
	_ =	sdelay $0x3  }
0x5ee: {  	s7 =	sor.u32 $0x50, s14  }
0x5ef: {  	[tilespmem:s7+$0x0] =	vst.add.f32.msk $0xffff, v3  }
0x5f0: {  	v3 =	vld [tilespmem:s28+$0x1C60];
	_ =	sdelay $0x3  }
0x5f1: {  	s7 =	sor.u32 $0x60, s14  }
0x5f2: {  	[tilespmem:s7+$0x0] =	vst.add.f32.msk $0xffff, v3  }
0x5f3: {  	v3 =	vld [tilespmem:s28+$0x1C70];
	_ =	sdelay $0x3  }
0x5f4: {  	s7 =	sor.u32 $0x70, s14  }
0x5f5: {  	[tilespmem:s7+$0x0] =	vst.add.f32.msk $0xffff, v3  }
0x5f6: {  	v3 =	vld [tilespmem:s28+$0x2000];
	_ =	sdelay $0x4  }
0x5f7: {  	[tilespmem:s0+$0x18800] =	vst.add.f32.msk $0xffff, v3  }
0x5f8: {  	v3 =	vld [tilespmem:s28+$0x2010];
	_ =	sdelay $0x3  }
0x5f9: {  	s7 =	sor.u32 $0x10, s3  }
0x5fa: {  	[tilespmem:s7+$0x0] =	vst.add.f32.msk $0xffff, v3  }
0x5fb: {  	v3 =	vld [tilespmem:s28+$0x2020];
	_ =	sdelay $0x3  }
0x5fc: {  	s7 =	sor.u32 $0x20, s3  }
0x5fd: {  	[tilespmem:s7+$0x0] =	vst.add.f32.msk $0xffff, v3  }
0x5fe: {  	v3 =	vld [tilespmem:s28+$0x2030];
	_ =	sdelay $0x3  }
0x5ff: {  	s7 =	sor.u32 $0x30, s3  }
0x600: {  	[tilespmem:s7+$0x0] =	vst.add.f32.msk $0xffff, v3  }
0x601: {  	v3 =	vld [tilespmem:s28+$0x2040];
	_ =	sdelay $0x3  }
0x602: {  	s7 =	sor.u32 $0x40, s3  }
0x603: {  	[tilespmem:s7+$0x0] =	vst.add.f32.msk $0xffff, v3  }
0x604: {  	v3 =	vld [tilespmem:s28+$0x2050];
	_ =	sdelay $0x3  }
0x605: {  	s7 =	sor.u32 $0x50, s3  }
0x606: {  	[tilespmem:s7+$0x0] =	vst.add.f32.msk $0xffff, v3  }
0x607: {  	v3 =	vld [tilespmem:s28+$0x2060];
	_ =	sdelay $0x3  }
0x608: {  	s7 =	sor.u32 $0x60, s3  }
0x609: {  	[tilespmem:s7+$0x0] =	vst.add.f32.msk $0xffff, v3  }
0x60a: {  	v3 =	vld [tilespmem:s28+$0x2070];
	_ =	sdelay $0x3  }
0x60b: {  	s3 =	sor.u32 $0x70, s3  }
0x60c: {  	[tilespmem:s3+$0x0] =	vst.add.f32.msk $0xffff, v3  }
0x60d: {  	v3 =	vld [tilespmem:s28+$0x2400];
	_ =	sdelay $0x4  }
0x60e: {  	[tilespmem:s0+$0x18C00] =	vst.add.f32.msk $0xffff, v3  }
0x60f: {  	v3 =	vld [tilespmem:s28+$0x2410];
	_ =	sdelay $0x3  }
0x610: {  	s0 =	sor.u32 $0x10, s2  }
0x611: {  	[tilespmem:s0+$0x0] =	vst.add.f32.msk $0xffff, v3  }
0x612: {  	v3 =	vld [tilespmem:s28+$0x2420];
	_ =	sdelay $0x3  }
0x613: {  	s0 =	sor.u32 $0x20, s2  }
0x614: {  	[tilespmem:s0+$0x0] =	vst.add.f32.msk $0xffff, v3  }
0x615: {  	v3 =	vld [tilespmem:s28+$0x2430];
	_ =	sdelay $0x3  }
0x616: {  	s0 =	sor.u32 $0x30, s2  }
0x617: {  	[tilespmem:s0+$0x0] =	vst.add.f32.msk $0xffff, v3  }
0x618: {  	v3 =	vld [tilespmem:s28+$0x2440];
	_ =	sdelay $0x3  }
0x619: {  	s0 =	sor.u32 $0x40, s2  }
0x61a: {  	[tilespmem:s0+$0x0] =	vst.add.f32.msk $0xffff, v3  }
0x61b: {  	v3 =	vld [tilespmem:s28+$0x2450];
	_ =	sdelay $0x3  }
0x61c: {  	s0 =	sor.u32 $0x50, s2  }
0x61d: {  	[tilespmem:s0+$0x0] =	vst.add.f32.msk $0xffff, v3  }
0x61e: {  	v3 =	vld [tilespmem:s28+$0x2460];
	_ =	sdelay $0x3  }
0x61f: {  	s0 =	sor.u32 $0x60, s2  }
0x620: {  	[tilespmem:s0+$0x0] =	vst.add.f32.msk $0xffff, v3  }
.Ltmp4:
0x621: {  	s0 =	sadd.s32 $0x28, s24;
	v3 =	vld [tilespmem:s28+$0x2470];
	(pc) =	sbr.rel @p0 .LBB2_10-.Ltmp4, $4  }
0x622: {  	s0 =	sshrl.u32 s0, $0x3  }
0x623: {  	s0 =	smul.u32 $0x6000, s0  }
0x624: {  	s26 =	sadd.s32 $0x80, s26  }
0x625: {  	s3 =	sand.u32 $0x380, s26;
	s2 =	sor.u32 $0x70, s2;
	s0 =	sshra.s32 s0, $0x2  }
0x626: {  	s0 =	sor.u32 s3, s0;
	[tilespmem:s2+$0x0] =	vst.add.f32.msk $0xffff, v3  }
0x627: {  	s25 =	sshrl.u32 s24, $0x3;
	v3 =	vld [tilespmem:s0+$0x1000]  }
0x628: {  	s2 =	smul.u32 $0x6000, s25;
	_ =	sdelay $0x1  }
0x629: {  	s2 =	sshra.s32 s2, $0x2  }
0x62a: {  	s2 =	sor.u32 s3, s2  }
0x62b: {  	[tilespmem:s2+$0x17800] =	vst.add.f32.msk $0xffff, v3  }
0x62c: {  	v3 =	vld [tilespmem:s0+$0x1010];
	_ =	sdelay $0x2  }
0x62d: {  	s3 =	sadd.s32 $0x17800, s2  }
0x62e: {  	s7 =	sor.u32 $0x10, s3  }
0x62f: {  	[tilespmem:s7+$0x0] =	vst.add.f32.msk $0xffff, v3  }
0x630: {  	v3 =	vld [tilespmem:s0+$0x1020];
	_ =	sdelay $0x3  }
0x631: {  	s26 =	sor.u32 $0x20, s3  }
0x632: {  	[tilespmem:s26+$0x0] =	vst.add.f32.msk $0xffff, v3  }
0x633: {  	v3 =	vld [tilespmem:s0+$0x1030];
	_ =	sdelay $0x3  }
0x634: {  	s28 =	sor.u32 $0x30, s3  }
0x635: {  	[tilespmem:s28+$0x0] =	vst.add.f32.msk $0xffff, v3  }
0x636: {  	v3 =	vld [tilespmem:s0+$0x1040];
	_ =	sdelay $0x3  }
0x637: {  	s30 =	sor.u32 $0x40, s3  }
0x638: {  	[tilespmem:s30+$0x0] =	vst.add.f32.msk $0xffff, v3  }
0x639: {  	v3 =	vld [tilespmem:s0+$0x1050];
	_ =	sdelay $0x3  }
0x63a: {  	s10 =	sor.u32 $0x50, s3  }
0x63b: {  	[tilespmem:s10+$0x0] =	vst.add.f32.msk $0xffff, v3  }
0x63c: {  	v3 =	vld [tilespmem:s0+$0x1060];
	_ =	sdelay $0x3  }
0x63d: {  	s11 =	sor.u32 $0x60, s3  }
0x63e: {  	[tilespmem:s11+$0x0] =	vst.add.f32.msk $0xffff, v3  }
0x63f: {  	v3 =	vld [tilespmem:s0+$0x1070];
	_ =	sdelay $0x3  }
0x640: {  	s14 =	sor.u32 $0x70, s3  }
0x641: {  	[tilespmem:s14+$0x0] =	vst.add.f32.msk $0xffff, v3  }
0x642: {  	v3 =	vld [tilespmem:s0+$0x1400];
	_ =	sdelay $0x3  }
0x643: {  	s24 =	sor.u32 $0x400, s3  }
0x644: {  	[tilespmem:s24+$0x0] =	vst.add.f32.msk $0xffff, v3  }
0x645: {  	v3 =	vld [tilespmem:s0+$0x1410];
	_ =	sdelay $0x3  }
0x646: {  	s25 =	sor.u32 $0x410, s3  }
0x647: {  	[tilespmem:s25+$0x0] =	vst.add.f32.msk $0xffff, v3  }
0x648: {  	v3 =	vld [tilespmem:s0+$0x1420];
	_ =	sdelay $0x3  }
0x649: {  	s26 =	sor.u32 $0x420, s3  }
0x64a: {  	[tilespmem:s26+$0x0] =	vst.add.f32.msk $0xffff, v3  }
0x64b: {  	v3 =	vld [tilespmem:s0+$0x1430];
	_ =	sdelay $0x3  }
0x64c: {  	s28 =	sor.u32 $0x430, s3  }
0x64d: {  	[tilespmem:s28+$0x0] =	vst.add.f32.msk $0xffff, v3  }
0x64e: {  	v3 =	vld [tilespmem:s0+$0x1440];
	_ =	sdelay $0x3  }
0x64f: {  	s30 =	sor.u32 $0x440, s3  }
0x650: {  	[tilespmem:s30+$0x0] =	vst.add.f32.msk $0xffff, v3  }
0x651: {  	v3 =	vld [tilespmem:s0+$0x1450];
	_ =	sdelay $0x3  }
0x652: {  	s10 =	sor.u32 $0x450, s3  }
0x653: {  	[tilespmem:s10+$0x0] =	vst.add.f32.msk $0xffff, v3  }
0x654: {  	v3 =	vld [tilespmem:s0+$0x1460];
	_ =	sdelay $0x3  }
0x655: {  	s11 =	sor.u32 $0x460, s3  }
0x656: {  	[tilespmem:s11+$0x0] =	vst.add.f32.msk $0xffff, v3  }
0x657: {  	v3 =	vld [tilespmem:s0+$0x1470];
	_ =	sdelay $0x3  }
0x658: {  	s3 =	sor.u32 $0x470, s3  }
0x659: {  	[tilespmem:s3+$0x0] =	vst.add.f32.msk $0xffff, v3  }
0x65a: {  	v3 =	vld [tilespmem:s0+$0x1800];
	_ =	sdelay $0x4  }
0x65b: {  	[tilespmem:s2+$0x18000] =	vst.add.f32.msk $0xffff, v3  }
0x65c: {  	v3 =	vld [tilespmem:s0+$0x1810];
	_ =	sdelay $0x2  }
0x65d: {  	s14 =	sadd.s32 $0x18000, s2  }
0x65e: {  	s24 =	sor.u32 $0x10, s14  }
0x65f: {  	[tilespmem:s24+$0x0] =	vst.add.f32.msk $0xffff, v3  }
0x660: {  	v3 =	vld [tilespmem:s0+$0x1820];
	_ =	sdelay $0x3  }
0x661: {  	s25 =	sor.u32 $0x20, s14  }
0x662: {  	[tilespmem:s25+$0x0] =	vst.add.f32.msk $0xffff, v3  }
0x663: {  	v3 =	vld [tilespmem:s0+$0x1830];
	_ =	sdelay $0x3  }
0x664: {  	s26 =	sor.u32 $0x30, s14  }
0x665: {  	[tilespmem:s26+$0x0] =	vst.add.f32.msk $0xffff, v3  }
0x666: {  	v3 =	vld [tilespmem:s0+$0x1840];
	_ =	sdelay $0x3  }
0x667: {  	s28 =	sor.u32 $0x40, s14  }
0x668: {  	[tilespmem:s28+$0x0] =	vst.add.f32.msk $0xffff, v3  }
0x669: {  	v3 =	vld [tilespmem:s0+$0x1850];
	_ =	sdelay $0x3  }
0x66a: {  	s30 =	sor.u32 $0x50, s14  }
0x66b: {  	[tilespmem:s30+$0x0] =	vst.add.f32.msk $0xffff, v3  }
0x66c: {  	v3 =	vld [tilespmem:s0+$0x1860];
	_ =	sdelay $0x3  }
0x66d: {  	s10 =	sor.u32 $0x60, s14  }
0x66e: {  	[tilespmem:s10+$0x0] =	vst.add.f32.msk $0xffff, v3  }
0x66f: {  	v3 =	vld [tilespmem:s0+$0x1870];
	_ =	sdelay $0x3  }
0x670: {  	s3 =	sor.u32 $0x70, s14  }
0x671: {  	[tilespmem:s3+$0x0] =	vst.add.f32.msk $0xffff, v3  }
0x672: {  	v3 =	vld [tilespmem:s0+$0x1C00];
	_ =	sdelay $0x4  }
0x673: {  	[tilespmem:s2+$0x18400] =	vst.add.f32.msk $0xffff, v3  }
0x674: {  	v3 =	vld [tilespmem:s0+$0x1C10];
	_ =	sdelay $0x2  }
0x675: {  	s11 =	sadd.s32 $0x18400, s2  }
0x676: {  	s14 =	sor.u32 $0x10, s11  }
0x677: {  	[tilespmem:s14+$0x0] =	vst.add.f32.msk $0xffff, v3  }
0x678: {  	v3 =	vld [tilespmem:s0+$0x1C20];
	_ =	sdelay $0x3  }
0x679: {  	s24 =	sor.u32 $0x20, s11  }
0x67a: {  	[tilespmem:s24+$0x0] =	vst.add.f32.msk $0xffff, v3  }
0x67b: {  	v3 =	vld [tilespmem:s0+$0x1C30];
	_ =	sdelay $0x3  }
0x67c: {  	s25 =	sor.u32 $0x30, s11  }
0x67d: {  	[tilespmem:s25+$0x0] =	vst.add.f32.msk $0xffff, v3  }
0x67e: {  	v3 =	vld [tilespmem:s0+$0x1C40];
	_ =	sdelay $0x3  }
0x67f: {  	s26 =	sor.u32 $0x40, s11  }
0x680: {  	[tilespmem:s26+$0x0] =	vst.add.f32.msk $0xffff, v3  }
0x681: {  	v3 =	vld [tilespmem:s0+$0x1C50];
	_ =	sdelay $0x3  }
0x682: {  	s28 =	sor.u32 $0x50, s11  }
0x683: {  	[tilespmem:s28+$0x0] =	vst.add.f32.msk $0xffff, v3  }
0x684: {  	v3 =	vld [tilespmem:s0+$0x1C60];
	_ =	sdelay $0x3  }
0x685: {  	s30 =	sor.u32 $0x60, s11  }
0x686: {  	[tilespmem:s30+$0x0] =	vst.add.f32.msk $0xffff, v3  }
0x687: {  	v3 =	vld [tilespmem:s0+$0x1C70];
	_ =	sdelay $0x3  }
0x688: {  	s3 =	sor.u32 $0x70, s11  }
0x689: {  	[tilespmem:s3+$0x0] =	vst.add.f32.msk $0xffff, v3  }
0x68a: {  	v3 =	vld [tilespmem:s0+$0x2000];
	_ =	sdelay $0x4  }
0x68b: {  	[tilespmem:s2+$0x18800] =	vst.add.f32.msk $0xffff, v3  }
0x68c: {  	v3 =	vld [tilespmem:s0+$0x2010];
	_ =	sdelay $0x2  }
0x68d: {  	s10 =	sadd.s32 $0x18800, s2  }
0x68e: {  	s11 =	sor.u32 $0x10, s10  }
0x68f: {  	[tilespmem:s11+$0x0] =	vst.add.f32.msk $0xffff, v3  }
0x690: {  	v3 =	vld [tilespmem:s0+$0x2020];
	_ =	sdelay $0x3  }
0x691: {  	s14 =	sor.u32 $0x20, s10  }
0x692: {  	[tilespmem:s14+$0x0] =	vst.add.f32.msk $0xffff, v3  }
0x693: {  	v3 =	vld [tilespmem:s0+$0x2030];
	_ =	sdelay $0x3  }
0x694: {  	s24 =	sor.u32 $0x30, s10  }
0x695: {  	[tilespmem:s24+$0x0] =	vst.add.f32.msk $0xffff, v3  }
0x696: {  	v3 =	vld [tilespmem:s0+$0x2040];
	_ =	sdelay $0x3  }
0x697: {  	s25 =	sor.u32 $0x40, s10  }
0x698: {  	[tilespmem:s25+$0x0] =	vst.add.f32.msk $0xffff, v3  }
0x699: {  	v3 =	vld [tilespmem:s0+$0x2050];
	_ =	sdelay $0x3  }
0x69a: {  	s26 =	sor.u32 $0x50, s10  }
0x69b: {  	[tilespmem:s26+$0x0] =	vst.add.f32.msk $0xffff, v3  }
0x69c: {  	v3 =	vld [tilespmem:s0+$0x2060];
	_ =	sdelay $0x3  }
0x69d: {  	s28 =	sor.u32 $0x60, s10  }
0x69e: {  	[tilespmem:s28+$0x0] =	vst.add.f32.msk $0xffff, v3  }
0x69f: {  	v3 =	vld [tilespmem:s0+$0x2070];
	_ =	sdelay $0x3  }
0x6a0: {  	s3 =	sor.u32 $0x70, s10  }
0x6a1: {  	[tilespmem:s3+$0x0] =	vst.add.f32.msk $0xffff, v3  }
0x6a2: {  	v3 =	vld [tilespmem:s0+$0x2400];
	_ =	sdelay $0x4  }
0x6a3: {  	[tilespmem:s2+$0x18C00] =	vst.add.f32.msk $0xffff, v3  }
0x6a4: {  	v3 =	vld [tilespmem:s0+$0x2410];
	_ =	sdelay $0x2  }
0x6a5: {  	s2 =	sadd.s32 $0x18C00, s2  }
0x6a6: {  	s30 =	sor.u32 $0x10, s2  }
0x6a7: {  	[tilespmem:s30+$0x0] =	vst.add.f32.msk $0xffff, v3  }
0x6a8: {  	v3 =	vld [tilespmem:s0+$0x2420];
	_ =	sdelay $0x3  }
0x6a9: {  	s7 =	sor.u32 $0x20, s2  }
0x6aa: {  	[tilespmem:s7+$0x0] =	vst.add.f32.msk $0xffff, v3  }
0x6ab: {  	v3 =	vld [tilespmem:s0+$0x2430];
	_ =	sdelay $0x3  }
0x6ac: {  	s10 =	sor.u32 $0x30, s2  }
0x6ad: {  	[tilespmem:s10+$0x0] =	vst.add.f32.msk $0xffff, v3  }
0x6ae: {  	v3 =	vld [tilespmem:s0+$0x2440];
	_ =	sdelay $0x3  }
0x6af: {  	s11 =	sor.u32 $0x40, s2  }
0x6b0: {  	[tilespmem:s11+$0x0] =	vst.add.f32.msk $0xffff, v3  }
0x6b1: {  	v3 =	vld [tilespmem:s0+$0x2450];
	_ =	sdelay $0x3  }
0x6b2: {  	s14 =	sor.u32 $0x50, s2  }
0x6b3: {  	[tilespmem:s14+$0x0] =	vst.add.f32.msk $0xffff, v3  }
0x6b4: {  	v3 =	vld [tilespmem:s0+$0x2460];
	_ =	sdelay $0x3  }
0x6b5: {  	s24 =	sor.u32 $0x60, s2  }
0x6b6: {  	[tilespmem:s24+$0x0] =	vst.add.f32.msk $0xffff, v3  }
0x6b7: {  	v3 =	vld [tilespmem:s0+$0x2470];
	_ =	sdelay $0x3  }
0x6b8: {  	s25 =	sor.u32 $0x70, s2  }
0x6b9: {  	s26 =	rddreg [dreg:$0x7];
	[tilespmem:s25+$0x0] =	vst.add.f32.msk $0xffff, v3  }
0x6ba: {  	[hbm4b:s26+s4] =	stream.linear.scatter [tilespmem:s31], [sflag:$0x4], $0x7800, $0x38;
	[tilespmem:$0x1F000] =	vst v63  }
0x6bb: {  	_ =	swait.ge [sflag:s22], $0x7800  }
0x6bc: {  	[sflag:s22] =	ssyncset.done $0x0  }
0x6bd: {  	[sflag:s22] =	ssyncadd.s32 $0xFFFF8800  }
0x6be: {  	_ =	swait.ge [sflag:s29], $0x7800  }
0x6bf: {  	s28 =	rddreg [dreg:$0x9]  }
0x6c0: {  	s30 =	rddreg [dreg:$0x8];
	s2 =	sadd.s32 $0x1, s28  }
0x6c1: {  	p0 =	sne.s32 s2, s30  }
.Ltmp5:
0x6c2: {  	_ = 	snop;
	(pc) =	sbr.rel @p0 .LBB2_1-.Ltmp5, $3  }
0x6c3: {  	_ =	sdelay $0x1  }
0x6c4: {  	[sflag:s29] =	ssyncset.done $0x0  }
0x6c5: {  	[sflag:s29] =	ssyncadd.s32 $0xFFFF8800  }
0x6c6: {  	_ =	sfence.sel $0x180000  }
0x6c7: {  	[bflag:$0x0] =	sbarrier.arrive $0xFFFF  }
0x6c8: {  	_ =	strace $0x90000047  }
0x6c9: {  	s0 =	stileid.u32;
	[bflag:$0x2] =	sbarrier.arrive $0xFFFF  }
0x6ca: {  	p0 =	sne.s32 s0, $0x0;
	s0 =	rddreg [dreg:$0x4]  }
0x6cb: {  	s0 =	sadd.s32 @!p0 $0x100000, s0  }
0x6cc: {  	[sflag:s0] =	ssyncadd.tile.s32 @!p0 $0x1;
	_ =	shalt  }
.Lfunc_end2:
_tile_overlayer_lowered:
.L_overlay_start_2:
0x6cd: {  	(tag) =	ssettag $0x2  }
0x6ce: {  	s0 =	rddreg [dreg:$0x0];
	s2 =	stileid.u32  }
0x6cf: {  	s1 =	rddreg [dreg:$0x1];
	p0 =	sne.s32 s2, $0x0  }
0x6d0: {  	s3 =	rddreg [dreg:$0x2];
	[bflag:$0x3] =	sbarrier.arrive $0xFFFF;
	s2 =	simm.s32 @!p0 $0x1C05  }
0x6d1: {  	[timem:s3], [sflag:s2] =	dma.local @!p0 [hbm:s0], s1  }
0x6d2: {  	s0 =	simm.s32 @!p0 $0x5  }
0x6d3: {  	_ =	swait.ge @!p0 [sflag:s0], s1  }
0x6d4: {  	s1 =	ssub.s32 @!p0 $0x0, s1;
	[sflag:s0] =	ssyncset.done @!p0 $0x0  }
0x6d5: {  	[sflag:s0] =	ssyncadd.s32 @!p0 s1  }
0x6d6: {  	[bflag:$0x3] =	sbarrier.arrive $0xFFFF  }
0x6d7: {  	_ =	shalt  }

</sc_bundles>
